<compile_context>
chip_gen: v7x
topology: tpu7x:2x2x1
jax: 0.10.2.dev20260603
libtpu: 0.0.44.dev20260713+nightly
codegen_flags: <defaults>
</compile_context>

<pallas_src>
from functools import partial

import jax
import jax.numpy as jnp
from jax.experimental import pallas as pl
from jax.experimental.pallas import tpu as pltpu

_CFG = [(256, 0.2, 32), (128, 0.4, 32), (64, 0.4, 32), (16, 0.8, 32)]
_HI = jax.lax.Precision.HIGHEST
_MLP = jax.lax.Precision.DEFAULT


def _fps_body(xt_ref, out_ref, dmin_ref, *, N, npoint):
    B = out_ref.shape[0]
    x = xt_ref[:, 0, :]
    y = xt_ref[:, 1, :]
    z = xt_ref[:, 2, :]
    iota_n = jax.lax.broadcasted_iota(jnp.int32, (B, N), 1)
    iota_p = jax.lax.broadcasted_iota(jnp.int32, (B, npoint), 1)
    dmin_ref[...] = jnp.full((B, N), 1e10, jnp.float32)
    out_ref[...] = jnp.zeros((B, npoint), jnp.int32)

    def body(i, far):
        out_ref[...] = jnp.where(iota_p == i, far, out_ref[...])
        oh = (iota_n == far).astype(jnp.float32)
        cx = jnp.sum(x * oh, axis=1, keepdims=True)
        cy = jnp.sum(y * oh, axis=1, keepdims=True)
        cz = jnp.sum(z * oh, axis=1, keepdims=True)
        dx = x - cx
        dy = y - cy
        dz = z - cz
        d = (dx * dx + dy * dy) + dz * dz
        dm = jnp.minimum(dmin_ref[...], d)
        dmin_ref[...] = dm
        mx = jnp.max(dm, axis=1, keepdims=True)
        nf = jnp.min(jnp.where(dm == mx, iota_n, N), axis=1, keepdims=True)
        return nf.astype(jnp.int32)

    jax.lax.fori_loop(0, npoint, body, jnp.zeros((B, 1), jnp.int32))


def _fps_pallas(xt, npoint):
    B, _, N = xt.shape
    return pl.pallas_call(
        partial(_fps_body, N=N, npoint=npoint),
        grid=(1,),
        in_specs=[pl.BlockSpec((B, 3, N), lambda g: (0, 0, 0))],
        out_specs=pl.BlockSpec((B, npoint), lambda g: (0, 0)),
        out_shape=jax.ShapeDtypeStruct((B, npoint), jnp.int32),
        scratch_shapes=[pltpu.VMEM((B, N), jnp.float32)],
    )(xt)


def _sa_body(pts_ref, xt_ref, nx_ref, w1x_ref, *wrefs, TM, K, N, r2):
    out_ref = wrefs[-1]
    wrefs = wrefs[:-1]
    pts = pts_ref[0]
    xt = xt_ref[0]
    nx = nx_ref[0]
    iota = jax.lax.broadcasted_iota(jnp.int32, (TM, N), 1)
    d = None
    for c in range(3):
        diff = nx[:, c:c + 1] - xt[c:c + 1, :]
        s = diff * diff
        d = s if d is None else d + s
    key = jnp.where(d < r2, iota, N)
    sels = []
    for _ in range(K):
        cur = jnp.min(key, axis=1, keepdims=True)
        key = jnp.where(key == cur, N + 1, key)
        sels.append(cur)
    first = sels[0]
    oh_parts = []
    for k in range(K):
        sel = first if k == 0 else jnp.where(sels[k] >= N, first, sels[k])
        oh_parts.append((iota == sel).astype(jnp.float32))
    oh = jnp.concatenate(oh_parts, axis=0)
    g = jax.lax.dot(oh, pts, precision=_HI)
    corr1 = jax.lax.dot(nx, w1x_ref[...], precision=_HI)
    corr = jnp.concatenate([corr1] * K, axis=0)
    h = jnp.maximum(jax.lax.dot(g, wrefs[0][...], precision=_MLP) - corr, 0.0)
    for wr in wrefs[1:]:
        h = jnp.maximum(jax.lax.dot(h, wr[...], precision=_MLP), 0.0)
    acc = h[0:TM]
    for k in range(1, K):
        acc = jnp.maximum(acc, h[k * TM:(k + 1) * TM])
    out_ref[0] = acc


def _sa_pallas(pts, xt, new_xyz, weights, radius, K):
    B, N, Cin = pts.shape
    M = new_xyz.shape[1]
    TM = min(32, M)
    NB = M // TM
    C1 = weights[0].shape[1]
    Cout = weights[-1].shape[1]
    w1x = weights[0][:3]
    in_specs = [
        pl.BlockSpec((1, N, Cin), lambda b, mb: (b, 0, 0)),
        pl.BlockSpec((1, 3, N), lambda b, mb: (b, 0, 0)),
        pl.BlockSpec((1, TM, 3), lambda b, mb: (b, mb, 0)),
        pl.BlockSpec((3, C1), lambda b, mb: (0, 0)),
    ] + [pl.BlockSpec(w.shape, lambda b, mb: (0, 0)) for w in weights]
    return pl.pallas_call(
        partial(_sa_body, TM=TM, K=K, N=N, r2=radius ** 2),
        grid=(B, NB),
        in_specs=in_specs,
        out_specs=pl.BlockSpec((1, TM, Cout), lambda b, mb: (b, mb, 0)),
        out_shape=jax.ShapeDtypeStruct((B, M, Cout), jnp.float32),
    )(pts, xt, new_xyz, w1x, *weights)


def _fp_body(u_ref, kt_ref, kf_ref, uf_ref, w1a_ref, w1b_ref, *wrefs,
             TN, m):
    out_ref = wrefs[-1]
    wrefs = wrefs[:-1]
    u = u_ref[0]
    kt = kt_ref[0]
    kf = kf_ref[0]
    uf = uf_ref[0]
    d = None
    for c in range(3):
        diff = u[:, c:c + 1] - kt[c:c + 1, :]
        s = diff * diff
        d = s if d is None else d + s
    iota = jax.lax.broadcasted_iota(jnp.int32, (TN, m), 1)
    picks, recips = [], []
    for _ in range(3):
        mn = jnp.min(d, axis=1, keepdims=True)
        ij = jnp.min(jnp.where(d == mn, iota, m), axis=1, keepdims=True)
        pick = iota == ij
        recips.append(1.0 / (mn + 1e-8))
        picks.append(pick)
        d = jnp.where(pick, 1e30, d)
    norm = recips[0] + recips[1] + recips[2]
    S = None
    for pick, r in zip(picks, recips):
        t = jnp.where(pick, r / norm, 0.0)
        S = t if S is None else S + t
    interp = jax.lax.dot(S, kf, precision=_HI)
    h = jax.lax.dot(interp, w1a_ref[...], precision=_MLP) \
        + jax.lax.dot(uf, w1b_ref[...], precision=_MLP)
    h = jnp.maximum(h, 0.0)
    for wr in wrefs:
        h = jnp.maximum(jax.lax.dot(h, wr[...], precision=_MLP), 0.0)
    out_ref[0] = h


def _fp_pallas(unknown, known, uf, kf, weights):
    B, n, _ = unknown.shape
    m = known.shape[1]
    Ck = kf.shape[-1]
    Cu = uf.shape[-1]
    TN = min(512, n)
    NB = n // TN
    Cout = weights[-1].shape[1]
    kt = jnp.transpose(known, (0, 2, 1))
    w1a, w1b = weights[0][:Ck], weights[0][Ck:]
    rest = list(weights[1:])
    in_specs = [
        pl.BlockSpec((1, TN, 3), lambda b, nb: (b, nb, 0)),
        pl.BlockSpec((1, 3, m), lambda b, nb: (b, 0, 0)),
        pl.BlockSpec((1, m, Ck), lambda b, nb: (b, 0, 0)),
        pl.BlockSpec((1, TN, Cu), lambda b, nb: (b, nb, 0)),
        pl.BlockSpec(w1a.shape, lambda b, nb: (0, 0)),
        pl.BlockSpec(w1b.shape, lambda b, nb: (0, 0)),
    ] + [pl.BlockSpec(w.shape, lambda b, nb: (0, 0)) for w in rest]
    return pl.pallas_call(
        partial(_fp_body, TN=TN, m=m),
        grid=(B, NB),
        in_specs=in_specs,
        out_specs=pl.BlockSpec((1, TN, Cout), lambda b, nb: (b, nb, 0)),
        out_shape=jax.ShapeDtypeStruct((B, n, Cout), jnp.float32),
    )(unknown, kt, kf, uf, w1a, w1b, *rest)


def kernel(pointcloud, sa_params, fp_params):
    pc = pointcloud.reshape((-1,) + pointcloud.shape[-2:])
    xyz = pc[..., :3]
    l_xyz = [xyz]
    l_f = [pc[..., 3:]]
    for i, (npoint, radius, nsample) in enumerate(_CFG):
        xt = jnp.transpose(l_xyz[i], (0, 2, 1))
        fps_idx = _fps_pallas(xt, npoint)
        new_xyz = jnp.take_along_axis(l_xyz[i], fps_idx[:, :, None].astype(jnp.int32), axis=1)
        pts = jnp.concatenate([l_xyz[i], l_f[i]], axis=-1)
        l_xyz.append(new_xyz)
        l_f.append(_sa_pallas(pts, xt, new_xyz, sa_params[i], radius, nsample))
    for i in range(-1, -5, -1):
        l_f[i - 1] = _fp_pallas(l_xyz[i - 1], l_xyz[i], l_f[i - 1], l_f[i],
                                fp_params[i])
    return jnp.transpose(l_f[0], (0, 2, 1))

# --- scband reference (transcript-rebuilt; emitter-appended) ---
"""Pipeline reference for scband-point-net2-regressor-48447231098971 (READ-ONLY COPY).

The authoritative reference and input builder live on the scoring server;
editing this copy changes nothing except your own understanding.
"""

import jax, jax.numpy as jnp
import numpy as np
from functools import partial

SA_CFG = [(256, 0.2, 32), (128, 0.4, 32), (64, 0.4, 32), (16, 0.8, 32)]
SA_SPECS = [[9, 32, 64, 128], [131, 128, 128, 256], [259, 256, 256, 512], [515, 512, 512, 1024]]
FP_SPECS = [[262, 256, 256, 256], [640, 512, 256], [768, 512, 512], [1536, 512, 512]]


def fps(xyz, npoint):
    N = xyz.shape[0]
    def body(i, state):
        dists, farthest, idxs = state
        idxs = idxs.at[i].set(farthest)
        centroid = xyz[farthest]
        d = jnp.sum((xyz - centroid) ** 2, axis=-1)
        dists = jnp.minimum(dists, d)
        farthest = jnp.argmax(dists).astype(jnp.int32)
        return (dists, farthest, idxs)
    init = (jnp.full((N,), 1e10, dtype=xyz.dtype), jnp.array(0, dtype=jnp.int32), jnp.zeros((npoint,), dtype=jnp.int32))
    _, _, idxs = jax.lax.fori_loop(0, npoint, body, init)
    return idxs


def ball_query(xyz, new_xyz, radius, nsample):
    N = xyz.shape[0]
    sqd = jnp.sum((new_xyz[:, None, :] - xyz[None, :, :]) ** 2, axis=-1)
    key = jnp.where(sqd < radius ** 2, jnp.arange(N)[None, :], N)
    skey = jnp.sort(key, axis=-1)[:, :nsample]
    first = skey[:, :1]
    return jnp.where(skey == N, first, skey).astype(jnp.int32)


def sa_module(xyz, features, npoint, radius, nsample, weights):
    fps_idx = jax.vmap(partial(fps, npoint=npoint))(xyz)
    new_xyz = jnp.take_along_axis(xyz, fps_idx[:, :, None].astype(jnp.int32), axis=1)
    idx = jax.vmap(partial(ball_query, radius=radius, nsample=nsample))(xyz, new_xyz)
    grouped_xyz = jax.vmap(lambda p, i: p[i])(xyz, idx)
    grouped_xyz = grouped_xyz - new_xyz[:, :, None, :]
    if features is not None:
        feats = jnp.transpose(features, (0, 2, 1))
        grouped_feats = jax.vmap(lambda f, i: f[i])(feats, idx)
        new_feats = jnp.concatenate([grouped_xyz, grouped_feats], axis=-1)
    else:
        new_feats = grouped_xyz
    for W in weights:
        new_feats = jax.nn.relu(new_feats @ W)
    new_feats = jnp.max(new_feats, axis=2)
    return new_xyz, jnp.transpose(new_feats, (0, 2, 1))


def fp_module(unknown, known, unknown_feats, known_feats, weights):
    sqd = jnp.sum((unknown[:, :, None, :] - known[:, None, :, :]) ** 2, axis=-1)
    neg3, idx3 = jax.lax.top_k(-sqd, 3)
    dist = -neg3
    dist_recip = 1.0 / (dist + 1e-8)
    norm = jnp.sum(dist_recip, axis=-1, keepdims=True)
    weight = dist_recip / norm
    kf = jnp.transpose(known_feats, (0, 2, 1))
    gathered = jax.vmap(lambda f, i: f[i])(kf, idx3)
    interp = jnp.sum(gathered * weight[..., None], axis=2)
    if unknown_feats is not None:
        new = jnp.concatenate([interp, jnp.transpose(unknown_feats, (0, 2, 1))], axis=-1)
    else:
        new = interp
    for W in weights:
        new = jax.nn.relu(new @ W)
    return jnp.transpose(new, (0, 2, 1))


def pointnet2_forward(pointcloud, sa_params, fp_params):
    pc = pointcloud.reshape((-1,) + pointcloud.shape[-2:])
    xyz = pc[..., :3]
    features = jnp.transpose(pc[..., 3:], (0, 2, 1)) if pc.shape[-1] > 3 else None
    l_xyz, l_features = [xyz], [features]
    for i, (npoint, radius, nsample) in enumerate(SA_CFG):
        nx, nf = sa_module(l_xyz[i], l_features[i], npoint, radius, nsample, sa_params[i])
        l_xyz.append(nx)
        l_features.append(nf)
    for i in range(-1, -5, -1):
        l_features[i - 1] = fp_module(l_xyz[i - 1], l_xyz[i], l_features[i - 1], l_features[i], fp_params[i])
    return l_features[0]


def setup_inputs(seed: int = 0):
    key = jax.random.key(seed)
    ks = jax.random.split(key, 32)
    B, N, feature_dim = 8, 4096, 6
    pointcloud = jax.random.normal(ks[0], (B, N, 3 + feature_dim), dtype=jnp.float32)
    def mk(k, cin, cout):
        return jax.random.normal(k, (cin, cout), dtype=jnp.float32) * (1.0 / np.sqrt(cin))
    ki = 1
    sa_params = []
    for spec in SA_SPECS:
        layer = []
        for cin, cout in zip(spec[:-1], spec[1:]):
            layer.append(mk(ks[ki], cin, cout))
            ki += 1
        sa_params.append(layer)
    fp_params = []
    for spec in FP_SPECS:
        layer = []
        for cin, cout in zip(spec[:-1], spec[1:]):
            layer.append(mk(ks[ki], cin, cout))
            ki += 1
        fp_params.append(layer)
    return {"pointcloud": pointcloud, "sa_params": sa_params, "fp_params": fp_params}


def reference(pointcloud, sa_params, fp_params):
    return pointnet2_forward(pointcloud, sa_params, fp_params)

if __name__ == "__main__":
    import jax
    _d = setup_inputs()
    print(jax.jit(kernel)(*tuple(_d.values())))

</pallas_src>

<mosaic_0001>
module attributes {stable_mosaic.version = 14 : i64} {
  func.func @_fps_body(%arg0: i32, %arg1: memref<8x3x4096xf32, #tpu.memory_space<vmem>>, %arg2: memref<8x256xi32, #tpu.memory_space<vmem>>, %arg3: memref<8x4096xf32, #tpu.memory_space<vmem>>) attributes {dimension_semantics = [#tpu.dimension_semantics<arbitrary>], iteration_bounds = array<i64: 1>, scalar_prefetch = 0 : i64, scratch_operands = 1 : i64, tpu.core_type = #tpu.core_type<tc>, window_params = [{pipeline_mode = #tpu.pipeline_mode<synchronous>, transform_indices = @transform_0, window_bounds = array<i64: 8, 3, 4096>}, {pipeline_mode = #tpu.pipeline_mode<synchronous>, transform_indices = @transform_1, window_bounds = array<i64: 8, 256>}]} {
    %get3A = arith.constant 0 : index
    %get3A_0 = arith.constant 0 : index
    %get3A_1 = arith.constant 0 : index
    %get3A_2 = vector.load %arg1[%get3A, %get3A_0, %get3A_1] : memref<8x3x4096xf32, #tpu.memory_space<vmem>>, vector<8x1x4096xf32>
    %get3A_3 = vector.shape_cast %get3A_2 : vector<8x1x4096xf32> to vector<8x4096xf32>
    %get3A_4 = arith.constant 0 : index
    %get3A_5 = arith.constant 1 : index
    %get3A_6 = arith.constant 0 : index
    %get3A_7 = vector.load %arg1[%get3A_4, %get3A_5, %get3A_6] : memref<8x3x4096xf32, #tpu.memory_space<vmem>>, vector<8x1x4096xf32>
    %get3A_8 = vector.shape_cast %get3A_7 : vector<8x1x4096xf32> to vector<8x4096xf32>
    %get3A_9 = arith.constant 0 : index
    %get3A_10 = arith.constant 2 : index
    %get3A_11 = arith.constant 0 : index
    %get3A_12 = vector.load %arg1[%get3A_9, %get3A_10, %get3A_11] : memref<8x3x4096xf32, #tpu.memory_space<vmem>>, vector<8x1x4096xf32>
    %get3A_13 = vector.shape_cast %get3A_12 : vector<8x1x4096xf32> to vector<8x4096xf32>
    %iota3A = tpu.iota {dimensions = array<i32: 1>} : vector<8x4096xi32>
    %iota3A_14 = tpu.iota {dimensions = array<i32: 1>} : vector<8x256xi32>
    %broadcast_in_dim3A = arith.constant 1.000000e+10 : f32
    %broadcast_in_dim3A_15 = vector.broadcast %broadcast_in_dim3A : f32 to vector<8x4096xf32>
    %swap3A = arith.constant 0 : index
    %swap3A_16 = arith.constant 0 : index
    %swap3A_17 = vector.load %arg3[%swap3A, %swap3A_16] : memref<8x4096xf32, #tpu.memory_space<vmem>>, vector<8x4096xf32>
    tpu.vector_store %arg3[%swap3A, %swap3A_16], %broadcast_in_dim3A_15 {strides = array<i32>} : memref<8x4096xf32, #tpu.memory_space<vmem>>, vector<8x4096xf32>,
    %broadcast_in_dim3A_18 = arith.constant 0 : i32
    %broadcast_in_dim3A_19 = vector.broadcast %broadcast_in_dim3A_18 : i32 to vector<8x256xi32>
    %swap3A_20 = arith.constant 0 : index
    %swap3A_21 = arith.constant 0 : index
    %swap3A_22 = vector.load %arg2[%swap3A_20, %swap3A_21] : memref<8x256xi32, #tpu.memory_space<vmem>>, vector<8x256xi32>
    tpu.vector_store %arg2[%swap3A_20, %swap3A_21], %broadcast_in_dim3A_19 {strides = array<i32>} : memref<8x256xi32, #tpu.memory_space<vmem>>, vector<8x256xi32>,
    %broadcast_in_dim3A_23 = arith.constant 0 : i32
    %broadcast_in_dim3A_24 = vector.broadcast %broadcast_in_dim3A_23 : i32 to vector<8x1xi32>
    %scan3A = arith.constant 0 : i32
    %scan3A_25 = arith.constant 256 : i32
    %scan3A_26 = arith.addi %scan3A, %scan3A_25 : i32
    %scan3A_27 = arith.constant 1 : i32
    %scan3A_28 = scf.for %scan3A_30 = %scan3A to %scan3A_26 step %scan3A_27 iter_args(%scan3A_31 = %broadcast_in_dim3A_24) -> (vector<8x1xi32>)  : i32 {
      %eq3A = vector.broadcast %scan3A_30 : i32 to vector<8x256xi32>
      %eq3A_32 = arith.cmpi eq, %iota3A_14, %eq3A : vector<8x256xi32>
      %get3A_33 = arith.constant 0 : index
      %get3A_34 = arith.constant 0 : index
      %get3A_35 = vector.load %arg2[%get3A_33, %get3A_34] : memref<8x256xi32, #tpu.memory_space<vmem>>, vector<8x256xi32>
      %broadcast_in_dim3A_36 = vector.shape_cast %scan3A_31 : vector<8x1xi32> to vector<8x1xi32>
      %broadcast_in_dim3A_37 = vector.broadcast %broadcast_in_dim3A_36 : vector<8x1xi32> to vector<8x256xi32>
      %select_n3A = arith.select %eq3A_32, %broadcast_in_dim3A_37, %get3A_35 : vector<8x256xi1>, vector<8x256xi32>
      %swap3A_38 = arith.constant 0 : index
      %swap3A_39 = arith.constant 0 : index
      %swap3A_40 = vector.load %arg2[%swap3A_38, %swap3A_39] : memref<8x256xi32, #tpu.memory_space<vmem>>, vector<8x256xi32>
      tpu.vector_store %arg2[%swap3A_38, %swap3A_39], %select_n3A {strides = array<i32>} : memref<8x256xi32, #tpu.memory_space<vmem>>, vector<8x256xi32>,
      %eq3A_41 = vector.broadcast %scan3A_31 : vector<8x1xi32> to vector<8x4096xi32>
      %eq3A_42 = arith.cmpi eq, %iota3A, %eq3A_41 : vector<8x4096xi32>
      %convert_element_type3A = arith.extui %eq3A_42 : vector<8x4096xi1> to vector<8x4096xi32>
      %convert_element_type3A_43 = arith.sitofp %convert_element_type3A : vector<8x4096xi32> to vector<8x4096xf32>
      %mul3A = arith.mulf %get3A_3, %convert_element_type3A_43 : vector<8x4096xf32>
      %reduce_sum3A = arith.constant dense<0.000000e+00> : vector<8xf32>
      %reduce_sum3A_44 = vector.multi_reduction <add>, %mul3A, %reduce_sum3A [1] : vector<8x4096xf32> to vector<8xf32>
      %broadcast_in_dim3A_45 = vector.shape_cast %reduce_sum3A_44 : vector<8xf32> to vector<8x1xf32>
      %mul3A_46 = arith.mulf %get3A_8, %convert_element_type3A_43 : vector<8x4096xf32>
      %reduce_sum3A_47 = arith.constant dense<0.000000e+00> : vector<8xf32>
      %reduce_sum3A_48 = vector.multi_reduction <add>, %mul3A_46, %reduce_sum3A_47 [1] : vector<8x4096xf32> to vector<8xf32>
      %broadcast_in_dim3A_49 = vector.shape_cast %reduce_sum3A_48 : vector<8xf32> to vector<8x1xf32>
      %mul3A_50 = arith.mulf %get3A_13, %convert_element_type3A_43 : vector<8x4096xf32>
      %reduce_sum3A_51 = arith.constant dense<0.000000e+00> : vector<8xf32>
      %reduce_sum3A_52 = vector.multi_reduction <add>, %mul3A_50, %reduce_sum3A_51 [1] : vector<8x4096xf32> to vector<8xf32>
      %broadcast_in_dim3A_53 = vector.shape_cast %reduce_sum3A_52 : vector<8xf32> to vector<8x1xf32>
      %sub3A = vector.broadcast %broadcast_in_dim3A_45 : vector<8x1xf32> to vector<8x4096xf32>
      %sub3A_54 = arith.subf %get3A_3, %sub3A : vector<8x4096xf32>
      %sub3A_55 = vector.broadcast %broadcast_in_dim3A_49 : vector<8x1xf32> to vector<8x4096xf32>
      %sub3A_56 = arith.subf %get3A_8, %sub3A_55 : vector<8x4096xf32>
      %sub3A_57 = vector.broadcast %broadcast_in_dim3A_53 : vector<8x1xf32> to vector<8x4096xf32>
      %sub3A_58 = arith.subf %get3A_13, %sub3A_57 : vector<8x4096xf32>
      %mul3A_59 = arith.mulf %sub3A_54, %sub3A_54 : vector<8x4096xf32>
      %mul3A_60 = arith.mulf %sub3A_56, %sub3A_56 : vector<8x4096xf32>
      %add3A = arith.addf %mul3A_59, %mul3A_60 : vector<8x4096xf32>
      %mul3A_61 = arith.mulf %sub3A_58, %sub3A_58 : vector<8x4096xf32>
      %add3A_62 = arith.addf %add3A, %mul3A_61 : vector<8x4096xf32>
      %get3A_63 = arith.constant 0 : index
      %get3A_64 = arith.constant 0 : index
      %get3A_65 = vector.load %arg3[%get3A_63, %get3A_64] : memref<8x4096xf32, #tpu.memory_space<vmem>>, vector<8x4096xf32>
      %min3A = arith.minimumf %get3A_65, %add3A_62 : vector<8x4096xf32>
      %swap3A_66 = arith.constant 0 : index
      %swap3A_67 = arith.constant 0 : index
      %swap3A_68 = vector.load %arg3[%swap3A_66, %swap3A_67] : memref<8x4096xf32, #tpu.memory_space<vmem>>, vector<8x4096xf32>
      tpu.vector_store %arg3[%swap3A_66, %swap3A_67], %min3A {strides = array<i32>} : memref<8x4096xf32, #tpu.memory_space<vmem>>, vector<8x4096xf32>,
      %reduce_max3A = arith.constant dense<0xFF800000> : vector<8xf32>
      %reduce_max3A_69 = vector.multi_reduction <maximumf>, %min3A, %reduce_max3A [1] : vector<8x4096xf32> to vector<8xf32>
      %broadcast_in_dim3A_70 = vector.shape_cast %reduce_max3A_69 : vector<8xf32> to vector<8x1xf32>
      %eq3A_71 = vector.broadcast %broadcast_in_dim3A_70 : vector<8x1xf32> to vector<8x4096xf32>
      %eq3A_72 = arith.cmpf oeq, %min3A, %eq3A_71 : vector<8x4096xf32>
      %jit3A = arith.constant 4096 : i32
      %broadcast_in_dim3A_73 = vector.broadcast %jit3A : i32 to vector<8x4096xi32>
      %select_n3A_74 = arith.select %eq3A_72, %iota3A, %broadcast_in_dim3A_73 : vector<8x4096xi1>, vector<8x4096xi32>
      %reduce_min3A = arith.constant dense<2147483647> : vector<8xi32>
      %reduce_min3A_75 = vector.multi_reduction <minsi>, %select_n3A_74, %reduce_min3A [1] : vector<8x4096xi32> to vector<8xi32>
      %broadcast_in_dim3A_76 = vector.shape_cast %reduce_min3A_75 : vector<8xi32> to vector<8x1xi32>
      scf.yield %broadcast_in_dim3A_76 : vector<8x1xi32>
    }
    %scan3A_29 = arith.constant 256 : i32
    return
  }
  func.func @transform_0(%arg0: i32) -> (i32, i32, i32) {
    %c0_i32 = arith.constant 0 : i32
    %c0_i32_0 = arith.constant 0 : i32
    %c0_i32_1 = arith.constant 0 : i32
    %c0_i32_2 = arith.constant 0 : i32
    return %c0_i32, %c0_i32_0, %c0_i32_1 : i32, i32, i32
  }
  func.func @transform_1(%arg0: i32) -> (i32, i32) {
    %c0_i32 = arith.constant 0 : i32
    %c0_i32_0 = arith.constant 0 : i32
    %c0_i32_1 = arith.constant 0 : i32
    return %c0_i32, %c0_i32_0 : i32, i32
  }
}

module attributes {stable_mosaic.version = 14 : i64} {
  func.func @_fps_body(%arg0: i32, %arg1: memref<8x3x256xf32, #tpu.memory_space<vmem>>, %arg2: memref<8x128xi32, #tpu.memory_space<vmem>>, %arg3: memref<8x256xf32, #tpu.memory_space<vmem>>) attributes {dimension_semantics = [#tpu.dimension_semantics<arbitrary>], iteration_bounds = array<i64: 1>, scalar_prefetch = 0 : i64, scratch_operands = 1 : i64, tpu.core_type = #tpu.core_type<tc>, window_params = [{pipeline_mode = #tpu.pipeline_mode<synchronous>, transform_indices = @transform_0, window_bounds = array<i64: 8, 3, 256>}, {pipeline_mode = #tpu.pipeline_mode<synchronous>, transform_indices = @transform_1, window_bounds = array<i64: 8, 128>}]} {
    %get3A = arith.constant 0 : index
    %get3A_0 = arith.constant 0 : index
    %get3A_1 = arith.constant 0 : index
    %get3A_2 = vector.load %arg1[%get3A, %get3A_0, %get3A_1] : memref<8x3x256xf32, #tpu.memory_space<vmem>>, vector<8x1x256xf32>
    %get3A_3 = vector.shape_cast %get3A_2 : vector<8x1x256xf32> to vector<8x256xf32>
    %get3A_4 = arith.constant 0 : index
    %get3A_5 = arith.constant 1 : index
    %get3A_6 = arith.constant 0 : index
    %get3A_7 = vector.load %arg1[%get3A_4, %get3A_5, %get3A_6] : memref<8x3x256xf32, #tpu.memory_space<vmem>>, vector<8x1x256xf32>
    %get3A_8 = vector.shape_cast %get3A_7 : vector<8x1x256xf32> to vector<8x256xf32>
    %get3A_9 = arith.constant 0 : index
    %get3A_10 = arith.constant 2 : index
    %get3A_11 = arith.constant 0 : index
    %get3A_12 = vector.load %arg1[%get3A_9, %get3A_10, %get3A_11] : memref<8x3x256xf32, #tpu.memory_space<vmem>>, vector<8x1x256xf32>
    %get3A_13 = vector.shape_cast %get3A_12 : vector<8x1x256xf32> to vector<8x256xf32>
    %iota3A = tpu.iota {dimensions = array<i32: 1>} : vector<8x256xi32>
    %iota3A_14 = tpu.iota {dimensions = array<i32: 1>} : vector<8x128xi32>
    %broadcast_in_dim3A = arith.constant 1.000000e+10 : f32
    %broadcast_in_dim3A_15 = vector.broadcast %broadcast_in_dim3A : f32 to vector<8x256xf32>
    %swap3A = arith.constant 0 : index
    %swap3A_16 = arith.constant 0 : index
    %swap3A_17 = vector.load %arg3[%swap3A, %swap3A_16] : memref<8x256xf32, #tpu.memory_space<vmem>>, vector<8x256xf32>
    tpu.vector_store %arg3[%swap3A, %swap3A_16], %broadcast_in_dim3A_15 {strides = array<i32>} : memref<8x256xf32, #tpu.memory_space<vmem>>, vector<8x256xf32>,
    %broadcast_in_dim3A_18 = arith.constant 0 : i32
    %broadcast_in_dim3A_19 = vector.broadcast %broadcast_in_dim3A_18 : i32 to vector<8x128xi32>
    %swap3A_20 = arith.constant 0 : index
    %swap3A_21 = arith.constant 0 : index
    %swap3A_22 = vector.load %arg2[%swap3A_20, %swap3A_21] : memref<8x128xi32, #tpu.memory_space<vmem>>, vector<8x128xi32>
    tpu.vector_store %arg2[%swap3A_20, %swap3A_21], %broadcast_in_dim3A_19 {strides = array<i32>} : memref<8x128xi32, #tpu.memory_space<vmem>>, vector<8x128xi32>,
    %broadcast_in_dim3A_23 = arith.constant 0 : i32
    %broadcast_in_dim3A_24 = vector.broadcast %broadcast_in_dim3A_23 : i32 to vector<8x1xi32>
    %scan3A = arith.constant 0 : i32
    %scan3A_25 = arith.constant 128 : i32
    %scan3A_26 = arith.addi %scan3A, %scan3A_25 : i32
    %scan3A_27 = arith.constant 1 : i32
    %scan3A_28 = scf.for %scan3A_30 = %scan3A to %scan3A_26 step %scan3A_27 iter_args(%scan3A_31 = %broadcast_in_dim3A_24) -> (vector<8x1xi32>)  : i32 {
      %eq3A = vector.broadcast %scan3A_30 : i32 to vector<8x128xi32>
      %eq3A_32 = arith.cmpi eq, %iota3A_14, %eq3A : vector<8x128xi32>
      %get3A_33 = arith.constant 0 : index
      %get3A_34 = arith.constant 0 : index
      %get3A_35 = vector.load %arg2[%get3A_33, %get3A_34] : memref<8x128xi32, #tpu.memory_space<vmem>>, vector<8x128xi32>
      %broadcast_in_dim3A_36 = vector.shape_cast %scan3A_31 : vector<8x1xi32> to vector<8x1xi32>
      %broadcast_in_dim3A_37 = vector.broadcast %broadcast_in_dim3A_36 : vector<8x1xi32> to vector<8x128xi32>
      %select_n3A = arith.select %eq3A_32, %broadcast_in_dim3A_37, %get3A_35 : vector<8x128xi1>, vector<8x128xi32>
      %swap3A_38 = arith.constant 0 : index
      %swap3A_39 = arith.constant 0 : index
      %swap3A_40 = vector.load %arg2[%swap3A_38, %swap3A_39] : memref<8x128xi32, #tpu.memory_space<vmem>>, vector<8x128xi32>
      tpu.vector_store %arg2[%swap3A_38, %swap3A_39], %select_n3A {strides = array<i32>} : memref<8x128xi32, #tpu.memory_space<vmem>>, vector<8x128xi32>,
      %eq3A_41 = vector.broadcast %scan3A_31 : vector<8x1xi32> to vector<8x256xi32>
      %eq3A_42 = arith.cmpi eq, %iota3A, %eq3A_41 : vector<8x256xi32>
      %convert_element_type3A = arith.extui %eq3A_42 : vector<8x256xi1> to vector<8x256xi32>
      %convert_element_type3A_43 = arith.sitofp %convert_element_type3A : vector<8x256xi32> to vector<8x256xf32>
      %mul3A = arith.mulf %get3A_3, %convert_element_type3A_43 : vector<8x256xf32>
      %reduce_sum3A = arith.constant dense<0.000000e+00> : vector<8xf32>
      %reduce_sum3A_44 = vector.multi_reduction <add>, %mul3A, %reduce_sum3A [1] : vector<8x256xf32> to vector<8xf32>
      %broadcast_in_dim3A_45 = vector.shape_cast %reduce_sum3A_44 : vector<8xf32> to vector<8x1xf32>
      %mul3A_46 = arith.mulf %get3A_8, %convert_element_type3A_43 : vector<8x256xf32>
      %reduce_sum3A_47 = arith.constant dense<0.000000e+00> : vector<8xf32>
      %reduce_sum3A_48 = vector.multi_reduction <add>, %mul3A_46, %reduce_sum3A_47 [1] : vector<8x256xf32> to vector<8xf32>
      %broadcast_in_dim3A_49 = vector.shape_cast %reduce_sum3A_48 : vector<8xf32> to vector<8x1xf32>
      %mul3A_50 = arith.mulf %get3A_13, %convert_element_type3A_43 : vector<8x256xf32>
      %reduce_sum3A_51 = arith.constant dense<0.000000e+00> : vector<8xf32>
      %reduce_sum3A_52 = vector.multi_reduction <add>, %mul3A_50, %reduce_sum3A_51 [1] : vector<8x256xf32> to vector<8xf32>
      %broadcast_in_dim3A_53 = vector.shape_cast %reduce_sum3A_52 : vector<8xf32> to vector<8x1xf32>
      %sub3A = vector.broadcast %broadcast_in_dim3A_45 : vector<8x1xf32> to vector<8x256xf32>
      %sub3A_54 = arith.subf %get3A_3, %sub3A : vector<8x256xf32>
      %sub3A_55 = vector.broadcast %broadcast_in_dim3A_49 : vector<8x1xf32> to vector<8x256xf32>
      %sub3A_56 = arith.subf %get3A_8, %sub3A_55 : vector<8x256xf32>
      %sub3A_57 = vector.broadcast %broadcast_in_dim3A_53 : vector<8x1xf32> to vector<8x256xf32>
      %sub3A_58 = arith.subf %get3A_13, %sub3A_57 : vector<8x256xf32>
      %mul3A_59 = arith.mulf %sub3A_54, %sub3A_54 : vector<8x256xf32>
      %mul3A_60 = arith.mulf %sub3A_56, %sub3A_56 : vector<8x256xf32>
      %add3A = arith.addf %mul3A_59, %mul3A_60 : vector<8x256xf32>
      %mul3A_61 = arith.mulf %sub3A_58, %sub3A_58 : vector<8x256xf32>
      %add3A_62 = arith.addf %add3A, %mul3A_61 : vector<8x256xf32>
      %get3A_63 = arith.constant 0 : index
      %get3A_64 = arith.constant 0 : index
      %get3A_65 = vector.load %arg3[%get3A_63, %get3A_64] : memref<8x256xf32, #tpu.memory_space<vmem>>, vector<8x256xf32>
      %min3A = arith.minimumf %get3A_65, %add3A_62 : vector<8x256xf32>
      %swap3A_66 = arith.constant 0 : index
      %swap3A_67 = arith.constant 0 : index
      %swap3A_68 = vector.load %arg3[%swap3A_66, %swap3A_67] : memref<8x256xf32, #tpu.memory_space<vmem>>, vector<8x256xf32>
      tpu.vector_store %arg3[%swap3A_66, %swap3A_67], %min3A {strides = array<i32>} : memref<8x256xf32, #tpu.memory_space<vmem>>, vector<8x256xf32>,
      %reduce_max3A = arith.constant dense<0xFF800000> : vector<8xf32>
      %reduce_max3A_69 = vector.multi_reduction <maximumf>, %min3A, %reduce_max3A [1] : vector<8x256xf32> to vector<8xf32>
      %broadcast_in_dim3A_70 = vector.shape_cast %reduce_max3A_69 : vector<8xf32> to vector<8x1xf32>
      %eq3A_71 = vector.broadcast %broadcast_in_dim3A_70 : vector<8x1xf32> to vector<8x256xf32>
      %eq3A_72 = arith.cmpf oeq, %min3A, %eq3A_71 : vector<8x256xf32>
      %jit3A = arith.constant 256 : i32
      %broadcast_in_dim3A_73 = vector.broadcast %jit3A : i32 to vector<8x256xi32>
      %select_n3A_74 = arith.select %eq3A_72, %iota3A, %broadcast_in_dim3A_73 : vector<8x256xi1>, vector<8x256xi32>
      %reduce_min3A = arith.constant dense<2147483647> : vector<8xi32>
      %reduce_min3A_75 = vector.multi_reduction <minsi>, %select_n3A_74, %reduce_min3A [1] : vector<8x256xi32> to vector<8xi32>
      %broadcast_in_dim3A_76 = vector.shape_cast %reduce_min3A_75 : vector<8xi32> to vector<8x1xi32>
      scf.yield %broadcast_in_dim3A_76 : vector<8x1xi32>
    }
    %scan3A_29 = arith.constant 128 : i32
    return
  }
  func.func @transform_0(%arg0: i32) -> (i32, i32, i32) {
    %c0_i32 = arith.constant 0 : i32
    %c0_i32_0 = arith.constant 0 : i32
    %c0_i32_1 = arith.constant 0 : i32
    %c0_i32_2 = arith.constant 0 : i32
    return %c0_i32, %c0_i32_0, %c0_i32_1 : i32, i32, i32
  }
  func.func @transform_1(%arg0: i32) -> (i32, i32) {
    %c0_i32 = arith.constant 0 : i32
    %c0_i32_0 = arith.constant 0 : i32
    %c0_i32_1 = arith.constant 0 : i32
    return %c0_i32, %c0_i32_0 : i32, i32
  }
}

module attributes {stable_mosaic.version = 14 : i64} {
  func.func @_fps_body(%arg0: i32, %arg1: memref<8x3x128xf32, #tpu.memory_space<vmem>>, %arg2: memref<8x64xi32, #tpu.memory_space<vmem>>, %arg3: memref<8x128xf32, #tpu.memory_space<vmem>>) attributes {dimension_semantics = [#tpu.dimension_semantics<arbitrary>], iteration_bounds = array<i64: 1>, scalar_prefetch = 0 : i64, scratch_operands = 1 : i64, tpu.core_type = #tpu.core_type<tc>, window_params = [{pipeline_mode = #tpu.pipeline_mode<synchronous>, transform_indices = @transform_0, window_bounds = array<i64: 8, 3, 128>}, {pipeline_mode = #tpu.pipeline_mode<synchronous>, transform_indices = @transform_1, window_bounds = array<i64: 8, 64>}]} {
    %get3A = arith.constant 0 : index
    %get3A_0 = arith.constant 0 : index
    %get3A_1 = arith.constant 0 : index
    %get3A_2 = vector.load %arg1[%get3A, %get3A_0, %get3A_1] : memref<8x3x128xf32, #tpu.memory_space<vmem>>, vector<8x1x128xf32>
    %get3A_3 = vector.shape_cast %get3A_2 : vector<8x1x128xf32> to vector<8x128xf32>
    %get3A_4 = arith.constant 0 : index
    %get3A_5 = arith.constant 1 : index
    %get3A_6 = arith.constant 0 : index
    %get3A_7 = vector.load %arg1[%get3A_4, %get3A_5, %get3A_6] : memref<8x3x128xf32, #tpu.memory_space<vmem>>, vector<8x1x128xf32>
    %get3A_8 = vector.shape_cast %get3A_7 : vector<8x1x128xf32> to vector<8x128xf32>
    %get3A_9 = arith.constant 0 : index
    %get3A_10 = arith.constant 2 : index
    %get3A_11 = arith.constant 0 : index
    %get3A_12 = vector.load %arg1[%get3A_9, %get3A_10, %get3A_11] : memref<8x3x128xf32, #tpu.memory_space<vmem>>, vector<8x1x128xf32>
    %get3A_13 = vector.shape_cast %get3A_12 : vector<8x1x128xf32> to vector<8x128xf32>
    %iota3A = tpu.iota {dimensions = array<i32: 1>} : vector<8x128xi32>
    %iota3A_14 = tpu.iota {dimensions = array<i32: 1>} : vector<8x64xi32>
    %broadcast_in_dim3A = arith.constant 1.000000e+10 : f32
    %broadcast_in_dim3A_15 = vector.broadcast %broadcast_in_dim3A : f32 to vector<8x128xf32>
    %swap3A = arith.constant 0 : index
    %swap3A_16 = arith.constant 0 : index
    %swap3A_17 = vector.load %arg3[%swap3A, %swap3A_16] : memref<8x128xf32, #tpu.memory_space<vmem>>, vector<8x128xf32>
    tpu.vector_store %arg3[%swap3A, %swap3A_16], %broadcast_in_dim3A_15 {strides = array<i32>} : memref<8x128xf32, #tpu.memory_space<vmem>>, vector<8x128xf32>,
    %broadcast_in_dim3A_18 = arith.constant 0 : i32
    %broadcast_in_dim3A_19 = vector.broadcast %broadcast_in_dim3A_18 : i32 to vector<8x64xi32>
    %swap3A_20 = arith.constant 0 : index
    %swap3A_21 = arith.constant 0 : index
    %swap3A_22 = vector.load %arg2[%swap3A_20, %swap3A_21] : memref<8x64xi32, #tpu.memory_space<vmem>>, vector<8x64xi32>
    tpu.vector_store %arg2[%swap3A_20, %swap3A_21], %broadcast_in_dim3A_19 {strides = array<i32>} : memref<8x64xi32, #tpu.memory_space<vmem>>, vector<8x64xi32>,
    %broadcast_in_dim3A_23 = arith.constant 0 : i32
    %broadcast_in_dim3A_24 = vector.broadcast %broadcast_in_dim3A_23 : i32 to vector<8x1xi32>
    %scan3A = arith.constant 0 : i32
    %scan3A_25 = arith.constant 64 : i32
    %scan3A_26 = arith.addi %scan3A, %scan3A_25 : i32
    %scan3A_27 = arith.constant 1 : i32
    %scan3A_28 = scf.for %scan3A_30 = %scan3A to %scan3A_26 step %scan3A_27 iter_args(%scan3A_31 = %broadcast_in_dim3A_24) -> (vector<8x1xi32>)  : i32 {
      %eq3A = vector.broadcast %scan3A_30 : i32 to vector<8x64xi32>
      %eq3A_32 = arith.cmpi eq, %iota3A_14, %eq3A : vector<8x64xi32>
      %get3A_33 = arith.constant 0 : index
      %get3A_34 = arith.constant 0 : index
      %get3A_35 = vector.load %arg2[%get3A_33, %get3A_34] : memref<8x64xi32, #tpu.memory_space<vmem>>, vector<8x64xi32>
      %broadcast_in_dim3A_36 = vector.shape_cast %scan3A_31 : vector<8x1xi32> to vector<8x1xi32>
      %broadcast_in_dim3A_37 = vector.broadcast %broadcast_in_dim3A_36 : vector<8x1xi32> to vector<8x64xi32>
      %select_n3A = arith.select %eq3A_32, %broadcast_in_dim3A_37, %get3A_35 : vector<8x64xi1>, vector<8x64xi32>
      %swap3A_38 = arith.constant 0 : index
      %swap3A_39 = arith.constant 0 : index
      %swap3A_40 = vector.load %arg2[%swap3A_38, %swap3A_39] : memref<8x64xi32, #tpu.memory_space<vmem>>, vector<8x64xi32>
      tpu.vector_store %arg2[%swap3A_38, %swap3A_39], %select_n3A {strides = array<i32>} : memref<8x64xi32, #tpu.memory_space<vmem>>, vector<8x64xi32>,
      %eq3A_41 = vector.broadcast %scan3A_31 : vector<8x1xi32> to vector<8x128xi32>
      %eq3A_42 = arith.cmpi eq, %iota3A, %eq3A_41 : vector<8x128xi32>
      %convert_element_type3A = arith.extui %eq3A_42 : vector<8x128xi1> to vector<8x128xi32>
      %convert_element_type3A_43 = arith.sitofp %convert_element_type3A : vector<8x128xi32> to vector<8x128xf32>
      %mul3A = arith.mulf %get3A_3, %convert_element_type3A_43 : vector<8x128xf32>
      %reduce_sum3A = arith.constant dense<0.000000e+00> : vector<8xf32>
      %reduce_sum3A_44 = vector.multi_reduction <add>, %mul3A, %reduce_sum3A [1] : vector<8x128xf32> to vector<8xf32>
      %broadcast_in_dim3A_45 = vector.shape_cast %reduce_sum3A_44 : vector<8xf32> to vector<8x1xf32>
      %mul3A_46 = arith.mulf %get3A_8, %convert_element_type3A_43 : vector<8x128xf32>
      %reduce_sum3A_47 = arith.constant dense<0.000000e+00> : vector<8xf32>
      %reduce_sum3A_48 = vector.multi_reduction <add>, %mul3A_46, %reduce_sum3A_47 [1] : vector<8x128xf32> to vector<8xf32>
      %broadcast_in_dim3A_49 = vector.shape_cast %reduce_sum3A_48 : vector<8xf32> to vector<8x1xf32>
      %mul3A_50 = arith.mulf %get3A_13, %convert_element_type3A_43 : vector<8x128xf32>
      %reduce_sum3A_51 = arith.constant dense<0.000000e+00> : vector<8xf32>
      %reduce_sum3A_52 = vector.multi_reduction <add>, %mul3A_50, %reduce_sum3A_51 [1] : vector<8x128xf32> to vector<8xf32>
      %broadcast_in_dim3A_53 = vector.shape_cast %reduce_sum3A_52 : vector<8xf32> to vector<8x1xf32>
      %sub3A = vector.broadcast %broadcast_in_dim3A_45 : vector<8x1xf32> to vector<8x128xf32>
      %sub3A_54 = arith.subf %get3A_3, %sub3A : vector<8x128xf32>
      %sub3A_55 = vector.broadcast %broadcast_in_dim3A_49 : vector<8x1xf32> to vector<8x128xf32>
      %sub3A_56 = arith.subf %get3A_8, %sub3A_55 : vector<8x128xf32>
      %sub3A_57 = vector.broadcast %broadcast_in_dim3A_53 : vector<8x1xf32> to vector<8x128xf32>
      %sub3A_58 = arith.subf %get3A_13, %sub3A_57 : vector<8x128xf32>
      %mul3A_59 = arith.mulf %sub3A_54, %sub3A_54 : vector<8x128xf32>
      %mul3A_60 = arith.mulf %sub3A_56, %sub3A_56 : vector<8x128xf32>
      %add3A = arith.addf %mul3A_59, %mul3A_60 : vector<8x128xf32>
      %mul3A_61 = arith.mulf %sub3A_58, %sub3A_58 : vector<8x128xf32>
      %add3A_62 = arith.addf %add3A, %mul3A_61 : vector<8x128xf32>
      %get3A_63 = arith.constant 0 : index
      %get3A_64 = arith.constant 0 : index
      %get3A_65 = vector.load %arg3[%get3A_63, %get3A_64] : memref<8x128xf32, #tpu.memory_space<vmem>>, vector<8x128xf32>
      %min3A = arith.minimumf %get3A_65, %add3A_62 : vector<8x128xf32>
      %swap3A_66 = arith.constant 0 : index
      %swap3A_67 = arith.constant 0 : index
      %swap3A_68 = vector.load %arg3[%swap3A_66, %swap3A_67] : memref<8x128xf32, #tpu.memory_space<vmem>>, vector<8x128xf32>
      tpu.vector_store %arg3[%swap3A_66, %swap3A_67], %min3A {strides = array<i32>} : memref<8x128xf32, #tpu.memory_space<vmem>>, vector<8x128xf32>,
      %reduce_max3A = arith.constant dense<0xFF800000> : vector<8xf32>
      %reduce_max3A_69 = vector.multi_reduction <maximumf>, %min3A, %reduce_max3A [1] : vector<8x128xf32> to vector<8xf32>
      %broadcast_in_dim3A_70 = vector.shape_cast %reduce_max3A_69 : vector<8xf32> to vector<8x1xf32>
      %eq3A_71 = vector.broadcast %broadcast_in_dim3A_70 : vector<8x1xf32> to vector<8x128xf32>
      %eq3A_72 = arith.cmpf oeq, %min3A, %eq3A_71 : vector<8x128xf32>
      %jit3A = arith.constant 128 : i32
      %broadcast_in_dim3A_73 = vector.broadcast %jit3A : i32 to vector<8x128xi32>
      %select_n3A_74 = arith.select %eq3A_72, %iota3A, %broadcast_in_dim3A_73 : vector<8x128xi1>, vector<8x128xi32>
      %reduce_min3A = arith.constant dense<2147483647> : vector<8xi32>
      %reduce_min3A_75 = vector.multi_reduction <minsi>, %select_n3A_74, %reduce_min3A [1] : vector<8x128xi32> to vector<8xi32>
      %broadcast_in_dim3A_76 = vector.shape_cast %reduce_min3A_75 : vector<8xi32> to vector<8x1xi32>
      scf.yield %broadcast_in_dim3A_76 : vector<8x1xi32>
    }
    %scan3A_29 = arith.constant 64 : i32
    return
  }
  func.func @transform_0(%arg0: i32) -> (i32, i32, i32) {
    %c0_i32 = arith.constant 0 : i32
    %c0_i32_0 = arith.constant 0 : i32
    %c0_i32_1 = arith.constant 0 : i32
    %c0_i32_2 = arith.constant 0 : i32
    return %c0_i32, %c0_i32_0, %c0_i32_1 : i32, i32, i32
  }
  func.func @transform_1(%arg0: i32) -> (i32, i32) {
    %c0_i32 = arith.constant 0 : i32
    %c0_i32_0 = arith.constant 0 : i32
    %c0_i32_1 = arith.constant 0 : i32
    return %c0_i32, %c0_i32_0 : i32, i32
  }
}

module attributes {stable_mosaic.version = 14 : i64} {
  func.func @_fps_body(%arg0: i32, %arg1: memref<8x3x64xf32, #tpu.memory_space<vmem>>, %arg2: memref<8x16xi32, #tpu.memory_space<vmem>>, %arg3: memref<8x64xf32, #tpu.memory_space<vmem>>) attributes {dimension_semantics = [#tpu.dimension_semantics<arbitrary>], iteration_bounds = array<i64: 1>, scalar_prefetch = 0 : i64, scratch_operands = 1 : i64, tpu.core_type = #tpu.core_type<tc>, window_params = [{pipeline_mode = #tpu.pipeline_mode<synchronous>, transform_indices = @transform_0, window_bounds = array<i64: 8, 3, 64>}, {pipeline_mode = #tpu.pipeline_mode<synchronous>, transform_indices = @transform_1, window_bounds = array<i64: 8, 16>}]} {
    %get3A = arith.constant 0 : index
    %get3A_0 = arith.constant 0 : index
    %get3A_1 = arith.constant 0 : index
    %get3A_2 = vector.load %arg1[%get3A, %get3A_0, %get3A_1] : memref<8x3x64xf32, #tpu.memory_space<vmem>>, vector<8x1x64xf32>
    %get3A_3 = vector.shape_cast %get3A_2 : vector<8x1x64xf32> to vector<8x64xf32>
    %get3A_4 = arith.constant 0 : index
    %get3A_5 = arith.constant 1 : index
    %get3A_6 = arith.constant 0 : index
    %get3A_7 = vector.load %arg1[%get3A_4, %get3A_5, %get3A_6] : memref<8x3x64xf32, #tpu.memory_space<vmem>>, vector<8x1x64xf32>
    %get3A_8 = vector.shape_cast %get3A_7 : vector<8x1x64xf32> to vector<8x64xf32>
    %get3A_9 = arith.constant 0 : index
    %get3A_10 = arith.constant 2 : index
    %get3A_11 = arith.constant 0 : index
    %get3A_12 = vector.load %arg1[%get3A_9, %get3A_10, %get3A_11] : memref<8x3x64xf32, #tpu.memory_space<vmem>>, vector<8x1x64xf32>
    %get3A_13 = vector.shape_cast %get3A_12 : vector<8x1x64xf32> to vector<8x64xf32>
    %iota3A = tpu.iota {dimensions = array<i32: 1>} : vector<8x64xi32>
    %iota3A_14 = tpu.iota {dimensions = array<i32: 1>} : vector<8x16xi32>
    %broadcast_in_dim3A = arith.constant 1.000000e+10 : f32
    %broadcast_in_dim3A_15 = vector.broadcast %broadcast_in_dim3A : f32 to vector<8x64xf32>
    %swap3A = arith.constant 0 : index
    %swap3A_16 = arith.constant 0 : index
    %swap3A_17 = vector.load %arg3[%swap3A, %swap3A_16] : memref<8x64xf32, #tpu.memory_space<vmem>>, vector<8x64xf32>
    tpu.vector_store %arg3[%swap3A, %swap3A_16], %broadcast_in_dim3A_15 {strides = array<i32>} : memref<8x64xf32, #tpu.memory_space<vmem>>, vector<8x64xf32>,
    %broadcast_in_dim3A_18 = arith.constant 0 : i32
    %broadcast_in_dim3A_19 = vector.broadcast %broadcast_in_dim3A_18 : i32 to vector<8x16xi32>
    %swap3A_20 = arith.constant 0 : index
    %swap3A_21 = arith.constant 0 : index
    %swap3A_22 = vector.load %arg2[%swap3A_20, %swap3A_21] : memref<8x16xi32, #tpu.memory_space<vmem>>, vector<8x16xi32>
    tpu.vector_store %arg2[%swap3A_20, %swap3A_21], %broadcast_in_dim3A_19 {strides = array<i32>} : memref<8x16xi32, #tpu.memory_space<vmem>>, vector<8x16xi32>,
    %broadcast_in_dim3A_23 = arith.constant 0 : i32
    %broadcast_in_dim3A_24 = vector.broadcast %broadcast_in_dim3A_23 : i32 to vector<8x1xi32>
    %scan3A = arith.constant 0 : i32
    %scan3A_25 = arith.constant 16 : i32
    %scan3A_26 = arith.addi %scan3A, %scan3A_25 : i32
    %scan3A_27 = arith.constant 1 : i32
    %scan3A_28 = scf.for %scan3A_30 = %scan3A to %scan3A_26 step %scan3A_27 iter_args(%scan3A_31 = %broadcast_in_dim3A_24) -> (vector<8x1xi32>)  : i32 {
      %eq3A = vector.broadcast %scan3A_30 : i32 to vector<8x16xi32>
      %eq3A_32 = arith.cmpi eq, %iota3A_14, %eq3A : vector<8x16xi32>
      %get3A_33 = arith.constant 0 : index
      %get3A_34 = arith.constant 0 : index
      %get3A_35 = vector.load %arg2[%get3A_33, %get3A_34] : memref<8x16xi32, #tpu.memory_space<vmem>>, vector<8x16xi32>
      %broadcast_in_dim3A_36 = vector.shape_cast %scan3A_31 : vector<8x1xi32> to vector<8x1xi32>
      %broadcast_in_dim3A_37 = vector.broadcast %broadcast_in_dim3A_36 : vector<8x1xi32> to vector<8x16xi32>
      %select_n3A = arith.select %eq3A_32, %broadcast_in_dim3A_37, %get3A_35 : vector<8x16xi1>, vector<8x16xi32>
      %swap3A_38 = arith.constant 0 : index
      %swap3A_39 = arith.constant 0 : index
      %swap3A_40 = vector.load %arg2[%swap3A_38, %swap3A_39] : memref<8x16xi32, #tpu.memory_space<vmem>>, vector<8x16xi32>
      tpu.vector_store %arg2[%swap3A_38, %swap3A_39], %select_n3A {strides = array<i32>} : memref<8x16xi32, #tpu.memory_space<vmem>>, vector<8x16xi32>,
      %eq3A_41 = vector.broadcast %scan3A_31 : vector<8x1xi32> to vector<8x64xi32>
      %eq3A_42 = arith.cmpi eq, %iota3A, %eq3A_41 : vector<8x64xi32>
      %convert_element_type3A = arith.extui %eq3A_42 : vector<8x64xi1> to vector<8x64xi32>
      %convert_element_type3A_43 = arith.sitofp %convert_element_type3A : vector<8x64xi32> to vector<8x64xf32>
      %mul3A = arith.mulf %get3A_3, %convert_element_type3A_43 : vector<8x64xf32>
      %reduce_sum3A = arith.constant dense<0.000000e+00> : vector<8xf32>
      %reduce_sum3A_44 = vector.multi_reduction <add>, %mul3A, %reduce_sum3A [1] : vector<8x64xf32> to vector<8xf32>
      %broadcast_in_dim3A_45 = vector.shape_cast %reduce_sum3A_44 : vector<8xf32> to vector<8x1xf32>
      %mul3A_46 = arith.mulf %get3A_8, %convert_element_type3A_43 : vector<8x64xf32>
      %reduce_sum3A_47 = arith.constant dense<0.000000e+00> : vector<8xf32>
      %reduce_sum3A_48 = vector.multi_reduction <add>, %mul3A_46, %reduce_sum3A_47 [1] : vector<8x64xf32> to vector<8xf32>
      %broadcast_in_dim3A_49 = vector.shape_cast %reduce_sum3A_48 : vector<8xf32> to vector<8x1xf32>
      %mul3A_50 = arith.mulf %get3A_13, %convert_element_type3A_43 : vector<8x64xf32>
      %reduce_sum3A_51 = arith.constant dense<0.000000e+00> : vector<8xf32>
      %reduce_sum3A_52 = vector.multi_reduction <add>, %mul3A_50, %reduce_sum3A_51 [1] : vector<8x64xf32> to vector<8xf32>
      %broadcast_in_dim3A_53 = vector.shape_cast %reduce_sum3A_52 : vector<8xf32> to vector<8x1xf32>
      %sub3A = vector.broadcast %broadcast_in_dim3A_45 : vector<8x1xf32> to vector<8x64xf32>
      %sub3A_54 = arith.subf %get3A_3, %sub3A : vector<8x64xf32>
      %sub3A_55 = vector.broadcast %broadcast_in_dim3A_49 : vector<8x1xf32> to vector<8x64xf32>
      %sub3A_56 = arith.subf %get3A_8, %sub3A_55 : vector<8x64xf32>
      %sub3A_57 = vector.broadcast %broadcast_in_dim3A_53 : vector<8x1xf32> to vector<8x64xf32>
      %sub3A_58 = arith.subf %get3A_13, %sub3A_57 : vector<8x64xf32>
      %mul3A_59 = arith.mulf %sub3A_54, %sub3A_54 : vector<8x64xf32>
      %mul3A_60 = arith.mulf %sub3A_56, %sub3A_56 : vector<8x64xf32>
      %add3A = arith.addf %mul3A_59, %mul3A_60 : vector<8x64xf32>
      %mul3A_61 = arith.mulf %sub3A_58, %sub3A_58 : vector<8x64xf32>
      %add3A_62 = arith.addf %add3A, %mul3A_61 : vector<8x64xf32>
      %get3A_63 = arith.constant 0 : index
      %get3A_64 = arith.constant 0 : index
      %get3A_65 = vector.load %arg3[%get3A_63, %get3A_64] : memref<8x64xf32, #tpu.memory_space<vmem>>, vector<8x64xf32>
      %min3A = arith.minimumf %get3A_65, %add3A_62 : vector<8x64xf32>
      %swap3A_66 = arith.constant 0 : index
      %swap3A_67 = arith.constant 0 : index
      %swap3A_68 = vector.load %arg3[%swap3A_66, %swap3A_67] : memref<8x64xf32, #tpu.memory_space<vmem>>, vector<8x64xf32>
      tpu.vector_store %arg3[%swap3A_66, %swap3A_67], %min3A {strides = array<i32>} : memref<8x64xf32, #tpu.memory_space<vmem>>, vector<8x64xf32>,
      %reduce_max3A = arith.constant dense<0xFF800000> : vector<8xf32>
      %reduce_max3A_69 = vector.multi_reduction <maximumf>, %min3A, %reduce_max3A [1] : vector<8x64xf32> to vector<8xf32>
      %broadcast_in_dim3A_70 = vector.shape_cast %reduce_max3A_69 : vector<8xf32> to vector<8x1xf32>
      %eq3A_71 = vector.broadcast %broadcast_in_dim3A_70 : vector<8x1xf32> to vector<8x64xf32>
      %eq3A_72 = arith.cmpf oeq, %min3A, %eq3A_71 : vector<8x64xf32>
      %jit3A = arith.constant 64 : i32
      %broadcast_in_dim3A_73 = vector.broadcast %jit3A : i32 to vector<8x64xi32>
      %select_n3A_74 = arith.select %eq3A_72, %iota3A, %broadcast_in_dim3A_73 : vector<8x64xi1>, vector<8x64xi32>
      %reduce_min3A = arith.constant dense<2147483647> : vector<8xi32>
      %reduce_min3A_75 = vector.multi_reduction <minsi>, %select_n3A_74, %reduce_min3A [1] : vector<8x64xi32> to vector<8xi32>
      %broadcast_in_dim3A_76 = vector.shape_cast %reduce_min3A_75 : vector<8xi32> to vector<8x1xi32>
      scf.yield %broadcast_in_dim3A_76 : vector<8x1xi32>
    }
    %scan3A_29 = arith.constant 16 : i32
    return
  }
  func.func @transform_0(%arg0: i32) -> (i32, i32, i32) {
    %c0_i32 = arith.constant 0 : i32
    %c0_i32_0 = arith.constant 0 : i32
    %c0_i32_1 = arith.constant 0 : i32
    %c0_i32_2 = arith.constant 0 : i32
    return %c0_i32, %c0_i32_0, %c0_i32_1 : i32, i32, i32
  }
  func.func @transform_1(%arg0: i32) -> (i32, i32) {
    %c0_i32 = arith.constant 0 : i32
    %c0_i32_0 = arith.constant 0 : i32
    %c0_i32_1 = arith.constant 0 : i32
    return %c0_i32, %c0_i32_0 : i32, i32
  }
}

module attributes {stable_mosaic.version = 14 : i64} {
  func.func @_sa_body(%arg0: i32, %arg1: i32, %arg2: memref<1x4096x9xf32, #tpu.memory_space<vmem>>, %arg3: memref<1x3x4096xf32, #tpu.memory_space<vmem>>, %arg4: memref<1x32x3xf32, #tpu.memory_space<vmem>>, %arg5: memref<3x32xf32, #tpu.memory_space<vmem>>, %arg6: memref<9x32xf32, #tpu.memory_space<vmem>>, %arg7: memref<32x64xf32, #tpu.memory_space<vmem>>, %arg8: memref<64x128xf32, #tpu.memory_space<vmem>>, %arg9: memref<1x32x128xf32, #tpu.memory_space<vmem>>) attributes {dimension_semantics = [#tpu.dimension_semantics<arbitrary>, #tpu.dimension_semantics<arbitrary>], iteration_bounds = array<i64: 8, 8>, scalar_prefetch = 0 : i64, scratch_operands = 0 : i64, tpu.core_type = #tpu.core_type<tc>, window_params = [{transform_indices = @transform_0, window_bounds = array<i64: 1, 4096, 9>}, {transform_indices = @transform_1, window_bounds = array<i64: 1, 3, 4096>}, {transform_indices = @transform_2, window_bounds = array<i64: 1, 32, 3>}, {pipeline_mode = #tpu.pipeline_mode<synchronous>, transform_indices = @transform_3, window_bounds = array<i64: 3, 32>}, {pipeline_mode = #tpu.pipeline_mode<synchronous>, transform_indices = @transform_4, window_bounds = array<i64: 9, 32>}, {pipeline_mode = #tpu.pipeline_mode<synchronous>, transform_indices = @transform_5, window_bounds = array<i64: 32, 64>}, {pipeline_mode = #tpu.pipeline_mode<synchronous>, transform_indices = @transform_6, window_bounds = array<i64: 64, 128>}, {transform_indices = @transform_7, window_bounds = array<i64: 1, 32, 128>}]} {
    %get3A = arith.constant 0 : index
    %get3A_0 = arith.constant 0 : index
    %get3A_1 = arith.constant 0 : index
    %get3A_2 = vector.load %arg2[%get3A, %get3A_0, %get3A_1] : memref<1x4096x9xf32, #tpu.memory_space<vmem>>, vector<1x4096x9xf32>
    %get3A_3 = vector.shape_cast %get3A_2 : vector<1x4096x9xf32> to vector<4096x9xf32>
    %get3A_4 = arith.constant 0 : index
    %get3A_5 = arith.constant 0 : index
    %get3A_6 = arith.constant 0 : index
    %get3A_7 = vector.load %arg3[%get3A_4, %get3A_5, %get3A_6] : memref<1x3x4096xf32, #tpu.memory_space<vmem>>, vector<1x3x4096xf32>
    %get3A_8 = vector.shape_cast %get3A_7 : vector<1x3x4096xf32> to vector<3x4096xf32>
    %get3A_9 = arith.constant 0 : index
    %get3A_10 = arith.constant 0 : index
    %get3A_11 = arith.constant 0 : index
    %get3A_12 = vector.load %arg4[%get3A_9, %get3A_10, %get3A_11] : memref<1x32x3xf32, #tpu.memory_space<vmem>>, vector<1x32x3xf32>
    %get3A_13 = vector.shape_cast %get3A_12 : vector<1x32x3xf32> to vector<32x3xf32>
    %iota3A = tpu.iota {dimensions = array<i32: 1>} : vector<32x4096xi32>
    %slice3A = vector.extract_strided_slice %get3A_13 {offsets = [0, 0], sizes = [32, 1], strides = [1, 1]} : vector<32x3xf32> to vector<32x1xf32>
    %slice3A_14 = vector.extract_strided_slice %get3A_8 {offsets = [0, 0], sizes = [1, 4096], strides = [1, 1]} : vector<3x4096xf32> to vector<1x4096xf32>
    %sub3A = vector.broadcast %slice3A : vector<32x1xf32> to vector<32x4096xf32>
    %sub3A_15 = vector.broadcast %slice3A_14 : vector<1x4096xf32> to vector<32x4096xf32>
    %sub3A_16 = arith.subf %sub3A, %sub3A_15 : vector<32x4096xf32>
    %mul3A = arith.mulf %sub3A_16, %sub3A_16 : vector<32x4096xf32>
    %slice3A_17 = vector.extract_strided_slice %get3A_13 {offsets = [0, 1], sizes = [32, 1], strides = [1, 1]} : vector<32x3xf32> to vector<32x1xf32>
    %slice3A_18 = vector.extract_strided_slice %get3A_8 {offsets = [1, 0], sizes = [1, 4096], strides = [1, 1]} : vector<3x4096xf32> to vector<1x4096xf32>
    %sub3A_19 = vector.broadcast %slice3A_17 : vector<32x1xf32> to vector<32x4096xf32>
    %sub3A_20 = vector.broadcast %slice3A_18 : vector<1x4096xf32> to vector<32x4096xf32>
    %sub3A_21 = arith.subf %sub3A_19, %sub3A_20 : vector<32x4096xf32>
    %mul3A_22 = arith.mulf %sub3A_21, %sub3A_21 : vector<32x4096xf32>
    %add3A = arith.addf %mul3A, %mul3A_22 : vector<32x4096xf32>
    %slice3A_23 = vector.extract_strided_slice %get3A_13 {offsets = [0, 2], sizes = [32, 1], strides = [1, 1]} : vector<32x3xf32> to vector<32x1xf32>
    %slice3A_24 = vector.extract_strided_slice %get3A_8 {offsets = [2, 0], sizes = [1, 4096], strides = [1, 1]} : vector<3x4096xf32> to vector<1x4096xf32>
    %sub3A_25 = vector.broadcast %slice3A_23 : vector<32x1xf32> to vector<32x4096xf32>
    %sub3A_26 = vector.broadcast %slice3A_24 : vector<1x4096xf32> to vector<32x4096xf32>
    %sub3A_27 = arith.subf %sub3A_25, %sub3A_26 : vector<32x4096xf32>
    %mul3A_28 = arith.mulf %sub3A_27, %sub3A_27 : vector<32x4096xf32>
    %add3A_29 = arith.addf %add3A, %mul3A_28 : vector<32x4096xf32>
    %lt3A = arith.constant 4.000000e-02 : f32
    %lt3A_30 = vector.broadcast %lt3A : f32 to vector<32x4096xf32>
    %lt3A_31 = arith.cmpf olt, %add3A_29, %lt3A_30 : vector<32x4096xf32>
    %jit3A = arith.constant 4096 : i32
    %broadcast_in_dim3A = vector.broadcast %jit3A : i32 to vector<32x4096xi32>
    %select_n3A = arith.select %lt3A_31, %iota3A, %broadcast_in_dim3A : vector<32x4096xi1>, vector<32x4096xi32>
    %reduce_min3A = arith.constant dense<2147483647> : vector<32xi32>
    %reduce_min3A_32 = vector.multi_reduction <minsi>, %select_n3A, %reduce_min3A [1] : vector<32x4096xi32> to vector<32xi32>
    %broadcast_in_dim3A_33 = vector.shape_cast %reduce_min3A_32 : vector<32xi32> to vector<32x1xi32>
    %eq3A = vector.broadcast %broadcast_in_dim3A_33 : vector<32x1xi32> to vector<32x4096xi32>
    %eq3A_34 = arith.cmpi eq, %select_n3A, %eq3A : vector<32x4096xi32>
    %jit3A_35 = arith.constant 4097 : i32
    %broadcast_in_dim3A_36 = vector.broadcast %jit3A_35 : i32 to vector<32x4096xi32>
    %select_n3A_37 = arith.select %eq3A_34, %broadcast_in_dim3A_36, %select_n3A : vector<32x4096xi1>, vector<32x4096xi32>
    %reduce_min3A_38 = arith.constant dense<2147483647> : vector<32xi32>
    %reduce_min3A_39 = vector.multi_reduction <minsi>, %select_n3A_37, %reduce_min3A_38 [1] : vector<32x4096xi32> to vector<32xi32>
    %broadcast_in_dim3A_40 = vector.shape_cast %reduce_min3A_39 : vector<32xi32> to vector<32x1xi32>
    %eq3A_41 = vector.broadcast %broadcast_in_dim3A_40 : vector<32x1xi32> to vector<32x4096xi32>
    %eq3A_42 = arith.cmpi eq, %select_n3A_37, %eq3A_41 : vector<32x4096xi32>
    %jit3A_43 = arith.constant 4097 : i32
    %broadcast_in_dim3A_44 = vector.broadcast %jit3A_43 : i32 to vector<32x4096xi32>
    %select_n3A_45 = arith.select %eq3A_42, %broadcast_in_dim3A_44, %select_n3A_37 : vector<32x4096xi1>, vector<32x4096xi32>
    %reduce_min3A_46 = arith.constant dense<2147483647> : vector<32xi32>
    %reduce_min3A_47 = vector.multi_reduction <minsi>, %select_n3A_45, %reduce_min3A_46 [1] : vector<32x4096xi32> to vector<32xi32>
    %broadcast_in_dim3A_48 = vector.shape_cast %reduce_min3A_47 : vector<32xi32> to vector<32x1xi32>
    %eq3A_49 = vector.broadcast %broadcast_in_dim3A_48 : vector<32x1xi32> to vector<32x4096xi32>
    %eq3A_50 = arith.cmpi eq, %select_n3A_45, %eq3A_49 : vector<32x4096xi32>
    %jit3A_51 = arith.constant 4097 : i32
    %broadcast_in_dim3A_52 = vector.broadcast %jit3A_51 : i32 to vector<32x4096xi32>
    %select_n3A_53 = arith.select %eq3A_50, %broadcast_in_dim3A_52, %select_n3A_45 : vector<32x4096xi1>, vector<32x4096xi32>
    %reduce_min3A_54 = arith.constant dense<2147483647> : vector<32xi32>
    %reduce_min3A_55 = vector.multi_reduction <minsi>, %select_n3A_53, %reduce_min3A_54 [1] : vector<32x4096xi32> to vector<32xi32>
    %broadcast_in_dim3A_56 = vector.shape_cast %reduce_min3A_55 : vector<32xi32> to vector<32x1xi32>
    %eq3A_57 = vector.broadcast %broadcast_in_dim3A_56 : vector<32x1xi32> to vector<32x4096xi32>
    %eq3A_58 = arith.cmpi eq, %select_n3A_53, %eq3A_57 : vector<32x4096xi32>
    %jit3A_59 = arith.constant 4097 : i32
    %broadcast_in_dim3A_60 = vector.broadcast %jit3A_59 : i32 to vector<32x4096xi32>
    %select_n3A_61 = arith.select %eq3A_58, %broadcast_in_dim3A_60, %select_n3A_53 : vector<32x4096xi1>, vector<32x4096xi32>
    %reduce_min3A_62 = arith.constant dense<2147483647> : vector<32xi32>
    %reduce_min3A_63 = vector.multi_reduction <minsi>, %select_n3A_61, %reduce_min3A_62 [1] : vector<32x4096xi32> to vector<32xi32>
    %broadcast_in_dim3A_64 = vector.shape_cast %reduce_min3A_63 : vector<32xi32> to vector<32x1xi32>
    %eq3A_65 = vector.broadcast %broadcast_in_dim3A_64 : vector<32x1xi32> to vector<32x4096xi32>
    %eq3A_66 = arith.cmpi eq, %select_n3A_61, %eq3A_65 : vector<32x4096xi32>
    %jit3A_67 = arith.constant 4097 : i32
    %broadcast_in_dim3A_68 = vector.broadcast %jit3A_67 : i32 to vector<32x4096xi32>
    %select_n3A_69 = arith.select %eq3A_66, %broadcast_in_dim3A_68, %select_n3A_61 : vector<32x4096xi1>, vector<32x4096xi32>
    %reduce_min3A_70 = arith.constant dense<2147483647> : vector<32xi32>
    %reduce_min3A_71 = vector.multi_reduction <minsi>, %select_n3A_69, %reduce_min3A_70 [1] : vector<32x4096xi32> to vector<32xi32>
    %broadcast_in_dim3A_72 = vector.shape_cast %reduce_min3A_71 : vector<32xi32> to vector<32x1xi32>
    %eq3A_73 = vector.broadcast %broadcast_in_dim3A_72 : vector<32x1xi32> to vector<32x4096xi32>
    %eq3A_74 = arith.cmpi eq, %select_n3A_69, %eq3A_73 : vector<32x4096xi32>
    %jit3A_75 = arith.constant 4097 : i32
    %broadcast_in_dim3A_76 = vector.broadcast %jit3A_75 : i32 to vector<32x4096xi32>
    %select_n3A_77 = arith.select %eq3A_74, %broadcast_in_dim3A_76, %select_n3A_69 : vector<32x4096xi1>, vector<32x4096xi32>
    %reduce_min3A_78 = arith.constant dense<2147483647> : vector<32xi32>
    %reduce_min3A_79 = vector.multi_reduction <minsi>, %select_n3A_77, %reduce_min3A_78 [1] : vector<32x4096xi32> to vector<32xi32>
    %broadcast_in_dim3A_80 = vector.shape_cast %reduce_min3A_79 : vector<32xi32> to vector<32x1xi32>
    %eq3A_81 = vector.broadcast %broadcast_in_dim3A_80 : vector<32x1xi32> to vector<32x4096xi32>
    %eq3A_82 = arith.cmpi eq, %select_n3A_77, %eq3A_81 : vector<32x4096xi32>
    %jit3A_83 = arith.constant 4097 : i32
    %broadcast_in_dim3A_84 = vector.broadcast %jit3A_83 : i32 to vector<32x4096xi32>
    %select_n3A_85 = arith.select %eq3A_82, %broadcast_in_dim3A_84, %select_n3A_77 : vector<32x4096xi1>, vector<32x4096xi32>
    %reduce_min3A_86 = arith.constant dense<2147483647> : vector<32xi32>
    %reduce_min3A_87 = vector.multi_reduction <minsi>, %select_n3A_85, %reduce_min3A_86 [1] : vector<32x4096xi32> to vector<32xi32>
    %broadcast_in_dim3A_88 = vector.shape_cast %reduce_min3A_87 : vector<32xi32> to vector<32x1xi32>
    %eq3A_89 = vector.broadcast %broadcast_in_dim3A_88 : vector<32x1xi32> to vector<32x4096xi32>
    %eq3A_90 = arith.cmpi eq, %select_n3A_85, %eq3A_89 : vector<32x4096xi32>
    %jit3A_91 = arith.constant 4097 : i32
    %broadcast_in_dim3A_92 = vector.broadcast %jit3A_91 : i32 to vector<32x4096xi32>
    %select_n3A_93 = arith.select %eq3A_90, %broadcast_in_dim3A_92, %select_n3A_85 : vector<32x4096xi1>, vector<32x4096xi32>
    %reduce_min3A_94 = arith.constant dense<2147483647> : vector<32xi32>
    %reduce_min3A_95 = vector.multi_reduction <minsi>, %select_n3A_93, %reduce_min3A_94 [1] : vector<32x4096xi32> to vector<32xi32>
    %broadcast_in_dim3A_96 = vector.shape_cast %reduce_min3A_95 : vector<32xi32> to vector<32x1xi32>
    %eq3A_97 = vector.broadcast %broadcast_in_dim3A_96 : vector<32x1xi32> to vector<32x4096xi32>
    %eq3A_98 = arith.cmpi eq, %select_n3A_93, %eq3A_97 : vector<32x4096xi32>
    %jit3A_99 = arith.constant 4097 : i32
    %broadcast_in_dim3A_100 = vector.broadcast %jit3A_99 : i32 to vector<32x4096xi32>
    %select_n3A_101 = arith.select %eq3A_98, %broadcast_in_dim3A_100, %select_n3A_93 : vector<32x4096xi1>, vector<32x4096xi32>
    %reduce_min3A_102 = arith.constant dense<2147483647> : vector<32xi32>
    %reduce_min3A_103 = vector.multi_reduction <minsi>, %select_n3A_101, %reduce_min3A_102 [1] : vector<32x4096xi32> to vector<32xi32>
    %broadcast_in_dim3A_104 = vector.shape_cast %reduce_min3A_103 : vector<32xi32> to vector<32x1xi32>
    %eq3A_105 = vector.broadcast %broadcast_in_dim3A_104 : vector<32x1xi32> to vector<32x4096xi32>
    %eq3A_106 = arith.cmpi eq, %select_n3A_101, %eq3A_105 : vector<32x4096xi32>
    %jit3A_107 = arith.constant 4097 : i32
    %broadcast_in_dim3A_108 = vector.broadcast %jit3A_107 : i32 to vector<32x4096xi32>
    %select_n3A_109 = arith.select %eq3A_106, %broadcast_in_dim3A_108, %select_n3A_101 : vector<32x4096xi1>, vector<32x4096xi32>
    %reduce_min3A_110 = arith.constant dense<2147483647> : vector<32xi32>
    %reduce_min3A_111 = vector.multi_reduction <minsi>, %select_n3A_109, %reduce_min3A_110 [1] : vector<32x4096xi32> to vector<32xi32>
    %broadcast_in_dim3A_112 = vector.shape_cast %reduce_min3A_111 : vector<32xi32> to vector<32x1xi32>
    %eq3A_113 = vector.broadcast %broadcast_in_dim3A_112 : vector<32x1xi32> to vector<32x4096xi32>
    %eq3A_114 = arith.cmpi eq, %select_n3A_109, %eq3A_113 : vector<32x4096xi32>
    %jit3A_115 = arith.constant 4097 : i32
    %broadcast_in_dim3A_116 = vector.broadcast %jit3A_115 : i32 to vector<32x4096xi32>
    %select_n3A_117 = arith.select %eq3A_114, %broadcast_in_dim3A_116, %select_n3A_109 : vector<32x4096xi1>, vector<32x4096xi32>
    %reduce_min3A_118 = arith.constant dense<2147483647> : vector<32xi32>
    %reduce_min3A_119 = vector.multi_reduction <minsi>, %select_n3A_117, %reduce_min3A_118 [1] : vector<32x4096xi32> to vector<32xi32>
    %broadcast_in_dim3A_120 = vector.shape_cast %reduce_min3A_119 : vector<32xi32> to vector<32x1xi32>
    %eq3A_121 = vector.broadcast %broadcast_in_dim3A_120 : vector<32x1xi32> to vector<32x4096xi32>
    %eq3A_122 = arith.cmpi eq, %select_n3A_117, %eq3A_121 : vector<32x4096xi32>
    %jit3A_123 = arith.constant 4097 : i32
    %broadcast_in_dim3A_124 = vector.broadcast %jit3A_123 : i32 to vector<32x4096xi32>
    %select_n3A_125 = arith.select %eq3A_122, %broadcast_in_dim3A_124, %select_n3A_117 : vector<32x4096xi1>, vector<32x4096xi32>
    %reduce_min3A_126 = arith.constant dense<2147483647> : vector<32xi32>
    %reduce_min3A_127 = vector.multi_reduction <minsi>, %select_n3A_125, %reduce_min3A_126 [1] : vector<32x4096xi32> to vector<32xi32>
    %broadcast_in_dim3A_128 = vector.shape_cast %reduce_min3A_127 : vector<32xi32> to vector<32x1xi32>
    %eq3A_129 = vector.broadcast %broadcast_in_dim3A_128 : vector<32x1xi32> to vector<32x4096xi32>
    %eq3A_130 = arith.cmpi eq, %select_n3A_125, %eq3A_129 : vector<32x4096xi32>
    %jit3A_131 = arith.constant 4097 : i32
    %broadcast_in_dim3A_132 = vector.broadcast %jit3A_131 : i32 to vector<32x4096xi32>
    %select_n3A_133 = arith.select %eq3A_130, %broadcast_in_dim3A_132, %select_n3A_125 : vector<32x4096xi1>, vector<32x4096xi32>
    %reduce_min3A_134 = arith.constant dense<2147483647> : vector<32xi32>
    %reduce_min3A_135 = vector.multi_reduction <minsi>, %select_n3A_133, %reduce_min3A_134 [1] : vector<32x4096xi32> to vector<32xi32>
    %broadcast_in_dim3A_136 = vector.shape_cast %reduce_min3A_135 : vector<32xi32> to vector<32x1xi32>
    %eq3A_137 = vector.broadcast %broadcast_in_dim3A_136 : vector<32x1xi32> to vector<32x4096xi32>
    %eq3A_138 = arith.cmpi eq, %select_n3A_133, %eq3A_137 : vector<32x4096xi32>
    %jit3A_139 = arith.constant 4097 : i32
    %broadcast_in_dim3A_140 = vector.broadcast %jit3A_139 : i32 to vector<32x4096xi32>
    %select_n3A_141 = arith.select %eq3A_138, %broadcast_in_dim3A_140, %select_n3A_133 : vector<32x4096xi1>, vector<32x4096xi32>
    %reduce_min3A_142 = arith.constant dense<2147483647> : vector<32xi32>
    %reduce_min3A_143 = vector.multi_reduction <minsi>, %select_n3A_141, %reduce_min3A_142 [1] : vector<32x4096xi32> to vector<32xi32>
    %broadcast_in_dim3A_144 = vector.shape_cast %reduce_min3A_143 : vector<32xi32> to vector<32x1xi32>
    %eq3A_145 = vector.broadcast %broadcast_in_dim3A_144 : vector<32x1xi32> to vector<32x4096xi32>
    %eq3A_146 = arith.cmpi eq, %select_n3A_141, %eq3A_145 : vector<32x4096xi32>
    %jit3A_147 = arith.constant 4097 : i32
    %broadcast_in_dim3A_148 = vector.broadcast %jit3A_147 : i32 to vector<32x4096xi32>
    %select_n3A_149 = arith.select %eq3A_146, %broadcast_in_dim3A_148, %select_n3A_141 : vector<32x4096xi1>, vector<32x4096xi32>
    %reduce_min3A_150 = arith.constant dense<2147483647> : vector<32xi32>
    %reduce_min3A_151 = vector.multi_reduction <minsi>, %select_n3A_149, %reduce_min3A_150 [1] : vector<32x4096xi32> to vector<32xi32>
    %broadcast_in_dim3A_152 = vector.shape_cast %reduce_min3A_151 : vector<32xi32> to vector<32x1xi32>
    %eq3A_153 = vector.broadcast %broadcast_in_dim3A_152 : vector<32x1xi32> to vector<32x4096xi32>
    %eq3A_154 = arith.cmpi eq, %select_n3A_149, %eq3A_153 : vector<32x4096xi32>
    %jit3A_155 = arith.constant 4097 : i32
    %broadcast_in_dim3A_156 = vector.broadcast %jit3A_155 : i32 to vector<32x4096xi32>
    %select_n3A_157 = arith.select %eq3A_154, %broadcast_in_dim3A_156, %select_n3A_149 : vector<32x4096xi1>, vector<32x4096xi32>
    %reduce_min3A_158 = arith.constant dense<2147483647> : vector<32xi32>
    %reduce_min3A_159 = vector.multi_reduction <minsi>, %select_n3A_157, %reduce_min3A_158 [1] : vector<32x4096xi32> to vector<32xi32>
    %broadcast_in_dim3A_160 = vector.shape_cast %reduce_min3A_159 : vector<32xi32> to vector<32x1xi32>
    %eq3A_161 = vector.broadcast %broadcast_in_dim3A_160 : vector<32x1xi32> to vector<32x4096xi32>
    %eq3A_162 = arith.cmpi eq, %select_n3A_157, %eq3A_161 : vector<32x4096xi32>
    %jit3A_163 = arith.constant 4097 : i32
    %broadcast_in_dim3A_164 = vector.broadcast %jit3A_163 : i32 to vector<32x4096xi32>
    %select_n3A_165 = arith.select %eq3A_162, %broadcast_in_dim3A_164, %select_n3A_157 : vector<32x4096xi1>, vector<32x4096xi32>
    %reduce_min3A_166 = arith.constant dense<2147483647> : vector<32xi32>
    %reduce_min3A_167 = vector.multi_reduction <minsi>, %select_n3A_165, %reduce_min3A_166 [1] : vector<32x4096xi32> to vector<32xi32>
    %broadcast_in_dim3A_168 = vector.shape_cast %reduce_min3A_167 : vector<32xi32> to vector<32x1xi32>
    %eq3A_169 = vector.broadcast %broadcast_in_dim3A_168 : vector<32x1xi32> to vector<32x4096xi32>
    %eq3A_170 = arith.cmpi eq, %select_n3A_165, %eq3A_169 : vector<32x4096xi32>
    %jit3A_171 = arith.constant 4097 : i32
    %broadcast_in_dim3A_172 = vector.broadcast %jit3A_171 : i32 to vector<32x4096xi32>
    %select_n3A_173 = arith.select %eq3A_170, %broadcast_in_dim3A_172, %select_n3A_165 : vector<32x4096xi1>, vector<32x4096xi32>
    %reduce_min3A_174 = arith.constant dense<2147483647> : vector<32xi32>
    %reduce_min3A_175 = vector.multi_reduction <minsi>, %select_n3A_173, %reduce_min3A_174 [1] : vector<32x4096xi32> to vector<32xi32>
    %broadcast_in_dim3A_176 = vector.shape_cast %reduce_min3A_175 : vector<32xi32> to vector<32x1xi32>
    %eq3A_177 = vector.broadcast %broadcast_in_dim3A_176 : vector<32x1xi32> to vector<32x4096xi32>
    %eq3A_178 = arith.cmpi eq, %select_n3A_173, %eq3A_177 : vector<32x4096xi32>
    %jit3A_179 = arith.constant 4097 : i32
    %broadcast_in_dim3A_180 = vector.broadcast %jit3A_179 : i32 to vector<32x4096xi32>
    %select_n3A_181 = arith.select %eq3A_178, %broadcast_in_dim3A_180, %select_n3A_173 : vector<32x4096xi1>, vector<32x4096xi32>
    %reduce_min3A_182 = arith.constant dense<2147483647> : vector<32xi32>
    %reduce_min3A_183 = vector.multi_reduction <minsi>, %select_n3A_181, %reduce_min3A_182 [1] : vector<32x4096xi32> to vector<32xi32>
    %broadcast_in_dim3A_184 = vector.shape_cast %reduce_min3A_183 : vector<32xi32> to vector<32x1xi32>
    %eq3A_185 = vector.broadcast %broadcast_in_dim3A_184 : vector<32x1xi32> to vector<32x4096xi32>
    %eq3A_186 = arith.cmpi eq, %select_n3A_181, %eq3A_185 : vector<32x4096xi32>
    %jit3A_187 = arith.constant 4097 : i32
    %broadcast_in_dim3A_188 = vector.broadcast %jit3A_187 : i32 to vector<32x4096xi32>
    %select_n3A_189 = arith.select %eq3A_186, %broadcast_in_dim3A_188, %select_n3A_181 : vector<32x4096xi1>, vector<32x4096xi32>
    %reduce_min3A_190 = arith.constant dense<2147483647> : vector<32xi32>
    %reduce_min3A_191 = vector.multi_reduction <minsi>, %select_n3A_189, %reduce_min3A_190 [1] : vector<32x4096xi32> to vector<32xi32>
    %broadcast_in_dim3A_192 = vector.shape_cast %reduce_min3A_191 : vector<32xi32> to vector<32x1xi32>
    %eq3A_193 = vector.broadcast %broadcast_in_dim3A_192 : vector<32x1xi32> to vector<32x4096xi32>
    %eq3A_194 = arith.cmpi eq, %select_n3A_189, %eq3A_193 : vector<32x4096xi32>
    %jit3A_195 = arith.constant 4097 : i32
    %broadcast_in_dim3A_196 = vector.broadcast %jit3A_195 : i32 to vector<32x4096xi32>
    %select_n3A_197 = arith.select %eq3A_194, %broadcast_in_dim3A_196, %select_n3A_189 : vector<32x4096xi1>, vector<32x4096xi32>
    %reduce_min3A_198 = arith.constant dense<2147483647> : vector<32xi32>
    %reduce_min3A_199 = vector.multi_reduction <minsi>, %select_n3A_197, %reduce_min3A_198 [1] : vector<32x4096xi32> to vector<32xi32>
    %broadcast_in_dim3A_200 = vector.shape_cast %reduce_min3A_199 : vector<32xi32> to vector<32x1xi32>
    %eq3A_201 = vector.broadcast %broadcast_in_dim3A_200 : vector<32x1xi32> to vector<32x4096xi32>
    %eq3A_202 = arith.cmpi eq, %select_n3A_197, %eq3A_201 : vector<32x4096xi32>
    %jit3A_203 = arith.constant 4097 : i32
    %broadcast_in_dim3A_204 = vector.broadcast %jit3A_203 : i32 to vector<32x4096xi32>
    %select_n3A_205 = arith.select %eq3A_202, %broadcast_in_dim3A_204, %select_n3A_197 : vector<32x4096xi1>, vector<32x4096xi32>
    %reduce_min3A_206 = arith.constant dense<2147483647> : vector<32xi32>
    %reduce_min3A_207 = vector.multi_reduction <minsi>, %select_n3A_205, %reduce_min3A_206 [1] : vector<32x4096xi32> to vector<32xi32>
    %broadcast_in_dim3A_208 = vector.shape_cast %reduce_min3A_207 : vector<32xi32> to vector<32x1xi32>
    %eq3A_209 = vector.broadcast %broadcast_in_dim3A_208 : vector<32x1xi32> to vector<32x4096xi32>
    %eq3A_210 = arith.cmpi eq, %select_n3A_205, %eq3A_209 : vector<32x4096xi32>
    %jit3A_211 = arith.constant 4097 : i32
    %broadcast_in_dim3A_212 = vector.broadcast %jit3A_211 : i32 to vector<32x4096xi32>
    %select_n3A_213 = arith.select %eq3A_210, %broadcast_in_dim3A_212, %select_n3A_205 : vector<32x4096xi1>, vector<32x4096xi32>
    %reduce_min3A_214 = arith.constant dense<2147483647> : vector<32xi32>
    %reduce_min3A_215 = vector.multi_reduction <minsi>, %select_n3A_213, %reduce_min3A_214 [1] : vector<32x4096xi32> to vector<32xi32>
    %broadcast_in_dim3A_216 = vector.shape_cast %reduce_min3A_215 : vector<32xi32> to vector<32x1xi32>
    %eq3A_217 = vector.broadcast %broadcast_in_dim3A_216 : vector<32x1xi32> to vector<32x4096xi32>
    %eq3A_218 = arith.cmpi eq, %select_n3A_213, %eq3A_217 : vector<32x4096xi32>
    %jit3A_219 = arith.constant 4097 : i32
    %broadcast_in_dim3A_220 = vector.broadcast %jit3A_219 : i32 to vector<32x4096xi32>
    %select_n3A_221 = arith.select %eq3A_218, %broadcast_in_dim3A_220, %select_n3A_213 : vector<32x4096xi1>, vector<32x4096xi32>
    %reduce_min3A_222 = arith.constant dense<2147483647> : vector<32xi32>
    %reduce_min3A_223 = vector.multi_reduction <minsi>, %select_n3A_221, %reduce_min3A_222 [1] : vector<32x4096xi32> to vector<32xi32>
    %broadcast_in_dim3A_224 = vector.shape_cast %reduce_min3A_223 : vector<32xi32> to vector<32x1xi32>
    %eq3A_225 = vector.broadcast %broadcast_in_dim3A_224 : vector<32x1xi32> to vector<32x4096xi32>
    %eq3A_226 = arith.cmpi eq, %select_n3A_221, %eq3A_225 : vector<32x4096xi32>
    %jit3A_227 = arith.constant 4097 : i32
    %broadcast_in_dim3A_228 = vector.broadcast %jit3A_227 : i32 to vector<32x4096xi32>
    %select_n3A_229 = arith.select %eq3A_226, %broadcast_in_dim3A_228, %select_n3A_221 : vector<32x4096xi1>, vector<32x4096xi32>
    %reduce_min3A_230 = arith.constant dense<2147483647> : vector<32xi32>
    %reduce_min3A_231 = vector.multi_reduction <minsi>, %select_n3A_229, %reduce_min3A_230 [1] : vector<32x4096xi32> to vector<32xi32>
    %broadcast_in_dim3A_232 = vector.shape_cast %reduce_min3A_231 : vector<32xi32> to vector<32x1xi32>
    %eq3A_233 = vector.broadcast %broadcast_in_dim3A_232 : vector<32x1xi32> to vector<32x4096xi32>
    %eq3A_234 = arith.cmpi eq, %select_n3A_229, %eq3A_233 : vector<32x4096xi32>
    %jit3A_235 = arith.constant 4097 : i32
    %broadcast_in_dim3A_236 = vector.broadcast %jit3A_235 : i32 to vector<32x4096xi32>
    %select_n3A_237 = arith.select %eq3A_234, %broadcast_in_dim3A_236, %select_n3A_229 : vector<32x4096xi1>, vector<32x4096xi32>
    %reduce_min3A_238 = arith.constant dense<2147483647> : vector<32xi32>
    %reduce_min3A_239 = vector.multi_reduction <minsi>, %select_n3A_237, %reduce_min3A_238 [1] : vector<32x4096xi32> to vector<32xi32>
    %broadcast_in_dim3A_240 = vector.shape_cast %reduce_min3A_239 : vector<32xi32> to vector<32x1xi32>
    %eq3A_241 = vector.broadcast %broadcast_in_dim3A_240 : vector<32x1xi32> to vector<32x4096xi32>
    %eq3A_242 = arith.cmpi eq, %select_n3A_237, %eq3A_241 : vector<32x4096xi32>
    %jit3A_243 = arith.constant 4097 : i32
    %broadcast_in_dim3A_244 = vector.broadcast %jit3A_243 : i32 to vector<32x4096xi32>
    %select_n3A_245 = arith.select %eq3A_242, %broadcast_in_dim3A_244, %select_n3A_237 : vector<32x4096xi1>, vector<32x4096xi32>
    %reduce_min3A_246 = arith.constant dense<2147483647> : vector<32xi32>
    %reduce_min3A_247 = vector.multi_reduction <minsi>, %select_n3A_245, %reduce_min3A_246 [1] : vector<32x4096xi32> to vector<32xi32>
    %broadcast_in_dim3A_248 = vector.shape_cast %reduce_min3A_247 : vector<32xi32> to vector<32x1xi32>
    %eq3A_249 = vector.broadcast %broadcast_in_dim3A_248 : vector<32x1xi32> to vector<32x4096xi32>
    %eq3A_250 = arith.cmpi eq, %select_n3A_245, %eq3A_249 : vector<32x4096xi32>
    %jit3A_251 = arith.constant 4097 : i32
    %broadcast_in_dim3A_252 = vector.broadcast %jit3A_251 : i32 to vector<32x4096xi32>
    %select_n3A_253 = arith.select %eq3A_250, %broadcast_in_dim3A_252, %select_n3A_245 : vector<32x4096xi1>, vector<32x4096xi32>
    %reduce_min3A_254 = arith.constant dense<2147483647> : vector<32xi32>
    %reduce_min3A_255 = vector.multi_reduction <minsi>, %select_n3A_253, %reduce_min3A_254 [1] : vector<32x4096xi32> to vector<32xi32>
    %broadcast_in_dim3A_256 = vector.shape_cast %reduce_min3A_255 : vector<32xi32> to vector<32x1xi32>
    %eq3A_257 = vector.broadcast %broadcast_in_dim3A_256 : vector<32x1xi32> to vector<32x4096xi32>
    %eq3A_258 = arith.cmpi eq, %select_n3A_253, %eq3A_257 : vector<32x4096xi32>
    %jit3A_259 = arith.constant 4097 : i32
    %broadcast_in_dim3A_260 = vector.broadcast %jit3A_259 : i32 to vector<32x4096xi32>
    %select_n3A_261 = arith.select %eq3A_258, %broadcast_in_dim3A_260, %select_n3A_253 : vector<32x4096xi1>, vector<32x4096xi32>
    %reduce_min3A_262 = arith.constant dense<2147483647> : vector<32xi32>
    %reduce_min3A_263 = vector.multi_reduction <minsi>, %select_n3A_261, %reduce_min3A_262 [1] : vector<32x4096xi32> to vector<32xi32>
    %broadcast_in_dim3A_264 = vector.shape_cast %reduce_min3A_263 : vector<32xi32> to vector<32x1xi32>
    %eq3A_265 = vector.broadcast %broadcast_in_dim3A_264 : vector<32x1xi32> to vector<32x4096xi32>
    %eq3A_266 = arith.cmpi eq, %select_n3A_261, %eq3A_265 : vector<32x4096xi32>
    %jit3A_267 = arith.constant 4097 : i32
    %broadcast_in_dim3A_268 = vector.broadcast %jit3A_267 : i32 to vector<32x4096xi32>
    %select_n3A_269 = arith.select %eq3A_266, %broadcast_in_dim3A_268, %select_n3A_261 : vector<32x4096xi1>, vector<32x4096xi32>
    %reduce_min3A_270 = arith.constant dense<2147483647> : vector<32xi32>
    %reduce_min3A_271 = vector.multi_reduction <minsi>, %select_n3A_269, %reduce_min3A_270 [1] : vector<32x4096xi32> to vector<32xi32>
    %broadcast_in_dim3A_272 = vector.shape_cast %reduce_min3A_271 : vector<32xi32> to vector<32x1xi32>
    %eq3A_273 = vector.broadcast %broadcast_in_dim3A_272 : vector<32x1xi32> to vector<32x4096xi32>
    %eq3A_274 = arith.cmpi eq, %select_n3A_269, %eq3A_273 : vector<32x4096xi32>
    %jit3A_275 = arith.constant 4097 : i32
    %broadcast_in_dim3A_276 = vector.broadcast %jit3A_275 : i32 to vector<32x4096xi32>
    %select_n3A_277 = arith.select %eq3A_274, %broadcast_in_dim3A_276, %select_n3A_269 : vector<32x4096xi1>, vector<32x4096xi32>
    %reduce_min3A_278 = arith.constant dense<2147483647> : vector<32xi32>
    %reduce_min3A_279 = vector.multi_reduction <minsi>, %select_n3A_277, %reduce_min3A_278 [1] : vector<32x4096xi32> to vector<32xi32>
    %broadcast_in_dim3A_280 = vector.shape_cast %reduce_min3A_279 : vector<32xi32> to vector<32x1xi32>
    %eq3A_281 = vector.broadcast %broadcast_in_dim3A_33 : vector<32x1xi32> to vector<32x4096xi32>
    %eq3A_282 = arith.cmpi eq, %iota3A, %eq3A_281 : vector<32x4096xi32>
    %convert_element_type3A = arith.extui %eq3A_282 : vector<32x4096xi1> to vector<32x4096xi32>
    %convert_element_type3A_283 = arith.sitofp %convert_element_type3A : vector<32x4096xi32> to vector<32x4096xf32>
    %ge3A = arith.constant 4096 : i32
    %ge3A_284 = vector.broadcast %ge3A : i32 to vector<32x1xi32>
    %ge3A_285 = arith.cmpi sge, %broadcast_in_dim3A_40, %ge3A_284 : vector<32x1xi32>
    %select_n3A_286 = arith.select %ge3A_285, %broadcast_in_dim3A_33, %broadcast_in_dim3A_40 : vector<32x1xi1>, vector<32x1xi32>
    %eq3A_287 = vector.broadcast %select_n3A_286 : vector<32x1xi32> to vector<32x4096xi32>
    %eq3A_288 = arith.cmpi eq, %iota3A, %eq3A_287 : vector<32x4096xi32>
    %convert_element_type3A_289 = arith.extui %eq3A_288 : vector<32x4096xi1> to vector<32x4096xi32>
    %convert_element_type3A_290 = arith.sitofp %convert_element_type3A_289 : vector<32x4096xi32> to vector<32x4096xf32>
    %ge3A_291 = arith.constant 4096 : i32
    %ge3A_292 = vector.broadcast %ge3A_291 : i32 to vector<32x1xi32>
    %ge3A_293 = arith.cmpi sge, %broadcast_in_dim3A_48, %ge3A_292 : vector<32x1xi32>
    %select_n3A_294 = arith.select %ge3A_293, %broadcast_in_dim3A_33, %broadcast_in_dim3A_48 : vector<32x1xi1>, vector<32x1xi32>
    %eq3A_295 = vector.broadcast %select_n3A_294 : vector<32x1xi32> to vector<32x4096xi32>
    %eq3A_296 = arith.cmpi eq, %iota3A, %eq3A_295 : vector<32x4096xi32>
    %convert_element_type3A_297 = arith.extui %eq3A_296 : vector<32x4096xi1> to vector<32x4096xi32>
    %convert_element_type3A_298 = arith.sitofp %convert_element_type3A_297 : vector<32x4096xi32> to vector<32x4096xf32>
    %ge3A_299 = arith.constant 4096 : i32
    %ge3A_300 = vector.broadcast %ge3A_299 : i32 to vector<32x1xi32>
    %ge3A_301 = arith.cmpi sge, %broadcast_in_dim3A_56, %ge3A_300 : vector<32x1xi32>
    %select_n3A_302 = arith.select %ge3A_301, %broadcast_in_dim3A_33, %broadcast_in_dim3A_56 : vector<32x1xi1>, vector<32x1xi32>
    %eq3A_303 = vector.broadcast %select_n3A_302 : vector<32x1xi32> to vector<32x4096xi32>
    %eq3A_304 = arith.cmpi eq, %iota3A, %eq3A_303 : vector<32x4096xi32>
    %convert_element_type3A_305 = arith.extui %eq3A_304 : vector<32x4096xi1> to vector<32x4096xi32>
    %convert_element_type3A_306 = arith.sitofp %convert_element_type3A_305 : vector<32x4096xi32> to vector<32x4096xf32>
    %ge3A_307 = arith.constant 4096 : i32
    %ge3A_308 = vector.broadcast %ge3A_307 : i32 to vector<32x1xi32>
    %ge3A_309 = arith.cmpi sge, %broadcast_in_dim3A_64, %ge3A_308 : vector<32x1xi32>
    %select_n3A_310 = arith.select %ge3A_309, %broadcast_in_dim3A_33, %broadcast_in_dim3A_64 : vector<32x1xi1>, vector<32x1xi32>
    %eq3A_311 = vector.broadcast %select_n3A_310 : vector<32x1xi32> to vector<32x4096xi32>
    %eq3A_312 = arith.cmpi eq, %iota3A, %eq3A_311 : vector<32x4096xi32>
    %convert_element_type3A_313 = arith.extui %eq3A_312 : vector<32x4096xi1> to vector<32x4096xi32>
    %convert_element_type3A_314 = arith.sitofp %convert_element_type3A_313 : vector<32x4096xi32> to vector<32x4096xf32>
    %ge3A_315 = arith.constant 4096 : i32
    %ge3A_316 = vector.broadcast %ge3A_315 : i32 to vector<32x1xi32>
    %ge3A_317 = arith.cmpi sge, %broadcast_in_dim3A_72, %ge3A_316 : vector<32x1xi32>
    %select_n3A_318 = arith.select %ge3A_317, %broadcast_in_dim3A_33, %broadcast_in_dim3A_72 : vector<32x1xi1>, vector<32x1xi32>
    %eq3A_319 = vector.broadcast %select_n3A_318 : vector<32x1xi32> to vector<32x4096xi32>
    %eq3A_320 = arith.cmpi eq, %iota3A, %eq3A_319 : vector<32x4096xi32>
    %convert_element_type3A_321 = arith.extui %eq3A_320 : vector<32x4096xi1> to vector<32x4096xi32>
    %convert_element_type3A_322 = arith.sitofp %convert_element_type3A_321 : vector<32x4096xi32> to vector<32x4096xf32>
    %ge3A_323 = arith.constant 4096 : i32
    %ge3A_324 = vector.broadcast %ge3A_323 : i32 to vector<32x1xi32>
    %ge3A_325 = arith.cmpi sge, %broadcast_in_dim3A_80, %ge3A_324 : vector<32x1xi32>
    %select_n3A_326 = arith.select %ge3A_325, %broadcast_in_dim3A_33, %broadcast_in_dim3A_80 : vector<32x1xi1>, vector<32x1xi32>
    %eq3A_327 = vector.broadcast %select_n3A_326 : vector<32x1xi32> to vector<32x4096xi32>
    %eq3A_328 = arith.cmpi eq, %iota3A, %eq3A_327 : vector<32x4096xi32>
    %convert_element_type3A_329 = arith.extui %eq3A_328 : vector<32x4096xi1> to vector<32x4096xi32>
    %convert_element_type3A_330 = arith.sitofp %convert_element_type3A_329 : vector<32x4096xi32> to vector<32x4096xf32>
    %ge3A_331 = arith.constant 4096 : i32
    %ge3A_332 = vector.broadcast %ge3A_331 : i32 to vector<32x1xi32>
    %ge3A_333 = arith.cmpi sge, %broadcast_in_dim3A_88, %ge3A_332 : vector<32x1xi32>
    %select_n3A_334 = arith.select %ge3A_333, %broadcast_in_dim3A_33, %broadcast_in_dim3A_88 : vector<32x1xi1>, vector<32x1xi32>
    %eq3A_335 = vector.broadcast %select_n3A_334 : vector<32x1xi32> to vector<32x4096xi32>
    %eq3A_336 = arith.cmpi eq, %iota3A, %eq3A_335 : vector<32x4096xi32>
    %convert_element_type3A_337 = arith.extui %eq3A_336 : vector<32x4096xi1> to vector<32x4096xi32>
    %convert_element_type3A_338 = arith.sitofp %convert_element_type3A_337 : vector<32x4096xi32> to vector<32x4096xf32>
    %ge3A_339 = arith.constant 4096 : i32
    %ge3A_340 = vector.broadcast %ge3A_339 : i32 to vector<32x1xi32>
    %ge3A_341 = arith.cmpi sge, %broadcast_in_dim3A_96, %ge3A_340 : vector<32x1xi32>
    %select_n3A_342 = arith.select %ge3A_341, %broadcast_in_dim3A_33, %broadcast_in_dim3A_96 : vector<32x1xi1>, vector<32x1xi32>
    %eq3A_343 = vector.broadcast %select_n3A_342 : vector<32x1xi32> to vector<32x4096xi32>
    %eq3A_344 = arith.cmpi eq, %iota3A, %eq3A_343 : vector<32x4096xi32>
    %convert_element_type3A_345 = arith.extui %eq3A_344 : vector<32x4096xi1> to vector<32x4096xi32>
    %convert_element_type3A_346 = arith.sitofp %convert_element_type3A_345 : vector<32x4096xi32> to vector<32x4096xf32>
    %ge3A_347 = arith.constant 4096 : i32
    %ge3A_348 = vector.broadcast %ge3A_347 : i32 to vector<32x1xi32>
    %ge3A_349 = arith.cmpi sge, %broadcast_in_dim3A_104, %ge3A_348 : vector<32x1xi32>
    %select_n3A_350 = arith.select %ge3A_349, %broadcast_in_dim3A_33, %broadcast_in_dim3A_104 : vector<32x1xi1>, vector<32x1xi32>
    %eq3A_351 = vector.broadcast %select_n3A_350 : vector<32x1xi32> to vector<32x4096xi32>
    %eq3A_352 = arith.cmpi eq, %iota3A, %eq3A_351 : vector<32x4096xi32>
    %convert_element_type3A_353 = arith.extui %eq3A_352 : vector<32x4096xi1> to vector<32x4096xi32>
    %convert_element_type3A_354 = arith.sitofp %convert_element_type3A_353 : vector<32x4096xi32> to vector<32x4096xf32>
    %ge3A_355 = arith.constant 4096 : i32
    %ge3A_356 = vector.broadcast %ge3A_355 : i32 to vector<32x1xi32>
    %ge3A_357 = arith.cmpi sge, %broadcast_in_dim3A_112, %ge3A_356 : vector<32x1xi32>
    %select_n3A_358 = arith.select %ge3A_357, %broadcast_in_dim3A_33, %broadcast_in_dim3A_112 : vector<32x1xi1>, vector<32x1xi32>
    %eq3A_359 = vector.broadcast %select_n3A_358 : vector<32x1xi32> to vector<32x4096xi32>
    %eq3A_360 = arith.cmpi eq, %iota3A, %eq3A_359 : vector<32x4096xi32>
    %convert_element_type3A_361 = arith.extui %eq3A_360 : vector<32x4096xi1> to vector<32x4096xi32>
    %convert_element_type3A_362 = arith.sitofp %convert_element_type3A_361 : vector<32x4096xi32> to vector<32x4096xf32>
    %ge3A_363 = arith.constant 4096 : i32
    %ge3A_364 = vector.broadcast %ge3A_363 : i32 to vector<32x1xi32>
    %ge3A_365 = arith.cmpi sge, %broadcast_in_dim3A_120, %ge3A_364 : vector<32x1xi32>
    %select_n3A_366 = arith.select %ge3A_365, %broadcast_in_dim3A_33, %broadcast_in_dim3A_120 : vector<32x1xi1>, vector<32x1xi32>
    %eq3A_367 = vector.broadcast %select_n3A_366 : vector<32x1xi32> to vector<32x4096xi32>
    %eq3A_368 = arith.cmpi eq, %iota3A, %eq3A_367 : vector<32x4096xi32>
    %convert_element_type3A_369 = arith.extui %eq3A_368 : vector<32x4096xi1> to vector<32x4096xi32>
    %convert_element_type3A_370 = arith.sitofp %convert_element_type3A_369 : vector<32x4096xi32> to vector<32x4096xf32>
    %ge3A_371 = arith.constant 4096 : i32
    %ge3A_372 = vector.broadcast %ge3A_371 : i32 to vector<32x1xi32>
    %ge3A_373 = arith.cmpi sge, %broadcast_in_dim3A_128, %ge3A_372 : vector<32x1xi32>
    %select_n3A_374 = arith.select %ge3A_373, %broadcast_in_dim3A_33, %broadcast_in_dim3A_128 : vector<32x1xi1>, vector<32x1xi32>
    %eq3A_375 = vector.broadcast %select_n3A_374 : vector<32x1xi32> to vector<32x4096xi32>
    %eq3A_376 = arith.cmpi eq, %iota3A, %eq3A_375 : vector<32x4096xi32>
    %convert_element_type3A_377 = arith.extui %eq3A_376 : vector<32x4096xi1> to vector<32x4096xi32>
    %convert_element_type3A_378 = arith.sitofp %convert_element_type3A_377 : vector<32x4096xi32> to vector<32x4096xf32>
    %ge3A_379 = arith.constant 4096 : i32
    %ge3A_380 = vector.broadcast %ge3A_379 : i32 to vector<32x1xi32>
    %ge3A_381 = arith.cmpi sge, %broadcast_in_dim3A_136, %ge3A_380 : vector<32x1xi32>
    %select_n3A_382 = arith.select %ge3A_381, %broadcast_in_dim3A_33, %broadcast_in_dim3A_136 : vector<32x1xi1>, vector<32x1xi32>
    %eq3A_383 = vector.broadcast %select_n3A_382 : vector<32x1xi32> to vector<32x4096xi32>
    %eq3A_384 = arith.cmpi eq, %iota3A, %eq3A_383 : vector<32x4096xi32>
    %convert_element_type3A_385 = arith.extui %eq3A_384 : vector<32x4096xi1> to vector<32x4096xi32>
    %convert_element_type3A_386 = arith.sitofp %convert_element_type3A_385 : vector<32x4096xi32> to vector<32x4096xf32>
    %ge3A_387 = arith.constant 4096 : i32
    %ge3A_388 = vector.broadcast %ge3A_387 : i32 to vector<32x1xi32>
    %ge3A_389 = arith.cmpi sge, %broadcast_in_dim3A_144, %ge3A_388 : vector<32x1xi32>
    %select_n3A_390 = arith.select %ge3A_389, %broadcast_in_dim3A_33, %broadcast_in_dim3A_144 : vector<32x1xi1>, vector<32x1xi32>
    %eq3A_391 = vector.broadcast %select_n3A_390 : vector<32x1xi32> to vector<32x4096xi32>
    %eq3A_392 = arith.cmpi eq, %iota3A, %eq3A_391 : vector<32x4096xi32>
    %convert_element_type3A_393 = arith.extui %eq3A_392 : vector<32x4096xi1> to vector<32x4096xi32>
    %convert_element_type3A_394 = arith.sitofp %convert_element_type3A_393 : vector<32x4096xi32> to vector<32x4096xf32>
    %ge3A_395 = arith.constant 4096 : i32
    %ge3A_396 = vector.broadcast %ge3A_395 : i32 to vector<32x1xi32>
    %ge3A_397 = arith.cmpi sge, %broadcast_in_dim3A_152, %ge3A_396 : vector<32x1xi32>
    %select_n3A_398 = arith.select %ge3A_397, %broadcast_in_dim3A_33, %broadcast_in_dim3A_152 : vector<32x1xi1>, vector<32x1xi32>
    %eq3A_399 = vector.broadcast %select_n3A_398 : vector<32x1xi32> to vector<32x4096xi32>
    %eq3A_400 = arith.cmpi eq, %iota3A, %eq3A_399 : vector<32x4096xi32>
    %convert_element_type3A_401 = arith.extui %eq3A_400 : vector<32x4096xi1> to vector<32x4096xi32>
    %convert_element_type3A_402 = arith.sitofp %convert_element_type3A_401 : vector<32x4096xi32> to vector<32x4096xf32>
    %ge3A_403 = arith.constant 4096 : i32
    %ge3A_404 = vector.broadcast %ge3A_403 : i32 to vector<32x1xi32>
    %ge3A_405 = arith.cmpi sge, %broadcast_in_dim3A_160, %ge3A_404 : vector<32x1xi32>
    %select_n3A_406 = arith.select %ge3A_405, %broadcast_in_dim3A_33, %broadcast_in_dim3A_160 : vector<32x1xi1>, vector<32x1xi32>
    %eq3A_407 = vector.broadcast %select_n3A_406 : vector<32x1xi32> to vector<32x4096xi32>
    %eq3A_408 = arith.cmpi eq, %iota3A, %eq3A_407 : vector<32x4096xi32>
    %convert_element_type3A_409 = arith.extui %eq3A_408 : vector<32x4096xi1> to vector<32x4096xi32>
    %convert_element_type3A_410 = arith.sitofp %convert_element_type3A_409 : vector<32x4096xi32> to vector<32x4096xf32>
    %ge3A_411 = arith.constant 4096 : i32
    %ge3A_412 = vector.broadcast %ge3A_411 : i32 to vector<32x1xi32>
    %ge3A_413 = arith.cmpi sge, %broadcast_in_dim3A_168, %ge3A_412 : vector<32x1xi32>
    %select_n3A_414 = arith.select %ge3A_413, %broadcast_in_dim3A_33, %broadcast_in_dim3A_168 : vector<32x1xi1>, vector<32x1xi32>
    %eq3A_415 = vector.broadcast %select_n3A_414 : vector<32x1xi32> to vector<32x4096xi32>
    %eq3A_416 = arith.cmpi eq, %iota3A, %eq3A_415 : vector<32x4096xi32>
    %convert_element_type3A_417 = arith.extui %eq3A_416 : vector<32x4096xi1> to vector<32x4096xi32>
    %convert_element_type3A_418 = arith.sitofp %convert_element_type3A_417 : vector<32x4096xi32> to vector<32x4096xf32>
    %ge3A_419 = arith.constant 4096 : i32
    %ge3A_420 = vector.broadcast %ge3A_419 : i32 to vector<32x1xi32>
    %ge3A_421 = arith.cmpi sge, %broadcast_in_dim3A_176, %ge3A_420 : vector<32x1xi32>
    %select_n3A_422 = arith.select %ge3A_421, %broadcast_in_dim3A_33, %broadcast_in_dim3A_176 : vector<32x1xi1>, vector<32x1xi32>
    %eq3A_423 = vector.broadcast %select_n3A_422 : vector<32x1xi32> to vector<32x4096xi32>
    %eq3A_424 = arith.cmpi eq, %iota3A, %eq3A_423 : vector<32x4096xi32>
    %convert_element_type3A_425 = arith.extui %eq3A_424 : vector<32x4096xi1> to vector<32x4096xi32>
    %convert_element_type3A_426 = arith.sitofp %convert_element_type3A_425 : vector<32x4096xi32> to vector<32x4096xf32>
    %ge3A_427 = arith.constant 4096 : i32
    %ge3A_428 = vector.broadcast %ge3A_427 : i32 to vector<32x1xi32>
    %ge3A_429 = arith.cmpi sge, %broadcast_in_dim3A_184, %ge3A_428 : vector<32x1xi32>
    %select_n3A_430 = arith.select %ge3A_429, %broadcast_in_dim3A_33, %broadcast_in_dim3A_184 : vector<32x1xi1>, vector<32x1xi32>
    %eq3A_431 = vector.broadcast %select_n3A_430 : vector<32x1xi32> to vector<32x4096xi32>
    %eq3A_432 = arith.cmpi eq, %iota3A, %eq3A_431 : vector<32x4096xi32>
    %convert_element_type3A_433 = arith.extui %eq3A_432 : vector<32x4096xi1> to vector<32x4096xi32>
    %convert_element_type3A_434 = arith.sitofp %convert_element_type3A_433 : vector<32x4096xi32> to vector<32x4096xf32>
    %ge3A_435 = arith.constant 4096 : i32
    %ge3A_436 = vector.broadcast %ge3A_435 : i32 to vector<32x1xi32>
    %ge3A_437 = arith.cmpi sge, %broadcast_in_dim3A_192, %ge3A_436 : vector<32x1xi32>
    %select_n3A_438 = arith.select %ge3A_437, %broadcast_in_dim3A_33, %broadcast_in_dim3A_192 : vector<32x1xi1>, vector<32x1xi32>
    %eq3A_439 = vector.broadcast %select_n3A_438 : vector<32x1xi32> to vector<32x4096xi32>
    %eq3A_440 = arith.cmpi eq, %iota3A, %eq3A_439 : vector<32x4096xi32>
    %convert_element_type3A_441 = arith.extui %eq3A_440 : vector<32x4096xi1> to vector<32x4096xi32>
    %convert_element_type3A_442 = arith.sitofp %convert_element_type3A_441 : vector<32x4096xi32> to vector<32x4096xf32>
    %ge3A_443 = arith.constant 4096 : i32
    %ge3A_444 = vector.broadcast %ge3A_443 : i32 to vector<32x1xi32>
    %ge3A_445 = arith.cmpi sge, %broadcast_in_dim3A_200, %ge3A_444 : vector<32x1xi32>
    %select_n3A_446 = arith.select %ge3A_445, %broadcast_in_dim3A_33, %broadcast_in_dim3A_200 : vector<32x1xi1>, vector<32x1xi32>
    %eq3A_447 = vector.broadcast %select_n3A_446 : vector<32x1xi32> to vector<32x4096xi32>
    %eq3A_448 = arith.cmpi eq, %iota3A, %eq3A_447 : vector<32x4096xi32>
    %convert_element_type3A_449 = arith.extui %eq3A_448 : vector<32x4096xi1> to vector<32x4096xi32>
    %convert_element_type3A_450 = arith.sitofp %convert_element_type3A_449 : vector<32x4096xi32> to vector<32x4096xf32>
    %ge3A_451 = arith.constant 4096 : i32
    %ge3A_452 = vector.broadcast %ge3A_451 : i32 to vector<32x1xi32>
    %ge3A_453 = arith.cmpi sge, %broadcast_in_dim3A_208, %ge3A_452 : vector<32x1xi32>
    %select_n3A_454 = arith.select %ge3A_453, %broadcast_in_dim3A_33, %broadcast_in_dim3A_208 : vector<32x1xi1>, vector<32x1xi32>
    %eq3A_455 = vector.broadcast %select_n3A_454 : vector<32x1xi32> to vector<32x4096xi32>
    %eq3A_456 = arith.cmpi eq, %iota3A, %eq3A_455 : vector<32x4096xi32>
    %convert_element_type3A_457 = arith.extui %eq3A_456 : vector<32x4096xi1> to vector<32x4096xi32>
    %convert_element_type3A_458 = arith.sitofp %convert_element_type3A_457 : vector<32x4096xi32> to vector<32x4096xf32>
    %ge3A_459 = arith.constant 4096 : i32
    %ge3A_460 = vector.broadcast %ge3A_459 : i32 to vector<32x1xi32>
    %ge3A_461 = arith.cmpi sge, %broadcast_in_dim3A_216, %ge3A_460 : vector<32x1xi32>
    %select_n3A_462 = arith.select %ge3A_461, %broadcast_in_dim3A_33, %broadcast_in_dim3A_216 : vector<32x1xi1>, vector<32x1xi32>
    %eq3A_463 = vector.broadcast %select_n3A_462 : vector<32x1xi32> to vector<32x4096xi32>
    %eq3A_464 = arith.cmpi eq, %iota3A, %eq3A_463 : vector<32x4096xi32>
    %convert_element_type3A_465 = arith.extui %eq3A_464 : vector<32x4096xi1> to vector<32x4096xi32>
    %convert_element_type3A_466 = arith.sitofp %convert_element_type3A_465 : vector<32x4096xi32> to vector<32x4096xf32>
    %ge3A_467 = arith.constant 4096 : i32
    %ge3A_468 = vector.broadcast %ge3A_467 : i32 to vector<32x1xi32>
    %ge3A_469 = arith.cmpi sge, %broadcast_in_dim3A_224, %ge3A_468 : vector<32x1xi32>
    %select_n3A_470 = arith.select %ge3A_469, %broadcast_in_dim3A_33, %broadcast_in_dim3A_224 : vector<32x1xi1>, vector<32x1xi32>
    %eq3A_471 = vector.broadcast %select_n3A_470 : vector<32x1xi32> to vector<32x4096xi32>
    %eq3A_472 = arith.cmpi eq, %iota3A, %eq3A_471 : vector<32x4096xi32>
    %convert_element_type3A_473 = arith.extui %eq3A_472 : vector<32x4096xi1> to vector<32x4096xi32>
    %convert_element_type3A_474 = arith.sitofp %convert_element_type3A_473 : vector<32x4096xi32> to vector<32x4096xf32>
    %ge3A_475 = arith.constant 4096 : i32
    %ge3A_476 = vector.broadcast %ge3A_475 : i32 to vector<32x1xi32>
    %ge3A_477 = arith.cmpi sge, %broadcast_in_dim3A_232, %ge3A_476 : vector<32x1xi32>
    %select_n3A_478 = arith.select %ge3A_477, %broadcast_in_dim3A_33, %broadcast_in_dim3A_232 : vector<32x1xi1>, vector<32x1xi32>
    %eq3A_479 = vector.broadcast %select_n3A_478 : vector<32x1xi32> to vector<32x4096xi32>
    %eq3A_480 = arith.cmpi eq, %iota3A, %eq3A_479 : vector<32x4096xi32>
    %convert_element_type3A_481 = arith.extui %eq3A_480 : vector<32x4096xi1> to vector<32x4096xi32>
    %convert_element_type3A_482 = arith.sitofp %convert_element_type3A_481 : vector<32x4096xi32> to vector<32x4096xf32>
    %ge3A_483 = arith.constant 4096 : i32
    %ge3A_484 = vector.broadcast %ge3A_483 : i32 to vector<32x1xi32>
    %ge3A_485 = arith.cmpi sge, %broadcast_in_dim3A_240, %ge3A_484 : vector<32x1xi32>
    %select_n3A_486 = arith.select %ge3A_485, %broadcast_in_dim3A_33, %broadcast_in_dim3A_240 : vector<32x1xi1>, vector<32x1xi32>
    %eq3A_487 = vector.broadcast %select_n3A_486 : vector<32x1xi32> to vector<32x4096xi32>
    %eq3A_488 = arith.cmpi eq, %iota3A, %eq3A_487 : vector<32x4096xi32>
    %convert_element_type3A_489 = arith.extui %eq3A_488 : vector<32x4096xi1> to vector<32x4096xi32>
    %convert_element_type3A_490 = arith.sitofp %convert_element_type3A_489 : vector<32x4096xi32> to vector<32x4096xf32>
    %ge3A_491 = arith.constant 4096 : i32
    %ge3A_492 = vector.broadcast %ge3A_491 : i32 to vector<32x1xi32>
    %ge3A_493 = arith.cmpi sge, %broadcast_in_dim3A_248, %ge3A_492 : vector<32x1xi32>
    %select_n3A_494 = arith.select %ge3A_493, %broadcast_in_dim3A_33, %broadcast_in_dim3A_248 : vector<32x1xi1>, vector<32x1xi32>
    %eq3A_495 = vector.broadcast %select_n3A_494 : vector<32x1xi32> to vector<32x4096xi32>
    %eq3A_496 = arith.cmpi eq, %iota3A, %eq3A_495 : vector<32x4096xi32>
    %convert_element_type3A_497 = arith.extui %eq3A_496 : vector<32x4096xi1> to vector<32x4096xi32>
    %convert_element_type3A_498 = arith.sitofp %convert_element_type3A_497 : vector<32x4096xi32> to vector<32x4096xf32>
    %ge3A_499 = arith.constant 4096 : i32
    %ge3A_500 = vector.broadcast %ge3A_499 : i32 to vector<32x1xi32>
    %ge3A_501 = arith.cmpi sge, %broadcast_in_dim3A_256, %ge3A_500 : vector<32x1xi32>
    %select_n3A_502 = arith.select %ge3A_501, %broadcast_in_dim3A_33, %broadcast_in_dim3A_256 : vector<32x1xi1>, vector<32x1xi32>
    %eq3A_503 = vector.broadcast %select_n3A_502 : vector<32x1xi32> to vector<32x4096xi32>
    %eq3A_504 = arith.cmpi eq, %iota3A, %eq3A_503 : vector<32x4096xi32>
    %convert_element_type3A_505 = arith.extui %eq3A_504 : vector<32x4096xi1> to vector<32x4096xi32>
    %convert_element_type3A_506 = arith.sitofp %convert_element_type3A_505 : vector<32x4096xi32> to vector<32x4096xf32>
    %ge3A_507 = arith.constant 4096 : i32
    %ge3A_508 = vector.broadcast %ge3A_507 : i32 to vector<32x1xi32>
    %ge3A_509 = arith.cmpi sge, %broadcast_in_dim3A_264, %ge3A_508 : vector<32x1xi32>
    %select_n3A_510 = arith.select %ge3A_509, %broadcast_in_dim3A_33, %broadcast_in_dim3A_264 : vector<32x1xi1>, vector<32x1xi32>
    %eq3A_511 = vector.broadcast %select_n3A_510 : vector<32x1xi32> to vector<32x4096xi32>
    %eq3A_512 = arith.cmpi eq, %iota3A, %eq3A_511 : vector<32x4096xi32>
    %convert_element_type3A_513 = arith.extui %eq3A_512 : vector<32x4096xi1> to vector<32x4096xi32>
    %convert_element_type3A_514 = arith.sitofp %convert_element_type3A_513 : vector<32x4096xi32> to vector<32x4096xf32>
    %ge3A_515 = arith.constant 4096 : i32
    %ge3A_516 = vector.broadcast %ge3A_515 : i32 to vector<32x1xi32>
    %ge3A_517 = arith.cmpi sge, %broadcast_in_dim3A_272, %ge3A_516 : vector<32x1xi32>
    %select_n3A_518 = arith.select %ge3A_517, %broadcast_in_dim3A_33, %broadcast_in_dim3A_272 : vector<32x1xi1>, vector<32x1xi32>
    %eq3A_519 = vector.broadcast %select_n3A_518 : vector<32x1xi32> to vector<32x4096xi32>
    %eq3A_520 = arith.cmpi eq, %iota3A, %eq3A_519 : vector<32x4096xi32>
    %convert_element_type3A_521 = arith.extui %eq3A_520 : vector<32x4096xi1> to vector<32x4096xi32>
    %convert_element_type3A_522 = arith.sitofp %convert_element_type3A_521 : vector<32x4096xi32> to vector<32x4096xf32>
    %ge3A_523 = arith.constant 4096 : i32
    %ge3A_524 = vector.broadcast %ge3A_523 : i32 to vector<32x1xi32>
    %ge3A_525 = arith.cmpi sge, %broadcast_in_dim3A_280, %ge3A_524 : vector<32x1xi32>
    %select_n3A_526 = arith.select %ge3A_525, %broadcast_in_dim3A_33, %broadcast_in_dim3A_280 : vector<32x1xi1>, vector<32x1xi32>
    %eq3A_527 = vector.broadcast %select_n3A_526 : vector<32x1xi32> to vector<32x4096xi32>
    %eq3A_528 = arith.cmpi eq, %iota3A, %eq3A_527 : vector<32x4096xi32>
    %convert_element_type3A_529 = arith.extui %eq3A_528 : vector<32x4096xi1> to vector<32x4096xi32>
    %convert_element_type3A_530 = arith.sitofp %convert_element_type3A_529 : vector<32x4096xi32> to vector<32x4096xf32>
    %concatenate3A = tpu.concatenate %convert_element_type3A_283, %convert_element_type3A_290, %convert_element_type3A_298, %convert_element_type3A_306, %convert_element_type3A_314, %convert_element_type3A_322, %convert_element_type3A_330, %convert_element_type3A_338, %convert_element_type3A_346, %convert_element_type3A_354, %convert_element_type3A_362, %convert_element_type3A_370, %convert_element_type3A_378, %convert_element_type3A_386, %convert_element_type3A_394, %convert_element_type3A_402, %convert_element_type3A_410, %convert_element_type3A_418, %convert_element_type3A_426, %convert_element_type3A_434, %convert_element_type3A_442, %convert_element_type3A_450, %convert_element_type3A_458, %convert_element_type3A_466, %convert_element_type3A_474, %convert_element_type3A_482, %convert_element_type3A_490, %convert_element_type3A_498, %convert_element_type3A_506, %convert_element_type3A_514, %convert_element_type3A_522, %convert_element_type3A_530 in 0 : vector<32x4096xf32>, vector<32x4096xf32>, vector<32x4096xf32>, vector<32x4096xf32>, vector<32x4096xf32>, vector<32x4096xf32>, vector<32x4096xf32>, vector<32x4096xf32>, vector<32x4096xf32>, vector<32x4096xf32>, vector<32x4096xf32>, vector<32x4096xf32>, vector<32x4096xf32>, vector<32x4096xf32>, vector<32x4096xf32>, vector<32x4096xf32>, vector<32x4096xf32>, vector<32x4096xf32>, vector<32x4096xf32>, vector<32x4096xf32>, vector<32x4096xf32>, vector<32x4096xf32>, vector<32x4096xf32>, vector<32x4096xf32>, vector<32x4096xf32>, vector<32x4096xf32>, vector<32x4096xf32>, vector<32x4096xf32>, vector<32x4096xf32>, vector<32x4096xf32>, vector<32x4096xf32>, vector<32x4096xf32> -> vector<1024x4096xf32>
    %dot_general3A = arith.constant dense<0.000000e+00> : vector<1024x9xf32>
    %dot_general3A_531 = tpu.matmul %concatenate3A, %get3A_3, %dot_general3A {dimension_numbers = #tpu.dot_dimension_numbers<[1], [0], [0], [1], [0, 0, 1, 1], [], []>, precision = #tpu.contract_precision<fp32>, transpose_lhs_hint = false} : vector<1024x4096xf32>, vector<4096x9xf32>, vector<1024x9xf32> -> vector<1024x9xf32>
    %get3A_532 = arith.constant 0 : index
    %get3A_533 = arith.constant 0 : index
    %get3A_534 = vector.load %arg5[%get3A_532, %get3A_533] : memref<3x32xf32, #tpu.memory_space<vmem>>, vector<3x32xf32>
    %dot_general3A_535 = arith.constant dense<0.000000e+00> : vector<32x32xf32>
    %dot_general3A_536 = tpu.matmul %get3A_13, %get3A_534, %dot_general3A_535 {dimension_numbers = #tpu.dot_dimension_numbers<[1], [0], [0], [1], [0, 0, 1, 1], [], []>, precision = #tpu.contract_precision<fp32>, transpose_lhs_hint = false} : vector<32x3xf32>, vector<3x32xf32>, vector<32x32xf32> -> vector<32x32xf32>
    %concatenate3A_537 = tpu.concatenate %dot_general3A_536, %dot_general3A_536, %dot_general3A_536, %dot_general3A_536, %dot_general3A_536, %dot_general3A_536, %dot_general3A_536, %dot_general3A_536, %dot_general3A_536, %dot_general3A_536, %dot_general3A_536, %dot_general3A_536, %dot_general3A_536, %dot_general3A_536, %dot_general3A_536, %dot_general3A_536, %dot_general3A_536, %dot_general3A_536, %dot_general3A_536, %dot_general3A_536, %dot_general3A_536, %dot_general3A_536, %dot_general3A_536, %dot_general3A_536, %dot_general3A_536, %dot_general3A_536, %dot_general3A_536, %dot_general3A_536, %dot_general3A_536, %dot_general3A_536, %dot_general3A_536, %dot_general3A_536 in 0 : vector<32x32xf32>, vector<32x32xf32>, vector<32x32xf32>, vector<32x32xf32>, vector<32x32xf32>, vector<32x32xf32>, vector<32x32xf32>, vector<32x32xf32>, vector<32x32xf32>, vector<32x32xf32>, vector<32x32xf32>, vector<32x32xf32>, vector<32x32xf32>, vector<32x32xf32>, vector<32x32xf32>, vector<32x32xf32>, vector<32x32xf32>, vector<32x32xf32>, vector<32x32xf32>, vector<32x32xf32>, vector<32x32xf32>, vector<32x32xf32>, vector<32x32xf32>, vector<32x32xf32>, vector<32x32xf32>, vector<32x32xf32>, vector<32x32xf32>, vector<32x32xf32>, vector<32x32xf32>, vector<32x32xf32>, vector<32x32xf32>, vector<32x32xf32> -> vector<1024x32xf32>
    %get3A_538 = arith.constant 0 : index
    %get3A_539 = arith.constant 0 : index
    %get3A_540 = vector.load %arg6[%get3A_538, %get3A_539] : memref<9x32xf32, #tpu.memory_space<vmem>>, vector<9x32xf32>
    %dot_general3A_541 = arith.constant dense<0.000000e+00> : vector<1024x32xf32>
    %dot_general3A_542 = tpu.matmul %dot_general3A_531, %get3A_540, %dot_general3A_541 {dimension_numbers = #tpu.dot_dimension_numbers<[1], [0], [0], [1], [0, 0, 1, 1], [], []>, transpose_lhs_hint = false} : vector<1024x9xf32>, vector<9x32xf32>, vector<1024x32xf32> -> vector<1024x32xf32>
    %sub3A_543 = arith.subf %dot_general3A_542, %concatenate3A_537 : vector<1024x32xf32>
    %max3A = arith.constant 0.000000e+00 : f32
    %max3A_544 = vector.broadcast %max3A : f32 to vector<1024x32xf32>
    %max3A_545 = arith.maximumf %sub3A_543, %max3A_544 : vector<1024x32xf32>
    %get3A_546 = arith.constant 0 : index
    %get3A_547 = arith.constant 0 : index
    %get3A_548 = vector.load %arg7[%get3A_546, %get3A_547] : memref<32x64xf32, #tpu.memory_space<vmem>>, vector<32x64xf32>
    %dot_general3A_549 = arith.constant dense<0.000000e+00> : vector<1024x64xf32>
    %dot_general3A_550 = tpu.matmul %max3A_545, %get3A_548, %dot_general3A_549 {dimension_numbers = #tpu.dot_dimension_numbers<[1], [0], [0], [1], [0, 0, 1, 1], [], []>, transpose_lhs_hint = false} : vector<1024x32xf32>, vector<32x64xf32>, vector<1024x64xf32> -> vector<1024x64xf32>
    %max3A_551 = arith.constant 0.000000e+00 : f32
    %max3A_552 = vector.broadcast %max3A_551 : f32 to vector<1024x64xf32>
    %max3A_553 = arith.maximumf %dot_general3A_550, %max3A_552 : vector<1024x64xf32>
    %get3A_554 = arith.constant 0 : index
    %get3A_555 = arith.constant 0 : index
    %get3A_556 = vector.load %arg8[%get3A_554, %get3A_555] : memref<64x128xf32, #tpu.memory_space<vmem>>, vector<64x128xf32>
    %dot_general3A_557 = arith.constant dense<0.000000e+00> : vector<1024x128xf32>
    %dot_general3A_558 = tpu.matmul %max3A_553, %get3A_556, %dot_general3A_557 {dimension_numbers = #tpu.dot_dimension_numbers<[1], [0], [0], [1], [0, 0, 1, 1], [], []>, transpose_lhs_hint = false} : vector<1024x64xf32>, vector<64x128xf32>, vector<1024x128xf32> -> vector<1024x128xf32>
    %max3A_559 = arith.constant 0.000000e+00 : f32
    %max3A_560 = vector.broadcast %max3A_559 : f32 to vector<1024x128xf32>
    %max3A_561 = arith.maximumf %dot_general3A_558, %max3A_560 : vector<1024x128xf32>
    %slice3A_562 = vector.extract_strided_slice %max3A_561 {offsets = [0, 0], sizes = [32, 128], strides = [1, 1]} : vector<1024x128xf32> to vector<32x128xf32>
    %slice3A_563 = vector.extract_strided_slice %max3A_561 {offsets = [32, 0], sizes = [32, 128], strides = [1, 1]} : vector<1024x128xf32> to vector<32x128xf32>
    %max3A_564 = arith.maximumf %slice3A_562, %slice3A_563 : vector<32x128xf32>
    %slice3A_565 = vector.extract_strided_slice %max3A_561 {offsets = [64, 0], sizes = [32, 128], strides = [1, 1]} : vector<1024x128xf32> to vector<32x128xf32>
    %max3A_566 = arith.maximumf %max3A_564, %slice3A_565 : vector<32x128xf32>
    %slice3A_567 = vector.extract_strided_slice %max3A_561 {offsets = [96, 0], sizes = [32, 128], strides = [1, 1]} : vector<1024x128xf32> to vector<32x128xf32>
    %max3A_568 = arith.maximumf %max3A_566, %slice3A_567 : vector<32x128xf32>
    %slice3A_569 = vector.extract_strided_slice %max3A_561 {offsets = [128, 0], sizes = [32, 128], strides = [1, 1]} : vector<1024x128xf32> to vector<32x128xf32>
    %max3A_570 = arith.maximumf %max3A_568, %slice3A_569 : vector<32x128xf32>
    %slice3A_571 = vector.extract_strided_slice %max3A_561 {offsets = [160, 0], sizes = [32, 128], strides = [1, 1]} : vector<1024x128xf32> to vector<32x128xf32>
    %max3A_572 = arith.maximumf %max3A_570, %slice3A_571 : vector<32x128xf32>
    %slice3A_573 = vector.extract_strided_slice %max3A_561 {offsets = [192, 0], sizes = [32, 128], strides = [1, 1]} : vector<1024x128xf32> to vector<32x128xf32>
    %max3A_574 = arith.maximumf %max3A_572, %slice3A_573 : vector<32x128xf32>
    %slice3A_575 = vector.extract_strided_slice %max3A_561 {offsets = [224, 0], sizes = [32, 128], strides = [1, 1]} : vector<1024x128xf32> to vector<32x128xf32>
    %max3A_576 = arith.maximumf %max3A_574, %slice3A_575 : vector<32x128xf32>
    %slice3A_577 = vector.extract_strided_slice %max3A_561 {offsets = [256, 0], sizes = [32, 128], strides = [1, 1]} : vector<1024x128xf32> to vector<32x128xf32>
    %max3A_578 = arith.maximumf %max3A_576, %slice3A_577 : vector<32x128xf32>
    %slice3A_579 = vector.extract_strided_slice %max3A_561 {offsets = [288, 0], sizes = [32, 128], strides = [1, 1]} : vector<1024x128xf32> to vector<32x128xf32>
    %max3A_580 = arith.maximumf %max3A_578, %slice3A_579 : vector<32x128xf32>
    %slice3A_581 = vector.extract_strided_slice %max3A_561 {offsets = [320, 0], sizes = [32, 128], strides = [1, 1]} : vector<1024x128xf32> to vector<32x128xf32>
    %max3A_582 = arith.maximumf %max3A_580, %slice3A_581 : vector<32x128xf32>
    %slice3A_583 = vector.extract_strided_slice %max3A_561 {offsets = [352, 0], sizes = [32, 128], strides = [1, 1]} : vector<1024x128xf32> to vector<32x128xf32>
    %max3A_584 = arith.maximumf %max3A_582, %slice3A_583 : vector<32x128xf32>
    %slice3A_585 = vector.extract_strided_slice %max3A_561 {offsets = [384, 0], sizes = [32, 128], strides = [1, 1]} : vector<1024x128xf32> to vector<32x128xf32>
    %max3A_586 = arith.maximumf %max3A_584, %slice3A_585 : vector<32x128xf32>
    %slice3A_587 = vector.extract_strided_slice %max3A_561 {offsets = [416, 0], sizes = [32, 128], strides = [1, 1]} : vector<1024x128xf32> to vector<32x128xf32>
    %max3A_588 = arith.maximumf %max3A_586, %slice3A_587 : vector<32x128xf32>
    %slice3A_589 = vector.extract_strided_slice %max3A_561 {offsets = [448, 0], sizes = [32, 128], strides = [1, 1]} : vector<1024x128xf32> to vector<32x128xf32>
    %max3A_590 = arith.maximumf %max3A_588, %slice3A_589 : vector<32x128xf32>
    %slice3A_591 = vector.extract_strided_slice %max3A_561 {offsets = [480, 0], sizes = [32, 128], strides = [1, 1]} : vector<1024x128xf32> to vector<32x128xf32>
    %max3A_592 = arith.maximumf %max3A_590, %slice3A_591 : vector<32x128xf32>
    %slice3A_593 = vector.extract_strided_slice %max3A_561 {offsets = [512, 0], sizes = [32, 128], strides = [1, 1]} : vector<1024x128xf32> to vector<32x128xf32>
    %max3A_594 = arith.maximumf %max3A_592, %slice3A_593 : vector<32x128xf32>
    %slice3A_595 = vector.extract_strided_slice %max3A_561 {offsets = [544, 0], sizes = [32, 128], strides = [1, 1]} : vector<1024x128xf32> to vector<32x128xf32>
    %max3A_596 = arith.maximumf %max3A_594, %slice3A_595 : vector<32x128xf32>
    %slice3A_597 = vector.extract_strided_slice %max3A_561 {offsets = [576, 0], sizes = [32, 128], strides = [1, 1]} : vector<1024x128xf32> to vector<32x128xf32>
    %max3A_598 = arith.maximumf %max3A_596, %slice3A_597 : vector<32x128xf32>
    %slice3A_599 = vector.extract_strided_slice %max3A_561 {offsets = [608, 0], sizes = [32, 128], strides = [1, 1]} : vector<1024x128xf32> to vector<32x128xf32>
    %max3A_600 = arith.maximumf %max3A_598, %slice3A_599 : vector<32x128xf32>
    %slice3A_601 = vector.extract_strided_slice %max3A_561 {offsets = [640, 0], sizes = [32, 128], strides = [1, 1]} : vector<1024x128xf32> to vector<32x128xf32>
    %max3A_602 = arith.maximumf %max3A_600, %slice3A_601 : vector<32x128xf32>
    %slice3A_603 = vector.extract_strided_slice %max3A_561 {offsets = [672, 0], sizes = [32, 128], strides = [1, 1]} : vector<1024x128xf32> to vector<32x128xf32>
    %max3A_604 = arith.maximumf %max3A_602, %slice3A_603 : vector<32x128xf32>
    %slice3A_605 = vector.extract_strided_slice %max3A_561 {offsets = [704, 0], sizes = [32, 128], strides = [1, 1]} : vector<1024x128xf32> to vector<32x128xf32>
    %max3A_606 = arith.maximumf %max3A_604, %slice3A_605 : vector<32x128xf32>
    %slice3A_607 = vector.extract_strided_slice %max3A_561 {offsets = [736, 0], sizes = [32, 128], strides = [1, 1]} : vector<1024x128xf32> to vector<32x128xf32>
    %max3A_608 = arith.maximumf %max3A_606, %slice3A_607 : vector<32x128xf32>
    %slice3A_609 = vector.extract_strided_slice %max3A_561 {offsets = [768, 0], sizes = [32, 128], strides = [1, 1]} : vector<1024x128xf32> to vector<32x128xf32>
    %max3A_610 = arith.maximumf %max3A_608, %slice3A_609 : vector<32x128xf32>
    %slice3A_611 = vector.extract_strided_slice %max3A_561 {offsets = [800, 0], sizes = [32, 128], strides = [1, 1]} : vector<1024x128xf32> to vector<32x128xf32>
    %max3A_612 = arith.maximumf %max3A_610, %slice3A_611 : vector<32x128xf32>
    %slice3A_613 = vector.extract_strided_slice %max3A_561 {offsets = [832, 0], sizes = [32, 128], strides = [1, 1]} : vector<1024x128xf32> to vector<32x128xf32>
    %max3A_614 = arith.maximumf %max3A_612, %slice3A_613 : vector<32x128xf32>
    %slice3A_615 = vector.extract_strided_slice %max3A_561 {offsets = [864, 0], sizes = [32, 128], strides = [1, 1]} : vector<1024x128xf32> to vector<32x128xf32>
    %max3A_616 = arith.maximumf %max3A_614, %slice3A_615 : vector<32x128xf32>
    %slice3A_617 = vector.extract_strided_slice %max3A_561 {offsets = [896, 0], sizes = [32, 128], strides = [1, 1]} : vector<1024x128xf32> to vector<32x128xf32>
    %max3A_618 = arith.maximumf %max3A_616, %slice3A_617 : vector<32x128xf32>
    %slice3A_619 = vector.extract_strided_slice %max3A_561 {offsets = [928, 0], sizes = [32, 128], strides = [1, 1]} : vector<1024x128xf32> to vector<32x128xf32>
    %max3A_620 = arith.maximumf %max3A_618, %slice3A_619 : vector<32x128xf32>
    %slice3A_621 = vector.extract_strided_slice %max3A_561 {offsets = [960, 0], sizes = [32, 128], strides = [1, 1]} : vector<1024x128xf32> to vector<32x128xf32>
    %max3A_622 = arith.maximumf %max3A_620, %slice3A_621 : vector<32x128xf32>
    %slice3A_623 = vector.extract_strided_slice %max3A_561 {offsets = [992, 0], sizes = [32, 128], strides = [1, 1]} : vector<1024x128xf32> to vector<32x128xf32>
    %max3A_624 = arith.maximumf %max3A_622, %slice3A_623 : vector<32x128xf32>
    %swap3A = arith.constant 0 : index
    %swap3A_625 = arith.constant 0 : index
    %swap3A_626 = arith.constant 0 : index
    %swap3A_627 = vector.load %arg9[%swap3A, %swap3A_625, %swap3A_626] : memref<1x32x128xf32, #tpu.memory_space<vmem>>, vector<1x32x128xf32>
    %swap3A_628 = vector.shape_cast %swap3A_627 : vector<1x32x128xf32> to vector<32x128xf32>
    %swap3A_629 = vector.shape_cast %max3A_624 : vector<32x128xf32> to vector<1x32x128xf32>
    tpu.vector_store %arg9[%swap3A, %swap3A_625, %swap3A_626], %swap3A_629 {strides = array<i32>} : memref<1x32x128xf32, #tpu.memory_space<vmem>>, vector<1x32x128xf32>,
    return
  }
  func.func @transform_0(%arg0: i32, %arg1: i32) -> (i32, i32, i32) {
    %c0_i32 = arith.constant 0 : i32
    %c0_i32_0 = arith.constant 0 : i32
    %c0_i32_1 = arith.constant 0 : i32
    return %arg0, %c0_i32, %c0_i32_0 : i32, i32, i32
  }
  func.func @transform_1(%arg0: i32, %arg1: i32) -> (i32, i32, i32) {
    %c0_i32 = arith.constant 0 : i32
    %c0_i32_0 = arith.constant 0 : i32
    %c0_i32_1 = arith.constant 0 : i32
    return %arg0, %c0_i32, %c0_i32_0 : i32, i32, i32
  }
  func.func @transform_2(%arg0: i32, %arg1: i32) -> (i32, i32, i32) {
    %c0_i32 = arith.constant 0 : i32
    %c0_i32_0 = arith.constant 0 : i32
    return %arg0, %arg1, %c0_i32 : i32, i32, i32
  }
  func.func @transform_3(%arg0: i32, %arg1: i32) -> (i32, i32) {
    %c0_i32 = arith.constant 0 : i32
    %c0_i32_0 = arith.constant 0 : i32
    %c0_i32_1 = arith.constant 0 : i32
    return %c0_i32, %c0_i32_0 : i32, i32
  }
  func.func @transform_4(%arg0: i32, %arg1: i32) -> (i32, i32) {
    %c0_i32 = arith.constant 0 : i32
    %c0_i32_0 = arith.constant 0 : i32
    %c0_i32_1 = arith.constant 0 : i32
    return %c0_i32, %c0_i32_0 : i32, i32
  }
  func.func @transform_5(%arg0: i32, %arg1: i32) -> (i32, i32) {
    %c0_i32 = arith.constant 0 : i32
    %c0_i32_0 = arith.constant 0 : i32
    %c0_i32_1 = arith.constant 0 : i32
    return %c0_i32, %c0_i32_0 : i32, i32
  }
  func.func @transform_6(%arg0: i32, %arg1: i32) -> (i32, i32) {
    %c0_i32 = arith.constant 0 : i32
    %c0_i32_0 = arith.constant 0 : i32
    %c0_i32_1 = arith.constant 0 : i32
    return %c0_i32, %c0_i32_0 : i32, i32
  }
  func.func @transform_7(%arg0: i32, %arg1: i32) -> (i32, i32, i32) {
    %c0_i32 = arith.constant 0 : i32
    %c0_i32_0 = arith.constant 0 : i32
    return %arg0, %arg1, %c0_i32 : i32, i32, i32
  }
}

module attributes {stable_mosaic.version = 14 : i64} {
  func.func @_sa_body(%arg0: i32, %arg1: i32, %arg2: memref<1x256x131xf32, #tpu.memory_space<vmem>>, %arg3: memref<1x3x256xf32, #tpu.memory_space<vmem>>, %arg4: memref<1x32x3xf32, #tpu.memory_space<vmem>>, %arg5: memref<3x128xf32, #tpu.memory_space<vmem>>, %arg6: memref<131x128xf32, #tpu.memory_space<vmem>>, %arg7: memref<128x128xf32, #tpu.memory_space<vmem>>, %arg8: memref<128x256xf32, #tpu.memory_space<vmem>>, %arg9: memref<1x32x256xf32, #tpu.memory_space<vmem>>) attributes {dimension_semantics = [#tpu.dimension_semantics<arbitrary>, #tpu.dimension_semantics<arbitrary>], iteration_bounds = array<i64: 8, 4>, scalar_prefetch = 0 : i64, scratch_operands = 0 : i64, tpu.core_type = #tpu.core_type<tc>, window_params = [{transform_indices = @transform_0, window_bounds = array<i64: 1, 256, 131>}, {transform_indices = @transform_1, window_bounds = array<i64: 1, 3, 256>}, {transform_indices = @transform_2, window_bounds = array<i64: 1, 32, 3>}, {pipeline_mode = #tpu.pipeline_mode<synchronous>, transform_indices = @transform_3, window_bounds = array<i64: 3, 128>}, {pipeline_mode = #tpu.pipeline_mode<synchronous>, transform_indices = @transform_4, window_bounds = array<i64: 131, 128>}, {pipeline_mode = #tpu.pipeline_mode<synchronous>, transform_indices = @transform_5, window_bounds = array<i64: 128, 128>}, {pipeline_mode = #tpu.pipeline_mode<synchronous>, transform_indices = @transform_6, window_bounds = array<i64: 128, 256>}, {transform_indices = @transform_7, window_bounds = array<i64: 1, 32, 256>}]} {
    %get3A = arith.constant 0 : index
    %get3A_0 = arith.constant 0 : index
    %get3A_1 = arith.constant 0 : index
    %get3A_2 = vector.load %arg2[%get3A, %get3A_0, %get3A_1] : memref<1x256x131xf32, #tpu.memory_space<vmem>>, vector<1x256x131xf32>
    %get3A_3 = vector.shape_cast %get3A_2 : vector<1x256x131xf32> to vector<256x131xf32>
    %get3A_4 = arith.constant 0 : index
    %get3A_5 = arith.constant 0 : index
    %get3A_6 = arith.constant 0 : index
    %get3A_7 = vector.load %arg3[%get3A_4, %get3A_5, %get3A_6] : memref<1x3x256xf32, #tpu.memory_space<vmem>>, vector<1x3x256xf32>
    %get3A_8 = vector.shape_cast %get3A_7 : vector<1x3x256xf32> to vector<3x256xf32>
    %get3A_9 = arith.constant 0 : index
    %get3A_10 = arith.constant 0 : index
    %get3A_11 = arith.constant 0 : index
    %get3A_12 = vector.load %arg4[%get3A_9, %get3A_10, %get3A_11] : memref<1x32x3xf32, #tpu.memory_space<vmem>>, vector<1x32x3xf32>
    %get3A_13 = vector.shape_cast %get3A_12 : vector<1x32x3xf32> to vector<32x3xf32>
    %iota3A = tpu.iota {dimensions = array<i32: 1>} : vector<32x256xi32>
    %slice3A = vector.extract_strided_slice %get3A_13 {offsets = [0, 0], sizes = [32, 1], strides = [1, 1]} : vector<32x3xf32> to vector<32x1xf32>
    %slice3A_14 = vector.extract_strided_slice %get3A_8 {offsets = [0, 0], sizes = [1, 256], strides = [1, 1]} : vector<3x256xf32> to vector<1x256xf32>
    %sub3A = vector.broadcast %slice3A : vector<32x1xf32> to vector<32x256xf32>
    %sub3A_15 = vector.broadcast %slice3A_14 : vector<1x256xf32> to vector<32x256xf32>
    %sub3A_16 = arith.subf %sub3A, %sub3A_15 : vector<32x256xf32>
    %mul3A = arith.mulf %sub3A_16, %sub3A_16 : vector<32x256xf32>
    %slice3A_17 = vector.extract_strided_slice %get3A_13 {offsets = [0, 1], sizes = [32, 1], strides = [1, 1]} : vector<32x3xf32> to vector<32x1xf32>
    %slice3A_18 = vector.extract_strided_slice %get3A_8 {offsets = [1, 0], sizes = [1, 256], strides = [1, 1]} : vector<3x256xf32> to vector<1x256xf32>
    %sub3A_19 = vector.broadcast %slice3A_17 : vector<32x1xf32> to vector<32x256xf32>
    %sub3A_20 = vector.broadcast %slice3A_18 : vector<1x256xf32> to vector<32x256xf32>
    %sub3A_21 = arith.subf %sub3A_19, %sub3A_20 : vector<32x256xf32>
    %mul3A_22 = arith.mulf %sub3A_21, %sub3A_21 : vector<32x256xf32>
    %add3A = arith.addf %mul3A, %mul3A_22 : vector<32x256xf32>
    %slice3A_23 = vector.extract_strided_slice %get3A_13 {offsets = [0, 2], sizes = [32, 1], strides = [1, 1]} : vector<32x3xf32> to vector<32x1xf32>
    %slice3A_24 = vector.extract_strided_slice %get3A_8 {offsets = [2, 0], sizes = [1, 256], strides = [1, 1]} : vector<3x256xf32> to vector<1x256xf32>
    %sub3A_25 = vector.broadcast %slice3A_23 : vector<32x1xf32> to vector<32x256xf32>
    %sub3A_26 = vector.broadcast %slice3A_24 : vector<1x256xf32> to vector<32x256xf32>
    %sub3A_27 = arith.subf %sub3A_25, %sub3A_26 : vector<32x256xf32>
    %mul3A_28 = arith.mulf %sub3A_27, %sub3A_27 : vector<32x256xf32>
    %add3A_29 = arith.addf %add3A, %mul3A_28 : vector<32x256xf32>
    %lt3A = arith.constant 1.600000e-01 : f32
    %lt3A_30 = vector.broadcast %lt3A : f32 to vector<32x256xf32>
    %lt3A_31 = arith.cmpf olt, %add3A_29, %lt3A_30 : vector<32x256xf32>
    %jit3A = arith.constant 256 : i32
    %broadcast_in_dim3A = vector.broadcast %jit3A : i32 to vector<32x256xi32>
    %select_n3A = arith.select %lt3A_31, %iota3A, %broadcast_in_dim3A : vector<32x256xi1>, vector<32x256xi32>
    %reduce_min3A = arith.constant dense<2147483647> : vector<32xi32>
    %reduce_min3A_32 = vector.multi_reduction <minsi>, %select_n3A, %reduce_min3A [1] : vector<32x256xi32> to vector<32xi32>
    %broadcast_in_dim3A_33 = vector.shape_cast %reduce_min3A_32 : vector<32xi32> to vector<32x1xi32>
    %eq3A = vector.broadcast %broadcast_in_dim3A_33 : vector<32x1xi32> to vector<32x256xi32>
    %eq3A_34 = arith.cmpi eq, %select_n3A, %eq3A : vector<32x256xi32>
    %jit3A_35 = arith.constant 257 : i32
    %broadcast_in_dim3A_36 = vector.broadcast %jit3A_35 : i32 to vector<32x256xi32>
    %select_n3A_37 = arith.select %eq3A_34, %broadcast_in_dim3A_36, %select_n3A : vector<32x256xi1>, vector<32x256xi32>
    %reduce_min3A_38 = arith.constant dense<2147483647> : vector<32xi32>
    %reduce_min3A_39 = vector.multi_reduction <minsi>, %select_n3A_37, %reduce_min3A_38 [1] : vector<32x256xi32> to vector<32xi32>
    %broadcast_in_dim3A_40 = vector.shape_cast %reduce_min3A_39 : vector<32xi32> to vector<32x1xi32>
    %eq3A_41 = vector.broadcast %broadcast_in_dim3A_40 : vector<32x1xi32> to vector<32x256xi32>
    %eq3A_42 = arith.cmpi eq, %select_n3A_37, %eq3A_41 : vector<32x256xi32>
    %jit3A_43 = arith.constant 257 : i32
    %broadcast_in_dim3A_44 = vector.broadcast %jit3A_43 : i32 to vector<32x256xi32>
    %select_n3A_45 = arith.select %eq3A_42, %broadcast_in_dim3A_44, %select_n3A_37 : vector<32x256xi1>, vector<32x256xi32>
    %reduce_min3A_46 = arith.constant dense<2147483647> : vector<32xi32>
    %reduce_min3A_47 = vector.multi_reduction <minsi>, %select_n3A_45, %reduce_min3A_46 [1] : vector<32x256xi32> to vector<32xi32>
    %broadcast_in_dim3A_48 = vector.shape_cast %reduce_min3A_47 : vector<32xi32> to vector<32x1xi32>
    %eq3A_49 = vector.broadcast %broadcast_in_dim3A_48 : vector<32x1xi32> to vector<32x256xi32>
    %eq3A_50 = arith.cmpi eq, %select_n3A_45, %eq3A_49 : vector<32x256xi32>
    %jit3A_51 = arith.constant 257 : i32
    %broadcast_in_dim3A_52 = vector.broadcast %jit3A_51 : i32 to vector<32x256xi32>
    %select_n3A_53 = arith.select %eq3A_50, %broadcast_in_dim3A_52, %select_n3A_45 : vector<32x256xi1>, vector<32x256xi32>
    %reduce_min3A_54 = arith.constant dense<2147483647> : vector<32xi32>
    %reduce_min3A_55 = vector.multi_reduction <minsi>, %select_n3A_53, %reduce_min3A_54 [1] : vector<32x256xi32> to vector<32xi32>
    %broadcast_in_dim3A_56 = vector.shape_cast %reduce_min3A_55 : vector<32xi32> to vector<32x1xi32>
    %eq3A_57 = vector.broadcast %broadcast_in_dim3A_56 : vector<32x1xi32> to vector<32x256xi32>
    %eq3A_58 = arith.cmpi eq, %select_n3A_53, %eq3A_57 : vector<32x256xi32>
    %jit3A_59 = arith.constant 257 : i32
    %broadcast_in_dim3A_60 = vector.broadcast %jit3A_59 : i32 to vector<32x256xi32>
    %select_n3A_61 = arith.select %eq3A_58, %broadcast_in_dim3A_60, %select_n3A_53 : vector<32x256xi1>, vector<32x256xi32>
    %reduce_min3A_62 = arith.constant dense<2147483647> : vector<32xi32>
    %reduce_min3A_63 = vector.multi_reduction <minsi>, %select_n3A_61, %reduce_min3A_62 [1] : vector<32x256xi32> to vector<32xi32>
    %broadcast_in_dim3A_64 = vector.shape_cast %reduce_min3A_63 : vector<32xi32> to vector<32x1xi32>
    %eq3A_65 = vector.broadcast %broadcast_in_dim3A_64 : vector<32x1xi32> to vector<32x256xi32>
    %eq3A_66 = arith.cmpi eq, %select_n3A_61, %eq3A_65 : vector<32x256xi32>
    %jit3A_67 = arith.constant 257 : i32
    %broadcast_in_dim3A_68 = vector.broadcast %jit3A_67 : i32 to vector<32x256xi32>
    %select_n3A_69 = arith.select %eq3A_66, %broadcast_in_dim3A_68, %select_n3A_61 : vector<32x256xi1>, vector<32x256xi32>
    %reduce_min3A_70 = arith.constant dense<2147483647> : vector<32xi32>
    %reduce_min3A_71 = vector.multi_reduction <minsi>, %select_n3A_69, %reduce_min3A_70 [1] : vector<32x256xi32> to vector<32xi32>
    %broadcast_in_dim3A_72 = vector.shape_cast %reduce_min3A_71 : vector<32xi32> to vector<32x1xi32>
    %eq3A_73 = vector.broadcast %broadcast_in_dim3A_72 : vector<32x1xi32> to vector<32x256xi32>
    %eq3A_74 = arith.cmpi eq, %select_n3A_69, %eq3A_73 : vector<32x256xi32>
    %jit3A_75 = arith.constant 257 : i32
    %broadcast_in_dim3A_76 = vector.broadcast %jit3A_75 : i32 to vector<32x256xi32>
    %select_n3A_77 = arith.select %eq3A_74, %broadcast_in_dim3A_76, %select_n3A_69 : vector<32x256xi1>, vector<32x256xi32>
    %reduce_min3A_78 = arith.constant dense<2147483647> : vector<32xi32>
    %reduce_min3A_79 = vector.multi_reduction <minsi>, %select_n3A_77, %reduce_min3A_78 [1] : vector<32x256xi32> to vector<32xi32>
    %broadcast_in_dim3A_80 = vector.shape_cast %reduce_min3A_79 : vector<32xi32> to vector<32x1xi32>
    %eq3A_81 = vector.broadcast %broadcast_in_dim3A_80 : vector<32x1xi32> to vector<32x256xi32>
    %eq3A_82 = arith.cmpi eq, %select_n3A_77, %eq3A_81 : vector<32x256xi32>
    %jit3A_83 = arith.constant 257 : i32
    %broadcast_in_dim3A_84 = vector.broadcast %jit3A_83 : i32 to vector<32x256xi32>
    %select_n3A_85 = arith.select %eq3A_82, %broadcast_in_dim3A_84, %select_n3A_77 : vector<32x256xi1>, vector<32x256xi32>
    %reduce_min3A_86 = arith.constant dense<2147483647> : vector<32xi32>
    %reduce_min3A_87 = vector.multi_reduction <minsi>, %select_n3A_85, %reduce_min3A_86 [1] : vector<32x256xi32> to vector<32xi32>
    %broadcast_in_dim3A_88 = vector.shape_cast %reduce_min3A_87 : vector<32xi32> to vector<32x1xi32>
    %eq3A_89 = vector.broadcast %broadcast_in_dim3A_88 : vector<32x1xi32> to vector<32x256xi32>
    %eq3A_90 = arith.cmpi eq, %select_n3A_85, %eq3A_89 : vector<32x256xi32>
    %jit3A_91 = arith.constant 257 : i32
    %broadcast_in_dim3A_92 = vector.broadcast %jit3A_91 : i32 to vector<32x256xi32>
    %select_n3A_93 = arith.select %eq3A_90, %broadcast_in_dim3A_92, %select_n3A_85 : vector<32x256xi1>, vector<32x256xi32>
    %reduce_min3A_94 = arith.constant dense<2147483647> : vector<32xi32>
    %reduce_min3A_95 = vector.multi_reduction <minsi>, %select_n3A_93, %reduce_min3A_94 [1] : vector<32x256xi32> to vector<32xi32>
    %broadcast_in_dim3A_96 = vector.shape_cast %reduce_min3A_95 : vector<32xi32> to vector<32x1xi32>
    %eq3A_97 = vector.broadcast %broadcast_in_dim3A_96 : vector<32x1xi32> to vector<32x256xi32>
    %eq3A_98 = arith.cmpi eq, %select_n3A_93, %eq3A_97 : vector<32x256xi32>
    %jit3A_99 = arith.constant 257 : i32
    %broadcast_in_dim3A_100 = vector.broadcast %jit3A_99 : i32 to vector<32x256xi32>
    %select_n3A_101 = arith.select %eq3A_98, %broadcast_in_dim3A_100, %select_n3A_93 : vector<32x256xi1>, vector<32x256xi32>
    %reduce_min3A_102 = arith.constant dense<2147483647> : vector<32xi32>
    %reduce_min3A_103 = vector.multi_reduction <minsi>, %select_n3A_101, %reduce_min3A_102 [1] : vector<32x256xi32> to vector<32xi32>
    %broadcast_in_dim3A_104 = vector.shape_cast %reduce_min3A_103 : vector<32xi32> to vector<32x1xi32>
    %eq3A_105 = vector.broadcast %broadcast_in_dim3A_104 : vector<32x1xi32> to vector<32x256xi32>
    %eq3A_106 = arith.cmpi eq, %select_n3A_101, %eq3A_105 : vector<32x256xi32>
    %jit3A_107 = arith.constant 257 : i32
    %broadcast_in_dim3A_108 = vector.broadcast %jit3A_107 : i32 to vector<32x256xi32>
    %select_n3A_109 = arith.select %eq3A_106, %broadcast_in_dim3A_108, %select_n3A_101 : vector<32x256xi1>, vector<32x256xi32>
    %reduce_min3A_110 = arith.constant dense<2147483647> : vector<32xi32>
    %reduce_min3A_111 = vector.multi_reduction <minsi>, %select_n3A_109, %reduce_min3A_110 [1] : vector<32x256xi32> to vector<32xi32>
    %broadcast_in_dim3A_112 = vector.shape_cast %reduce_min3A_111 : vector<32xi32> to vector<32x1xi32>
    %eq3A_113 = vector.broadcast %broadcast_in_dim3A_112 : vector<32x1xi32> to vector<32x256xi32>
    %eq3A_114 = arith.cmpi eq, %select_n3A_109, %eq3A_113 : vector<32x256xi32>
    %jit3A_115 = arith.constant 257 : i32
    %broadcast_in_dim3A_116 = vector.broadcast %jit3A_115 : i32 to vector<32x256xi32>
    %select_n3A_117 = arith.select %eq3A_114, %broadcast_in_dim3A_116, %select_n3A_109 : vector<32x256xi1>, vector<32x256xi32>
    %reduce_min3A_118 = arith.constant dense<2147483647> : vector<32xi32>
    %reduce_min3A_119 = vector.multi_reduction <minsi>, %select_n3A_117, %reduce_min3A_118 [1] : vector<32x256xi32> to vector<32xi32>
    %broadcast_in_dim3A_120 = vector.shape_cast %reduce_min3A_119 : vector<32xi32> to vector<32x1xi32>
    %eq3A_121 = vector.broadcast %broadcast_in_dim3A_120 : vector<32x1xi32> to vector<32x256xi32>
    %eq3A_122 = arith.cmpi eq, %select_n3A_117, %eq3A_121 : vector<32x256xi32>
    %jit3A_123 = arith.constant 257 : i32
    %broadcast_in_dim3A_124 = vector.broadcast %jit3A_123 : i32 to vector<32x256xi32>
    %select_n3A_125 = arith.select %eq3A_122, %broadcast_in_dim3A_124, %select_n3A_117 : vector<32x256xi1>, vector<32x256xi32>
    %reduce_min3A_126 = arith.constant dense<2147483647> : vector<32xi32>
    %reduce_min3A_127 = vector.multi_reduction <minsi>, %select_n3A_125, %reduce_min3A_126 [1] : vector<32x256xi32> to vector<32xi32>
    %broadcast_in_dim3A_128 = vector.shape_cast %reduce_min3A_127 : vector<32xi32> to vector<32x1xi32>
    %eq3A_129 = vector.broadcast %broadcast_in_dim3A_128 : vector<32x1xi32> to vector<32x256xi32>
    %eq3A_130 = arith.cmpi eq, %select_n3A_125, %eq3A_129 : vector<32x256xi32>
    %jit3A_131 = arith.constant 257 : i32
    %broadcast_in_dim3A_132 = vector.broadcast %jit3A_131 : i32 to vector<32x256xi32>
    %select_n3A_133 = arith.select %eq3A_130, %broadcast_in_dim3A_132, %select_n3A_125 : vector<32x256xi1>, vector<32x256xi32>
    %reduce_min3A_134 = arith.constant dense<2147483647> : vector<32xi32>
    %reduce_min3A_135 = vector.multi_reduction <minsi>, %select_n3A_133, %reduce_min3A_134 [1] : vector<32x256xi32> to vector<32xi32>
    %broadcast_in_dim3A_136 = vector.shape_cast %reduce_min3A_135 : vector<32xi32> to vector<32x1xi32>
    %eq3A_137 = vector.broadcast %broadcast_in_dim3A_136 : vector<32x1xi32> to vector<32x256xi32>
    %eq3A_138 = arith.cmpi eq, %select_n3A_133, %eq3A_137 : vector<32x256xi32>
    %jit3A_139 = arith.constant 257 : i32
    %broadcast_in_dim3A_140 = vector.broadcast %jit3A_139 : i32 to vector<32x256xi32>
    %select_n3A_141 = arith.select %eq3A_138, %broadcast_in_dim3A_140, %select_n3A_133 : vector<32x256xi1>, vector<32x256xi32>
    %reduce_min3A_142 = arith.constant dense<2147483647> : vector<32xi32>
    %reduce_min3A_143 = vector.multi_reduction <minsi>, %select_n3A_141, %reduce_min3A_142 [1] : vector<32x256xi32> to vector<32xi32>
    %broadcast_in_dim3A_144 = vector.shape_cast %reduce_min3A_143 : vector<32xi32> to vector<32x1xi32>
    %eq3A_145 = vector.broadcast %broadcast_in_dim3A_144 : vector<32x1xi32> to vector<32x256xi32>
    %eq3A_146 = arith.cmpi eq, %select_n3A_141, %eq3A_145 : vector<32x256xi32>
    %jit3A_147 = arith.constant 257 : i32
    %broadcast_in_dim3A_148 = vector.broadcast %jit3A_147 : i32 to vector<32x256xi32>
    %select_n3A_149 = arith.select %eq3A_146, %broadcast_in_dim3A_148, %select_n3A_141 : vector<32x256xi1>, vector<32x256xi32>
    %reduce_min3A_150 = arith.constant dense<2147483647> : vector<32xi32>
    %reduce_min3A_151 = vector.multi_reduction <minsi>, %select_n3A_149, %reduce_min3A_150 [1] : vector<32x256xi32> to vector<32xi32>
    %broadcast_in_dim3A_152 = vector.shape_cast %reduce_min3A_151 : vector<32xi32> to vector<32x1xi32>
    %eq3A_153 = vector.broadcast %broadcast_in_dim3A_152 : vector<32x1xi32> to vector<32x256xi32>
    %eq3A_154 = arith.cmpi eq, %select_n3A_149, %eq3A_153 : vector<32x256xi32>
    %jit3A_155 = arith.constant 257 : i32
    %broadcast_in_dim3A_156 = vector.broadcast %jit3A_155 : i32 to vector<32x256xi32>
    %select_n3A_157 = arith.select %eq3A_154, %broadcast_in_dim3A_156, %select_n3A_149 : vector<32x256xi1>, vector<32x256xi32>
    %reduce_min3A_158 = arith.constant dense<2147483647> : vector<32xi32>
    %reduce_min3A_159 = vector.multi_reduction <minsi>, %select_n3A_157, %reduce_min3A_158 [1] : vector<32x256xi32> to vector<32xi32>
    %broadcast_in_dim3A_160 = vector.shape_cast %reduce_min3A_159 : vector<32xi32> to vector<32x1xi32>
    %eq3A_161 = vector.broadcast %broadcast_in_dim3A_160 : vector<32x1xi32> to vector<32x256xi32>
    %eq3A_162 = arith.cmpi eq, %select_n3A_157, %eq3A_161 : vector<32x256xi32>
    %jit3A_163 = arith.constant 257 : i32
    %broadcast_in_dim3A_164 = vector.broadcast %jit3A_163 : i32 to vector<32x256xi32>
    %select_n3A_165 = arith.select %eq3A_162, %broadcast_in_dim3A_164, %select_n3A_157 : vector<32x256xi1>, vector<32x256xi32>
    %reduce_min3A_166 = arith.constant dense<2147483647> : vector<32xi32>
    %reduce_min3A_167 = vector.multi_reduction <minsi>, %select_n3A_165, %reduce_min3A_166 [1] : vector<32x256xi32> to vector<32xi32>
    %broadcast_in_dim3A_168 = vector.shape_cast %reduce_min3A_167 : vector<32xi32> to vector<32x1xi32>
    %eq3A_169 = vector.broadcast %broadcast_in_dim3A_168 : vector<32x1xi32> to vector<32x256xi32>
    %eq3A_170 = arith.cmpi eq, %select_n3A_165, %eq3A_169 : vector<32x256xi32>
    %jit3A_171 = arith.constant 257 : i32
    %broadcast_in_dim3A_172 = vector.broadcast %jit3A_171 : i32 to vector<32x256xi32>
    %select_n3A_173 = arith.select %eq3A_170, %broadcast_in_dim3A_172, %select_n3A_165 : vector<32x256xi1>, vector<32x256xi32>
    %reduce_min3A_174 = arith.constant dense<2147483647> : vector<32xi32>
    %reduce_min3A_175 = vector.multi_reduction <minsi>, %select_n3A_173, %reduce_min3A_174 [1] : vector<32x256xi32> to vector<32xi32>
    %broadcast_in_dim3A_176 = vector.shape_cast %reduce_min3A_175 : vector<32xi32> to vector<32x1xi32>
    %eq3A_177 = vector.broadcast %broadcast_in_dim3A_176 : vector<32x1xi32> to vector<32x256xi32>
    %eq3A_178 = arith.cmpi eq, %select_n3A_173, %eq3A_177 : vector<32x256xi32>
    %jit3A_179 = arith.constant 257 : i32
    %broadcast_in_dim3A_180 = vector.broadcast %jit3A_179 : i32 to vector<32x256xi32>
    %select_n3A_181 = arith.select %eq3A_178, %broadcast_in_dim3A_180, %select_n3A_173 : vector<32x256xi1>, vector<32x256xi32>
    %reduce_min3A_182 = arith.constant dense<2147483647> : vector<32xi32>
    %reduce_min3A_183 = vector.multi_reduction <minsi>, %select_n3A_181, %reduce_min3A_182 [1] : vector<32x256xi32> to vector<32xi32>
    %broadcast_in_dim3A_184 = vector.shape_cast %reduce_min3A_183 : vector<32xi32> to vector<32x1xi32>
    %eq3A_185 = vector.broadcast %broadcast_in_dim3A_184 : vector<32x1xi32> to vector<32x256xi32>
    %eq3A_186 = arith.cmpi eq, %select_n3A_181, %eq3A_185 : vector<32x256xi32>
    %jit3A_187 = arith.constant 257 : i32
    %broadcast_in_dim3A_188 = vector.broadcast %jit3A_187 : i32 to vector<32x256xi32>
    %select_n3A_189 = arith.select %eq3A_186, %broadcast_in_dim3A_188, %select_n3A_181 : vector<32x256xi1>, vector<32x256xi32>
    %reduce_min3A_190 = arith.constant dense<2147483647> : vector<32xi32>
    %reduce_min3A_191 = vector.multi_reduction <minsi>, %select_n3A_189, %reduce_min3A_190 [1] : vector<32x256xi32> to vector<32xi32>
    %broadcast_in_dim3A_192 = vector.shape_cast %reduce_min3A_191 : vector<32xi32> to vector<32x1xi32>
    %eq3A_193 = vector.broadcast %broadcast_in_dim3A_192 : vector<32x1xi32> to vector<32x256xi32>
    %eq3A_194 = arith.cmpi eq, %select_n3A_189, %eq3A_193 : vector<32x256xi32>
    %jit3A_195 = arith.constant 257 : i32
    %broadcast_in_dim3A_196 = vector.broadcast %jit3A_195 : i32 to vector<32x256xi32>
    %select_n3A_197 = arith.select %eq3A_194, %broadcast_in_dim3A_196, %select_n3A_189 : vector<32x256xi1>, vector<32x256xi32>
    %reduce_min3A_198 = arith.constant dense<2147483647> : vector<32xi32>
    %reduce_min3A_199 = vector.multi_reduction <minsi>, %select_n3A_197, %reduce_min3A_198 [1] : vector<32x256xi32> to vector<32xi32>
    %broadcast_in_dim3A_200 = vector.shape_cast %reduce_min3A_199 : vector<32xi32> to vector<32x1xi32>
    %eq3A_201 = vector.broadcast %broadcast_in_dim3A_200 : vector<32x1xi32> to vector<32x256xi32>
    %eq3A_202 = arith.cmpi eq, %select_n3A_197, %eq3A_201 : vector<32x256xi32>
    %jit3A_203 = arith.constant 257 : i32
    %broadcast_in_dim3A_204 = vector.broadcast %jit3A_203 : i32 to vector<32x256xi32>
    %select_n3A_205 = arith.select %eq3A_202, %broadcast_in_dim3A_204, %select_n3A_197 : vector<32x256xi1>, vector<32x256xi32>
    %reduce_min3A_206 = arith.constant dense<2147483647> : vector<32xi32>
    %reduce_min3A_207 = vector.multi_reduction <minsi>, %select_n3A_205, %reduce_min3A_206 [1] : vector<32x256xi32> to vector<32xi32>
    %broadcast_in_dim3A_208 = vector.shape_cast %reduce_min3A_207 : vector<32xi32> to vector<32x1xi32>
    %eq3A_209 = vector.broadcast %broadcast_in_dim3A_208 : vector<32x1xi32> to vector<32x256xi32>
    %eq3A_210 = arith.cmpi eq, %select_n3A_205, %eq3A_209 : vector<32x256xi32>
    %jit3A_211 = arith.constant 257 : i32
    %broadcast_in_dim3A_212 = vector.broadcast %jit3A_211 : i32 to vector<32x256xi32>
    %select_n3A_213 = arith.select %eq3A_210, %broadcast_in_dim3A_212, %select_n3A_205 : vector<32x256xi1>, vector<32x256xi32>
    %reduce_min3A_214 = arith.constant dense<2147483647> : vector<32xi32>
    %reduce_min3A_215 = vector.multi_reduction <minsi>, %select_n3A_213, %reduce_min3A_214 [1] : vector<32x256xi32> to vector<32xi32>
    %broadcast_in_dim3A_216 = vector.shape_cast %reduce_min3A_215 : vector<32xi32> to vector<32x1xi32>
    %eq3A_217 = vector.broadcast %broadcast_in_dim3A_216 : vector<32x1xi32> to vector<32x256xi32>
    %eq3A_218 = arith.cmpi eq, %select_n3A_213, %eq3A_217 : vector<32x256xi32>
    %jit3A_219 = arith.constant 257 : i32
    %broadcast_in_dim3A_220 = vector.broadcast %jit3A_219 : i32 to vector<32x256xi32>
    %select_n3A_221 = arith.select %eq3A_218, %broadcast_in_dim3A_220, %select_n3A_213 : vector<32x256xi1>, vector<32x256xi32>
    %reduce_min3A_222 = arith.constant dense<2147483647> : vector<32xi32>
    %reduce_min3A_223 = vector.multi_reduction <minsi>, %select_n3A_221, %reduce_min3A_222 [1] : vector<32x256xi32> to vector<32xi32>
    %broadcast_in_dim3A_224 = vector.shape_cast %reduce_min3A_223 : vector<32xi32> to vector<32x1xi32>
    %eq3A_225 = vector.broadcast %broadcast_in_dim3A_224 : vector<32x1xi32> to vector<32x256xi32>
    %eq3A_226 = arith.cmpi eq, %select_n3A_221, %eq3A_225 : vector<32x256xi32>
    %jit3A_227 = arith.constant 257 : i32
    %broadcast_in_dim3A_228 = vector.broadcast %jit3A_227 : i32 to vector<32x256xi32>
    %select_n3A_229 = arith.select %eq3A_226, %broadcast_in_dim3A_228, %select_n3A_221 : vector<32x256xi1>, vector<32x256xi32>
    %reduce_min3A_230 = arith.constant dense<2147483647> : vector<32xi32>
    %reduce_min3A_231 = vector.multi_reduction <minsi>, %select_n3A_229, %reduce_min3A_230 [1] : vector<32x256xi32> to vector<32xi32>
    %broadcast_in_dim3A_232 = vector.shape_cast %reduce_min3A_231 : vector<32xi32> to vector<32x1xi32>
    %eq3A_233 = vector.broadcast %broadcast_in_dim3A_232 : vector<32x1xi32> to vector<32x256xi32>
    %eq3A_234 = arith.cmpi eq, %select_n3A_229, %eq3A_233 : vector<32x256xi32>
    %jit3A_235 = arith.constant 257 : i32
    %broadcast_in_dim3A_236 = vector.broadcast %jit3A_235 : i32 to vector<32x256xi32>
    %select_n3A_237 = arith.select %eq3A_234, %broadcast_in_dim3A_236, %select_n3A_229 : vector<32x256xi1>, vector<32x256xi32>
    %reduce_min3A_238 = arith.constant dense<2147483647> : vector<32xi32>
    %reduce_min3A_239 = vector.multi_reduction <minsi>, %select_n3A_237, %reduce_min3A_238 [1] : vector<32x256xi32> to vector<32xi32>
    %broadcast_in_dim3A_240 = vector.shape_cast %reduce_min3A_239 : vector<32xi32> to vector<32x1xi32>
    %eq3A_241 = vector.broadcast %broadcast_in_dim3A_240 : vector<32x1xi32> to vector<32x256xi32>
    %eq3A_242 = arith.cmpi eq, %select_n3A_237, %eq3A_241 : vector<32x256xi32>
    %jit3A_243 = arith.constant 257 : i32
    %broadcast_in_dim3A_244 = vector.broadcast %jit3A_243 : i32 to vector<32x256xi32>
    %select_n3A_245 = arith.select %eq3A_242, %broadcast_in_dim3A_244, %select_n3A_237 : vector<32x256xi1>, vector<32x256xi32>
    %reduce_min3A_246 = arith.constant dense<2147483647> : vector<32xi32>
    %reduce_min3A_247 = vector.multi_reduction <minsi>, %select_n3A_245, %reduce_min3A_246 [1] : vector<32x256xi32> to vector<32xi32>
    %broadcast_in_dim3A_248 = vector.shape_cast %reduce_min3A_247 : vector<32xi32> to vector<32x1xi32>
    %eq3A_249 = vector.broadcast %broadcast_in_dim3A_248 : vector<32x1xi32> to vector<32x256xi32>
    %eq3A_250 = arith.cmpi eq, %select_n3A_245, %eq3A_249 : vector<32x256xi32>
    %jit3A_251 = arith.constant 257 : i32
    %broadcast_in_dim3A_252 = vector.broadcast %jit3A_251 : i32 to vector<32x256xi32>
    %select_n3A_253 = arith.select %eq3A_250, %broadcast_in_dim3A_252, %select_n3A_245 : vector<32x256xi1>, vector<32x256xi32>
    %reduce_min3A_254 = arith.constant dense<2147483647> : vector<32xi32>
    %reduce_min3A_255 = vector.multi_reduction <minsi>, %select_n3A_253, %reduce_min3A_254 [1] : vector<32x256xi32> to vector<32xi32>
    %broadcast_in_dim3A_256 = vector.shape_cast %reduce_min3A_255 : vector<32xi32> to vector<32x1xi32>
    %eq3A_257 = vector.broadcast %broadcast_in_dim3A_256 : vector<32x1xi32> to vector<32x256xi32>
    %eq3A_258 = arith.cmpi eq, %select_n3A_253, %eq3A_257 : vector<32x256xi32>
    %jit3A_259 = arith.constant 257 : i32
    %broadcast_in_dim3A_260 = vector.broadcast %jit3A_259 : i32 to vector<32x256xi32>
    %select_n3A_261 = arith.select %eq3A_258, %broadcast_in_dim3A_260, %select_n3A_253 : vector<32x256xi1>, vector<32x256xi32>
    %reduce_min3A_262 = arith.constant dense<2147483647> : vector<32xi32>
    %reduce_min3A_263 = vector.multi_reduction <minsi>, %select_n3A_261, %reduce_min3A_262 [1] : vector<32x256xi32> to vector<32xi32>
    %broadcast_in_dim3A_264 = vector.shape_cast %reduce_min3A_263 : vector<32xi32> to vector<32x1xi32>
    %eq3A_265 = vector.broadcast %broadcast_in_dim3A_264 : vector<32x1xi32> to vector<32x256xi32>
    %eq3A_266 = arith.cmpi eq, %select_n3A_261, %eq3A_265 : vector<32x256xi32>
    %jit3A_267 = arith.constant 257 : i32
    %broadcast_in_dim3A_268 = vector.broadcast %jit3A_267 : i32 to vector<32x256xi32>
    %select_n3A_269 = arith.select %eq3A_266, %broadcast_in_dim3A_268, %select_n3A_261 : vector<32x256xi1>, vector<32x256xi32>
    %reduce_min3A_270 = arith.constant dense<2147483647> : vector<32xi32>
    %reduce_min3A_271 = vector.multi_reduction <minsi>, %select_n3A_269, %reduce_min3A_270 [1] : vector<32x256xi32> to vector<32xi32>
    %broadcast_in_dim3A_272 = vector.shape_cast %reduce_min3A_271 : vector<32xi32> to vector<32x1xi32>
    %eq3A_273 = vector.broadcast %broadcast_in_dim3A_272 : vector<32x1xi32> to vector<32x256xi32>
    %eq3A_274 = arith.cmpi eq, %select_n3A_269, %eq3A_273 : vector<32x256xi32>
    %jit3A_275 = arith.constant 257 : i32
    %broadcast_in_dim3A_276 = vector.broadcast %jit3A_275 : i32 to vector<32x256xi32>
    %select_n3A_277 = arith.select %eq3A_274, %broadcast_in_dim3A_276, %select_n3A_269 : vector<32x256xi1>, vector<32x256xi32>
    %reduce_min3A_278 = arith.constant dense<2147483647> : vector<32xi32>
    %reduce_min3A_279 = vector.multi_reduction <minsi>, %select_n3A_277, %reduce_min3A_278 [1] : vector<32x256xi32> to vector<32xi32>
    %broadcast_in_dim3A_280 = vector.shape_cast %reduce_min3A_279 : vector<32xi32> to vector<32x1xi32>
    %eq3A_281 = vector.broadcast %broadcast_in_dim3A_33 : vector<32x1xi32> to vector<32x256xi32>
    %eq3A_282 = arith.cmpi eq, %iota3A, %eq3A_281 : vector<32x256xi32>
    %convert_element_type3A = arith.extui %eq3A_282 : vector<32x256xi1> to vector<32x256xi32>
    %convert_element_type3A_283 = arith.sitofp %convert_element_type3A : vector<32x256xi32> to vector<32x256xf32>
    %ge3A = arith.constant 256 : i32
    %ge3A_284 = vector.broadcast %ge3A : i32 to vector<32x1xi32>
    %ge3A_285 = arith.cmpi sge, %broadcast_in_dim3A_40, %ge3A_284 : vector<32x1xi32>
    %select_n3A_286 = arith.select %ge3A_285, %broadcast_in_dim3A_33, %broadcast_in_dim3A_40 : vector<32x1xi1>, vector<32x1xi32>
    %eq3A_287 = vector.broadcast %select_n3A_286 : vector<32x1xi32> to vector<32x256xi32>
    %eq3A_288 = arith.cmpi eq, %iota3A, %eq3A_287 : vector<32x256xi32>
    %convert_element_type3A_289 = arith.extui %eq3A_288 : vector<32x256xi1> to vector<32x256xi32>
    %convert_element_type3A_290 = arith.sitofp %convert_element_type3A_289 : vector<32x256xi32> to vector<32x256xf32>
    %ge3A_291 = arith.constant 256 : i32
    %ge3A_292 = vector.broadcast %ge3A_291 : i32 to vector<32x1xi32>
    %ge3A_293 = arith.cmpi sge, %broadcast_in_dim3A_48, %ge3A_292 : vector<32x1xi32>
    %select_n3A_294 = arith.select %ge3A_293, %broadcast_in_dim3A_33, %broadcast_in_dim3A_48 : vector<32x1xi1>, vector<32x1xi32>
    %eq3A_295 = vector.broadcast %select_n3A_294 : vector<32x1xi32> to vector<32x256xi32>
    %eq3A_296 = arith.cmpi eq, %iota3A, %eq3A_295 : vector<32x256xi32>
    %convert_element_type3A_297 = arith.extui %eq3A_296 : vector<32x256xi1> to vector<32x256xi32>
    %convert_element_type3A_298 = arith.sitofp %convert_element_type3A_297 : vector<32x256xi32> to vector<32x256xf32>
    %ge3A_299 = arith.constant 256 : i32
    %ge3A_300 = vector.broadcast %ge3A_299 : i32 to vector<32x1xi32>
    %ge3A_301 = arith.cmpi sge, %broadcast_in_dim3A_56, %ge3A_300 : vector<32x1xi32>
    %select_n3A_302 = arith.select %ge3A_301, %broadcast_in_dim3A_33, %broadcast_in_dim3A_56 : vector<32x1xi1>, vector<32x1xi32>
    %eq3A_303 = vector.broadcast %select_n3A_302 : vector<32x1xi32> to vector<32x256xi32>
    %eq3A_304 = arith.cmpi eq, %iota3A, %eq3A_303 : vector<32x256xi32>
    %convert_element_type3A_305 = arith.extui %eq3A_304 : vector<32x256xi1> to vector<32x256xi32>
    %convert_element_type3A_306 = arith.sitofp %convert_element_type3A_305 : vector<32x256xi32> to vector<32x256xf32>
    %ge3A_307 = arith.constant 256 : i32
    %ge3A_308 = vector.broadcast %ge3A_307 : i32 to vector<32x1xi32>
    %ge3A_309 = arith.cmpi sge, %broadcast_in_dim3A_64, %ge3A_308 : vector<32x1xi32>
    %select_n3A_310 = arith.select %ge3A_309, %broadcast_in_dim3A_33, %broadcast_in_dim3A_64 : vector<32x1xi1>, vector<32x1xi32>
    %eq3A_311 = vector.broadcast %select_n3A_310 : vector<32x1xi32> to vector<32x256xi32>
    %eq3A_312 = arith.cmpi eq, %iota3A, %eq3A_311 : vector<32x256xi32>
    %convert_element_type3A_313 = arith.extui %eq3A_312 : vector<32x256xi1> to vector<32x256xi32>
    %convert_element_type3A_314 = arith.sitofp %convert_element_type3A_313 : vector<32x256xi32> to vector<32x256xf32>
    %ge3A_315 = arith.constant 256 : i32
    %ge3A_316 = vector.broadcast %ge3A_315 : i32 to vector<32x1xi32>
    %ge3A_317 = arith.cmpi sge, %broadcast_in_dim3A_72, %ge3A_316 : vector<32x1xi32>
    %select_n3A_318 = arith.select %ge3A_317, %broadcast_in_dim3A_33, %broadcast_in_dim3A_72 : vector<32x1xi1>, vector<32x1xi32>
    %eq3A_319 = vector.broadcast %select_n3A_318 : vector<32x1xi32> to vector<32x256xi32>
    %eq3A_320 = arith.cmpi eq, %iota3A, %eq3A_319 : vector<32x256xi32>
    %convert_element_type3A_321 = arith.extui %eq3A_320 : vector<32x256xi1> to vector<32x256xi32>
    %convert_element_type3A_322 = arith.sitofp %convert_element_type3A_321 : vector<32x256xi32> to vector<32x256xf32>
    %ge3A_323 = arith.constant 256 : i32
    %ge3A_324 = vector.broadcast %ge3A_323 : i32 to vector<32x1xi32>
    %ge3A_325 = arith.cmpi sge, %broadcast_in_dim3A_80, %ge3A_324 : vector<32x1xi32>
    %select_n3A_326 = arith.select %ge3A_325, %broadcast_in_dim3A_33, %broadcast_in_dim3A_80 : vector<32x1xi1>, vector<32x1xi32>
    %eq3A_327 = vector.broadcast %select_n3A_326 : vector<32x1xi32> to vector<32x256xi32>
    %eq3A_328 = arith.cmpi eq, %iota3A, %eq3A_327 : vector<32x256xi32>
    %convert_element_type3A_329 = arith.extui %eq3A_328 : vector<32x256xi1> to vector<32x256xi32>
    %convert_element_type3A_330 = arith.sitofp %convert_element_type3A_329 : vector<32x256xi32> to vector<32x256xf32>
    %ge3A_331 = arith.constant 256 : i32
    %ge3A_332 = vector.broadcast %ge3A_331 : i32 to vector<32x1xi32>
    %ge3A_333 = arith.cmpi sge, %broadcast_in_dim3A_88, %ge3A_332 : vector<32x1xi32>
    %select_n3A_334 = arith.select %ge3A_333, %broadcast_in_dim3A_33, %broadcast_in_dim3A_88 : vector<32x1xi1>, vector<32x1xi32>
    %eq3A_335 = vector.broadcast %select_n3A_334 : vector<32x1xi32> to vector<32x256xi32>
    %eq3A_336 = arith.cmpi eq, %iota3A, %eq3A_335 : vector<32x256xi32>
    %convert_element_type3A_337 = arith.extui %eq3A_336 : vector<32x256xi1> to vector<32x256xi32>
    %convert_element_type3A_338 = arith.sitofp %convert_element_type3A_337 : vector<32x256xi32> to vector<32x256xf32>
    %ge3A_339 = arith.constant 256 : i32
    %ge3A_340 = vector.broadcast %ge3A_339 : i32 to vector<32x1xi32>
    %ge3A_341 = arith.cmpi sge, %broadcast_in_dim3A_96, %ge3A_340 : vector<32x1xi32>
    %select_n3A_342 = arith.select %ge3A_341, %broadcast_in_dim3A_33, %broadcast_in_dim3A_96 : vector<32x1xi1>, vector<32x1xi32>
    %eq3A_343 = vector.broadcast %select_n3A_342 : vector<32x1xi32> to vector<32x256xi32>
    %eq3A_344 = arith.cmpi eq, %iota3A, %eq3A_343 : vector<32x256xi32>
    %convert_element_type3A_345 = arith.extui %eq3A_344 : vector<32x256xi1> to vector<32x256xi32>
    %convert_element_type3A_346 = arith.sitofp %convert_element_type3A_345 : vector<32x256xi32> to vector<32x256xf32>
    %ge3A_347 = arith.constant 256 : i32
    %ge3A_348 = vector.broadcast %ge3A_347 : i32 to vector<32x1xi32>
    %ge3A_349 = arith.cmpi sge, %broadcast_in_dim3A_104, %ge3A_348 : vector<32x1xi32>
    %select_n3A_350 = arith.select %ge3A_349, %broadcast_in_dim3A_33, %broadcast_in_dim3A_104 : vector<32x1xi1>, vector<32x1xi32>
    %eq3A_351 = vector.broadcast %select_n3A_350 : vector<32x1xi32> to vector<32x256xi32>
    %eq3A_352 = arith.cmpi eq, %iota3A, %eq3A_351 : vector<32x256xi32>
    %convert_element_type3A_353 = arith.extui %eq3A_352 : vector<32x256xi1> to vector<32x256xi32>
    %convert_element_type3A_354 = arith.sitofp %convert_element_type3A_353 : vector<32x256xi32> to vector<32x256xf32>
    %ge3A_355 = arith.constant 256 : i32
    %ge3A_356 = vector.broadcast %ge3A_355 : i32 to vector<32x1xi32>
    %ge3A_357 = arith.cmpi sge, %broadcast_in_dim3A_112, %ge3A_356 : vector<32x1xi32>
    %select_n3A_358 = arith.select %ge3A_357, %broadcast_in_dim3A_33, %broadcast_in_dim3A_112 : vector<32x1xi1>, vector<32x1xi32>
    %eq3A_359 = vector.broadcast %select_n3A_358 : vector<32x1xi32> to vector<32x256xi32>
    %eq3A_360 = arith.cmpi eq, %iota3A, %eq3A_359 : vector<32x256xi32>
    %convert_element_type3A_361 = arith.extui %eq3A_360 : vector<32x256xi1> to vector<32x256xi32>
    %convert_element_type3A_362 = arith.sitofp %convert_element_type3A_361 : vector<32x256xi32> to vector<32x256xf32>
    %ge3A_363 = arith.constant 256 : i32
    %ge3A_364 = vector.broadcast %ge3A_363 : i32 to vector<32x1xi32>
    %ge3A_365 = arith.cmpi sge, %broadcast_in_dim3A_120, %ge3A_364 : vector<32x1xi32>
    %select_n3A_366 = arith.select %ge3A_365, %broadcast_in_dim3A_33, %broadcast_in_dim3A_120 : vector<32x1xi1>, vector<32x1xi32>
    %eq3A_367 = vector.broadcast %select_n3A_366 : vector<32x1xi32> to vector<32x256xi32>
    %eq3A_368 = arith.cmpi eq, %iota3A, %eq3A_367 : vector<32x256xi32>
    %convert_element_type3A_369 = arith.extui %eq3A_368 : vector<32x256xi1> to vector<32x256xi32>
    %convert_element_type3A_370 = arith.sitofp %convert_element_type3A_369 : vector<32x256xi32> to vector<32x256xf32>
    %ge3A_371 = arith.constant 256 : i32
    %ge3A_372 = vector.broadcast %ge3A_371 : i32 to vector<32x1xi32>
    %ge3A_373 = arith.cmpi sge, %broadcast_in_dim3A_128, %ge3A_372 : vector<32x1xi32>
    %select_n3A_374 = arith.select %ge3A_373, %broadcast_in_dim3A_33, %broadcast_in_dim3A_128 : vector<32x1xi1>, vector<32x1xi32>
    %eq3A_375 = vector.broadcast %select_n3A_374 : vector<32x1xi32> to vector<32x256xi32>
    %eq3A_376 = arith.cmpi eq, %iota3A, %eq3A_375 : vector<32x256xi32>
    %convert_element_type3A_377 = arith.extui %eq3A_376 : vector<32x256xi1> to vector<32x256xi32>
    %convert_element_type3A_378 = arith.sitofp %convert_element_type3A_377 : vector<32x256xi32> to vector<32x256xf32>
    %ge3A_379 = arith.constant 256 : i32
    %ge3A_380 = vector.broadcast %ge3A_379 : i32 to vector<32x1xi32>
    %ge3A_381 = arith.cmpi sge, %broadcast_in_dim3A_136, %ge3A_380 : vector<32x1xi32>
    %select_n3A_382 = arith.select %ge3A_381, %broadcast_in_dim3A_33, %broadcast_in_dim3A_136 : vector<32x1xi1>, vector<32x1xi32>
    %eq3A_383 = vector.broadcast %select_n3A_382 : vector<32x1xi32> to vector<32x256xi32>
    %eq3A_384 = arith.cmpi eq, %iota3A, %eq3A_383 : vector<32x256xi32>
    %convert_element_type3A_385 = arith.extui %eq3A_384 : vector<32x256xi1> to vector<32x256xi32>
    %convert_element_type3A_386 = arith.sitofp %convert_element_type3A_385 : vector<32x256xi32> to vector<32x256xf32>
    %ge3A_387 = arith.constant 256 : i32
    %ge3A_388 = vector.broadcast %ge3A_387 : i32 to vector<32x1xi32>
    %ge3A_389 = arith.cmpi sge, %broadcast_in_dim3A_144, %ge3A_388 : vector<32x1xi32>
    %select_n3A_390 = arith.select %ge3A_389, %broadcast_in_dim3A_33, %broadcast_in_dim3A_144 : vector<32x1xi1>, vector<32x1xi32>
    %eq3A_391 = vector.broadcast %select_n3A_390 : vector<32x1xi32> to vector<32x256xi32>
    %eq3A_392 = arith.cmpi eq, %iota3A, %eq3A_391 : vector<32x256xi32>
    %convert_element_type3A_393 = arith.extui %eq3A_392 : vector<32x256xi1> to vector<32x256xi32>
    %convert_element_type3A_394 = arith.sitofp %convert_element_type3A_393 : vector<32x256xi32> to vector<32x256xf32>
    %ge3A_395 = arith.constant 256 : i32
    %ge3A_396 = vector.broadcast %ge3A_395 : i32 to vector<32x1xi32>
    %ge3A_397 = arith.cmpi sge, %broadcast_in_dim3A_152, %ge3A_396 : vector<32x1xi32>
    %select_n3A_398 = arith.select %ge3A_397, %broadcast_in_dim3A_33, %broadcast_in_dim3A_152 : vector<32x1xi1>, vector<32x1xi32>
    %eq3A_399 = vector.broadcast %select_n3A_398 : vector<32x1xi32> to vector<32x256xi32>
    %eq3A_400 = arith.cmpi eq, %iota3A, %eq3A_399 : vector<32x256xi32>
    %convert_element_type3A_401 = arith.extui %eq3A_400 : vector<32x256xi1> to vector<32x256xi32>
    %convert_element_type3A_402 = arith.sitofp %convert_element_type3A_401 : vector<32x256xi32> to vector<32x256xf32>
    %ge3A_403 = arith.constant 256 : i32
    %ge3A_404 = vector.broadcast %ge3A_403 : i32 to vector<32x1xi32>
    %ge3A_405 = arith.cmpi sge, %broadcast_in_dim3A_160, %ge3A_404 : vector<32x1xi32>
    %select_n3A_406 = arith.select %ge3A_405, %broadcast_in_dim3A_33, %broadcast_in_dim3A_160 : vector<32x1xi1>, vector<32x1xi32>
    %eq3A_407 = vector.broadcast %select_n3A_406 : vector<32x1xi32> to vector<32x256xi32>
    %eq3A_408 = arith.cmpi eq, %iota3A, %eq3A_407 : vector<32x256xi32>
    %convert_element_type3A_409 = arith.extui %eq3A_408 : vector<32x256xi1> to vector<32x256xi32>
    %convert_element_type3A_410 = arith.sitofp %convert_element_type3A_409 : vector<32x256xi32> to vector<32x256xf32>
    %ge3A_411 = arith.constant 256 : i32
    %ge3A_412 = vector.broadcast %ge3A_411 : i32 to vector<32x1xi32>
    %ge3A_413 = arith.cmpi sge, %broadcast_in_dim3A_168, %ge3A_412 : vector<32x1xi32>
    %select_n3A_414 = arith.select %ge3A_413, %broadcast_in_dim3A_33, %broadcast_in_dim3A_168 : vector<32x1xi1>, vector<32x1xi32>
    %eq3A_415 = vector.broadcast %select_n3A_414 : vector<32x1xi32> to vector<32x256xi32>
    %eq3A_416 = arith.cmpi eq, %iota3A, %eq3A_415 : vector<32x256xi32>
    %convert_element_type3A_417 = arith.extui %eq3A_416 : vector<32x256xi1> to vector<32x256xi32>
    %convert_element_type3A_418 = arith.sitofp %convert_element_type3A_417 : vector<32x256xi32> to vector<32x256xf32>
    %ge3A_419 = arith.constant 256 : i32
    %ge3A_420 = vector.broadcast %ge3A_419 : i32 to vector<32x1xi32>
    %ge3A_421 = arith.cmpi sge, %broadcast_in_dim3A_176, %ge3A_420 : vector<32x1xi32>
    %select_n3A_422 = arith.select %ge3A_421, %broadcast_in_dim3A_33, %broadcast_in_dim3A_176 : vector<32x1xi1>, vector<32x1xi32>
    %eq3A_423 = vector.broadcast %select_n3A_422 : vector<32x1xi32> to vector<32x256xi32>
    %eq3A_424 = arith.cmpi eq, %iota3A, %eq3A_423 : vector<32x256xi32>
    %convert_element_type3A_425 = arith.extui %eq3A_424 : vector<32x256xi1> to vector<32x256xi32>
    %convert_element_type3A_426 = arith.sitofp %convert_element_type3A_425 : vector<32x256xi32> to vector<32x256xf32>
    %ge3A_427 = arith.constant 256 : i32
    %ge3A_428 = vector.broadcast %ge3A_427 : i32 to vector<32x1xi32>
    %ge3A_429 = arith.cmpi sge, %broadcast_in_dim3A_184, %ge3A_428 : vector<32x1xi32>
    %select_n3A_430 = arith.select %ge3A_429, %broadcast_in_dim3A_33, %broadcast_in_dim3A_184 : vector<32x1xi1>, vector<32x1xi32>
    %eq3A_431 = vector.broadcast %select_n3A_430 : vector<32x1xi32> to vector<32x256xi32>
    %eq3A_432 = arith.cmpi eq, %iota3A, %eq3A_431 : vector<32x256xi32>
    %convert_element_type3A_433 = arith.extui %eq3A_432 : vector<32x256xi1> to vector<32x256xi32>
    %convert_element_type3A_434 = arith.sitofp %convert_element_type3A_433 : vector<32x256xi32> to vector<32x256xf32>
    %ge3A_435 = arith.constant 256 : i32
    %ge3A_436 = vector.broadcast %ge3A_435 : i32 to vector<32x1xi32>
    %ge3A_437 = arith.cmpi sge, %broadcast_in_dim3A_192, %ge3A_436 : vector<32x1xi32>
    %select_n3A_438 = arith.select %ge3A_437, %broadcast_in_dim3A_33, %broadcast_in_dim3A_192 : vector<32x1xi1>, vector<32x1xi32>
    %eq3A_439 = vector.broadcast %select_n3A_438 : vector<32x1xi32> to vector<32x256xi32>
    %eq3A_440 = arith.cmpi eq, %iota3A, %eq3A_439 : vector<32x256xi32>
    %convert_element_type3A_441 = arith.extui %eq3A_440 : vector<32x256xi1> to vector<32x256xi32>
    %convert_element_type3A_442 = arith.sitofp %convert_element_type3A_441 : vector<32x256xi32> to vector<32x256xf32>
    %ge3A_443 = arith.constant 256 : i32
    %ge3A_444 = vector.broadcast %ge3A_443 : i32 to vector<32x1xi32>
    %ge3A_445 = arith.cmpi sge, %broadcast_in_dim3A_200, %ge3A_444 : vector<32x1xi32>
    %select_n3A_446 = arith.select %ge3A_445, %broadcast_in_dim3A_33, %broadcast_in_dim3A_200 : vector<32x1xi1>, vector<32x1xi32>
    %eq3A_447 = vector.broadcast %select_n3A_446 : vector<32x1xi32> to vector<32x256xi32>
    %eq3A_448 = arith.cmpi eq, %iota3A, %eq3A_447 : vector<32x256xi32>
    %convert_element_type3A_449 = arith.extui %eq3A_448 : vector<32x256xi1> to vector<32x256xi32>
    %convert_element_type3A_450 = arith.sitofp %convert_element_type3A_449 : vector<32x256xi32> to vector<32x256xf32>
    %ge3A_451 = arith.constant 256 : i32
    %ge3A_452 = vector.broadcast %ge3A_451 : i32 to vector<32x1xi32>
    %ge3A_453 = arith.cmpi sge, %broadcast_in_dim3A_208, %ge3A_452 : vector<32x1xi32>
    %select_n3A_454 = arith.select %ge3A_453, %broadcast_in_dim3A_33, %broadcast_in_dim3A_208 : vector<32x1xi1>, vector<32x1xi32>
    %eq3A_455 = vector.broadcast %select_n3A_454 : vector<32x1xi32> to vector<32x256xi32>
    %eq3A_456 = arith.cmpi eq, %iota3A, %eq3A_455 : vector<32x256xi32>
    %convert_element_type3A_457 = arith.extui %eq3A_456 : vector<32x256xi1> to vector<32x256xi32>
    %convert_element_type3A_458 = arith.sitofp %convert_element_type3A_457 : vector<32x256xi32> to vector<32x256xf32>
    %ge3A_459 = arith.constant 256 : i32
    %ge3A_460 = vector.broadcast %ge3A_459 : i32 to vector<32x1xi32>
    %ge3A_461 = arith.cmpi sge, %broadcast_in_dim3A_216, %ge3A_460 : vector<32x1xi32>
    %select_n3A_462 = arith.select %ge3A_461, %broadcast_in_dim3A_33, %broadcast_in_dim3A_216 : vector<32x1xi1>, vector<32x1xi32>
    %eq3A_463 = vector.broadcast %select_n3A_462 : vector<32x1xi32> to vector<32x256xi32>
    %eq3A_464 = arith.cmpi eq, %iota3A, %eq3A_463 : vector<32x256xi32>
    %convert_element_type3A_465 = arith.extui %eq3A_464 : vector<32x256xi1> to vector<32x256xi32>
    %convert_element_type3A_466 = arith.sitofp %convert_element_type3A_465 : vector<32x256xi32> to vector<32x256xf32>
    %ge3A_467 = arith.constant 256 : i32
    %ge3A_468 = vector.broadcast %ge3A_467 : i32 to vector<32x1xi32>
    %ge3A_469 = arith.cmpi sge, %broadcast_in_dim3A_224, %ge3A_468 : vector<32x1xi32>
    %select_n3A_470 = arith.select %ge3A_469, %broadcast_in_dim3A_33, %broadcast_in_dim3A_224 : vector<32x1xi1>, vector<32x1xi32>
    %eq3A_471 = vector.broadcast %select_n3A_470 : vector<32x1xi32> to vector<32x256xi32>
    %eq3A_472 = arith.cmpi eq, %iota3A, %eq3A_471 : vector<32x256xi32>
    %convert_element_type3A_473 = arith.extui %eq3A_472 : vector<32x256xi1> to vector<32x256xi32>
    %convert_element_type3A_474 = arith.sitofp %convert_element_type3A_473 : vector<32x256xi32> to vector<32x256xf32>
    %ge3A_475 = arith.constant 256 : i32
    %ge3A_476 = vector.broadcast %ge3A_475 : i32 to vector<32x1xi32>
    %ge3A_477 = arith.cmpi sge, %broadcast_in_dim3A_232, %ge3A_476 : vector<32x1xi32>
    %select_n3A_478 = arith.select %ge3A_477, %broadcast_in_dim3A_33, %broadcast_in_dim3A_232 : vector<32x1xi1>, vector<32x1xi32>
    %eq3A_479 = vector.broadcast %select_n3A_478 : vector<32x1xi32> to vector<32x256xi32>
    %eq3A_480 = arith.cmpi eq, %iota3A, %eq3A_479 : vector<32x256xi32>
    %convert_element_type3A_481 = arith.extui %eq3A_480 : vector<32x256xi1> to vector<32x256xi32>
    %convert_element_type3A_482 = arith.sitofp %convert_element_type3A_481 : vector<32x256xi32> to vector<32x256xf32>
    %ge3A_483 = arith.constant 256 : i32
    %ge3A_484 = vector.broadcast %ge3A_483 : i32 to vector<32x1xi32>
    %ge3A_485 = arith.cmpi sge, %broadcast_in_dim3A_240, %ge3A_484 : vector<32x1xi32>
    %select_n3A_486 = arith.select %ge3A_485, %broadcast_in_dim3A_33, %broadcast_in_dim3A_240 : vector<32x1xi1>, vector<32x1xi32>
    %eq3A_487 = vector.broadcast %select_n3A_486 : vector<32x1xi32> to vector<32x256xi32>
    %eq3A_488 = arith.cmpi eq, %iota3A, %eq3A_487 : vector<32x256xi32>
    %convert_element_type3A_489 = arith.extui %eq3A_488 : vector<32x256xi1> to vector<32x256xi32>
    %convert_element_type3A_490 = arith.sitofp %convert_element_type3A_489 : vector<32x256xi32> to vector<32x256xf32>
    %ge3A_491 = arith.constant 256 : i32
    %ge3A_492 = vector.broadcast %ge3A_491 : i32 to vector<32x1xi32>
    %ge3A_493 = arith.cmpi sge, %broadcast_in_dim3A_248, %ge3A_492 : vector<32x1xi32>
    %select_n3A_494 = arith.select %ge3A_493, %broadcast_in_dim3A_33, %broadcast_in_dim3A_248 : vector<32x1xi1>, vector<32x1xi32>
    %eq3A_495 = vector.broadcast %select_n3A_494 : vector<32x1xi32> to vector<32x256xi32>
    %eq3A_496 = arith.cmpi eq, %iota3A, %eq3A_495 : vector<32x256xi32>
    %convert_element_type3A_497 = arith.extui %eq3A_496 : vector<32x256xi1> to vector<32x256xi32>
    %convert_element_type3A_498 = arith.sitofp %convert_element_type3A_497 : vector<32x256xi32> to vector<32x256xf32>
    %ge3A_499 = arith.constant 256 : i32
    %ge3A_500 = vector.broadcast %ge3A_499 : i32 to vector<32x1xi32>
    %ge3A_501 = arith.cmpi sge, %broadcast_in_dim3A_256, %ge3A_500 : vector<32x1xi32>
    %select_n3A_502 = arith.select %ge3A_501, %broadcast_in_dim3A_33, %broadcast_in_dim3A_256 : vector<32x1xi1>, vector<32x1xi32>
    %eq3A_503 = vector.broadcast %select_n3A_502 : vector<32x1xi32> to vector<32x256xi32>
    %eq3A_504 = arith.cmpi eq, %iota3A, %eq3A_503 : vector<32x256xi32>
    %convert_element_type3A_505 = arith.extui %eq3A_504 : vector<32x256xi1> to vector<32x256xi32>
    %convert_element_type3A_506 = arith.sitofp %convert_element_type3A_505 : vector<32x256xi32> to vector<32x256xf32>
    %ge3A_507 = arith.constant 256 : i32
    %ge3A_508 = vector.broadcast %ge3A_507 : i32 to vector<32x1xi32>
    %ge3A_509 = arith.cmpi sge, %broadcast_in_dim3A_264, %ge3A_508 : vector<32x1xi32>
    %select_n3A_510 = arith.select %ge3A_509, %broadcast_in_dim3A_33, %broadcast_in_dim3A_264 : vector<32x1xi1>, vector<32x1xi32>
    %eq3A_511 = vector.broadcast %select_n3A_510 : vector<32x1xi32> to vector<32x256xi32>
    %eq3A_512 = arith.cmpi eq, %iota3A, %eq3A_511 : vector<32x256xi32>
    %convert_element_type3A_513 = arith.extui %eq3A_512 : vector<32x256xi1> to vector<32x256xi32>
    %convert_element_type3A_514 = arith.sitofp %convert_element_type3A_513 : vector<32x256xi32> to vector<32x256xf32>
    %ge3A_515 = arith.constant 256 : i32
    %ge3A_516 = vector.broadcast %ge3A_515 : i32 to vector<32x1xi32>
    %ge3A_517 = arith.cmpi sge, %broadcast_in_dim3A_272, %ge3A_516 : vector<32x1xi32>
    %select_n3A_518 = arith.select %ge3A_517, %broadcast_in_dim3A_33, %broadcast_in_dim3A_272 : vector<32x1xi1>, vector<32x1xi32>
    %eq3A_519 = vector.broadcast %select_n3A_518 : vector<32x1xi32> to vector<32x256xi32>
    %eq3A_520 = arith.cmpi eq, %iota3A, %eq3A_519 : vector<32x256xi32>
    %convert_element_type3A_521 = arith.extui %eq3A_520 : vector<32x256xi1> to vector<32x256xi32>
    %convert_element_type3A_522 = arith.sitofp %convert_element_type3A_521 : vector<32x256xi32> to vector<32x256xf32>
    %ge3A_523 = arith.constant 256 : i32
    %ge3A_524 = vector.broadcast %ge3A_523 : i32 to vector<32x1xi32>
    %ge3A_525 = arith.cmpi sge, %broadcast_in_dim3A_280, %ge3A_524 : vector<32x1xi32>
    %select_n3A_526 = arith.select %ge3A_525, %broadcast_in_dim3A_33, %broadcast_in_dim3A_280 : vector<32x1xi1>, vector<32x1xi32>
    %eq3A_527 = vector.broadcast %select_n3A_526 : vector<32x1xi32> to vector<32x256xi32>
    %eq3A_528 = arith.cmpi eq, %iota3A, %eq3A_527 : vector<32x256xi32>
    %convert_element_type3A_529 = arith.extui %eq3A_528 : vector<32x256xi1> to vector<32x256xi32>
    %convert_element_type3A_530 = arith.sitofp %convert_element_type3A_529 : vector<32x256xi32> to vector<32x256xf32>
    %concatenate3A = tpu.concatenate %convert_element_type3A_283, %convert_element_type3A_290, %convert_element_type3A_298, %convert_element_type3A_306, %convert_element_type3A_314, %convert_element_type3A_322, %convert_element_type3A_330, %convert_element_type3A_338, %convert_element_type3A_346, %convert_element_type3A_354, %convert_element_type3A_362, %convert_element_type3A_370, %convert_element_type3A_378, %convert_element_type3A_386, %convert_element_type3A_394, %convert_element_type3A_402, %convert_element_type3A_410, %convert_element_type3A_418, %convert_element_type3A_426, %convert_element_type3A_434, %convert_element_type3A_442, %convert_element_type3A_450, %convert_element_type3A_458, %convert_element_type3A_466, %convert_element_type3A_474, %convert_element_type3A_482, %convert_element_type3A_490, %convert_element_type3A_498, %convert_element_type3A_506, %convert_element_type3A_514, %convert_element_type3A_522, %convert_element_type3A_530 in 0 : vector<32x256xf32>, vector<32x256xf32>, vector<32x256xf32>, vector<32x256xf32>, vector<32x256xf32>, vector<32x256xf32>, vector<32x256xf32>, vector<32x256xf32>, vector<32x256xf32>, vector<32x256xf32>, vector<32x256xf32>, vector<32x256xf32>, vector<32x256xf32>, vector<32x256xf32>, vector<32x256xf32>, vector<32x256xf32>, vector<32x256xf32>, vector<32x256xf32>, vector<32x256xf32>, vector<32x256xf32>, vector<32x256xf32>, vector<32x256xf32>, vector<32x256xf32>, vector<32x256xf32>, vector<32x256xf32>, vector<32x256xf32>, vector<32x256xf32>, vector<32x256xf32>, vector<32x256xf32>, vector<32x256xf32>, vector<32x256xf32>, vector<32x256xf32> -> vector<1024x256xf32>
    %dot_general3A = arith.constant dense<0.000000e+00> : vector<1024x131xf32>
    %dot_general3A_531 = tpu.matmul %concatenate3A, %get3A_3, %dot_general3A {dimension_numbers = #tpu.dot_dimension_numbers<[1], [0], [0], [1], [0, 0, 1, 1], [], []>, precision = #tpu.contract_precision<fp32>, transpose_lhs_hint = false} : vector<1024x256xf32>, vector<256x131xf32>, vector<1024x131xf32> -> vector<1024x131xf32>
    %get3A_532 = arith.constant 0 : index
    %get3A_533 = arith.constant 0 : index
    %get3A_534 = vector.load %arg5[%get3A_532, %get3A_533] : memref<3x128xf32, #tpu.memory_space<vmem>>, vector<3x128xf32>
    %dot_general3A_535 = arith.constant dense<0.000000e+00> : vector<32x128xf32>
    %dot_general3A_536 = tpu.matmul %get3A_13, %get3A_534, %dot_general3A_535 {dimension_numbers = #tpu.dot_dimension_numbers<[1], [0], [0], [1], [0, 0, 1, 1], [], []>, precision = #tpu.contract_precision<fp32>, transpose_lhs_hint = false} : vector<32x3xf32>, vector<3x128xf32>, vector<32x128xf32> -> vector<32x128xf32>
    %concatenate3A_537 = tpu.concatenate %dot_general3A_536, %dot_general3A_536, %dot_general3A_536, %dot_general3A_536, %dot_general3A_536, %dot_general3A_536, %dot_general3A_536, %dot_general3A_536, %dot_general3A_536, %dot_general3A_536, %dot_general3A_536, %dot_general3A_536, %dot_general3A_536, %dot_general3A_536, %dot_general3A_536, %dot_general3A_536, %dot_general3A_536, %dot_general3A_536, %dot_general3A_536, %dot_general3A_536, %dot_general3A_536, %dot_general3A_536, %dot_general3A_536, %dot_general3A_536, %dot_general3A_536, %dot_general3A_536, %dot_general3A_536, %dot_general3A_536, %dot_general3A_536, %dot_general3A_536, %dot_general3A_536, %dot_general3A_536 in 0 : vector<32x128xf32>, vector<32x128xf32>, vector<32x128xf32>, vector<32x128xf32>, vector<32x128xf32>, vector<32x128xf32>, vector<32x128xf32>, vector<32x128xf32>, vector<32x128xf32>, vector<32x128xf32>, vector<32x128xf32>, vector<32x128xf32>, vector<32x128xf32>, vector<32x128xf32>, vector<32x128xf32>, vector<32x128xf32>, vector<32x128xf32>, vector<32x128xf32>, vector<32x128xf32>, vector<32x128xf32>, vector<32x128xf32>, vector<32x128xf32>, vector<32x128xf32>, vector<32x128xf32>, vector<32x128xf32>, vector<32x128xf32>, vector<32x128xf32>, vector<32x128xf32>, vector<32x128xf32>, vector<32x128xf32>, vector<32x128xf32>, vector<32x128xf32> -> vector<1024x128xf32>
    %get3A_538 = arith.constant 0 : index
    %get3A_539 = arith.constant 0 : index
    %get3A_540 = vector.load %arg6[%get3A_538, %get3A_539] : memref<131x128xf32, #tpu.memory_space<vmem>>, vector<131x128xf32>
    %dot_general3A_541 = arith.constant dense<0.000000e+00> : vector<1024x128xf32>
    %dot_general3A_542 = tpu.matmul %dot_general3A_531, %get3A_540, %dot_general3A_541 {dimension_numbers = #tpu.dot_dimension_numbers<[1], [0], [0], [1], [0, 0, 1, 1], [], []>, transpose_lhs_hint = false} : vector<1024x131xf32>, vector<131x128xf32>, vector<1024x128xf32> -> vector<1024x128xf32>
    %sub3A_543 = arith.subf %dot_general3A_542, %concatenate3A_537 : vector<1024x128xf32>
    %max3A = arith.constant 0.000000e+00 : f32
    %max3A_544 = vector.broadcast %max3A : f32 to vector<1024x128xf32>
    %max3A_545 = arith.maximumf %sub3A_543, %max3A_544 : vector<1024x128xf32>
    %get3A_546 = arith.constant 0 : index
    %get3A_547 = arith.constant 0 : index
    %get3A_548 = vector.load %arg7[%get3A_546, %get3A_547] : memref<128x128xf32, #tpu.memory_space<vmem>>, vector<128x128xf32>
    %dot_general3A_549 = arith.constant dense<0.000000e+00> : vector<1024x128xf32>
    %dot_general3A_550 = tpu.matmul %max3A_545, %get3A_548, %dot_general3A_549 {dimension_numbers = #tpu.dot_dimension_numbers<[1], [0], [0], [1], [0, 0, 1, 1], [], []>, transpose_lhs_hint = false} : vector<1024x128xf32>, vector<128x128xf32>, vector<1024x128xf32> -> vector<1024x128xf32>
    %max3A_551 = arith.constant 0.000000e+00 : f32
    %max3A_552 = vector.broadcast %max3A_551 : f32 to vector<1024x128xf32>
    %max3A_553 = arith.maximumf %dot_general3A_550, %max3A_552 : vector<1024x128xf32>
    %get3A_554 = arith.constant 0 : index
    %get3A_555 = arith.constant 0 : index
    %get3A_556 = vector.load %arg8[%get3A_554, %get3A_555] : memref<128x256xf32, #tpu.memory_space<vmem>>, vector<128x256xf32>
    %dot_general3A_557 = arith.constant dense<0.000000e+00> : vector<1024x256xf32>
    %dot_general3A_558 = tpu.matmul %max3A_553, %get3A_556, %dot_general3A_557 {dimension_numbers = #tpu.dot_dimension_numbers<[1], [0], [0], [1], [0, 0, 1, 1], [], []>, transpose_lhs_hint = false} : vector<1024x128xf32>, vector<128x256xf32>, vector<1024x256xf32> -> vector<1024x256xf32>
    %max3A_559 = arith.constant 0.000000e+00 : f32
    %max3A_560 = vector.broadcast %max3A_559 : f32 to vector<1024x256xf32>
    %max3A_561 = arith.maximumf %dot_general3A_558, %max3A_560 : vector<1024x256xf32>
    %slice3A_562 = vector.extract_strided_slice %max3A_561 {offsets = [0, 0], sizes = [32, 256], strides = [1, 1]} : vector<1024x256xf32> to vector<32x256xf32>
    %slice3A_563 = vector.extract_strided_slice %max3A_561 {offsets = [32, 0], sizes = [32, 256], strides = [1, 1]} : vector<1024x256xf32> to vector<32x256xf32>
    %max3A_564 = arith.maximumf %slice3A_562, %slice3A_563 : vector<32x256xf32>
    %slice3A_565 = vector.extract_strided_slice %max3A_561 {offsets = [64, 0], sizes = [32, 256], strides = [1, 1]} : vector<1024x256xf32> to vector<32x256xf32>
    %max3A_566 = arith.maximumf %max3A_564, %slice3A_565 : vector<32x256xf32>
    %slice3A_567 = vector.extract_strided_slice %max3A_561 {offsets = [96, 0], sizes = [32, 256], strides = [1, 1]} : vector<1024x256xf32> to vector<32x256xf32>
    %max3A_568 = arith.maximumf %max3A_566, %slice3A_567 : vector<32x256xf32>
    %slice3A_569 = vector.extract_strided_slice %max3A_561 {offsets = [128, 0], sizes = [32, 256], strides = [1, 1]} : vector<1024x256xf32> to vector<32x256xf32>
    %max3A_570 = arith.maximumf %max3A_568, %slice3A_569 : vector<32x256xf32>
    %slice3A_571 = vector.extract_strided_slice %max3A_561 {offsets = [160, 0], sizes = [32, 256], strides = [1, 1]} : vector<1024x256xf32> to vector<32x256xf32>
    %max3A_572 = arith.maximumf %max3A_570, %slice3A_571 : vector<32x256xf32>
    %slice3A_573 = vector.extract_strided_slice %max3A_561 {offsets = [192, 0], sizes = [32, 256], strides = [1, 1]} : vector<1024x256xf32> to vector<32x256xf32>
    %max3A_574 = arith.maximumf %max3A_572, %slice3A_573 : vector<32x256xf32>
    %slice3A_575 = vector.extract_strided_slice %max3A_561 {offsets = [224, 0], sizes = [32, 256], strides = [1, 1]} : vector<1024x256xf32> to vector<32x256xf32>
    %max3A_576 = arith.maximumf %max3A_574, %slice3A_575 : vector<32x256xf32>
    %slice3A_577 = vector.extract_strided_slice %max3A_561 {offsets = [256, 0], sizes = [32, 256], strides = [1, 1]} : vector<1024x256xf32> to vector<32x256xf32>
    %max3A_578 = arith.maximumf %max3A_576, %slice3A_577 : vector<32x256xf32>
    %slice3A_579 = vector.extract_strided_slice %max3A_561 {offsets = [288, 0], sizes = [32, 256], strides = [1, 1]} : vector<1024x256xf32> to vector<32x256xf32>
    %max3A_580 = arith.maximumf %max3A_578, %slice3A_579 : vector<32x256xf32>
    %slice3A_581 = vector.extract_strided_slice %max3A_561 {offsets = [320, 0], sizes = [32, 256], strides = [1, 1]} : vector<1024x256xf32> to vector<32x256xf32>
    %max3A_582 = arith.maximumf %max3A_580, %slice3A_581 : vector<32x256xf32>
    %slice3A_583 = vector.extract_strided_slice %max3A_561 {offsets = [352, 0], sizes = [32, 256], strides = [1, 1]} : vector<1024x256xf32> to vector<32x256xf32>
    %max3A_584 = arith.maximumf %max3A_582, %slice3A_583 : vector<32x256xf32>
    %slice3A_585 = vector.extract_strided_slice %max3A_561 {offsets = [384, 0], sizes = [32, 256], strides = [1, 1]} : vector<1024x256xf32> to vector<32x256xf32>
    %max3A_586 = arith.maximumf %max3A_584, %slice3A_585 : vector<32x256xf32>
    %slice3A_587 = vector.extract_strided_slice %max3A_561 {offsets = [416, 0], sizes = [32, 256], strides = [1, 1]} : vector<1024x256xf32> to vector<32x256xf32>
    %max3A_588 = arith.maximumf %max3A_586, %slice3A_587 : vector<32x256xf32>
    %slice3A_589 = vector.extract_strided_slice %max3A_561 {offsets = [448, 0], sizes = [32, 256], strides = [1, 1]} : vector<1024x256xf32> to vector<32x256xf32>
    %max3A_590 = arith.maximumf %max3A_588, %slice3A_589 : vector<32x256xf32>
    %slice3A_591 = vector.extract_strided_slice %max3A_561 {offsets = [480, 0], sizes = [32, 256], strides = [1, 1]} : vector<1024x256xf32> to vector<32x256xf32>
    %max3A_592 = arith.maximumf %max3A_590, %slice3A_591 : vector<32x256xf32>
    %slice3A_593 = vector.extract_strided_slice %max3A_561 {offsets = [512, 0], sizes = [32, 256], strides = [1, 1]} : vector<1024x256xf32> to vector<32x256xf32>
    %max3A_594 = arith.maximumf %max3A_592, %slice3A_593 : vector<32x256xf32>
    %slice3A_595 = vector.extract_strided_slice %max3A_561 {offsets = [544, 0], sizes = [32, 256], strides = [1, 1]} : vector<1024x256xf32> to vector<32x256xf32>
    %max3A_596 = arith.maximumf %max3A_594, %slice3A_595 : vector<32x256xf32>
    %slice3A_597 = vector.extract_strided_slice %max3A_561 {offsets = [576, 0], sizes = [32, 256], strides = [1, 1]} : vector<1024x256xf32> to vector<32x256xf32>
    %max3A_598 = arith.maximumf %max3A_596, %slice3A_597 : vector<32x256xf32>
    %slice3A_599 = vector.extract_strided_slice %max3A_561 {offsets = [608, 0], sizes = [32, 256], strides = [1, 1]} : vector<1024x256xf32> to vector<32x256xf32>
    %max3A_600 = arith.maximumf %max3A_598, %slice3A_599 : vector<32x256xf32>
    %slice3A_601 = vector.extract_strided_slice %max3A_561 {offsets = [640, 0], sizes = [32, 256], strides = [1, 1]} : vector<1024x256xf32> to vector<32x256xf32>
    %max3A_602 = arith.maximumf %max3A_600, %slice3A_601 : vector<32x256xf32>
    %slice3A_603 = vector.extract_strided_slice %max3A_561 {offsets = [672, 0], sizes = [32, 256], strides = [1, 1]} : vector<1024x256xf32> to vector<32x256xf32>
    %max3A_604 = arith.maximumf %max3A_602, %slice3A_603 : vector<32x256xf32>
    %slice3A_605 = vector.extract_strided_slice %max3A_561 {offsets = [704, 0], sizes = [32, 256], strides = [1, 1]} : vector<1024x256xf32> to vector<32x256xf32>
    %max3A_606 = arith.maximumf %max3A_604, %slice3A_605 : vector<32x256xf32>
    %slice3A_607 = vector.extract_strided_slice %max3A_561 {offsets = [736, 0], sizes = [32, 256], strides = [1, 1]} : vector<1024x256xf32> to vector<32x256xf32>
    %max3A_608 = arith.maximumf %max3A_606, %slice3A_607 : vector<32x256xf32>
    %slice3A_609 = vector.extract_strided_slice %max3A_561 {offsets = [768, 0], sizes = [32, 256], strides = [1, 1]} : vector<1024x256xf32> to vector<32x256xf32>
    %max3A_610 = arith.maximumf %max3A_608, %slice3A_609 : vector<32x256xf32>
    %slice3A_611 = vector.extract_strided_slice %max3A_561 {offsets = [800, 0], sizes = [32, 256], strides = [1, 1]} : vector<1024x256xf32> to vector<32x256xf32>
    %max3A_612 = arith.maximumf %max3A_610, %slice3A_611 : vector<32x256xf32>
    %slice3A_613 = vector.extract_strided_slice %max3A_561 {offsets = [832, 0], sizes = [32, 256], strides = [1, 1]} : vector<1024x256xf32> to vector<32x256xf32>
    %max3A_614 = arith.maximumf %max3A_612, %slice3A_613 : vector<32x256xf32>
    %slice3A_615 = vector.extract_strided_slice %max3A_561 {offsets = [864, 0], sizes = [32, 256], strides = [1, 1]} : vector<1024x256xf32> to vector<32x256xf32>
    %max3A_616 = arith.maximumf %max3A_614, %slice3A_615 : vector<32x256xf32>
    %slice3A_617 = vector.extract_strided_slice %max3A_561 {offsets = [896, 0], sizes = [32, 256], strides = [1, 1]} : vector<1024x256xf32> to vector<32x256xf32>
    %max3A_618 = arith.maximumf %max3A_616, %slice3A_617 : vector<32x256xf32>
    %slice3A_619 = vector.extract_strided_slice %max3A_561 {offsets = [928, 0], sizes = [32, 256], strides = [1, 1]} : vector<1024x256xf32> to vector<32x256xf32>
    %max3A_620 = arith.maximumf %max3A_618, %slice3A_619 : vector<32x256xf32>
    %slice3A_621 = vector.extract_strided_slice %max3A_561 {offsets = [960, 0], sizes = [32, 256], strides = [1, 1]} : vector<1024x256xf32> to vector<32x256xf32>
    %max3A_622 = arith.maximumf %max3A_620, %slice3A_621 : vector<32x256xf32>
    %slice3A_623 = vector.extract_strided_slice %max3A_561 {offsets = [992, 0], sizes = [32, 256], strides = [1, 1]} : vector<1024x256xf32> to vector<32x256xf32>
    %max3A_624 = arith.maximumf %max3A_622, %slice3A_623 : vector<32x256xf32>
    %swap3A = arith.constant 0 : index
    %swap3A_625 = arith.constant 0 : index
    %swap3A_626 = arith.constant 0 : index
    %swap3A_627 = vector.load %arg9[%swap3A, %swap3A_625, %swap3A_626] : memref<1x32x256xf32, #tpu.memory_space<vmem>>, vector<1x32x256xf32>
    %swap3A_628 = vector.shape_cast %swap3A_627 : vector<1x32x256xf32> to vector<32x256xf32>
    %swap3A_629 = vector.shape_cast %max3A_624 : vector<32x256xf32> to vector<1x32x256xf32>
    tpu.vector_store %arg9[%swap3A, %swap3A_625, %swap3A_626], %swap3A_629 {strides = array<i32>} : memref<1x32x256xf32, #tpu.memory_space<vmem>>, vector<1x32x256xf32>,
    return
  }
  func.func @transform_0(%arg0: i32, %arg1: i32) -> (i32, i32, i32) {
    %c0_i32 = arith.constant 0 : i32
    %c0_i32_0 = arith.constant 0 : i32
    %c0_i32_1 = arith.constant 0 : i32
    return %arg0, %c0_i32, %c0_i32_0 : i32, i32, i32
  }
  func.func @transform_1(%arg0: i32, %arg1: i32) -> (i32, i32, i32) {
    %c0_i32 = arith.constant 0 : i32
    %c0_i32_0 = arith.constant 0 : i32
    %c0_i32_1 = arith.constant 0 : i32
    return %arg0, %c0_i32, %c0_i32_0 : i32, i32, i32
  }
  func.func @transform_2(%arg0: i32, %arg1: i32) -> (i32, i32, i32) {
    %c0_i32 = arith.constant 0 : i32
    %c0_i32_0 = arith.constant 0 : i32
    return %arg0, %arg1, %c0_i32 : i32, i32, i32
  }
  func.func @transform_3(%arg0: i32, %arg1: i32) -> (i32, i32) {
    %c0_i32 = arith.constant 0 : i32
    %c0_i32_0 = arith.constant 0 : i32
    %c0_i32_1 = arith.constant 0 : i32
    return %c0_i32, %c0_i32_0 : i32, i32
  }
  func.func @transform_4(%arg0: i32, %arg1: i32) -> (i32, i32) {
    %c0_i32 = arith.constant 0 : i32
    %c0_i32_0 = arith.constant 0 : i32
    %c0_i32_1 = arith.constant 0 : i32
    return %c0_i32, %c0_i32_0 : i32, i32
  }
  func.func @transform_5(%arg0: i32, %arg1: i32) -> (i32, i32) {
    %c0_i32 = arith.constant 0 : i32
    %c0_i32_0 = arith.constant 0 : i32
    %c0_i32_1 = arith.constant 0 : i32
    return %c0_i32, %c0_i32_0 : i32, i32
  }
  func.func @transform_6(%arg0: i32, %arg1: i32) -> (i32, i32) {
    %c0_i32 = arith.constant 0 : i32
    %c0_i32_0 = arith.constant 0 : i32
    %c0_i32_1 = arith.constant 0 : i32
    return %c0_i32, %c0_i32_0 : i32, i32
  }
  func.func @transform_7(%arg0: i32, %arg1: i32) -> (i32, i32, i32) {
    %c0_i32 = arith.constant 0 : i32
    %c0_i32_0 = arith.constant 0 : i32
    return %arg0, %arg1, %c0_i32 : i32, i32, i32
  }
}

module attributes {stable_mosaic.version = 14 : i64} {
  func.func @_sa_body(%arg0: i32, %arg1: i32, %arg2: memref<1x128x259xf32, #tpu.memory_space<vmem>>, %arg3: memref<1x3x128xf32, #tpu.memory_space<vmem>>, %arg4: memref<1x32x3xf32, #tpu.memory_space<vmem>>, %arg5: memref<3x256xf32, #tpu.memory_space<vmem>>, %arg6: memref<259x256xf32, #tpu.memory_space<vmem>>, %arg7: memref<256x256xf32, #tpu.memory_space<vmem>>, %arg8: memref<256x512xf32, #tpu.memory_space<vmem>>, %arg9: memref<1x32x512xf32, #tpu.memory_space<vmem>>) attributes {dimension_semantics = [#tpu.dimension_semantics<arbitrary>, #tpu.dimension_semantics<arbitrary>], iteration_bounds = array<i64: 8, 2>, scalar_prefetch = 0 : i64, scratch_operands = 0 : i64, tpu.core_type = #tpu.core_type<tc>, window_params = [{transform_indices = @transform_0, window_bounds = array<i64: 1, 128, 259>}, {transform_indices = @transform_1, window_bounds = array<i64: 1, 3, 128>}, {transform_indices = @transform_2, window_bounds = array<i64: 1, 32, 3>}, {pipeline_mode = #tpu.pipeline_mode<synchronous>, transform_indices = @transform_3, window_bounds = array<i64: 3, 256>}, {pipeline_mode = #tpu.pipeline_mode<synchronous>, transform_indices = @transform_4, window_bounds = array<i64: 259, 256>}, {pipeline_mode = #tpu.pipeline_mode<synchronous>, transform_indices = @transform_5, window_bounds = array<i64: 256, 256>}, {pipeline_mode = #tpu.pipeline_mode<synchronous>, transform_indices = @transform_6, window_bounds = array<i64: 256, 512>}, {transform_indices = @transform_7, window_bounds = array<i64: 1, 32, 512>}]} {
    %get3A = arith.constant 0 : index
    %get3A_0 = arith.constant 0 : index
    %get3A_1 = arith.constant 0 : index
    %get3A_2 = vector.load %arg2[%get3A, %get3A_0, %get3A_1] : memref<1x128x259xf32, #tpu.memory_space<vmem>>, vector<1x128x259xf32>
    %get3A_3 = vector.shape_cast %get3A_2 : vector<1x128x259xf32> to vector<128x259xf32>
    %get3A_4 = arith.constant 0 : index
    %get3A_5 = arith.constant 0 : index
    %get3A_6 = arith.constant 0 : index
    %get3A_7 = vector.load %arg3[%get3A_4, %get3A_5, %get3A_6] : memref<1x3x128xf32, #tpu.memory_space<vmem>>, vector<1x3x128xf32>
    %get3A_8 = vector.shape_cast %get3A_7 : vector<1x3x128xf32> to vector<3x128xf32>
    %get3A_9 = arith.constant 0 : index
    %get3A_10 = arith.constant 0 : index
    %get3A_11 = arith.constant 0 : index
    %get3A_12 = vector.load %arg4[%get3A_9, %get3A_10, %get3A_11] : memref<1x32x3xf32, #tpu.memory_space<vmem>>, vector<1x32x3xf32>
    %get3A_13 = vector.shape_cast %get3A_12 : vector<1x32x3xf32> to vector<32x3xf32>
    %iota3A = tpu.iota {dimensions = array<i32: 1>} : vector<32x128xi32>
    %slice3A = vector.extract_strided_slice %get3A_13 {offsets = [0, 0], sizes = [32, 1], strides = [1, 1]} : vector<32x3xf32> to vector<32x1xf32>
    %slice3A_14 = vector.extract_strided_slice %get3A_8 {offsets = [0, 0], sizes = [1, 128], strides = [1, 1]} : vector<3x128xf32> to vector<1x128xf32>
    %sub3A = vector.broadcast %slice3A : vector<32x1xf32> to vector<32x128xf32>
    %sub3A_15 = vector.broadcast %slice3A_14 : vector<1x128xf32> to vector<32x128xf32>
    %sub3A_16 = arith.subf %sub3A, %sub3A_15 : vector<32x128xf32>
    %mul3A = arith.mulf %sub3A_16, %sub3A_16 : vector<32x128xf32>
    %slice3A_17 = vector.extract_strided_slice %get3A_13 {offsets = [0, 1], sizes = [32, 1], strides = [1, 1]} : vector<32x3xf32> to vector<32x1xf32>
    %slice3A_18 = vector.extract_strided_slice %get3A_8 {offsets = [1, 0], sizes = [1, 128], strides = [1, 1]} : vector<3x128xf32> to vector<1x128xf32>
    %sub3A_19 = vector.broadcast %slice3A_17 : vector<32x1xf32> to vector<32x128xf32>
    %sub3A_20 = vector.broadcast %slice3A_18 : vector<1x128xf32> to vector<32x128xf32>
    %sub3A_21 = arith.subf %sub3A_19, %sub3A_20 : vector<32x128xf32>
    %mul3A_22 = arith.mulf %sub3A_21, %sub3A_21 : vector<32x128xf32>
    %add3A = arith.addf %mul3A, %mul3A_22 : vector<32x128xf32>
    %slice3A_23 = vector.extract_strided_slice %get3A_13 {offsets = [0, 2], sizes = [32, 1], strides = [1, 1]} : vector<32x3xf32> to vector<32x1xf32>
    %slice3A_24 = vector.extract_strided_slice %get3A_8 {offsets = [2, 0], sizes = [1, 128], strides = [1, 1]} : vector<3x128xf32> to vector<1x128xf32>
    %sub3A_25 = vector.broadcast %slice3A_23 : vector<32x1xf32> to vector<32x128xf32>
    %sub3A_26 = vector.broadcast %slice3A_24 : vector<1x128xf32> to vector<32x128xf32>
    %sub3A_27 = arith.subf %sub3A_25, %sub3A_26 : vector<32x128xf32>
    %mul3A_28 = arith.mulf %sub3A_27, %sub3A_27 : vector<32x128xf32>
    %add3A_29 = arith.addf %add3A, %mul3A_28 : vector<32x128xf32>
    %lt3A = arith.constant 1.600000e-01 : f32
    %lt3A_30 = vector.broadcast %lt3A : f32 to vector<32x128xf32>
    %lt3A_31 = arith.cmpf olt, %add3A_29, %lt3A_30 : vector<32x128xf32>
    %jit3A = arith.constant 128 : i32
    %broadcast_in_dim3A = vector.broadcast %jit3A : i32 to vector<32x128xi32>
    %select_n3A = arith.select %lt3A_31, %iota3A, %broadcast_in_dim3A : vector<32x128xi1>, vector<32x128xi32>
    %reduce_min3A = arith.constant dense<2147483647> : vector<32xi32>
    %reduce_min3A_32 = vector.multi_reduction <minsi>, %select_n3A, %reduce_min3A [1] : vector<32x128xi32> to vector<32xi32>
    %broadcast_in_dim3A_33 = vector.shape_cast %reduce_min3A_32 : vector<32xi32> to vector<32x1xi32>
    %eq3A = vector.broadcast %broadcast_in_dim3A_33 : vector<32x1xi32> to vector<32x128xi32>
    %eq3A_34 = arith.cmpi eq, %select_n3A, %eq3A : vector<32x128xi32>
    %jit3A_35 = arith.constant 129 : i32
    %broadcast_in_dim3A_36 = vector.broadcast %jit3A_35 : i32 to vector<32x128xi32>
    %select_n3A_37 = arith.select %eq3A_34, %broadcast_in_dim3A_36, %select_n3A : vector<32x128xi1>, vector<32x128xi32>
    %reduce_min3A_38 = arith.constant dense<2147483647> : vector<32xi32>
    %reduce_min3A_39 = vector.multi_reduction <minsi>, %select_n3A_37, %reduce_min3A_38 [1] : vector<32x128xi32> to vector<32xi32>
    %broadcast_in_dim3A_40 = vector.shape_cast %reduce_min3A_39 : vector<32xi32> to vector<32x1xi32>
    %eq3A_41 = vector.broadcast %broadcast_in_dim3A_40 : vector<32x1xi32> to vector<32x128xi32>
    %eq3A_42 = arith.cmpi eq, %select_n3A_37, %eq3A_41 : vector<32x128xi32>
    %jit3A_43 = arith.constant 129 : i32
    %broadcast_in_dim3A_44 = vector.broadcast %jit3A_43 : i32 to vector<32x128xi32>
    %select_n3A_45 = arith.select %eq3A_42, %broadcast_in_dim3A_44, %select_n3A_37 : vector<32x128xi1>, vector<32x128xi32>
    %reduce_min3A_46 = arith.constant dense<2147483647> : vector<32xi32>
    %reduce_min3A_47 = vector.multi_reduction <minsi>, %select_n3A_45, %reduce_min3A_46 [1] : vector<32x128xi32> to vector<32xi32>
    %broadcast_in_dim3A_48 = vector.shape_cast %reduce_min3A_47 : vector<32xi32> to vector<32x1xi32>
    %eq3A_49 = vector.broadcast %broadcast_in_dim3A_48 : vector<32x1xi32> to vector<32x128xi32>
    %eq3A_50 = arith.cmpi eq, %select_n3A_45, %eq3A_49 : vector<32x128xi32>
    %jit3A_51 = arith.constant 129 : i32
    %broadcast_in_dim3A_52 = vector.broadcast %jit3A_51 : i32 to vector<32x128xi32>
    %select_n3A_53 = arith.select %eq3A_50, %broadcast_in_dim3A_52, %select_n3A_45 : vector<32x128xi1>, vector<32x128xi32>
    %reduce_min3A_54 = arith.constant dense<2147483647> : vector<32xi32>
    %reduce_min3A_55 = vector.multi_reduction <minsi>, %select_n3A_53, %reduce_min3A_54 [1] : vector<32x128xi32> to vector<32xi32>
    %broadcast_in_dim3A_56 = vector.shape_cast %reduce_min3A_55 : vector<32xi32> to vector<32x1xi32>
    %eq3A_57 = vector.broadcast %broadcast_in_dim3A_56 : vector<32x1xi32> to vector<32x128xi32>
    %eq3A_58 = arith.cmpi eq, %select_n3A_53, %eq3A_57 : vector<32x128xi32>
    %jit3A_59 = arith.constant 129 : i32
    %broadcast_in_dim3A_60 = vector.broadcast %jit3A_59 : i32 to vector<32x128xi32>
    %select_n3A_61 = arith.select %eq3A_58, %broadcast_in_dim3A_60, %select_n3A_53 : vector<32x128xi1>, vector<32x128xi32>
    %reduce_min3A_62 = arith.constant dense<2147483647> : vector<32xi32>
    %reduce_min3A_63 = vector.multi_reduction <minsi>, %select_n3A_61, %reduce_min3A_62 [1] : vector<32x128xi32> to vector<32xi32>
    %broadcast_in_dim3A_64 = vector.shape_cast %reduce_min3A_63 : vector<32xi32> to vector<32x1xi32>
    %eq3A_65 = vector.broadcast %broadcast_in_dim3A_64 : vector<32x1xi32> to vector<32x128xi32>
    %eq3A_66 = arith.cmpi eq, %select_n3A_61, %eq3A_65 : vector<32x128xi32>
    %jit3A_67 = arith.constant 129 : i32
    %broadcast_in_dim3A_68 = vector.broadcast %jit3A_67 : i32 to vector<32x128xi32>
    %select_n3A_69 = arith.select %eq3A_66, %broadcast_in_dim3A_68, %select_n3A_61 : vector<32x128xi1>, vector<32x128xi32>
    %reduce_min3A_70 = arith.constant dense<2147483647> : vector<32xi32>
    %reduce_min3A_71 = vector.multi_reduction <minsi>, %select_n3A_69, %reduce_min3A_70 [1] : vector<32x128xi32> to vector<32xi32>
    %broadcast_in_dim3A_72 = vector.shape_cast %reduce_min3A_71 : vector<32xi32> to vector<32x1xi32>
    %eq3A_73 = vector.broadcast %broadcast_in_dim3A_72 : vector<32x1xi32> to vector<32x128xi32>
    %eq3A_74 = arith.cmpi eq, %select_n3A_69, %eq3A_73 : vector<32x128xi32>
    %jit3A_75 = arith.constant 129 : i32
    %broadcast_in_dim3A_76 = vector.broadcast %jit3A_75 : i32 to vector<32x128xi32>
    %select_n3A_77 = arith.select %eq3A_74, %broadcast_in_dim3A_76, %select_n3A_69 : vector<32x128xi1>, vector<32x128xi32>
    %reduce_min3A_78 = arith.constant dense<2147483647> : vector<32xi32>
    %reduce_min3A_79 = vector.multi_reduction <minsi>, %select_n3A_77, %reduce_min3A_78 [1] : vector<32x128xi32> to vector<32xi32>
    %broadcast_in_dim3A_80 = vector.shape_cast %reduce_min3A_79 : vector<32xi32> to vector<32x1xi32>
    %eq3A_81 = vector.broadcast %broadcast_in_dim3A_80 : vector<32x1xi32> to vector<32x128xi32>
    %eq3A_82 = arith.cmpi eq, %select_n3A_77, %eq3A_81 : vector<32x128xi32>
    %jit3A_83 = arith.constant 129 : i32
    %broadcast_in_dim3A_84 = vector.broadcast %jit3A_83 : i32 to vector<32x128xi32>
    %select_n3A_85 = arith.select %eq3A_82, %broadcast_in_dim3A_84, %select_n3A_77 : vector<32x128xi1>, vector<32x128xi32>
    %reduce_min3A_86 = arith.constant dense<2147483647> : vector<32xi32>
    %reduce_min3A_87 = vector.multi_reduction <minsi>, %select_n3A_85, %reduce_min3A_86 [1] : vector<32x128xi32> to vector<32xi32>
    %broadcast_in_dim3A_88 = vector.shape_cast %reduce_min3A_87 : vector<32xi32> to vector<32x1xi32>
    %eq3A_89 = vector.broadcast %broadcast_in_dim3A_88 : vector<32x1xi32> to vector<32x128xi32>
    %eq3A_90 = arith.cmpi eq, %select_n3A_85, %eq3A_89 : vector<32x128xi32>
    %jit3A_91 = arith.constant 129 : i32
    %broadcast_in_dim3A_92 = vector.broadcast %jit3A_91 : i32 to vector<32x128xi32>
    %select_n3A_93 = arith.select %eq3A_90, %broadcast_in_dim3A_92, %select_n3A_85 : vector<32x128xi1>, vector<32x128xi32>
    %reduce_min3A_94 = arith.constant dense<2147483647> : vector<32xi32>
    %reduce_min3A_95 = vector.multi_reduction <minsi>, %select_n3A_93, %reduce_min3A_94 [1] : vector<32x128xi32> to vector<32xi32>
    %broadcast_in_dim3A_96 = vector.shape_cast %reduce_min3A_95 : vector<32xi32> to vector<32x1xi32>
    %eq3A_97 = vector.broadcast %broadcast_in_dim3A_96 : vector<32x1xi32> to vector<32x128xi32>
    %eq3A_98 = arith.cmpi eq, %select_n3A_93, %eq3A_97 : vector<32x128xi32>
    %jit3A_99 = arith.constant 129 : i32
    %broadcast_in_dim3A_100 = vector.broadcast %jit3A_99 : i32 to vector<32x128xi32>
    %select_n3A_101 = arith.select %eq3A_98, %broadcast_in_dim3A_100, %select_n3A_93 : vector<32x128xi1>, vector<32x128xi32>
    %reduce_min3A_102 = arith.constant dense<2147483647> : vector<32xi32>
    %reduce_min3A_103 = vector.multi_reduction <minsi>, %select_n3A_101, %reduce_min3A_102 [1] : vector<32x128xi32> to vector<32xi32>
    %broadcast_in_dim3A_104 = vector.shape_cast %reduce_min3A_103 : vector<32xi32> to vector<32x1xi32>
    %eq3A_105 = vector.broadcast %broadcast_in_dim3A_104 : vector<32x1xi32> to vector<32x128xi32>
    %eq3A_106 = arith.cmpi eq, %select_n3A_101, %eq3A_105 : vector<32x128xi32>
    %jit3A_107 = arith.constant 129 : i32
    %broadcast_in_dim3A_108 = vector.broadcast %jit3A_107 : i32 to vector<32x128xi32>
    %select_n3A_109 = arith.select %eq3A_106, %broadcast_in_dim3A_108, %select_n3A_101 : vector<32x128xi1>, vector<32x128xi32>
    %reduce_min3A_110 = arith.constant dense<2147483647> : vector<32xi32>
    %reduce_min3A_111 = vector.multi_reduction <minsi>, %select_n3A_109, %reduce_min3A_110 [1] : vector<32x128xi32> to vector<32xi32>
    %broadcast_in_dim3A_112 = vector.shape_cast %reduce_min3A_111 : vector<32xi32> to vector<32x1xi32>
    %eq3A_113 = vector.broadcast %broadcast_in_dim3A_112 : vector<32x1xi32> to vector<32x128xi32>
    %eq3A_114 = arith.cmpi eq, %select_n3A_109, %eq3A_113 : vector<32x128xi32>
    %jit3A_115 = arith.constant 129 : i32
    %broadcast_in_dim3A_116 = vector.broadcast %jit3A_115 : i32 to vector<32x128xi32>
    %select_n3A_117 = arith.select %eq3A_114, %broadcast_in_dim3A_116, %select_n3A_109 : vector<32x128xi1>, vector<32x128xi32>
    %reduce_min3A_118 = arith.constant dense<2147483647> : vector<32xi32>
    %reduce_min3A_119 = vector.multi_reduction <minsi>, %select_n3A_117, %reduce_min3A_118 [1] : vector<32x128xi32> to vector<32xi32>
    %broadcast_in_dim3A_120 = vector.shape_cast %reduce_min3A_119 : vector<32xi32> to vector<32x1xi32>
    %eq3A_121 = vector.broadcast %broadcast_in_dim3A_120 : vector<32x1xi32> to vector<32x128xi32>
    %eq3A_122 = arith.cmpi eq, %select_n3A_117, %eq3A_121 : vector<32x128xi32>
    %jit3A_123 = arith.constant 129 : i32
    %broadcast_in_dim3A_124 = vector.broadcast %jit3A_123 : i32 to vector<32x128xi32>
    %select_n3A_125 = arith.select %eq3A_122, %broadcast_in_dim3A_124, %select_n3A_117 : vector<32x128xi1>, vector<32x128xi32>
    %reduce_min3A_126 = arith.constant dense<2147483647> : vector<32xi32>
    %reduce_min3A_127 = vector.multi_reduction <minsi>, %select_n3A_125, %reduce_min3A_126 [1] : vector<32x128xi32> to vector<32xi32>
    %broadcast_in_dim3A_128 = vector.shape_cast %reduce_min3A_127 : vector<32xi32> to vector<32x1xi32>
    %eq3A_129 = vector.broadcast %broadcast_in_dim3A_128 : vector<32x1xi32> to vector<32x128xi32>
    %eq3A_130 = arith.cmpi eq, %select_n3A_125, %eq3A_129 : vector<32x128xi32>
    %jit3A_131 = arith.constant 129 : i32
    %broadcast_in_dim3A_132 = vector.broadcast %jit3A_131 : i32 to vector<32x128xi32>
    %select_n3A_133 = arith.select %eq3A_130, %broadcast_in_dim3A_132, %select_n3A_125 : vector<32x128xi1>, vector<32x128xi32>
    %reduce_min3A_134 = arith.constant dense<2147483647> : vector<32xi32>
    %reduce_min3A_135 = vector.multi_reduction <minsi>, %select_n3A_133, %reduce_min3A_134 [1] : vector<32x128xi32> to vector<32xi32>
    %broadcast_in_dim3A_136 = vector.shape_cast %reduce_min3A_135 : vector<32xi32> to vector<32x1xi32>
    %eq3A_137 = vector.broadcast %broadcast_in_dim3A_136 : vector<32x1xi32> to vector<32x128xi32>
    %eq3A_138 = arith.cmpi eq, %select_n3A_133, %eq3A_137 : vector<32x128xi32>
    %jit3A_139 = arith.constant 129 : i32
    %broadcast_in_dim3A_140 = vector.broadcast %jit3A_139 : i32 to vector<32x128xi32>
    %select_n3A_141 = arith.select %eq3A_138, %broadcast_in_dim3A_140, %select_n3A_133 : vector<32x128xi1>, vector<32x128xi32>
    %reduce_min3A_142 = arith.constant dense<2147483647> : vector<32xi32>
    %reduce_min3A_143 = vector.multi_reduction <minsi>, %select_n3A_141, %reduce_min3A_142 [1] : vector<32x128xi32> to vector<32xi32>
    %broadcast_in_dim3A_144 = vector.shape_cast %reduce_min3A_143 : vector<32xi32> to vector<32x1xi32>
    %eq3A_145 = vector.broadcast %broadcast_in_dim3A_144 : vector<32x1xi32> to vector<32x128xi32>
    %eq3A_146 = arith.cmpi eq, %select_n3A_141, %eq3A_145 : vector<32x128xi32>
    %jit3A_147 = arith.constant 129 : i32
    %broadcast_in_dim3A_148 = vector.broadcast %jit3A_147 : i32 to vector<32x128xi32>
    %select_n3A_149 = arith.select %eq3A_146, %broadcast_in_dim3A_148, %select_n3A_141 : vector<32x128xi1>, vector<32x128xi32>
    %reduce_min3A_150 = arith.constant dense<2147483647> : vector<32xi32>
    %reduce_min3A_151 = vector.multi_reduction <minsi>, %select_n3A_149, %reduce_min3A_150 [1] : vector<32x128xi32> to vector<32xi32>
    %broadcast_in_dim3A_152 = vector.shape_cast %reduce_min3A_151 : vector<32xi32> to vector<32x1xi32>
    %eq3A_153 = vector.broadcast %broadcast_in_dim3A_152 : vector<32x1xi32> to vector<32x128xi32>
    %eq3A_154 = arith.cmpi eq, %select_n3A_149, %eq3A_153 : vector<32x128xi32>
    %jit3A_155 = arith.constant 129 : i32
    %broadcast_in_dim3A_156 = vector.broadcast %jit3A_155 : i32 to vector<32x128xi32>
    %select_n3A_157 = arith.select %eq3A_154, %broadcast_in_dim3A_156, %select_n3A_149 : vector<32x128xi1>, vector<32x128xi32>
    %reduce_min3A_158 = arith.constant dense<2147483647> : vector<32xi32>
    %reduce_min3A_159 = vector.multi_reduction <minsi>, %select_n3A_157, %reduce_min3A_158 [1] : vector<32x128xi32> to vector<32xi32>
    %broadcast_in_dim3A_160 = vector.shape_cast %reduce_min3A_159 : vector<32xi32> to vector<32x1xi32>
    %eq3A_161 = vector.broadcast %broadcast_in_dim3A_160 : vector<32x1xi32> to vector<32x128xi32>
    %eq3A_162 = arith.cmpi eq, %select_n3A_157, %eq3A_161 : vector<32x128xi32>
    %jit3A_163 = arith.constant 129 : i32
    %broadcast_in_dim3A_164 = vector.broadcast %jit3A_163 : i32 to vector<32x128xi32>
    %select_n3A_165 = arith.select %eq3A_162, %broadcast_in_dim3A_164, %select_n3A_157 : vector<32x128xi1>, vector<32x128xi32>
    %reduce_min3A_166 = arith.constant dense<2147483647> : vector<32xi32>
    %reduce_min3A_167 = vector.multi_reduction <minsi>, %select_n3A_165, %reduce_min3A_166 [1] : vector<32x128xi32> to vector<32xi32>
    %broadcast_in_dim3A_168 = vector.shape_cast %reduce_min3A_167 : vector<32xi32> to vector<32x1xi32>
    %eq3A_169 = vector.broadcast %broadcast_in_dim3A_168 : vector<32x1xi32> to vector<32x128xi32>
    %eq3A_170 = arith.cmpi eq, %select_n3A_165, %eq3A_169 : vector<32x128xi32>
    %jit3A_171 = arith.constant 129 : i32
    %broadcast_in_dim3A_172 = vector.broadcast %jit3A_171 : i32 to vector<32x128xi32>
    %select_n3A_173 = arith.select %eq3A_170, %broadcast_in_dim3A_172, %select_n3A_165 : vector<32x128xi1>, vector<32x128xi32>
    %reduce_min3A_174 = arith.constant dense<2147483647> : vector<32xi32>
    %reduce_min3A_175 = vector.multi_reduction <minsi>, %select_n3A_173, %reduce_min3A_174 [1] : vector<32x128xi32> to vector<32xi32>
    %broadcast_in_dim3A_176 = vector.shape_cast %reduce_min3A_175 : vector<32xi32> to vector<32x1xi32>
    %eq3A_177 = vector.broadcast %broadcast_in_dim3A_176 : vector<32x1xi32> to vector<32x128xi32>
    %eq3A_178 = arith.cmpi eq, %select_n3A_173, %eq3A_177 : vector<32x128xi32>
    %jit3A_179 = arith.constant 129 : i32
    %broadcast_in_dim3A_180 = vector.broadcast %jit3A_179 : i32 to vector<32x128xi32>
    %select_n3A_181 = arith.select %eq3A_178, %broadcast_in_dim3A_180, %select_n3A_173 : vector<32x128xi1>, vector<32x128xi32>
    %reduce_min3A_182 = arith.constant dense<2147483647> : vector<32xi32>
    %reduce_min3A_183 = vector.multi_reduction <minsi>, %select_n3A_181, %reduce_min3A_182 [1] : vector<32x128xi32> to vector<32xi32>
    %broadcast_in_dim3A_184 = vector.shape_cast %reduce_min3A_183 : vector<32xi32> to vector<32x1xi32>
    %eq3A_185 = vector.broadcast %broadcast_in_dim3A_184 : vector<32x1xi32> to vector<32x128xi32>
    %eq3A_186 = arith.cmpi eq, %select_n3A_181, %eq3A_185 : vector<32x128xi32>
    %jit3A_187 = arith.constant 129 : i32
    %broadcast_in_dim3A_188 = vector.broadcast %jit3A_187 : i32 to vector<32x128xi32>
    %select_n3A_189 = arith.select %eq3A_186, %broadcast_in_dim3A_188, %select_n3A_181 : vector<32x128xi1>, vector<32x128xi32>
    %reduce_min3A_190 = arith.constant dense<2147483647> : vector<32xi32>
    %reduce_min3A_191 = vector.multi_reduction <minsi>, %select_n3A_189, %reduce_min3A_190 [1] : vector<32x128xi32> to vector<32xi32>
    %broadcast_in_dim3A_192 = vector.shape_cast %reduce_min3A_191 : vector<32xi32> to vector<32x1xi32>
    %eq3A_193 = vector.broadcast %broadcast_in_dim3A_192 : vector<32x1xi32> to vector<32x128xi32>
    %eq3A_194 = arith.cmpi eq, %select_n3A_189, %eq3A_193 : vector<32x128xi32>
    %jit3A_195 = arith.constant 129 : i32
    %broadcast_in_dim3A_196 = vector.broadcast %jit3A_195 : i32 to vector<32x128xi32>
    %select_n3A_197 = arith.select %eq3A_194, %broadcast_in_dim3A_196, %select_n3A_189 : vector<32x128xi1>, vector<32x128xi32>
    %reduce_min3A_198 = arith.constant dense<2147483647> : vector<32xi32>
    %reduce_min3A_199 = vector.multi_reduction <minsi>, %select_n3A_197, %reduce_min3A_198 [1] : vector<32x128xi32> to vector<32xi32>
    %broadcast_in_dim3A_200 = vector.shape_cast %reduce_min3A_199 : vector<32xi32> to vector<32x1xi32>
    %eq3A_201 = vector.broadcast %broadcast_in_dim3A_200 : vector<32x1xi32> to vector<32x128xi32>
    %eq3A_202 = arith.cmpi eq, %select_n3A_197, %eq3A_201 : vector<32x128xi32>
    %jit3A_203 = arith.constant 129 : i32
    %broadcast_in_dim3A_204 = vector.broadcast %jit3A_203 : i32 to vector<32x128xi32>
    %select_n3A_205 = arith.select %eq3A_202, %broadcast_in_dim3A_204, %select_n3A_197 : vector<32x128xi1>, vector<32x128xi32>
    %reduce_min3A_206 = arith.constant dense<2147483647> : vector<32xi32>
    %reduce_min3A_207 = vector.multi_reduction <minsi>, %select_n3A_205, %reduce_min3A_206 [1] : vector<32x128xi32> to vector<32xi32>
    %broadcast_in_dim3A_208 = vector.shape_cast %reduce_min3A_207 : vector<32xi32> to vector<32x1xi32>
    %eq3A_209 = vector.broadcast %broadcast_in_dim3A_208 : vector<32x1xi32> to vector<32x128xi32>
    %eq3A_210 = arith.cmpi eq, %select_n3A_205, %eq3A_209 : vector<32x128xi32>
    %jit3A_211 = arith.constant 129 : i32
    %broadcast_in_dim3A_212 = vector.broadcast %jit3A_211 : i32 to vector<32x128xi32>
    %select_n3A_213 = arith.select %eq3A_210, %broadcast_in_dim3A_212, %select_n3A_205 : vector<32x128xi1>, vector<32x128xi32>
    %reduce_min3A_214 = arith.constant dense<2147483647> : vector<32xi32>
    %reduce_min3A_215 = vector.multi_reduction <minsi>, %select_n3A_213, %reduce_min3A_214 [1] : vector<32x128xi32> to vector<32xi32>
    %broadcast_in_dim3A_216 = vector.shape_cast %reduce_min3A_215 : vector<32xi32> to vector<32x1xi32>
    %eq3A_217 = vector.broadcast %broadcast_in_dim3A_216 : vector<32x1xi32> to vector<32x128xi32>
    %eq3A_218 = arith.cmpi eq, %select_n3A_213, %eq3A_217 : vector<32x128xi32>
    %jit3A_219 = arith.constant 129 : i32
    %broadcast_in_dim3A_220 = vector.broadcast %jit3A_219 : i32 to vector<32x128xi32>
    %select_n3A_221 = arith.select %eq3A_218, %broadcast_in_dim3A_220, %select_n3A_213 : vector<32x128xi1>, vector<32x128xi32>
    %reduce_min3A_222 = arith.constant dense<2147483647> : vector<32xi32>
    %reduce_min3A_223 = vector.multi_reduction <minsi>, %select_n3A_221, %reduce_min3A_222 [1] : vector<32x128xi32> to vector<32xi32>
    %broadcast_in_dim3A_224 = vector.shape_cast %reduce_min3A_223 : vector<32xi32> to vector<32x1xi32>
    %eq3A_225 = vector.broadcast %broadcast_in_dim3A_224 : vector<32x1xi32> to vector<32x128xi32>
    %eq3A_226 = arith.cmpi eq, %select_n3A_221, %eq3A_225 : vector<32x128xi32>
    %jit3A_227 = arith.constant 129 : i32
    %broadcast_in_dim3A_228 = vector.broadcast %jit3A_227 : i32 to vector<32x128xi32>
    %select_n3A_229 = arith.select %eq3A_226, %broadcast_in_dim3A_228, %select_n3A_221 : vector<32x128xi1>, vector<32x128xi32>
    %reduce_min3A_230 = arith.constant dense<2147483647> : vector<32xi32>
    %reduce_min3A_231 = vector.multi_reduction <minsi>, %select_n3A_229, %reduce_min3A_230 [1] : vector<32x128xi32> to vector<32xi32>
    %broadcast_in_dim3A_232 = vector.shape_cast %reduce_min3A_231 : vector<32xi32> to vector<32x1xi32>
    %eq3A_233 = vector.broadcast %broadcast_in_dim3A_232 : vector<32x1xi32> to vector<32x128xi32>
    %eq3A_234 = arith.cmpi eq, %select_n3A_229, %eq3A_233 : vector<32x128xi32>
    %jit3A_235 = arith.constant 129 : i32
    %broadcast_in_dim3A_236 = vector.broadcast %jit3A_235 : i32 to vector<32x128xi32>
    %select_n3A_237 = arith.select %eq3A_234, %broadcast_in_dim3A_236, %select_n3A_229 : vector<32x128xi1>, vector<32x128xi32>
    %reduce_min3A_238 = arith.constant dense<2147483647> : vector<32xi32>
    %reduce_min3A_239 = vector.multi_reduction <minsi>, %select_n3A_237, %reduce_min3A_238 [1] : vector<32x128xi32> to vector<32xi32>
    %broadcast_in_dim3A_240 = vector.shape_cast %reduce_min3A_239 : vector<32xi32> to vector<32x1xi32>
    %eq3A_241 = vector.broadcast %broadcast_in_dim3A_240 : vector<32x1xi32> to vector<32x128xi32>
    %eq3A_242 = arith.cmpi eq, %select_n3A_237, %eq3A_241 : vector<32x128xi32>
    %jit3A_243 = arith.constant 129 : i32
    %broadcast_in_dim3A_244 = vector.broadcast %jit3A_243 : i32 to vector<32x128xi32>
    %select_n3A_245 = arith.select %eq3A_242, %broadcast_in_dim3A_244, %select_n3A_237 : vector<32x128xi1>, vector<32x128xi32>
    %reduce_min3A_246 = arith.constant dense<2147483647> : vector<32xi32>
    %reduce_min3A_247 = vector.multi_reduction <minsi>, %select_n3A_245, %reduce_min3A_246 [1] : vector<32x128xi32> to vector<32xi32>
    %broadcast_in_dim3A_248 = vector.shape_cast %reduce_min3A_247 : vector<32xi32> to vector<32x1xi32>
    %eq3A_249 = vector.broadcast %broadcast_in_dim3A_248 : vector<32x1xi32> to vector<32x128xi32>
    %eq3A_250 = arith.cmpi eq, %select_n3A_245, %eq3A_249 : vector<32x128xi32>
    %jit3A_251 = arith.constant 129 : i32
    %broadcast_in_dim3A_252 = vector.broadcast %jit3A_251 : i32 to vector<32x128xi32>
    %select_n3A_253 = arith.select %eq3A_250, %broadcast_in_dim3A_252, %select_n3A_245 : vector<32x128xi1>, vector<32x128xi32>
    %reduce_min3A_254 = arith.constant dense<2147483647> : vector<32xi32>
    %reduce_min3A_255 = vector.multi_reduction <minsi>, %select_n3A_253, %reduce_min3A_254 [1] : vector<32x128xi32> to vector<32xi32>
    %broadcast_in_dim3A_256 = vector.shape_cast %reduce_min3A_255 : vector<32xi32> to vector<32x1xi32>
    %eq3A_257 = vector.broadcast %broadcast_in_dim3A_256 : vector<32x1xi32> to vector<32x128xi32>
    %eq3A_258 = arith.cmpi eq, %select_n3A_253, %eq3A_257 : vector<32x128xi32>
    %jit3A_259 = arith.constant 129 : i32
    %broadcast_in_dim3A_260 = vector.broadcast %jit3A_259 : i32 to vector<32x128xi32>
    %select_n3A_261 = arith.select %eq3A_258, %broadcast_in_dim3A_260, %select_n3A_253 : vector<32x128xi1>, vector<32x128xi32>
    %reduce_min3A_262 = arith.constant dense<2147483647> : vector<32xi32>
    %reduce_min3A_263 = vector.multi_reduction <minsi>, %select_n3A_261, %reduce_min3A_262 [1] : vector<32x128xi32> to vector<32xi32>
    %broadcast_in_dim3A_264 = vector.shape_cast %reduce_min3A_263 : vector<32xi32> to vector<32x1xi32>
    %eq3A_265 = vector.broadcast %broadcast_in_dim3A_264 : vector<32x1xi32> to vector<32x128xi32>
    %eq3A_266 = arith.cmpi eq, %select_n3A_261, %eq3A_265 : vector<32x128xi32>
    %jit3A_267 = arith.constant 129 : i32
    %broadcast_in_dim3A_268 = vector.broadcast %jit3A_267 : i32 to vector<32x128xi32>
    %select_n3A_269 = arith.select %eq3A_266, %broadcast_in_dim3A_268, %select_n3A_261 : vector<32x128xi1>, vector<32x128xi32>
    %reduce_min3A_270 = arith.constant dense<2147483647> : vector<32xi32>
    %reduce_min3A_271 = vector.multi_reduction <minsi>, %select_n3A_269, %reduce_min3A_270 [1] : vector<32x128xi32> to vector<32xi32>
    %broadcast_in_dim3A_272 = vector.shape_cast %reduce_min3A_271 : vector<32xi32> to vector<32x1xi32>
    %eq3A_273 = vector.broadcast %broadcast_in_dim3A_272 : vector<32x1xi32> to vector<32x128xi32>
    %eq3A_274 = arith.cmpi eq, %select_n3A_269, %eq3A_273 : vector<32x128xi32>
    %jit3A_275 = arith.constant 129 : i32
    %broadcast_in_dim3A_276 = vector.broadcast %jit3A_275 : i32 to vector<32x128xi32>
    %select_n3A_277 = arith.select %eq3A_274, %broadcast_in_dim3A_276, %select_n3A_269 : vector<32x128xi1>, vector<32x128xi32>
    %reduce_min3A_278 = arith.constant dense<2147483647> : vector<32xi32>
    %reduce_min3A_279 = vector.multi_reduction <minsi>, %select_n3A_277, %reduce_min3A_278 [1] : vector<32x128xi32> to vector<32xi32>
    %broadcast_in_dim3A_280 = vector.shape_cast %reduce_min3A_279 : vector<32xi32> to vector<32x1xi32>
    %eq3A_281 = vector.broadcast %broadcast_in_dim3A_33 : vector<32x1xi32> to vector<32x128xi32>
    %eq3A_282 = arith.cmpi eq, %iota3A, %eq3A_281 : vector<32x128xi32>
    %convert_element_type3A = arith.extui %eq3A_282 : vector<32x128xi1> to vector<32x128xi32>
    %convert_element_type3A_283 = arith.sitofp %convert_element_type3A : vector<32x128xi32> to vector<32x128xf32>
    %ge3A = arith.constant 128 : i32
    %ge3A_284 = vector.broadcast %ge3A : i32 to vector<32x1xi32>
    %ge3A_285 = arith.cmpi sge, %broadcast_in_dim3A_40, %ge3A_284 : vector<32x1xi32>
    %select_n3A_286 = arith.select %ge3A_285, %broadcast_in_dim3A_33, %broadcast_in_dim3A_40 : vector<32x1xi1>, vector<32x1xi32>
    %eq3A_287 = vector.broadcast %select_n3A_286 : vector<32x1xi32> to vector<32x128xi32>
    %eq3A_288 = arith.cmpi eq, %iota3A, %eq3A_287 : vector<32x128xi32>
    %convert_element_type3A_289 = arith.extui %eq3A_288 : vector<32x128xi1> to vector<32x128xi32>
    %convert_element_type3A_290 = arith.sitofp %convert_element_type3A_289 : vector<32x128xi32> to vector<32x128xf32>
    %ge3A_291 = arith.constant 128 : i32
    %ge3A_292 = vector.broadcast %ge3A_291 : i32 to vector<32x1xi32>
    %ge3A_293 = arith.cmpi sge, %broadcast_in_dim3A_48, %ge3A_292 : vector<32x1xi32>
    %select_n3A_294 = arith.select %ge3A_293, %broadcast_in_dim3A_33, %broadcast_in_dim3A_48 : vector<32x1xi1>, vector<32x1xi32>
    %eq3A_295 = vector.broadcast %select_n3A_294 : vector<32x1xi32> to vector<32x128xi32>
    %eq3A_296 = arith.cmpi eq, %iota3A, %eq3A_295 : vector<32x128xi32>
    %convert_element_type3A_297 = arith.extui %eq3A_296 : vector<32x128xi1> to vector<32x128xi32>
    %convert_element_type3A_298 = arith.sitofp %convert_element_type3A_297 : vector<32x128xi32> to vector<32x128xf32>
    %ge3A_299 = arith.constant 128 : i32
    %ge3A_300 = vector.broadcast %ge3A_299 : i32 to vector<32x1xi32>
    %ge3A_301 = arith.cmpi sge, %broadcast_in_dim3A_56, %ge3A_300 : vector<32x1xi32>
    %select_n3A_302 = arith.select %ge3A_301, %broadcast_in_dim3A_33, %broadcast_in_dim3A_56 : vector<32x1xi1>, vector<32x1xi32>
    %eq3A_303 = vector.broadcast %select_n3A_302 : vector<32x1xi32> to vector<32x128xi32>
    %eq3A_304 = arith.cmpi eq, %iota3A, %eq3A_303 : vector<32x128xi32>
    %convert_element_type3A_305 = arith.extui %eq3A_304 : vector<32x128xi1> to vector<32x128xi32>
    %convert_element_type3A_306 = arith.sitofp %convert_element_type3A_305 : vector<32x128xi32> to vector<32x128xf32>
    %ge3A_307 = arith.constant 128 : i32
    %ge3A_308 = vector.broadcast %ge3A_307 : i32 to vector<32x1xi32>
    %ge3A_309 = arith.cmpi sge, %broadcast_in_dim3A_64, %ge3A_308 : vector<32x1xi32>
    %select_n3A_310 = arith.select %ge3A_309, %broadcast_in_dim3A_33, %broadcast_in_dim3A_64 : vector<32x1xi1>, vector<32x1xi32>
    %eq3A_311 = vector.broadcast %select_n3A_310 : vector<32x1xi32> to vector<32x128xi32>
    %eq3A_312 = arith.cmpi eq, %iota3A, %eq3A_311 : vector<32x128xi32>
    %convert_element_type3A_313 = arith.extui %eq3A_312 : vector<32x128xi1> to vector<32x128xi32>
    %convert_element_type3A_314 = arith.sitofp %convert_element_type3A_313 : vector<32x128xi32> to vector<32x128xf32>
    %ge3A_315 = arith.constant 128 : i32
    %ge3A_316 = vector.broadcast %ge3A_315 : i32 to vector<32x1xi32>
    %ge3A_317 = arith.cmpi sge, %broadcast_in_dim3A_72, %ge3A_316 : vector<32x1xi32>
    %select_n3A_318 = arith.select %ge3A_317, %broadcast_in_dim3A_33, %broadcast_in_dim3A_72 : vector<32x1xi1>, vector<32x1xi32>
    %eq3A_319 = vector.broadcast %select_n3A_318 : vector<32x1xi32> to vector<32x128xi32>
    %eq3A_320 = arith.cmpi eq, %iota3A, %eq3A_319 : vector<32x128xi32>
    %convert_element_type3A_321 = arith.extui %eq3A_320 : vector<32x128xi1> to vector<32x128xi32>
    %convert_element_type3A_322 = arith.sitofp %convert_element_type3A_321 : vector<32x128xi32> to vector<32x128xf32>
    %ge3A_323 = arith.constant 128 : i32
    %ge3A_324 = vector.broadcast %ge3A_323 : i32 to vector<32x1xi32>
    %ge3A_325 = arith.cmpi sge, %broadcast_in_dim3A_80, %ge3A_324 : vector<32x1xi32>
    %select_n3A_326 = arith.select %ge3A_325, %broadcast_in_dim3A_33, %broadcast_in_dim3A_80 : vector<32x1xi1>, vector<32x1xi32>
    %eq3A_327 = vector.broadcast %select_n3A_326 : vector<32x1xi32> to vector<32x128xi32>
    %eq3A_328 = arith.cmpi eq, %iota3A, %eq3A_327 : vector<32x128xi32>
    %convert_element_type3A_329 = arith.extui %eq3A_328 : vector<32x128xi1> to vector<32x128xi32>
    %convert_element_type3A_330 = arith.sitofp %convert_element_type3A_329 : vector<32x128xi32> to vector<32x128xf32>
    %ge3A_331 = arith.constant 128 : i32
    %ge3A_332 = vector.broadcast %ge3A_331 : i32 to vector<32x1xi32>
    %ge3A_333 = arith.cmpi sge, %broadcast_in_dim3A_88, %ge3A_332 : vector<32x1xi32>
    %select_n3A_334 = arith.select %ge3A_333, %broadcast_in_dim3A_33, %broadcast_in_dim3A_88 : vector<32x1xi1>, vector<32x1xi32>
    %eq3A_335 = vector.broadcast %select_n3A_334 : vector<32x1xi32> to vector<32x128xi32>
    %eq3A_336 = arith.cmpi eq, %iota3A, %eq3A_335 : vector<32x128xi32>
    %convert_element_type3A_337 = arith.extui %eq3A_336 : vector<32x128xi1> to vector<32x128xi32>
    %convert_element_type3A_338 = arith.sitofp %convert_element_type3A_337 : vector<32x128xi32> to vector<32x128xf32>
    %ge3A_339 = arith.constant 128 : i32
    %ge3A_340 = vector.broadcast %ge3A_339 : i32 to vector<32x1xi32>
    %ge3A_341 = arith.cmpi sge, %broadcast_in_dim3A_96, %ge3A_340 : vector<32x1xi32>
    %select_n3A_342 = arith.select %ge3A_341, %broadcast_in_dim3A_33, %broadcast_in_dim3A_96 : vector<32x1xi1>, vector<32x1xi32>
    %eq3A_343 = vector.broadcast %select_n3A_342 : vector<32x1xi32> to vector<32x128xi32>
    %eq3A_344 = arith.cmpi eq, %iota3A, %eq3A_343 : vector<32x128xi32>
    %convert_element_type3A_345 = arith.extui %eq3A_344 : vector<32x128xi1> to vector<32x128xi32>
    %convert_element_type3A_346 = arith.sitofp %convert_element_type3A_345 : vector<32x128xi32> to vector<32x128xf32>
    %ge3A_347 = arith.constant 128 : i32
    %ge3A_348 = vector.broadcast %ge3A_347 : i32 to vector<32x1xi32>
    %ge3A_349 = arith.cmpi sge, %broadcast_in_dim3A_104, %ge3A_348 : vector<32x1xi32>
    %select_n3A_350 = arith.select %ge3A_349, %broadcast_in_dim3A_33, %broadcast_in_dim3A_104 : vector<32x1xi1>, vector<32x1xi32>
    %eq3A_351 = vector.broadcast %select_n3A_350 : vector<32x1xi32> to vector<32x128xi32>
    %eq3A_352 = arith.cmpi eq, %iota3A, %eq3A_351 : vector<32x128xi32>
    %convert_element_type3A_353 = arith.extui %eq3A_352 : vector<32x128xi1> to vector<32x128xi32>
    %convert_element_type3A_354 = arith.sitofp %convert_element_type3A_353 : vector<32x128xi32> to vector<32x128xf32>
    %ge3A_355 = arith.constant 128 : i32
    %ge3A_356 = vector.broadcast %ge3A_355 : i32 to vector<32x1xi32>
    %ge3A_357 = arith.cmpi sge, %broadcast_in_dim3A_112, %ge3A_356 : vector<32x1xi32>
    %select_n3A_358 = arith.select %ge3A_357, %broadcast_in_dim3A_33, %broadcast_in_dim3A_112 : vector<32x1xi1>, vector<32x1xi32>
    %eq3A_359 = vector.broadcast %select_n3A_358 : vector<32x1xi32> to vector<32x128xi32>
    %eq3A_360 = arith.cmpi eq, %iota3A, %eq3A_359 : vector<32x128xi32>
    %convert_element_type3A_361 = arith.extui %eq3A_360 : vector<32x128xi1> to vector<32x128xi32>
    %convert_element_type3A_362 = arith.sitofp %convert_element_type3A_361 : vector<32x128xi32> to vector<32x128xf32>
    %ge3A_363 = arith.constant 128 : i32
    %ge3A_364 = vector.broadcast %ge3A_363 : i32 to vector<32x1xi32>
    %ge3A_365 = arith.cmpi sge, %broadcast_in_dim3A_120, %ge3A_364 : vector<32x1xi32>
    %select_n3A_366 = arith.select %ge3A_365, %broadcast_in_dim3A_33, %broadcast_in_dim3A_120 : vector<32x1xi1>, vector<32x1xi32>
    %eq3A_367 = vector.broadcast %select_n3A_366 : vector<32x1xi32> to vector<32x128xi32>
    %eq3A_368 = arith.cmpi eq, %iota3A, %eq3A_367 : vector<32x128xi32>
    %convert_element_type3A_369 = arith.extui %eq3A_368 : vector<32x128xi1> to vector<32x128xi32>
    %convert_element_type3A_370 = arith.sitofp %convert_element_type3A_369 : vector<32x128xi32> to vector<32x128xf32>
    %ge3A_371 = arith.constant 128 : i32
    %ge3A_372 = vector.broadcast %ge3A_371 : i32 to vector<32x1xi32>
    %ge3A_373 = arith.cmpi sge, %broadcast_in_dim3A_128, %ge3A_372 : vector<32x1xi32>
    %select_n3A_374 = arith.select %ge3A_373, %broadcast_in_dim3A_33, %broadcast_in_dim3A_128 : vector<32x1xi1>, vector<32x1xi32>
    %eq3A_375 = vector.broadcast %select_n3A_374 : vector<32x1xi32> to vector<32x128xi32>
    %eq3A_376 = arith.cmpi eq, %iota3A, %eq3A_375 : vector<32x128xi32>
    %convert_element_type3A_377 = arith.extui %eq3A_376 : vector<32x128xi1> to vector<32x128xi32>
    %convert_element_type3A_378 = arith.sitofp %convert_element_type3A_377 : vector<32x128xi32> to vector<32x128xf32>
    %ge3A_379 = arith.constant 128 : i32
    %ge3A_380 = vector.broadcast %ge3A_379 : i32 to vector<32x1xi32>
    %ge3A_381 = arith.cmpi sge, %broadcast_in_dim3A_136, %ge3A_380 : vector<32x1xi32>
    %select_n3A_382 = arith.select %ge3A_381, %broadcast_in_dim3A_33, %broadcast_in_dim3A_136 : vector<32x1xi1>, vector<32x1xi32>
    %eq3A_383 = vector.broadcast %select_n3A_382 : vector<32x1xi32> to vector<32x128xi32>
    %eq3A_384 = arith.cmpi eq, %iota3A, %eq3A_383 : vector<32x128xi32>
    %convert_element_type3A_385 = arith.extui %eq3A_384 : vector<32x128xi1> to vector<32x128xi32>
    %convert_element_type3A_386 = arith.sitofp %convert_element_type3A_385 : vector<32x128xi32> to vector<32x128xf32>
    %ge3A_387 = arith.constant 128 : i32
    %ge3A_388 = vector.broadcast %ge3A_387 : i32 to vector<32x1xi32>
    %ge3A_389 = arith.cmpi sge, %broadcast_in_dim3A_144, %ge3A_388 : vector<32x1xi32>
    %select_n3A_390 = arith.select %ge3A_389, %broadcast_in_dim3A_33, %broadcast_in_dim3A_144 : vector<32x1xi1>, vector<32x1xi32>
    %eq3A_391 = vector.broadcast %select_n3A_390 : vector<32x1xi32> to vector<32x128xi32>
    %eq3A_392 = arith.cmpi eq, %iota3A, %eq3A_391 : vector<32x128xi32>
    %convert_element_type3A_393 = arith.extui %eq3A_392 : vector<32x128xi1> to vector<32x128xi32>
    %convert_element_type3A_394 = arith.sitofp %convert_element_type3A_393 : vector<32x128xi32> to vector<32x128xf32>
    %ge3A_395 = arith.constant 128 : i32
    %ge3A_396 = vector.broadcast %ge3A_395 : i32 to vector<32x1xi32>
    %ge3A_397 = arith.cmpi sge, %broadcast_in_dim3A_152, %ge3A_396 : vector<32x1xi32>
    %select_n3A_398 = arith.select %ge3A_397, %broadcast_in_dim3A_33, %broadcast_in_dim3A_152 : vector<32x1xi1>, vector<32x1xi32>
    %eq3A_399 = vector.broadcast %select_n3A_398 : vector<32x1xi32> to vector<32x128xi32>
    %eq3A_400 = arith.cmpi eq, %iota3A, %eq3A_399 : vector<32x128xi32>
    %convert_element_type3A_401 = arith.extui %eq3A_400 : vector<32x128xi1> to vector<32x128xi32>
    %convert_element_type3A_402 = arith.sitofp %convert_element_type3A_401 : vector<32x128xi32> to vector<32x128xf32>
    %ge3A_403 = arith.constant 128 : i32
    %ge3A_404 = vector.broadcast %ge3A_403 : i32 to vector<32x1xi32>
    %ge3A_405 = arith.cmpi sge, %broadcast_in_dim3A_160, %ge3A_404 : vector<32x1xi32>
    %select_n3A_406 = arith.select %ge3A_405, %broadcast_in_dim3A_33, %broadcast_in_dim3A_160 : vector<32x1xi1>, vector<32x1xi32>
    %eq3A_407 = vector.broadcast %select_n3A_406 : vector<32x1xi32> to vector<32x128xi32>
    %eq3A_408 = arith.cmpi eq, %iota3A, %eq3A_407 : vector<32x128xi32>
    %convert_element_type3A_409 = arith.extui %eq3A_408 : vector<32x128xi1> to vector<32x128xi32>
    %convert_element_type3A_410 = arith.sitofp %convert_element_type3A_409 : vector<32x128xi32> to vector<32x128xf32>
    %ge3A_411 = arith.constant 128 : i32
    %ge3A_412 = vector.broadcast %ge3A_411 : i32 to vector<32x1xi32>
    %ge3A_413 = arith.cmpi sge, %broadcast_in_dim3A_168, %ge3A_412 : vector<32x1xi32>
    %select_n3A_414 = arith.select %ge3A_413, %broadcast_in_dim3A_33, %broadcast_in_dim3A_168 : vector<32x1xi1>, vector<32x1xi32>
    %eq3A_415 = vector.broadcast %select_n3A_414 : vector<32x1xi32> to vector<32x128xi32>
    %eq3A_416 = arith.cmpi eq, %iota3A, %eq3A_415 : vector<32x128xi32>
    %convert_element_type3A_417 = arith.extui %eq3A_416 : vector<32x128xi1> to vector<32x128xi32>
    %convert_element_type3A_418 = arith.sitofp %convert_element_type3A_417 : vector<32x128xi32> to vector<32x128xf32>
    %ge3A_419 = arith.constant 128 : i32
    %ge3A_420 = vector.broadcast %ge3A_419 : i32 to vector<32x1xi32>
    %ge3A_421 = arith.cmpi sge, %broadcast_in_dim3A_176, %ge3A_420 : vector<32x1xi32>
    %select_n3A_422 = arith.select %ge3A_421, %broadcast_in_dim3A_33, %broadcast_in_dim3A_176 : vector<32x1xi1>, vector<32x1xi32>
    %eq3A_423 = vector.broadcast %select_n3A_422 : vector<32x1xi32> to vector<32x128xi32>
    %eq3A_424 = arith.cmpi eq, %iota3A, %eq3A_423 : vector<32x128xi32>
    %convert_element_type3A_425 = arith.extui %eq3A_424 : vector<32x128xi1> to vector<32x128xi32>
    %convert_element_type3A_426 = arith.sitofp %convert_element_type3A_425 : vector<32x128xi32> to vector<32x128xf32>
    %ge3A_427 = arith.constant 128 : i32
    %ge3A_428 = vector.broadcast %ge3A_427 : i32 to vector<32x1xi32>
    %ge3A_429 = arith.cmpi sge, %broadcast_in_dim3A_184, %ge3A_428 : vector<32x1xi32>
    %select_n3A_430 = arith.select %ge3A_429, %broadcast_in_dim3A_33, %broadcast_in_dim3A_184 : vector<32x1xi1>, vector<32x1xi32>
    %eq3A_431 = vector.broadcast %select_n3A_430 : vector<32x1xi32> to vector<32x128xi32>
    %eq3A_432 = arith.cmpi eq, %iota3A, %eq3A_431 : vector<32x128xi32>
    %convert_element_type3A_433 = arith.extui %eq3A_432 : vector<32x128xi1> to vector<32x128xi32>
    %convert_element_type3A_434 = arith.sitofp %convert_element_type3A_433 : vector<32x128xi32> to vector<32x128xf32>
    %ge3A_435 = arith.constant 128 : i32
    %ge3A_436 = vector.broadcast %ge3A_435 : i32 to vector<32x1xi32>
    %ge3A_437 = arith.cmpi sge, %broadcast_in_dim3A_192, %ge3A_436 : vector<32x1xi32>
    %select_n3A_438 = arith.select %ge3A_437, %broadcast_in_dim3A_33, %broadcast_in_dim3A_192 : vector<32x1xi1>, vector<32x1xi32>
    %eq3A_439 = vector.broadcast %select_n3A_438 : vector<32x1xi32> to vector<32x128xi32>
    %eq3A_440 = arith.cmpi eq, %iota3A, %eq3A_439 : vector<32x128xi32>
    %convert_element_type3A_441 = arith.extui %eq3A_440 : vector<32x128xi1> to vector<32x128xi32>
    %convert_element_type3A_442 = arith.sitofp %convert_element_type3A_441 : vector<32x128xi32> to vector<32x128xf32>
    %ge3A_443 = arith.constant 128 : i32
    %ge3A_444 = vector.broadcast %ge3A_443 : i32 to vector<32x1xi32>
    %ge3A_445 = arith.cmpi sge, %broadcast_in_dim3A_200, %ge3A_444 : vector<32x1xi32>
    %select_n3A_446 = arith.select %ge3A_445, %broadcast_in_dim3A_33, %broadcast_in_dim3A_200 : vector<32x1xi1>, vector<32x1xi32>
    %eq3A_447 = vector.broadcast %select_n3A_446 : vector<32x1xi32> to vector<32x128xi32>
    %eq3A_448 = arith.cmpi eq, %iota3A, %eq3A_447 : vector<32x128xi32>
    %convert_element_type3A_449 = arith.extui %eq3A_448 : vector<32x128xi1> to vector<32x128xi32>
    %convert_element_type3A_450 = arith.sitofp %convert_element_type3A_449 : vector<32x128xi32> to vector<32x128xf32>
    %ge3A_451 = arith.constant 128 : i32
    %ge3A_452 = vector.broadcast %ge3A_451 : i32 to vector<32x1xi32>
    %ge3A_453 = arith.cmpi sge, %broadcast_in_dim3A_208, %ge3A_452 : vector<32x1xi32>
    %select_n3A_454 = arith.select %ge3A_453, %broadcast_in_dim3A_33, %broadcast_in_dim3A_208 : vector<32x1xi1>, vector<32x1xi32>
    %eq3A_455 = vector.broadcast %select_n3A_454 : vector<32x1xi32> to vector<32x128xi32>
    %eq3A_456 = arith.cmpi eq, %iota3A, %eq3A_455 : vector<32x128xi32>
    %convert_element_type3A_457 = arith.extui %eq3A_456 : vector<32x128xi1> to vector<32x128xi32>
    %convert_element_type3A_458 = arith.sitofp %convert_element_type3A_457 : vector<32x128xi32> to vector<32x128xf32>
    %ge3A_459 = arith.constant 128 : i32
    %ge3A_460 = vector.broadcast %ge3A_459 : i32 to vector<32x1xi32>
    %ge3A_461 = arith.cmpi sge, %broadcast_in_dim3A_216, %ge3A_460 : vector<32x1xi32>
    %select_n3A_462 = arith.select %ge3A_461, %broadcast_in_dim3A_33, %broadcast_in_dim3A_216 : vector<32x1xi1>, vector<32x1xi32>
    %eq3A_463 = vector.broadcast %select_n3A_462 : vector<32x1xi32> to vector<32x128xi32>
    %eq3A_464 = arith.cmpi eq, %iota3A, %eq3A_463 : vector<32x128xi32>
    %convert_element_type3A_465 = arith.extui %eq3A_464 : vector<32x128xi1> to vector<32x128xi32>
    %convert_element_type3A_466 = arith.sitofp %convert_element_type3A_465 : vector<32x128xi32> to vector<32x128xf32>
    %ge3A_467 = arith.constant 128 : i32
    %ge3A_468 = vector.broadcast %ge3A_467 : i32 to vector<32x1xi32>
    %ge3A_469 = arith.cmpi sge, %broadcast_in_dim3A_224, %ge3A_468 : vector<32x1xi32>
    %select_n3A_470 = arith.select %ge3A_469, %broadcast_in_dim3A_33, %broadcast_in_dim3A_224 : vector<32x1xi1>, vector<32x1xi32>
    %eq3A_471 = vector.broadcast %select_n3A_470 : vector<32x1xi32> to vector<32x128xi32>
    %eq3A_472 = arith.cmpi eq, %iota3A, %eq3A_471 : vector<32x128xi32>
    %convert_element_type3A_473 = arith.extui %eq3A_472 : vector<32x128xi1> to vector<32x128xi32>
    %convert_element_type3A_474 = arith.sitofp %convert_element_type3A_473 : vector<32x128xi32> to vector<32x128xf32>
    %ge3A_475 = arith.constant 128 : i32
    %ge3A_476 = vector.broadcast %ge3A_475 : i32 to vector<32x1xi32>
    %ge3A_477 = arith.cmpi sge, %broadcast_in_dim3A_232, %ge3A_476 : vector<32x1xi32>
    %select_n3A_478 = arith.select %ge3A_477, %broadcast_in_dim3A_33, %broadcast_in_dim3A_232 : vector<32x1xi1>, vector<32x1xi32>
    %eq3A_479 = vector.broadcast %select_n3A_478 : vector<32x1xi32> to vector<32x128xi32>
    %eq3A_480 = arith.cmpi eq, %iota3A, %eq3A_479 : vector<32x128xi32>
    %convert_element_type3A_481 = arith.extui %eq3A_480 : vector<32x128xi1> to vector<32x128xi32>
    %convert_element_type3A_482 = arith.sitofp %convert_element_type3A_481 : vector<32x128xi32> to vector<32x128xf32>
    %ge3A_483 = arith.constant 128 : i32
    %ge3A_484 = vector.broadcast %ge3A_483 : i32 to vector<32x1xi32>
    %ge3A_485 = arith.cmpi sge, %broadcast_in_dim3A_240, %ge3A_484 : vector<32x1xi32>
    %select_n3A_486 = arith.select %ge3A_485, %broadcast_in_dim3A_33, %broadcast_in_dim3A_240 : vector<32x1xi1>, vector<32x1xi32>
    %eq3A_487 = vector.broadcast %select_n3A_486 : vector<32x1xi32> to vector<32x128xi32>
    %eq3A_488 = arith.cmpi eq, %iota3A, %eq3A_487 : vector<32x128xi32>
    %convert_element_type3A_489 = arith.extui %eq3A_488 : vector<32x128xi1> to vector<32x128xi32>
    %convert_element_type3A_490 = arith.sitofp %convert_element_type3A_489 : vector<32x128xi32> to vector<32x128xf32>
    %ge3A_491 = arith.constant 128 : i32
    %ge3A_492 = vector.broadcast %ge3A_491 : i32 to vector<32x1xi32>
    %ge3A_493 = arith.cmpi sge, %broadcast_in_dim3A_248, %ge3A_492 : vector<32x1xi32>
    %select_n3A_494 = arith.select %ge3A_493, %broadcast_in_dim3A_33, %broadcast_in_dim3A_248 : vector<32x1xi1>, vector<32x1xi32>
    %eq3A_495 = vector.broadcast %select_n3A_494 : vector<32x1xi32> to vector<32x128xi32>
    %eq3A_496 = arith.cmpi eq, %iota3A, %eq3A_495 : vector<32x128xi32>
    %convert_element_type3A_497 = arith.extui %eq3A_496 : vector<32x128xi1> to vector<32x128xi32>
    %convert_element_type3A_498 = arith.sitofp %convert_element_type3A_497 : vector<32x128xi32> to vector<32x128xf32>
    %ge3A_499 = arith.constant 128 : i32
    %ge3A_500 = vector.broadcast %ge3A_499 : i32 to vector<32x1xi32>
    %ge3A_501 = arith.cmpi sge, %broadcast_in_dim3A_256, %ge3A_500 : vector<32x1xi32>
    %select_n3A_502 = arith.select %ge3A_501, %broadcast_in_dim3A_33, %broadcast_in_dim3A_256 : vector<32x1xi1>, vector<32x1xi32>
    %eq3A_503 = vector.broadcast %select_n3A_502 : vector<32x1xi32> to vector<32x128xi32>
    %eq3A_504 = arith.cmpi eq, %iota3A, %eq3A_503 : vector<32x128xi32>
    %convert_element_type3A_505 = arith.extui %eq3A_504 : vector<32x128xi1> to vector<32x128xi32>
    %convert_element_type3A_506 = arith.sitofp %convert_element_type3A_505 : vector<32x128xi32> to vector<32x128xf32>
    %ge3A_507 = arith.constant 128 : i32
    %ge3A_508 = vector.broadcast %ge3A_507 : i32 to vector<32x1xi32>
    %ge3A_509 = arith.cmpi sge, %broadcast_in_dim3A_264, %ge3A_508 : vector<32x1xi32>
    %select_n3A_510 = arith.select %ge3A_509, %broadcast_in_dim3A_33, %broadcast_in_dim3A_264 : vector<32x1xi1>, vector<32x1xi32>
    %eq3A_511 = vector.broadcast %select_n3A_510 : vector<32x1xi32> to vector<32x128xi32>
    %eq3A_512 = arith.cmpi eq, %iota3A, %eq3A_511 : vector<32x128xi32>
    %convert_element_type3A_513 = arith.extui %eq3A_512 : vector<32x128xi1> to vector<32x128xi32>
    %convert_element_type3A_514 = arith.sitofp %convert_element_type3A_513 : vector<32x128xi32> to vector<32x128xf32>
    %ge3A_515 = arith.constant 128 : i32
    %ge3A_516 = vector.broadcast %ge3A_515 : i32 to vector<32x1xi32>
    %ge3A_517 = arith.cmpi sge, %broadcast_in_dim3A_272, %ge3A_516 : vector<32x1xi32>
    %select_n3A_518 = arith.select %ge3A_517, %broadcast_in_dim3A_33, %broadcast_in_dim3A_272 : vector<32x1xi1>, vector<32x1xi32>
    %eq3A_519 = vector.broadcast %select_n3A_518 : vector<32x1xi32> to vector<32x128xi32>
    %eq3A_520 = arith.cmpi eq, %iota3A, %eq3A_519 : vector<32x128xi32>
    %convert_element_type3A_521 = arith.extui %eq3A_520 : vector<32x128xi1> to vector<32x128xi32>
    %convert_element_type3A_522 = arith.sitofp %convert_element_type3A_521 : vector<32x128xi32> to vector<32x128xf32>
    %ge3A_523 = arith.constant 128 : i32
    %ge3A_524 = vector.broadcast %ge3A_523 : i32 to vector<32x1xi32>
    %ge3A_525 = arith.cmpi sge, %broadcast_in_dim3A_280, %ge3A_524 : vector<32x1xi32>
    %select_n3A_526 = arith.select %ge3A_525, %broadcast_in_dim3A_33, %broadcast_in_dim3A_280 : vector<32x1xi1>, vector<32x1xi32>
    %eq3A_527 = vector.broadcast %select_n3A_526 : vector<32x1xi32> to vector<32x128xi32>
    %eq3A_528 = arith.cmpi eq, %iota3A, %eq3A_527 : vector<32x128xi32>
    %convert_element_type3A_529 = arith.extui %eq3A_528 : vector<32x128xi1> to vector<32x128xi32>
    %convert_element_type3A_530 = arith.sitofp %convert_element_type3A_529 : vector<32x128xi32> to vector<32x128xf32>
    %concatenate3A = tpu.concatenate %convert_element_type3A_283, %convert_element_type3A_290, %convert_element_type3A_298, %convert_element_type3A_306, %convert_element_type3A_314, %convert_element_type3A_322, %convert_element_type3A_330, %convert_element_type3A_338, %convert_element_type3A_346, %convert_element_type3A_354, %convert_element_type3A_362, %convert_element_type3A_370, %convert_element_type3A_378, %convert_element_type3A_386, %convert_element_type3A_394, %convert_element_type3A_402, %convert_element_type3A_410, %convert_element_type3A_418, %convert_element_type3A_426, %convert_element_type3A_434, %convert_element_type3A_442, %convert_element_type3A_450, %convert_element_type3A_458, %convert_element_type3A_466, %convert_element_type3A_474, %convert_element_type3A_482, %convert_element_type3A_490, %convert_element_type3A_498, %convert_element_type3A_506, %convert_element_type3A_514, %convert_element_type3A_522, %convert_element_type3A_530 in 0 : vector<32x128xf32>, vector<32x128xf32>, vector<32x128xf32>, vector<32x128xf32>, vector<32x128xf32>, vector<32x128xf32>, vector<32x128xf32>, vector<32x128xf32>, vector<32x128xf32>, vector<32x128xf32>, vector<32x128xf32>, vector<32x128xf32>, vector<32x128xf32>, vector<32x128xf32>, vector<32x128xf32>, vector<32x128xf32>, vector<32x128xf32>, vector<32x128xf32>, vector<32x128xf32>, vector<32x128xf32>, vector<32x128xf32>, vector<32x128xf32>, vector<32x128xf32>, vector<32x128xf32>, vector<32x128xf32>, vector<32x128xf32>, vector<32x128xf32>, vector<32x128xf32>, vector<32x128xf32>, vector<32x128xf32>, vector<32x128xf32>, vector<32x128xf32> -> vector<1024x128xf32>
    %dot_general3A = arith.constant dense<0.000000e+00> : vector<1024x259xf32>
    %dot_general3A_531 = tpu.matmul %concatenate3A, %get3A_3, %dot_general3A {dimension_numbers = #tpu.dot_dimension_numbers<[1], [0], [0], [1], [0, 0, 1, 1], [], []>, precision = #tpu.contract_precision<fp32>, transpose_lhs_hint = false} : vector<1024x128xf32>, vector<128x259xf32>, vector<1024x259xf32> -> vector<1024x259xf32>
    %get3A_532 = arith.constant 0 : index
    %get3A_533 = arith.constant 0 : index
    %get3A_534 = vector.load %arg5[%get3A_532, %get3A_533] : memref<3x256xf32, #tpu.memory_space<vmem>>, vector<3x256xf32>
    %dot_general3A_535 = arith.constant dense<0.000000e+00> : vector<32x256xf32>
    %dot_general3A_536 = tpu.matmul %get3A_13, %get3A_534, %dot_general3A_535 {dimension_numbers = #tpu.dot_dimension_numbers<[1], [0], [0], [1], [0, 0, 1, 1], [], []>, precision = #tpu.contract_precision<fp32>, transpose_lhs_hint = false} : vector<32x3xf32>, vector<3x256xf32>, vector<32x256xf32> -> vector<32x256xf32>
    %concatenate3A_537 = tpu.concatenate %dot_general3A_536, %dot_general3A_536, %dot_general3A_536, %dot_general3A_536, %dot_general3A_536, %dot_general3A_536, %dot_general3A_536, %dot_general3A_536, %dot_general3A_536, %dot_general3A_536, %dot_general3A_536, %dot_general3A_536, %dot_general3A_536, %dot_general3A_536, %dot_general3A_536, %dot_general3A_536, %dot_general3A_536, %dot_general3A_536, %dot_general3A_536, %dot_general3A_536, %dot_general3A_536, %dot_general3A_536, %dot_general3A_536, %dot_general3A_536, %dot_general3A_536, %dot_general3A_536, %dot_general3A_536, %dot_general3A_536, %dot_general3A_536, %dot_general3A_536, %dot_general3A_536, %dot_general3A_536 in 0 : vector<32x256xf32>, vector<32x256xf32>, vector<32x256xf32>, vector<32x256xf32>, vector<32x256xf32>, vector<32x256xf32>, vector<32x256xf32>, vector<32x256xf32>, vector<32x256xf32>, vector<32x256xf32>, vector<32x256xf32>, vector<32x256xf32>, vector<32x256xf32>, vector<32x256xf32>, vector<32x256xf32>, vector<32x256xf32>, vector<32x256xf32>, vector<32x256xf32>, vector<32x256xf32>, vector<32x256xf32>, vector<32x256xf32>, vector<32x256xf32>, vector<32x256xf32>, vector<32x256xf32>, vector<32x256xf32>, vector<32x256xf32>, vector<32x256xf32>, vector<32x256xf32>, vector<32x256xf32>, vector<32x256xf32>, vector<32x256xf32>, vector<32x256xf32> -> vector<1024x256xf32>
    %get3A_538 = arith.constant 0 : index
    %get3A_539 = arith.constant 0 : index
    %get3A_540 = vector.load %arg6[%get3A_538, %get3A_539] : memref<259x256xf32, #tpu.memory_space<vmem>>, vector<259x256xf32>
    %dot_general3A_541 = arith.constant dense<0.000000e+00> : vector<1024x256xf32>
    %dot_general3A_542 = tpu.matmul %dot_general3A_531, %get3A_540, %dot_general3A_541 {dimension_numbers = #tpu.dot_dimension_numbers<[1], [0], [0], [1], [0, 0, 1, 1], [], []>, transpose_lhs_hint = false} : vector<1024x259xf32>, vector<259x256xf32>, vector<1024x256xf32> -> vector<1024x256xf32>
    %sub3A_543 = arith.subf %dot_general3A_542, %concatenate3A_537 : vector<1024x256xf32>
    %max3A = arith.constant 0.000000e+00 : f32
    %max3A_544 = vector.broadcast %max3A : f32 to vector<1024x256xf32>
    %max3A_545 = arith.maximumf %sub3A_543, %max3A_544 : vector<1024x256xf32>
    %get3A_546 = arith.constant 0 : index
    %get3A_547 = arith.constant 0 : index
    %get3A_548 = vector.load %arg7[%get3A_546, %get3A_547] : memref<256x256xf32, #tpu.memory_space<vmem>>, vector<256x256xf32>
    %dot_general3A_549 = arith.constant dense<0.000000e+00> : vector<1024x256xf32>
    %dot_general3A_550 = tpu.matmul %max3A_545, %get3A_548, %dot_general3A_549 {dimension_numbers = #tpu.dot_dimension_numbers<[1], [0], [0], [1], [0, 0, 1, 1], [], []>, transpose_lhs_hint = false} : vector<1024x256xf32>, vector<256x256xf32>, vector<1024x256xf32> -> vector<1024x256xf32>
    %max3A_551 = arith.constant 0.000000e+00 : f32
    %max3A_552 = vector.broadcast %max3A_551 : f32 to vector<1024x256xf32>
    %max3A_553 = arith.maximumf %dot_general3A_550, %max3A_552 : vector<1024x256xf32>
    %get3A_554 = arith.constant 0 : index
    %get3A_555 = arith.constant 0 : index
    %get3A_556 = vector.load %arg8[%get3A_554, %get3A_555] : memref<256x512xf32, #tpu.memory_space<vmem>>, vector<256x512xf32>
    %dot_general3A_557 = arith.constant dense<0.000000e+00> : vector<1024x512xf32>
    %dot_general3A_558 = tpu.matmul %max3A_553, %get3A_556, %dot_general3A_557 {dimension_numbers = #tpu.dot_dimension_numbers<[1], [0], [0], [1], [0, 0, 1, 1], [], []>, transpose_lhs_hint = false} : vector<1024x256xf32>, vector<256x512xf32>, vector<1024x512xf32> -> vector<1024x512xf32>
    %max3A_559 = arith.constant 0.000000e+00 : f32
    %max3A_560 = vector.broadcast %max3A_559 : f32 to vector<1024x512xf32>
    %max3A_561 = arith.maximumf %dot_general3A_558, %max3A_560 : vector<1024x512xf32>
    %slice3A_562 = vector.extract_strided_slice %max3A_561 {offsets = [0, 0], sizes = [32, 512], strides = [1, 1]} : vector<1024x512xf32> to vector<32x512xf32>
    %slice3A_563 = vector.extract_strided_slice %max3A_561 {offsets = [32, 0], sizes = [32, 512], strides = [1, 1]} : vector<1024x512xf32> to vector<32x512xf32>
    %max3A_564 = arith.maximumf %slice3A_562, %slice3A_563 : vector<32x512xf32>
    %slice3A_565 = vector.extract_strided_slice %max3A_561 {offsets = [64, 0], sizes = [32, 512], strides = [1, 1]} : vector<1024x512xf32> to vector<32x512xf32>
    %max3A_566 = arith.maximumf %max3A_564, %slice3A_565 : vector<32x512xf32>
    %slice3A_567 = vector.extract_strided_slice %max3A_561 {offsets = [96, 0], sizes = [32, 512], strides = [1, 1]} : vector<1024x512xf32> to vector<32x512xf32>
    %max3A_568 = arith.maximumf %max3A_566, %slice3A_567 : vector<32x512xf32>
    %slice3A_569 = vector.extract_strided_slice %max3A_561 {offsets = [128, 0], sizes = [32, 512], strides = [1, 1]} : vector<1024x512xf32> to vector<32x512xf32>
    %max3A_570 = arith.maximumf %max3A_568, %slice3A_569 : vector<32x512xf32>
    %slice3A_571 = vector.extract_strided_slice %max3A_561 {offsets = [160, 0], sizes = [32, 512], strides = [1, 1]} : vector<1024x512xf32> to vector<32x512xf32>
    %max3A_572 = arith.maximumf %max3A_570, %slice3A_571 : vector<32x512xf32>
    %slice3A_573 = vector.extract_strided_slice %max3A_561 {offsets = [192, 0], sizes = [32, 512], strides = [1, 1]} : vector<1024x512xf32> to vector<32x512xf32>
    %max3A_574 = arith.maximumf %max3A_572, %slice3A_573 : vector<32x512xf32>
    %slice3A_575 = vector.extract_strided_slice %max3A_561 {offsets = [224, 0], sizes = [32, 512], strides = [1, 1]} : vector<1024x512xf32> to vector<32x512xf32>
    %max3A_576 = arith.maximumf %max3A_574, %slice3A_575 : vector<32x512xf32>
    %slice3A_577 = vector.extract_strided_slice %max3A_561 {offsets = [256, 0], sizes = [32, 512], strides = [1, 1]} : vector<1024x512xf32> to vector<32x512xf32>
    %max3A_578 = arith.maximumf %max3A_576, %slice3A_577 : vector<32x512xf32>
    %slice3A_579 = vector.extract_strided_slice %max3A_561 {offsets = [288, 0], sizes = [32, 512], strides = [1, 1]} : vector<1024x512xf32> to vector<32x512xf32>
    %max3A_580 = arith.maximumf %max3A_578, %slice3A_579 : vector<32x512xf32>
    %slice3A_581 = vector.extract_strided_slice %max3A_561 {offsets = [320, 0], sizes = [32, 512], strides = [1, 1]} : vector<1024x512xf32> to vector<32x512xf32>
    %max3A_582 = arith.maximumf %max3A_580, %slice3A_581 : vector<32x512xf32>
    %slice3A_583 = vector.extract_strided_slice %max3A_561 {offsets = [352, 0], sizes = [32, 512], strides = [1, 1]} : vector<1024x512xf32> to vector<32x512xf32>
    %max3A_584 = arith.maximumf %max3A_582, %slice3A_583 : vector<32x512xf32>
    %slice3A_585 = vector.extract_strided_slice %max3A_561 {offsets = [384, 0], sizes = [32, 512], strides = [1, 1]} : vector<1024x512xf32> to vector<32x512xf32>
    %max3A_586 = arith.maximumf %max3A_584, %slice3A_585 : vector<32x512xf32>
    %slice3A_587 = vector.extract_strided_slice %max3A_561 {offsets = [416, 0], sizes = [32, 512], strides = [1, 1]} : vector<1024x512xf32> to vector<32x512xf32>
    %max3A_588 = arith.maximumf %max3A_586, %slice3A_587 : vector<32x512xf32>
    %slice3A_589 = vector.extract_strided_slice %max3A_561 {offsets = [448, 0], sizes = [32, 512], strides = [1, 1]} : vector<1024x512xf32> to vector<32x512xf32>
    %max3A_590 = arith.maximumf %max3A_588, %slice3A_589 : vector<32x512xf32>
    %slice3A_591 = vector.extract_strided_slice %max3A_561 {offsets = [480, 0], sizes = [32, 512], strides = [1, 1]} : vector<1024x512xf32> to vector<32x512xf32>
    %max3A_592 = arith.maximumf %max3A_590, %slice3A_591 : vector<32x512xf32>
    %slice3A_593 = vector.extract_strided_slice %max3A_561 {offsets = [512, 0], sizes = [32, 512], strides = [1, 1]} : vector<1024x512xf32> to vector<32x512xf32>
    %max3A_594 = arith.maximumf %max3A_592, %slice3A_593 : vector<32x512xf32>
    %slice3A_595 = vector.extract_strided_slice %max3A_561 {offsets = [544, 0], sizes = [32, 512], strides = [1, 1]} : vector<1024x512xf32> to vector<32x512xf32>
    %max3A_596 = arith.maximumf %max3A_594, %slice3A_595 : vector<32x512xf32>
    %slice3A_597 = vector.extract_strided_slice %max3A_561 {offsets = [576, 0], sizes = [32, 512], strides = [1, 1]} : vector<1024x512xf32> to vector<32x512xf32>
    %max3A_598 = arith.maximumf %max3A_596, %slice3A_597 : vector<32x512xf32>
    %slice3A_599 = vector.extract_strided_slice %max3A_561 {offsets = [608, 0], sizes = [32, 512], strides = [1, 1]} : vector<1024x512xf32> to vector<32x512xf32>
    %max3A_600 = arith.maximumf %max3A_598, %slice3A_599 : vector<32x512xf32>
    %slice3A_601 = vector.extract_strided_slice %max3A_561 {offsets = [640, 0], sizes = [32, 512], strides = [1, 1]} : vector<1024x512xf32> to vector<32x512xf32>
    %max3A_602 = arith.maximumf %max3A_600, %slice3A_601 : vector<32x512xf32>
    %slice3A_603 = vector.extract_strided_slice %max3A_561 {offsets = [672, 0], sizes = [32, 512], strides = [1, 1]} : vector<1024x512xf32> to vector<32x512xf32>
    %max3A_604 = arith.maximumf %max3A_602, %slice3A_603 : vector<32x512xf32>
    %slice3A_605 = vector.extract_strided_slice %max3A_561 {offsets = [704, 0], sizes = [32, 512], strides = [1, 1]} : vector<1024x512xf32> to vector<32x512xf32>
    %max3A_606 = arith.maximumf %max3A_604, %slice3A_605 : vector<32x512xf32>
    %slice3A_607 = vector.extract_strided_slice %max3A_561 {offsets = [736, 0], sizes = [32, 512], strides = [1, 1]} : vector<1024x512xf32> to vector<32x512xf32>
    %max3A_608 = arith.maximumf %max3A_606, %slice3A_607 : vector<32x512xf32>
    %slice3A_609 = vector.extract_strided_slice %max3A_561 {offsets = [768, 0], sizes = [32, 512], strides = [1, 1]} : vector<1024x512xf32> to vector<32x512xf32>
    %max3A_610 = arith.maximumf %max3A_608, %slice3A_609 : vector<32x512xf32>
    %slice3A_611 = vector.extract_strided_slice %max3A_561 {offsets = [800, 0], sizes = [32, 512], strides = [1, 1]} : vector<1024x512xf32> to vector<32x512xf32>
    %max3A_612 = arith.maximumf %max3A_610, %slice3A_611 : vector<32x512xf32>
    %slice3A_613 = vector.extract_strided_slice %max3A_561 {offsets = [832, 0], sizes = [32, 512], strides = [1, 1]} : vector<1024x512xf32> to vector<32x512xf32>
    %max3A_614 = arith.maximumf %max3A_612, %slice3A_613 : vector<32x512xf32>
    %slice3A_615 = vector.extract_strided_slice %max3A_561 {offsets = [864, 0], sizes = [32, 512], strides = [1, 1]} : vector<1024x512xf32> to vector<32x512xf32>
    %max3A_616 = arith.maximumf %max3A_614, %slice3A_615 : vector<32x512xf32>
    %slice3A_617 = vector.extract_strided_slice %max3A_561 {offsets = [896, 0], sizes = [32, 512], strides = [1, 1]} : vector<1024x512xf32> to vector<32x512xf32>
    %max3A_618 = arith.maximumf %max3A_616, %slice3A_617 : vector<32x512xf32>
    %slice3A_619 = vector.extract_strided_slice %max3A_561 {offsets = [928, 0], sizes = [32, 512], strides = [1, 1]} : vector<1024x512xf32> to vector<32x512xf32>
    %max3A_620 = arith.maximumf %max3A_618, %slice3A_619 : vector<32x512xf32>
    %slice3A_621 = vector.extract_strided_slice %max3A_561 {offsets = [960, 0], sizes = [32, 512], strides = [1, 1]} : vector<1024x512xf32> to vector<32x512xf32>
    %max3A_622 = arith.maximumf %max3A_620, %slice3A_621 : vector<32x512xf32>
    %slice3A_623 = vector.extract_strided_slice %max3A_561 {offsets = [992, 0], sizes = [32, 512], strides = [1, 1]} : vector<1024x512xf32> to vector<32x512xf32>
    %max3A_624 = arith.maximumf %max3A_622, %slice3A_623 : vector<32x512xf32>
    %swap3A = arith.constant 0 : index
    %swap3A_625 = arith.constant 0 : index
    %swap3A_626 = arith.constant 0 : index
    %swap3A_627 = vector.load %arg9[%swap3A, %swap3A_625, %swap3A_626] : memref<1x32x512xf32, #tpu.memory_space<vmem>>, vector<1x32x512xf32>
    %swap3A_628 = vector.shape_cast %swap3A_627 : vector<1x32x512xf32> to vector<32x512xf32>
    %swap3A_629 = vector.shape_cast %max3A_624 : vector<32x512xf32> to vector<1x32x512xf32>
    tpu.vector_store %arg9[%swap3A, %swap3A_625, %swap3A_626], %swap3A_629 {strides = array<i32>} : memref<1x32x512xf32, #tpu.memory_space<vmem>>, vector<1x32x512xf32>,
    return
  }
  func.func @transform_0(%arg0: i32, %arg1: i32) -> (i32, i32, i32) {
    %c0_i32 = arith.constant 0 : i32
    %c0_i32_0 = arith.constant 0 : i32
    %c0_i32_1 = arith.constant 0 : i32
    return %arg0, %c0_i32, %c0_i32_0 : i32, i32, i32
  }
  func.func @transform_1(%arg0: i32, %arg1: i32) -> (i32, i32, i32) {
    %c0_i32 = arith.constant 0 : i32
    %c0_i32_0 = arith.constant 0 : i32
    %c0_i32_1 = arith.constant 0 : i32
    return %arg0, %c0_i32, %c0_i32_0 : i32, i32, i32
  }
  func.func @transform_2(%arg0: i32, %arg1: i32) -> (i32, i32, i32) {
    %c0_i32 = arith.constant 0 : i32
    %c0_i32_0 = arith.constant 0 : i32
    return %arg0, %arg1, %c0_i32 : i32, i32, i32
  }
  func.func @transform_3(%arg0: i32, %arg1: i32) -> (i32, i32) {
    %c0_i32 = arith.constant 0 : i32
    %c0_i32_0 = arith.constant 0 : i32
    %c0_i32_1 = arith.constant 0 : i32
    return %c0_i32, %c0_i32_0 : i32, i32
  }
  func.func @transform_4(%arg0: i32, %arg1: i32) -> (i32, i32) {
    %c0_i32 = arith.constant 0 : i32
    %c0_i32_0 = arith.constant 0 : i32
    %c0_i32_1 = arith.constant 0 : i32
    return %c0_i32, %c0_i32_0 : i32, i32
  }
  func.func @transform_5(%arg0: i32, %arg1: i32) -> (i32, i32) {
    %c0_i32 = arith.constant 0 : i32
    %c0_i32_0 = arith.constant 0 : i32
    %c0_i32_1 = arith.constant 0 : i32
    return %c0_i32, %c0_i32_0 : i32, i32
  }
  func.func @transform_6(%arg0: i32, %arg1: i32) -> (i32, i32) {
    %c0_i32 = arith.constant 0 : i32
    %c0_i32_0 = arith.constant 0 : i32
    %c0_i32_1 = arith.constant 0 : i32
    return %c0_i32, %c0_i32_0 : i32, i32
  }
  func.func @transform_7(%arg0: i32, %arg1: i32) -> (i32, i32, i32) {
    %c0_i32 = arith.constant 0 : i32
    %c0_i32_0 = arith.constant 0 : i32
    return %arg0, %arg1, %c0_i32 : i32, i32, i32
  }
}

module attributes {stable_mosaic.version = 14 : i64} {
  func.func @_sa_body(%arg0: i32, %arg1: i32, %arg2: memref<1x64x515xf32, #tpu.memory_space<vmem>>, %arg3: memref<1x3x64xf32, #tpu.memory_space<vmem>>, %arg4: memref<1x16x3xf32, #tpu.memory_space<vmem>>, %arg5: memref<3x512xf32, #tpu.memory_space<vmem>>, %arg6: memref<515x512xf32, #tpu.memory_space<vmem>>, %arg7: memref<512x512xf32, #tpu.memory_space<vmem>>, %arg8: memref<512x1024xf32, #tpu.memory_space<vmem>>, %arg9: memref<1x16x1024xf32, #tpu.memory_space<vmem>>) attributes {dimension_semantics = [#tpu.dimension_semantics<arbitrary>, #tpu.dimension_semantics<arbitrary>], iteration_bounds = array<i64: 8, 1>, scalar_prefetch = 0 : i64, scratch_operands = 0 : i64, tpu.core_type = #tpu.core_type<tc>, window_params = [{transform_indices = @transform_0, window_bounds = array<i64: 1, 64, 515>}, {transform_indices = @transform_1, window_bounds = array<i64: 1, 3, 64>}, {transform_indices = @transform_2, window_bounds = array<i64: 1, 16, 3>}, {pipeline_mode = #tpu.pipeline_mode<synchronous>, transform_indices = @transform_3, window_bounds = array<i64: 3, 512>}, {pipeline_mode = #tpu.pipeline_mode<synchronous>, transform_indices = @transform_4, window_bounds = array<i64: 515, 512>}, {pipeline_mode = #tpu.pipeline_mode<synchronous>, transform_indices = @transform_5, window_bounds = array<i64: 512, 512>}, {pipeline_mode = #tpu.pipeline_mode<synchronous>, transform_indices = @transform_6, window_bounds = array<i64: 512, 1024>}, {transform_indices = @transform_7, window_bounds = array<i64: 1, 16, 1024>}]} {
    %get3A = arith.constant 0 : index
    %get3A_0 = arith.constant 0 : index
    %get3A_1 = arith.constant 0 : index
    %get3A_2 = vector.load %arg2[%get3A, %get3A_0, %get3A_1] : memref<1x64x515xf32, #tpu.memory_space<vmem>>, vector<1x64x515xf32>
    %get3A_3 = vector.shape_cast %get3A_2 : vector<1x64x515xf32> to vector<64x515xf32>
    %get3A_4 = arith.constant 0 : index
    %get3A_5 = arith.constant 0 : index
    %get3A_6 = arith.constant 0 : index
    %get3A_7 = vector.load %arg3[%get3A_4, %get3A_5, %get3A_6] : memref<1x3x64xf32, #tpu.memory_space<vmem>>, vector<1x3x64xf32>
    %get3A_8 = vector.shape_cast %get3A_7 : vector<1x3x64xf32> to vector<3x64xf32>
    %get3A_9 = arith.constant 0 : index
    %get3A_10 = arith.constant 0 : index
    %get3A_11 = arith.constant 0 : index
    %get3A_12 = vector.load %arg4[%get3A_9, %get3A_10, %get3A_11] : memref<1x16x3xf32, #tpu.memory_space<vmem>>, vector<1x16x3xf32>
    %get3A_13 = vector.shape_cast %get3A_12 : vector<1x16x3xf32> to vector<16x3xf32>
    %iota3A = tpu.iota {dimensions = array<i32: 1>} : vector<16x64xi32>
    %slice3A = vector.extract_strided_slice %get3A_13 {offsets = [0, 0], sizes = [16, 1], strides = [1, 1]} : vector<16x3xf32> to vector<16x1xf32>
    %slice3A_14 = vector.extract_strided_slice %get3A_8 {offsets = [0, 0], sizes = [1, 64], strides = [1, 1]} : vector<3x64xf32> to vector<1x64xf32>
    %sub3A = vector.broadcast %slice3A : vector<16x1xf32> to vector<16x64xf32>
    %sub3A_15 = vector.broadcast %slice3A_14 : vector<1x64xf32> to vector<16x64xf32>
    %sub3A_16 = arith.subf %sub3A, %sub3A_15 : vector<16x64xf32>
    %mul3A = arith.mulf %sub3A_16, %sub3A_16 : vector<16x64xf32>
    %slice3A_17 = vector.extract_strided_slice %get3A_13 {offsets = [0, 1], sizes = [16, 1], strides = [1, 1]} : vector<16x3xf32> to vector<16x1xf32>
    %slice3A_18 = vector.extract_strided_slice %get3A_8 {offsets = [1, 0], sizes = [1, 64], strides = [1, 1]} : vector<3x64xf32> to vector<1x64xf32>
    %sub3A_19 = vector.broadcast %slice3A_17 : vector<16x1xf32> to vector<16x64xf32>
    %sub3A_20 = vector.broadcast %slice3A_18 : vector<1x64xf32> to vector<16x64xf32>
    %sub3A_21 = arith.subf %sub3A_19, %sub3A_20 : vector<16x64xf32>
    %mul3A_22 = arith.mulf %sub3A_21, %sub3A_21 : vector<16x64xf32>
    %add3A = arith.addf %mul3A, %mul3A_22 : vector<16x64xf32>
    %slice3A_23 = vector.extract_strided_slice %get3A_13 {offsets = [0, 2], sizes = [16, 1], strides = [1, 1]} : vector<16x3xf32> to vector<16x1xf32>
    %slice3A_24 = vector.extract_strided_slice %get3A_8 {offsets = [2, 0], sizes = [1, 64], strides = [1, 1]} : vector<3x64xf32> to vector<1x64xf32>
    %sub3A_25 = vector.broadcast %slice3A_23 : vector<16x1xf32> to vector<16x64xf32>
    %sub3A_26 = vector.broadcast %slice3A_24 : vector<1x64xf32> to vector<16x64xf32>
    %sub3A_27 = arith.subf %sub3A_25, %sub3A_26 : vector<16x64xf32>
    %mul3A_28 = arith.mulf %sub3A_27, %sub3A_27 : vector<16x64xf32>
    %add3A_29 = arith.addf %add3A, %mul3A_28 : vector<16x64xf32>
    %lt3A = arith.constant 6.400000e-01 : f32
    %lt3A_30 = vector.broadcast %lt3A : f32 to vector<16x64xf32>
    %lt3A_31 = arith.cmpf olt, %add3A_29, %lt3A_30 : vector<16x64xf32>
    %jit3A = arith.constant 64 : i32
    %broadcast_in_dim3A = vector.broadcast %jit3A : i32 to vector<16x64xi32>
    %select_n3A = arith.select %lt3A_31, %iota3A, %broadcast_in_dim3A : vector<16x64xi1>, vector<16x64xi32>
    %reduce_min3A = arith.constant dense<2147483647> : vector<16xi32>
    %reduce_min3A_32 = vector.multi_reduction <minsi>, %select_n3A, %reduce_min3A [1] : vector<16x64xi32> to vector<16xi32>
    %broadcast_in_dim3A_33 = vector.shape_cast %reduce_min3A_32 : vector<16xi32> to vector<16x1xi32>
    %eq3A = vector.broadcast %broadcast_in_dim3A_33 : vector<16x1xi32> to vector<16x64xi32>
    %eq3A_34 = arith.cmpi eq, %select_n3A, %eq3A : vector<16x64xi32>
    %jit3A_35 = arith.constant 65 : i32
    %broadcast_in_dim3A_36 = vector.broadcast %jit3A_35 : i32 to vector<16x64xi32>
    %select_n3A_37 = arith.select %eq3A_34, %broadcast_in_dim3A_36, %select_n3A : vector<16x64xi1>, vector<16x64xi32>
    %reduce_min3A_38 = arith.constant dense<2147483647> : vector<16xi32>
    %reduce_min3A_39 = vector.multi_reduction <minsi>, %select_n3A_37, %reduce_min3A_38 [1] : vector<16x64xi32> to vector<16xi32>
    %broadcast_in_dim3A_40 = vector.shape_cast %reduce_min3A_39 : vector<16xi32> to vector<16x1xi32>
    %eq3A_41 = vector.broadcast %broadcast_in_dim3A_40 : vector<16x1xi32> to vector<16x64xi32>
    %eq3A_42 = arith.cmpi eq, %select_n3A_37, %eq3A_41 : vector<16x64xi32>
    %jit3A_43 = arith.constant 65 : i32
    %broadcast_in_dim3A_44 = vector.broadcast %jit3A_43 : i32 to vector<16x64xi32>
    %select_n3A_45 = arith.select %eq3A_42, %broadcast_in_dim3A_44, %select_n3A_37 : vector<16x64xi1>, vector<16x64xi32>
    %reduce_min3A_46 = arith.constant dense<2147483647> : vector<16xi32>
    %reduce_min3A_47 = vector.multi_reduction <minsi>, %select_n3A_45, %reduce_min3A_46 [1] : vector<16x64xi32> to vector<16xi32>
    %broadcast_in_dim3A_48 = vector.shape_cast %reduce_min3A_47 : vector<16xi32> to vector<16x1xi32>
    %eq3A_49 = vector.broadcast %broadcast_in_dim3A_48 : vector<16x1xi32> to vector<16x64xi32>
    %eq3A_50 = arith.cmpi eq, %select_n3A_45, %eq3A_49 : vector<16x64xi32>
    %jit3A_51 = arith.constant 65 : i32
    %broadcast_in_dim3A_52 = vector.broadcast %jit3A_51 : i32 to vector<16x64xi32>
    %select_n3A_53 = arith.select %eq3A_50, %broadcast_in_dim3A_52, %select_n3A_45 : vector<16x64xi1>, vector<16x64xi32>
    %reduce_min3A_54 = arith.constant dense<2147483647> : vector<16xi32>
    %reduce_min3A_55 = vector.multi_reduction <minsi>, %select_n3A_53, %reduce_min3A_54 [1] : vector<16x64xi32> to vector<16xi32>
    %broadcast_in_dim3A_56 = vector.shape_cast %reduce_min3A_55 : vector<16xi32> to vector<16x1xi32>
    %eq3A_57 = vector.broadcast %broadcast_in_dim3A_56 : vector<16x1xi32> to vector<16x64xi32>
    %eq3A_58 = arith.cmpi eq, %select_n3A_53, %eq3A_57 : vector<16x64xi32>
    %jit3A_59 = arith.constant 65 : i32
    %broadcast_in_dim3A_60 = vector.broadcast %jit3A_59 : i32 to vector<16x64xi32>
    %select_n3A_61 = arith.select %eq3A_58, %broadcast_in_dim3A_60, %select_n3A_53 : vector<16x64xi1>, vector<16x64xi32>
    %reduce_min3A_62 = arith.constant dense<2147483647> : vector<16xi32>
    %reduce_min3A_63 = vector.multi_reduction <minsi>, %select_n3A_61, %reduce_min3A_62 [1] : vector<16x64xi32> to vector<16xi32>
    %broadcast_in_dim3A_64 = vector.shape_cast %reduce_min3A_63 : vector<16xi32> to vector<16x1xi32>
    %eq3A_65 = vector.broadcast %broadcast_in_dim3A_64 : vector<16x1xi32> to vector<16x64xi32>
    %eq3A_66 = arith.cmpi eq, %select_n3A_61, %eq3A_65 : vector<16x64xi32>
    %jit3A_67 = arith.constant 65 : i32
    %broadcast_in_dim3A_68 = vector.broadcast %jit3A_67 : i32 to vector<16x64xi32>
    %select_n3A_69 = arith.select %eq3A_66, %broadcast_in_dim3A_68, %select_n3A_61 : vector<16x64xi1>, vector<16x64xi32>
    %reduce_min3A_70 = arith.constant dense<2147483647> : vector<16xi32>
    %reduce_min3A_71 = vector.multi_reduction <minsi>, %select_n3A_69, %reduce_min3A_70 [1] : vector<16x64xi32> to vector<16xi32>
    %broadcast_in_dim3A_72 = vector.shape_cast %reduce_min3A_71 : vector<16xi32> to vector<16x1xi32>
    %eq3A_73 = vector.broadcast %broadcast_in_dim3A_72 : vector<16x1xi32> to vector<16x64xi32>
    %eq3A_74 = arith.cmpi eq, %select_n3A_69, %eq3A_73 : vector<16x64xi32>
    %jit3A_75 = arith.constant 65 : i32
    %broadcast_in_dim3A_76 = vector.broadcast %jit3A_75 : i32 to vector<16x64xi32>
    %select_n3A_77 = arith.select %eq3A_74, %broadcast_in_dim3A_76, %select_n3A_69 : vector<16x64xi1>, vector<16x64xi32>
    %reduce_min3A_78 = arith.constant dense<2147483647> : vector<16xi32>
    %reduce_min3A_79 = vector.multi_reduction <minsi>, %select_n3A_77, %reduce_min3A_78 [1] : vector<16x64xi32> to vector<16xi32>
    %broadcast_in_dim3A_80 = vector.shape_cast %reduce_min3A_79 : vector<16xi32> to vector<16x1xi32>
    %eq3A_81 = vector.broadcast %broadcast_in_dim3A_80 : vector<16x1xi32> to vector<16x64xi32>
    %eq3A_82 = arith.cmpi eq, %select_n3A_77, %eq3A_81 : vector<16x64xi32>
    %jit3A_83 = arith.constant 65 : i32
    %broadcast_in_dim3A_84 = vector.broadcast %jit3A_83 : i32 to vector<16x64xi32>
    %select_n3A_85 = arith.select %eq3A_82, %broadcast_in_dim3A_84, %select_n3A_77 : vector<16x64xi1>, vector<16x64xi32>
    %reduce_min3A_86 = arith.constant dense<2147483647> : vector<16xi32>
    %reduce_min3A_87 = vector.multi_reduction <minsi>, %select_n3A_85, %reduce_min3A_86 [1] : vector<16x64xi32> to vector<16xi32>
    %broadcast_in_dim3A_88 = vector.shape_cast %reduce_min3A_87 : vector<16xi32> to vector<16x1xi32>
    %eq3A_89 = vector.broadcast %broadcast_in_dim3A_88 : vector<16x1xi32> to vector<16x64xi32>
    %eq3A_90 = arith.cmpi eq, %select_n3A_85, %eq3A_89 : vector<16x64xi32>
    %jit3A_91 = arith.constant 65 : i32
    %broadcast_in_dim3A_92 = vector.broadcast %jit3A_91 : i32 to vector<16x64xi32>
    %select_n3A_93 = arith.select %eq3A_90, %broadcast_in_dim3A_92, %select_n3A_85 : vector<16x64xi1>, vector<16x64xi32>
    %reduce_min3A_94 = arith.constant dense<2147483647> : vector<16xi32>
    %reduce_min3A_95 = vector.multi_reduction <minsi>, %select_n3A_93, %reduce_min3A_94 [1] : vector<16x64xi32> to vector<16xi32>
    %broadcast_in_dim3A_96 = vector.shape_cast %reduce_min3A_95 : vector<16xi32> to vector<16x1xi32>
    %eq3A_97 = vector.broadcast %broadcast_in_dim3A_96 : vector<16x1xi32> to vector<16x64xi32>
    %eq3A_98 = arith.cmpi eq, %select_n3A_93, %eq3A_97 : vector<16x64xi32>
    %jit3A_99 = arith.constant 65 : i32
    %broadcast_in_dim3A_100 = vector.broadcast %jit3A_99 : i32 to vector<16x64xi32>
    %select_n3A_101 = arith.select %eq3A_98, %broadcast_in_dim3A_100, %select_n3A_93 : vector<16x64xi1>, vector<16x64xi32>
    %reduce_min3A_102 = arith.constant dense<2147483647> : vector<16xi32>
    %reduce_min3A_103 = vector.multi_reduction <minsi>, %select_n3A_101, %reduce_min3A_102 [1] : vector<16x64xi32> to vector<16xi32>
    %broadcast_in_dim3A_104 = vector.shape_cast %reduce_min3A_103 : vector<16xi32> to vector<16x1xi32>
    %eq3A_105 = vector.broadcast %broadcast_in_dim3A_104 : vector<16x1xi32> to vector<16x64xi32>
    %eq3A_106 = arith.cmpi eq, %select_n3A_101, %eq3A_105 : vector<16x64xi32>
    %jit3A_107 = arith.constant 65 : i32
    %broadcast_in_dim3A_108 = vector.broadcast %jit3A_107 : i32 to vector<16x64xi32>
    %select_n3A_109 = arith.select %eq3A_106, %broadcast_in_dim3A_108, %select_n3A_101 : vector<16x64xi1>, vector<16x64xi32>
    %reduce_min3A_110 = arith.constant dense<2147483647> : vector<16xi32>
    %reduce_min3A_111 = vector.multi_reduction <minsi>, %select_n3A_109, %reduce_min3A_110 [1] : vector<16x64xi32> to vector<16xi32>
    %broadcast_in_dim3A_112 = vector.shape_cast %reduce_min3A_111 : vector<16xi32> to vector<16x1xi32>
    %eq3A_113 = vector.broadcast %broadcast_in_dim3A_112 : vector<16x1xi32> to vector<16x64xi32>
    %eq3A_114 = arith.cmpi eq, %select_n3A_109, %eq3A_113 : vector<16x64xi32>
    %jit3A_115 = arith.constant 65 : i32
    %broadcast_in_dim3A_116 = vector.broadcast %jit3A_115 : i32 to vector<16x64xi32>
    %select_n3A_117 = arith.select %eq3A_114, %broadcast_in_dim3A_116, %select_n3A_109 : vector<16x64xi1>, vector<16x64xi32>
    %reduce_min3A_118 = arith.constant dense<2147483647> : vector<16xi32>
    %reduce_min3A_119 = vector.multi_reduction <minsi>, %select_n3A_117, %reduce_min3A_118 [1] : vector<16x64xi32> to vector<16xi32>
    %broadcast_in_dim3A_120 = vector.shape_cast %reduce_min3A_119 : vector<16xi32> to vector<16x1xi32>
    %eq3A_121 = vector.broadcast %broadcast_in_dim3A_120 : vector<16x1xi32> to vector<16x64xi32>
    %eq3A_122 = arith.cmpi eq, %select_n3A_117, %eq3A_121 : vector<16x64xi32>
    %jit3A_123 = arith.constant 65 : i32
    %broadcast_in_dim3A_124 = vector.broadcast %jit3A_123 : i32 to vector<16x64xi32>
    %select_n3A_125 = arith.select %eq3A_122, %broadcast_in_dim3A_124, %select_n3A_117 : vector<16x64xi1>, vector<16x64xi32>
    %reduce_min3A_126 = arith.constant dense<2147483647> : vector<16xi32>
    %reduce_min3A_127 = vector.multi_reduction <minsi>, %select_n3A_125, %reduce_min3A_126 [1] : vector<16x64xi32> to vector<16xi32>
    %broadcast_in_dim3A_128 = vector.shape_cast %reduce_min3A_127 : vector<16xi32> to vector<16x1xi32>
    %eq3A_129 = vector.broadcast %broadcast_in_dim3A_128 : vector<16x1xi32> to vector<16x64xi32>
    %eq3A_130 = arith.cmpi eq, %select_n3A_125, %eq3A_129 : vector<16x64xi32>
    %jit3A_131 = arith.constant 65 : i32
    %broadcast_in_dim3A_132 = vector.broadcast %jit3A_131 : i32 to vector<16x64xi32>
    %select_n3A_133 = arith.select %eq3A_130, %broadcast_in_dim3A_132, %select_n3A_125 : vector<16x64xi1>, vector<16x64xi32>
    %reduce_min3A_134 = arith.constant dense<2147483647> : vector<16xi32>
    %reduce_min3A_135 = vector.multi_reduction <minsi>, %select_n3A_133, %reduce_min3A_134 [1] : vector<16x64xi32> to vector<16xi32>
    %broadcast_in_dim3A_136 = vector.shape_cast %reduce_min3A_135 : vector<16xi32> to vector<16x1xi32>
    %eq3A_137 = vector.broadcast %broadcast_in_dim3A_136 : vector<16x1xi32> to vector<16x64xi32>
    %eq3A_138 = arith.cmpi eq, %select_n3A_133, %eq3A_137 : vector<16x64xi32>
    %jit3A_139 = arith.constant 65 : i32
    %broadcast_in_dim3A_140 = vector.broadcast %jit3A_139 : i32 to vector<16x64xi32>
    %select_n3A_141 = arith.select %eq3A_138, %broadcast_in_dim3A_140, %select_n3A_133 : vector<16x64xi1>, vector<16x64xi32>
    %reduce_min3A_142 = arith.constant dense<2147483647> : vector<16xi32>
    %reduce_min3A_143 = vector.multi_reduction <minsi>, %select_n3A_141, %reduce_min3A_142 [1] : vector<16x64xi32> to vector<16xi32>
    %broadcast_in_dim3A_144 = vector.shape_cast %reduce_min3A_143 : vector<16xi32> to vector<16x1xi32>
    %eq3A_145 = vector.broadcast %broadcast_in_dim3A_144 : vector<16x1xi32> to vector<16x64xi32>
    %eq3A_146 = arith.cmpi eq, %select_n3A_141, %eq3A_145 : vector<16x64xi32>
    %jit3A_147 = arith.constant 65 : i32
    %broadcast_in_dim3A_148 = vector.broadcast %jit3A_147 : i32 to vector<16x64xi32>
    %select_n3A_149 = arith.select %eq3A_146, %broadcast_in_dim3A_148, %select_n3A_141 : vector<16x64xi1>, vector<16x64xi32>
    %reduce_min3A_150 = arith.constant dense<2147483647> : vector<16xi32>
    %reduce_min3A_151 = vector.multi_reduction <minsi>, %select_n3A_149, %reduce_min3A_150 [1] : vector<16x64xi32> to vector<16xi32>
    %broadcast_in_dim3A_152 = vector.shape_cast %reduce_min3A_151 : vector<16xi32> to vector<16x1xi32>
    %eq3A_153 = vector.broadcast %broadcast_in_dim3A_152 : vector<16x1xi32> to vector<16x64xi32>
    %eq3A_154 = arith.cmpi eq, %select_n3A_149, %eq3A_153 : vector<16x64xi32>
    %jit3A_155 = arith.constant 65 : i32
    %broadcast_in_dim3A_156 = vector.broadcast %jit3A_155 : i32 to vector<16x64xi32>
    %select_n3A_157 = arith.select %eq3A_154, %broadcast_in_dim3A_156, %select_n3A_149 : vector<16x64xi1>, vector<16x64xi32>
    %reduce_min3A_158 = arith.constant dense<2147483647> : vector<16xi32>
    %reduce_min3A_159 = vector.multi_reduction <minsi>, %select_n3A_157, %reduce_min3A_158 [1] : vector<16x64xi32> to vector<16xi32>
    %broadcast_in_dim3A_160 = vector.shape_cast %reduce_min3A_159 : vector<16xi32> to vector<16x1xi32>
    %eq3A_161 = vector.broadcast %broadcast_in_dim3A_160 : vector<16x1xi32> to vector<16x64xi32>
    %eq3A_162 = arith.cmpi eq, %select_n3A_157, %eq3A_161 : vector<16x64xi32>
    %jit3A_163 = arith.constant 65 : i32
    %broadcast_in_dim3A_164 = vector.broadcast %jit3A_163 : i32 to vector<16x64xi32>
    %select_n3A_165 = arith.select %eq3A_162, %broadcast_in_dim3A_164, %select_n3A_157 : vector<16x64xi1>, vector<16x64xi32>
    %reduce_min3A_166 = arith.constant dense<2147483647> : vector<16xi32>
    %reduce_min3A_167 = vector.multi_reduction <minsi>, %select_n3A_165, %reduce_min3A_166 [1] : vector<16x64xi32> to vector<16xi32>
    %broadcast_in_dim3A_168 = vector.shape_cast %reduce_min3A_167 : vector<16xi32> to vector<16x1xi32>
    %eq3A_169 = vector.broadcast %broadcast_in_dim3A_168 : vector<16x1xi32> to vector<16x64xi32>
    %eq3A_170 = arith.cmpi eq, %select_n3A_165, %eq3A_169 : vector<16x64xi32>
    %jit3A_171 = arith.constant 65 : i32
    %broadcast_in_dim3A_172 = vector.broadcast %jit3A_171 : i32 to vector<16x64xi32>
    %select_n3A_173 = arith.select %eq3A_170, %broadcast_in_dim3A_172, %select_n3A_165 : vector<16x64xi1>, vector<16x64xi32>
    %reduce_min3A_174 = arith.constant dense<2147483647> : vector<16xi32>
    %reduce_min3A_175 = vector.multi_reduction <minsi>, %select_n3A_173, %reduce_min3A_174 [1] : vector<16x64xi32> to vector<16xi32>
    %broadcast_in_dim3A_176 = vector.shape_cast %reduce_min3A_175 : vector<16xi32> to vector<16x1xi32>
    %eq3A_177 = vector.broadcast %broadcast_in_dim3A_176 : vector<16x1xi32> to vector<16x64xi32>
    %eq3A_178 = arith.cmpi eq, %select_n3A_173, %eq3A_177 : vector<16x64xi32>
    %jit3A_179 = arith.constant 65 : i32
    %broadcast_in_dim3A_180 = vector.broadcast %jit3A_179 : i32 to vector<16x64xi32>
    %select_n3A_181 = arith.select %eq3A_178, %broadcast_in_dim3A_180, %select_n3A_173 : vector<16x64xi1>, vector<16x64xi32>
    %reduce_min3A_182 = arith.constant dense<2147483647> : vector<16xi32>
    %reduce_min3A_183 = vector.multi_reduction <minsi>, %select_n3A_181, %reduce_min3A_182 [1] : vector<16x64xi32> to vector<16xi32>
    %broadcast_in_dim3A_184 = vector.shape_cast %reduce_min3A_183 : vector<16xi32> to vector<16x1xi32>
    %eq3A_185 = vector.broadcast %broadcast_in_dim3A_184 : vector<16x1xi32> to vector<16x64xi32>
    %eq3A_186 = arith.cmpi eq, %select_n3A_181, %eq3A_185 : vector<16x64xi32>
    %jit3A_187 = arith.constant 65 : i32
    %broadcast_in_dim3A_188 = vector.broadcast %jit3A_187 : i32 to vector<16x64xi32>
    %select_n3A_189 = arith.select %eq3A_186, %broadcast_in_dim3A_188, %select_n3A_181 : vector<16x64xi1>, vector<16x64xi32>
    %reduce_min3A_190 = arith.constant dense<2147483647> : vector<16xi32>
    %reduce_min3A_191 = vector.multi_reduction <minsi>, %select_n3A_189, %reduce_min3A_190 [1] : vector<16x64xi32> to vector<16xi32>
    %broadcast_in_dim3A_192 = vector.shape_cast %reduce_min3A_191 : vector<16xi32> to vector<16x1xi32>
    %eq3A_193 = vector.broadcast %broadcast_in_dim3A_192 : vector<16x1xi32> to vector<16x64xi32>
    %eq3A_194 = arith.cmpi eq, %select_n3A_189, %eq3A_193 : vector<16x64xi32>
    %jit3A_195 = arith.constant 65 : i32
    %broadcast_in_dim3A_196 = vector.broadcast %jit3A_195 : i32 to vector<16x64xi32>
    %select_n3A_197 = arith.select %eq3A_194, %broadcast_in_dim3A_196, %select_n3A_189 : vector<16x64xi1>, vector<16x64xi32>
    %reduce_min3A_198 = arith.constant dense<2147483647> : vector<16xi32>
    %reduce_min3A_199 = vector.multi_reduction <minsi>, %select_n3A_197, %reduce_min3A_198 [1] : vector<16x64xi32> to vector<16xi32>
    %broadcast_in_dim3A_200 = vector.shape_cast %reduce_min3A_199 : vector<16xi32> to vector<16x1xi32>
    %eq3A_201 = vector.broadcast %broadcast_in_dim3A_200 : vector<16x1xi32> to vector<16x64xi32>
    %eq3A_202 = arith.cmpi eq, %select_n3A_197, %eq3A_201 : vector<16x64xi32>
    %jit3A_203 = arith.constant 65 : i32
    %broadcast_in_dim3A_204 = vector.broadcast %jit3A_203 : i32 to vector<16x64xi32>
    %select_n3A_205 = arith.select %eq3A_202, %broadcast_in_dim3A_204, %select_n3A_197 : vector<16x64xi1>, vector<16x64xi32>
    %reduce_min3A_206 = arith.constant dense<2147483647> : vector<16xi32>
    %reduce_min3A_207 = vector.multi_reduction <minsi>, %select_n3A_205, %reduce_min3A_206 [1] : vector<16x64xi32> to vector<16xi32>
    %broadcast_in_dim3A_208 = vector.shape_cast %reduce_min3A_207 : vector<16xi32> to vector<16x1xi32>
    %eq3A_209 = vector.broadcast %broadcast_in_dim3A_208 : vector<16x1xi32> to vector<16x64xi32>
    %eq3A_210 = arith.cmpi eq, %select_n3A_205, %eq3A_209 : vector<16x64xi32>
    %jit3A_211 = arith.constant 65 : i32
    %broadcast_in_dim3A_212 = vector.broadcast %jit3A_211 : i32 to vector<16x64xi32>
    %select_n3A_213 = arith.select %eq3A_210, %broadcast_in_dim3A_212, %select_n3A_205 : vector<16x64xi1>, vector<16x64xi32>
    %reduce_min3A_214 = arith.constant dense<2147483647> : vector<16xi32>
    %reduce_min3A_215 = vector.multi_reduction <minsi>, %select_n3A_213, %reduce_min3A_214 [1] : vector<16x64xi32> to vector<16xi32>
    %broadcast_in_dim3A_216 = vector.shape_cast %reduce_min3A_215 : vector<16xi32> to vector<16x1xi32>
    %eq3A_217 = vector.broadcast %broadcast_in_dim3A_216 : vector<16x1xi32> to vector<16x64xi32>
    %eq3A_218 = arith.cmpi eq, %select_n3A_213, %eq3A_217 : vector<16x64xi32>
    %jit3A_219 = arith.constant 65 : i32
    %broadcast_in_dim3A_220 = vector.broadcast %jit3A_219 : i32 to vector<16x64xi32>
    %select_n3A_221 = arith.select %eq3A_218, %broadcast_in_dim3A_220, %select_n3A_213 : vector<16x64xi1>, vector<16x64xi32>
    %reduce_min3A_222 = arith.constant dense<2147483647> : vector<16xi32>
    %reduce_min3A_223 = vector.multi_reduction <minsi>, %select_n3A_221, %reduce_min3A_222 [1] : vector<16x64xi32> to vector<16xi32>
    %broadcast_in_dim3A_224 = vector.shape_cast %reduce_min3A_223 : vector<16xi32> to vector<16x1xi32>
    %eq3A_225 = vector.broadcast %broadcast_in_dim3A_224 : vector<16x1xi32> to vector<16x64xi32>
    %eq3A_226 = arith.cmpi eq, %select_n3A_221, %eq3A_225 : vector<16x64xi32>
    %jit3A_227 = arith.constant 65 : i32
    %broadcast_in_dim3A_228 = vector.broadcast %jit3A_227 : i32 to vector<16x64xi32>
    %select_n3A_229 = arith.select %eq3A_226, %broadcast_in_dim3A_228, %select_n3A_221 : vector<16x64xi1>, vector<16x64xi32>
    %reduce_min3A_230 = arith.constant dense<2147483647> : vector<16xi32>
    %reduce_min3A_231 = vector.multi_reduction <minsi>, %select_n3A_229, %reduce_min3A_230 [1] : vector<16x64xi32> to vector<16xi32>
    %broadcast_in_dim3A_232 = vector.shape_cast %reduce_min3A_231 : vector<16xi32> to vector<16x1xi32>
    %eq3A_233 = vector.broadcast %broadcast_in_dim3A_232 : vector<16x1xi32> to vector<16x64xi32>
    %eq3A_234 = arith.cmpi eq, %select_n3A_229, %eq3A_233 : vector<16x64xi32>
    %jit3A_235 = arith.constant 65 : i32
    %broadcast_in_dim3A_236 = vector.broadcast %jit3A_235 : i32 to vector<16x64xi32>
    %select_n3A_237 = arith.select %eq3A_234, %broadcast_in_dim3A_236, %select_n3A_229 : vector<16x64xi1>, vector<16x64xi32>
    %reduce_min3A_238 = arith.constant dense<2147483647> : vector<16xi32>
    %reduce_min3A_239 = vector.multi_reduction <minsi>, %select_n3A_237, %reduce_min3A_238 [1] : vector<16x64xi32> to vector<16xi32>
    %broadcast_in_dim3A_240 = vector.shape_cast %reduce_min3A_239 : vector<16xi32> to vector<16x1xi32>
    %eq3A_241 = vector.broadcast %broadcast_in_dim3A_240 : vector<16x1xi32> to vector<16x64xi32>
    %eq3A_242 = arith.cmpi eq, %select_n3A_237, %eq3A_241 : vector<16x64xi32>
    %jit3A_243 = arith.constant 65 : i32
    %broadcast_in_dim3A_244 = vector.broadcast %jit3A_243 : i32 to vector<16x64xi32>
    %select_n3A_245 = arith.select %eq3A_242, %broadcast_in_dim3A_244, %select_n3A_237 : vector<16x64xi1>, vector<16x64xi32>
    %reduce_min3A_246 = arith.constant dense<2147483647> : vector<16xi32>
    %reduce_min3A_247 = vector.multi_reduction <minsi>, %select_n3A_245, %reduce_min3A_246 [1] : vector<16x64xi32> to vector<16xi32>
    %broadcast_in_dim3A_248 = vector.shape_cast %reduce_min3A_247 : vector<16xi32> to vector<16x1xi32>
    %eq3A_249 = vector.broadcast %broadcast_in_dim3A_248 : vector<16x1xi32> to vector<16x64xi32>
    %eq3A_250 = arith.cmpi eq, %select_n3A_245, %eq3A_249 : vector<16x64xi32>
    %jit3A_251 = arith.constant 65 : i32
    %broadcast_in_dim3A_252 = vector.broadcast %jit3A_251 : i32 to vector<16x64xi32>
    %select_n3A_253 = arith.select %eq3A_250, %broadcast_in_dim3A_252, %select_n3A_245 : vector<16x64xi1>, vector<16x64xi32>
    %reduce_min3A_254 = arith.constant dense<2147483647> : vector<16xi32>
    %reduce_min3A_255 = vector.multi_reduction <minsi>, %select_n3A_253, %reduce_min3A_254 [1] : vector<16x64xi32> to vector<16xi32>
    %broadcast_in_dim3A_256 = vector.shape_cast %reduce_min3A_255 : vector<16xi32> to vector<16x1xi32>
    %eq3A_257 = vector.broadcast %broadcast_in_dim3A_256 : vector<16x1xi32> to vector<16x64xi32>
    %eq3A_258 = arith.cmpi eq, %select_n3A_253, %eq3A_257 : vector<16x64xi32>
    %jit3A_259 = arith.constant 65 : i32
    %broadcast_in_dim3A_260 = vector.broadcast %jit3A_259 : i32 to vector<16x64xi32>
    %select_n3A_261 = arith.select %eq3A_258, %broadcast_in_dim3A_260, %select_n3A_253 : vector<16x64xi1>, vector<16x64xi32>
    %reduce_min3A_262 = arith.constant dense<2147483647> : vector<16xi32>
    %reduce_min3A_263 = vector.multi_reduction <minsi>, %select_n3A_261, %reduce_min3A_262 [1] : vector<16x64xi32> to vector<16xi32>
    %broadcast_in_dim3A_264 = vector.shape_cast %reduce_min3A_263 : vector<16xi32> to vector<16x1xi32>
    %eq3A_265 = vector.broadcast %broadcast_in_dim3A_264 : vector<16x1xi32> to vector<16x64xi32>
    %eq3A_266 = arith.cmpi eq, %select_n3A_261, %eq3A_265 : vector<16x64xi32>
    %jit3A_267 = arith.constant 65 : i32
    %broadcast_in_dim3A_268 = vector.broadcast %jit3A_267 : i32 to vector<16x64xi32>
    %select_n3A_269 = arith.select %eq3A_266, %broadcast_in_dim3A_268, %select_n3A_261 : vector<16x64xi1>, vector<16x64xi32>
    %reduce_min3A_270 = arith.constant dense<2147483647> : vector<16xi32>
    %reduce_min3A_271 = vector.multi_reduction <minsi>, %select_n3A_269, %reduce_min3A_270 [1] : vector<16x64xi32> to vector<16xi32>
    %broadcast_in_dim3A_272 = vector.shape_cast %reduce_min3A_271 : vector<16xi32> to vector<16x1xi32>
    %eq3A_273 = vector.broadcast %broadcast_in_dim3A_272 : vector<16x1xi32> to vector<16x64xi32>
    %eq3A_274 = arith.cmpi eq, %select_n3A_269, %eq3A_273 : vector<16x64xi32>
    %jit3A_275 = arith.constant 65 : i32
    %broadcast_in_dim3A_276 = vector.broadcast %jit3A_275 : i32 to vector<16x64xi32>
    %select_n3A_277 = arith.select %eq3A_274, %broadcast_in_dim3A_276, %select_n3A_269 : vector<16x64xi1>, vector<16x64xi32>
    %reduce_min3A_278 = arith.constant dense<2147483647> : vector<16xi32>
    %reduce_min3A_279 = vector.multi_reduction <minsi>, %select_n3A_277, %reduce_min3A_278 [1] : vector<16x64xi32> to vector<16xi32>
    %broadcast_in_dim3A_280 = vector.shape_cast %reduce_min3A_279 : vector<16xi32> to vector<16x1xi32>
    %eq3A_281 = vector.broadcast %broadcast_in_dim3A_33 : vector<16x1xi32> to vector<16x64xi32>
    %eq3A_282 = arith.cmpi eq, %iota3A, %eq3A_281 : vector<16x64xi32>
    %convert_element_type3A = arith.extui %eq3A_282 : vector<16x64xi1> to vector<16x64xi32>
    %convert_element_type3A_283 = arith.sitofp %convert_element_type3A : vector<16x64xi32> to vector<16x64xf32>
    %ge3A = arith.constant 64 : i32
    %ge3A_284 = vector.broadcast %ge3A : i32 to vector<16x1xi32>
    %ge3A_285 = arith.cmpi sge, %broadcast_in_dim3A_40, %ge3A_284 : vector<16x1xi32>
    %select_n3A_286 = arith.select %ge3A_285, %broadcast_in_dim3A_33, %broadcast_in_dim3A_40 : vector<16x1xi1>, vector<16x1xi32>
    %eq3A_287 = vector.broadcast %select_n3A_286 : vector<16x1xi32> to vector<16x64xi32>
    %eq3A_288 = arith.cmpi eq, %iota3A, %eq3A_287 : vector<16x64xi32>
    %convert_element_type3A_289 = arith.extui %eq3A_288 : vector<16x64xi1> to vector<16x64xi32>
    %convert_element_type3A_290 = arith.sitofp %convert_element_type3A_289 : vector<16x64xi32> to vector<16x64xf32>
    %ge3A_291 = arith.constant 64 : i32
    %ge3A_292 = vector.broadcast %ge3A_291 : i32 to vector<16x1xi32>
    %ge3A_293 = arith.cmpi sge, %broadcast_in_dim3A_48, %ge3A_292 : vector<16x1xi32>
    %select_n3A_294 = arith.select %ge3A_293, %broadcast_in_dim3A_33, %broadcast_in_dim3A_48 : vector<16x1xi1>, vector<16x1xi32>
    %eq3A_295 = vector.broadcast %select_n3A_294 : vector<16x1xi32> to vector<16x64xi32>
    %eq3A_296 = arith.cmpi eq, %iota3A, %eq3A_295 : vector<16x64xi32>
    %convert_element_type3A_297 = arith.extui %eq3A_296 : vector<16x64xi1> to vector<16x64xi32>
    %convert_element_type3A_298 = arith.sitofp %convert_element_type3A_297 : vector<16x64xi32> to vector<16x64xf32>
    %ge3A_299 = arith.constant 64 : i32
    %ge3A_300 = vector.broadcast %ge3A_299 : i32 to vector<16x1xi32>
    %ge3A_301 = arith.cmpi sge, %broadcast_in_dim3A_56, %ge3A_300 : vector<16x1xi32>
    %select_n3A_302 = arith.select %ge3A_301, %broadcast_in_dim3A_33, %broadcast_in_dim3A_56 : vector<16x1xi1>, vector<16x1xi32>
    %eq3A_303 = vector.broadcast %select_n3A_302 : vector<16x1xi32> to vector<16x64xi32>
    %eq3A_304 = arith.cmpi eq, %iota3A, %eq3A_303 : vector<16x64xi32>
    %convert_element_type3A_305 = arith.extui %eq3A_304 : vector<16x64xi1> to vector<16x64xi32>
    %convert_element_type3A_306 = arith.sitofp %convert_element_type3A_305 : vector<16x64xi32> to vector<16x64xf32>
    %ge3A_307 = arith.constant 64 : i32
    %ge3A_308 = vector.broadcast %ge3A_307 : i32 to vector<16x1xi32>
    %ge3A_309 = arith.cmpi sge, %broadcast_in_dim3A_64, %ge3A_308 : vector<16x1xi32>
    %select_n3A_310 = arith.select %ge3A_309, %broadcast_in_dim3A_33, %broadcast_in_dim3A_64 : vector<16x1xi1>, vector<16x1xi32>
    %eq3A_311 = vector.broadcast %select_n3A_310 : vector<16x1xi32> to vector<16x64xi32>
    %eq3A_312 = arith.cmpi eq, %iota3A, %eq3A_311 : vector<16x64xi32>
    %convert_element_type3A_313 = arith.extui %eq3A_312 : vector<16x64xi1> to vector<16x64xi32>
    %convert_element_type3A_314 = arith.sitofp %convert_element_type3A_313 : vector<16x64xi32> to vector<16x64xf32>
    %ge3A_315 = arith.constant 64 : i32
    %ge3A_316 = vector.broadcast %ge3A_315 : i32 to vector<16x1xi32>
    %ge3A_317 = arith.cmpi sge, %broadcast_in_dim3A_72, %ge3A_316 : vector<16x1xi32>
    %select_n3A_318 = arith.select %ge3A_317, %broadcast_in_dim3A_33, %broadcast_in_dim3A_72 : vector<16x1xi1>, vector<16x1xi32>
    %eq3A_319 = vector.broadcast %select_n3A_318 : vector<16x1xi32> to vector<16x64xi32>
    %eq3A_320 = arith.cmpi eq, %iota3A, %eq3A_319 : vector<16x64xi32>
    %convert_element_type3A_321 = arith.extui %eq3A_320 : vector<16x64xi1> to vector<16x64xi32>
    %convert_element_type3A_322 = arith.sitofp %convert_element_type3A_321 : vector<16x64xi32> to vector<16x64xf32>
    %ge3A_323 = arith.constant 64 : i32
    %ge3A_324 = vector.broadcast %ge3A_323 : i32 to vector<16x1xi32>
    %ge3A_325 = arith.cmpi sge, %broadcast_in_dim3A_80, %ge3A_324 : vector<16x1xi32>
    %select_n3A_326 = arith.select %ge3A_325, %broadcast_in_dim3A_33, %broadcast_in_dim3A_80 : vector<16x1xi1>, vector<16x1xi32>
    %eq3A_327 = vector.broadcast %select_n3A_326 : vector<16x1xi32> to vector<16x64xi32>
    %eq3A_328 = arith.cmpi eq, %iota3A, %eq3A_327 : vector<16x64xi32>
    %convert_element_type3A_329 = arith.extui %eq3A_328 : vector<16x64xi1> to vector<16x64xi32>
    %convert_element_type3A_330 = arith.sitofp %convert_element_type3A_329 : vector<16x64xi32> to vector<16x64xf32>
    %ge3A_331 = arith.constant 64 : i32
    %ge3A_332 = vector.broadcast %ge3A_331 : i32 to vector<16x1xi32>
    %ge3A_333 = arith.cmpi sge, %broadcast_in_dim3A_88, %ge3A_332 : vector<16x1xi32>
    %select_n3A_334 = arith.select %ge3A_333, %broadcast_in_dim3A_33, %broadcast_in_dim3A_88 : vector<16x1xi1>, vector<16x1xi32>
    %eq3A_335 = vector.broadcast %select_n3A_334 : vector<16x1xi32> to vector<16x64xi32>
    %eq3A_336 = arith.cmpi eq, %iota3A, %eq3A_335 : vector<16x64xi32>
    %convert_element_type3A_337 = arith.extui %eq3A_336 : vector<16x64xi1> to vector<16x64xi32>
    %convert_element_type3A_338 = arith.sitofp %convert_element_type3A_337 : vector<16x64xi32> to vector<16x64xf32>
    %ge3A_339 = arith.constant 64 : i32
    %ge3A_340 = vector.broadcast %ge3A_339 : i32 to vector<16x1xi32>
    %ge3A_341 = arith.cmpi sge, %broadcast_in_dim3A_96, %ge3A_340 : vector<16x1xi32>
    %select_n3A_342 = arith.select %ge3A_341, %broadcast_in_dim3A_33, %broadcast_in_dim3A_96 : vector<16x1xi1>, vector<16x1xi32>
    %eq3A_343 = vector.broadcast %select_n3A_342 : vector<16x1xi32> to vector<16x64xi32>
    %eq3A_344 = arith.cmpi eq, %iota3A, %eq3A_343 : vector<16x64xi32>
    %convert_element_type3A_345 = arith.extui %eq3A_344 : vector<16x64xi1> to vector<16x64xi32>
    %convert_element_type3A_346 = arith.sitofp %convert_element_type3A_345 : vector<16x64xi32> to vector<16x64xf32>
    %ge3A_347 = arith.constant 64 : i32
    %ge3A_348 = vector.broadcast %ge3A_347 : i32 to vector<16x1xi32>
    %ge3A_349 = arith.cmpi sge, %broadcast_in_dim3A_104, %ge3A_348 : vector<16x1xi32>
    %select_n3A_350 = arith.select %ge3A_349, %broadcast_in_dim3A_33, %broadcast_in_dim3A_104 : vector<16x1xi1>, vector<16x1xi32>
    %eq3A_351 = vector.broadcast %select_n3A_350 : vector<16x1xi32> to vector<16x64xi32>
    %eq3A_352 = arith.cmpi eq, %iota3A, %eq3A_351 : vector<16x64xi32>
    %convert_element_type3A_353 = arith.extui %eq3A_352 : vector<16x64xi1> to vector<16x64xi32>
    %convert_element_type3A_354 = arith.sitofp %convert_element_type3A_353 : vector<16x64xi32> to vector<16x64xf32>
    %ge3A_355 = arith.constant 64 : i32
    %ge3A_356 = vector.broadcast %ge3A_355 : i32 to vector<16x1xi32>
    %ge3A_357 = arith.cmpi sge, %broadcast_in_dim3A_112, %ge3A_356 : vector<16x1xi32>
    %select_n3A_358 = arith.select %ge3A_357, %broadcast_in_dim3A_33, %broadcast_in_dim3A_112 : vector<16x1xi1>, vector<16x1xi32>
    %eq3A_359 = vector.broadcast %select_n3A_358 : vector<16x1xi32> to vector<16x64xi32>
    %eq3A_360 = arith.cmpi eq, %iota3A, %eq3A_359 : vector<16x64xi32>
    %convert_element_type3A_361 = arith.extui %eq3A_360 : vector<16x64xi1> to vector<16x64xi32>
    %convert_element_type3A_362 = arith.sitofp %convert_element_type3A_361 : vector<16x64xi32> to vector<16x64xf32>
    %ge3A_363 = arith.constant 64 : i32
    %ge3A_364 = vector.broadcast %ge3A_363 : i32 to vector<16x1xi32>
    %ge3A_365 = arith.cmpi sge, %broadcast_in_dim3A_120, %ge3A_364 : vector<16x1xi32>
    %select_n3A_366 = arith.select %ge3A_365, %broadcast_in_dim3A_33, %broadcast_in_dim3A_120 : vector<16x1xi1>, vector<16x1xi32>
    %eq3A_367 = vector.broadcast %select_n3A_366 : vector<16x1xi32> to vector<16x64xi32>
    %eq3A_368 = arith.cmpi eq, %iota3A, %eq3A_367 : vector<16x64xi32>
    %convert_element_type3A_369 = arith.extui %eq3A_368 : vector<16x64xi1> to vector<16x64xi32>
    %convert_element_type3A_370 = arith.sitofp %convert_element_type3A_369 : vector<16x64xi32> to vector<16x64xf32>
    %ge3A_371 = arith.constant 64 : i32
    %ge3A_372 = vector.broadcast %ge3A_371 : i32 to vector<16x1xi32>
    %ge3A_373 = arith.cmpi sge, %broadcast_in_dim3A_128, %ge3A_372 : vector<16x1xi32>
    %select_n3A_374 = arith.select %ge3A_373, %broadcast_in_dim3A_33, %broadcast_in_dim3A_128 : vector<16x1xi1>, vector<16x1xi32>
    %eq3A_375 = vector.broadcast %select_n3A_374 : vector<16x1xi32> to vector<16x64xi32>
    %eq3A_376 = arith.cmpi eq, %iota3A, %eq3A_375 : vector<16x64xi32>
    %convert_element_type3A_377 = arith.extui %eq3A_376 : vector<16x64xi1> to vector<16x64xi32>
    %convert_element_type3A_378 = arith.sitofp %convert_element_type3A_377 : vector<16x64xi32> to vector<16x64xf32>
    %ge3A_379 = arith.constant 64 : i32
    %ge3A_380 = vector.broadcast %ge3A_379 : i32 to vector<16x1xi32>
    %ge3A_381 = arith.cmpi sge, %broadcast_in_dim3A_136, %ge3A_380 : vector<16x1xi32>
    %select_n3A_382 = arith.select %ge3A_381, %broadcast_in_dim3A_33, %broadcast_in_dim3A_136 : vector<16x1xi1>, vector<16x1xi32>
    %eq3A_383 = vector.broadcast %select_n3A_382 : vector<16x1xi32> to vector<16x64xi32>
    %eq3A_384 = arith.cmpi eq, %iota3A, %eq3A_383 : vector<16x64xi32>
    %convert_element_type3A_385 = arith.extui %eq3A_384 : vector<16x64xi1> to vector<16x64xi32>
    %convert_element_type3A_386 = arith.sitofp %convert_element_type3A_385 : vector<16x64xi32> to vector<16x64xf32>
    %ge3A_387 = arith.constant 64 : i32
    %ge3A_388 = vector.broadcast %ge3A_387 : i32 to vector<16x1xi32>
    %ge3A_389 = arith.cmpi sge, %broadcast_in_dim3A_144, %ge3A_388 : vector<16x1xi32>
    %select_n3A_390 = arith.select %ge3A_389, %broadcast_in_dim3A_33, %broadcast_in_dim3A_144 : vector<16x1xi1>, vector<16x1xi32>
    %eq3A_391 = vector.broadcast %select_n3A_390 : vector<16x1xi32> to vector<16x64xi32>
    %eq3A_392 = arith.cmpi eq, %iota3A, %eq3A_391 : vector<16x64xi32>
    %convert_element_type3A_393 = arith.extui %eq3A_392 : vector<16x64xi1> to vector<16x64xi32>
    %convert_element_type3A_394 = arith.sitofp %convert_element_type3A_393 : vector<16x64xi32> to vector<16x64xf32>
    %ge3A_395 = arith.constant 64 : i32
    %ge3A_396 = vector.broadcast %ge3A_395 : i32 to vector<16x1xi32>
    %ge3A_397 = arith.cmpi sge, %broadcast_in_dim3A_152, %ge3A_396 : vector<16x1xi32>
    %select_n3A_398 = arith.select %ge3A_397, %broadcast_in_dim3A_33, %broadcast_in_dim3A_152 : vector<16x1xi1>, vector<16x1xi32>
    %eq3A_399 = vector.broadcast %select_n3A_398 : vector<16x1xi32> to vector<16x64xi32>
    %eq3A_400 = arith.cmpi eq, %iota3A, %eq3A_399 : vector<16x64xi32>
    %convert_element_type3A_401 = arith.extui %eq3A_400 : vector<16x64xi1> to vector<16x64xi32>
    %convert_element_type3A_402 = arith.sitofp %convert_element_type3A_401 : vector<16x64xi32> to vector<16x64xf32>
    %ge3A_403 = arith.constant 64 : i32
    %ge3A_404 = vector.broadcast %ge3A_403 : i32 to vector<16x1xi32>
    %ge3A_405 = arith.cmpi sge, %broadcast_in_dim3A_160, %ge3A_404 : vector<16x1xi32>
    %select_n3A_406 = arith.select %ge3A_405, %broadcast_in_dim3A_33, %broadcast_in_dim3A_160 : vector<16x1xi1>, vector<16x1xi32>
    %eq3A_407 = vector.broadcast %select_n3A_406 : vector<16x1xi32> to vector<16x64xi32>
    %eq3A_408 = arith.cmpi eq, %iota3A, %eq3A_407 : vector<16x64xi32>
    %convert_element_type3A_409 = arith.extui %eq3A_408 : vector<16x64xi1> to vector<16x64xi32>
    %convert_element_type3A_410 = arith.sitofp %convert_element_type3A_409 : vector<16x64xi32> to vector<16x64xf32>
    %ge3A_411 = arith.constant 64 : i32
    %ge3A_412 = vector.broadcast %ge3A_411 : i32 to vector<16x1xi32>
    %ge3A_413 = arith.cmpi sge, %broadcast_in_dim3A_168, %ge3A_412 : vector<16x1xi32>
    %select_n3A_414 = arith.select %ge3A_413, %broadcast_in_dim3A_33, %broadcast_in_dim3A_168 : vector<16x1xi1>, vector<16x1xi32>
    %eq3A_415 = vector.broadcast %select_n3A_414 : vector<16x1xi32> to vector<16x64xi32>
    %eq3A_416 = arith.cmpi eq, %iota3A, %eq3A_415 : vector<16x64xi32>
    %convert_element_type3A_417 = arith.extui %eq3A_416 : vector<16x64xi1> to vector<16x64xi32>
    %convert_element_type3A_418 = arith.sitofp %convert_element_type3A_417 : vector<16x64xi32> to vector<16x64xf32>
    %ge3A_419 = arith.constant 64 : i32
    %ge3A_420 = vector.broadcast %ge3A_419 : i32 to vector<16x1xi32>
    %ge3A_421 = arith.cmpi sge, %broadcast_in_dim3A_176, %ge3A_420 : vector<16x1xi32>
    %select_n3A_422 = arith.select %ge3A_421, %broadcast_in_dim3A_33, %broadcast_in_dim3A_176 : vector<16x1xi1>, vector<16x1xi32>
    %eq3A_423 = vector.broadcast %select_n3A_422 : vector<16x1xi32> to vector<16x64xi32>
    %eq3A_424 = arith.cmpi eq, %iota3A, %eq3A_423 : vector<16x64xi32>
    %convert_element_type3A_425 = arith.extui %eq3A_424 : vector<16x64xi1> to vector<16x64xi32>
    %convert_element_type3A_426 = arith.sitofp %convert_element_type3A_425 : vector<16x64xi32> to vector<16x64xf32>
    %ge3A_427 = arith.constant 64 : i32
    %ge3A_428 = vector.broadcast %ge3A_427 : i32 to vector<16x1xi32>
    %ge3A_429 = arith.cmpi sge, %broadcast_in_dim3A_184, %ge3A_428 : vector<16x1xi32>
    %select_n3A_430 = arith.select %ge3A_429, %broadcast_in_dim3A_33, %broadcast_in_dim3A_184 : vector<16x1xi1>, vector<16x1xi32>
    %eq3A_431 = vector.broadcast %select_n3A_430 : vector<16x1xi32> to vector<16x64xi32>
    %eq3A_432 = arith.cmpi eq, %iota3A, %eq3A_431 : vector<16x64xi32>
    %convert_element_type3A_433 = arith.extui %eq3A_432 : vector<16x64xi1> to vector<16x64xi32>
    %convert_element_type3A_434 = arith.sitofp %convert_element_type3A_433 : vector<16x64xi32> to vector<16x64xf32>
    %ge3A_435 = arith.constant 64 : i32
    %ge3A_436 = vector.broadcast %ge3A_435 : i32 to vector<16x1xi32>
    %ge3A_437 = arith.cmpi sge, %broadcast_in_dim3A_192, %ge3A_436 : vector<16x1xi32>
    %select_n3A_438 = arith.select %ge3A_437, %broadcast_in_dim3A_33, %broadcast_in_dim3A_192 : vector<16x1xi1>, vector<16x1xi32>
    %eq3A_439 = vector.broadcast %select_n3A_438 : vector<16x1xi32> to vector<16x64xi32>
    %eq3A_440 = arith.cmpi eq, %iota3A, %eq3A_439 : vector<16x64xi32>
    %convert_element_type3A_441 = arith.extui %eq3A_440 : vector<16x64xi1> to vector<16x64xi32>
    %convert_element_type3A_442 = arith.sitofp %convert_element_type3A_441 : vector<16x64xi32> to vector<16x64xf32>
    %ge3A_443 = arith.constant 64 : i32
    %ge3A_444 = vector.broadcast %ge3A_443 : i32 to vector<16x1xi32>
    %ge3A_445 = arith.cmpi sge, %broadcast_in_dim3A_200, %ge3A_444 : vector<16x1xi32>
    %select_n3A_446 = arith.select %ge3A_445, %broadcast_in_dim3A_33, %broadcast_in_dim3A_200 : vector<16x1xi1>, vector<16x1xi32>
    %eq3A_447 = vector.broadcast %select_n3A_446 : vector<16x1xi32> to vector<16x64xi32>
    %eq3A_448 = arith.cmpi eq, %iota3A, %eq3A_447 : vector<16x64xi32>
    %convert_element_type3A_449 = arith.extui %eq3A_448 : vector<16x64xi1> to vector<16x64xi32>
    %convert_element_type3A_450 = arith.sitofp %convert_element_type3A_449 : vector<16x64xi32> to vector<16x64xf32>
    %ge3A_451 = arith.constant 64 : i32
    %ge3A_452 = vector.broadcast %ge3A_451 : i32 to vector<16x1xi32>
    %ge3A_453 = arith.cmpi sge, %broadcast_in_dim3A_208, %ge3A_452 : vector<16x1xi32>
    %select_n3A_454 = arith.select %ge3A_453, %broadcast_in_dim3A_33, %broadcast_in_dim3A_208 : vector<16x1xi1>, vector<16x1xi32>
    %eq3A_455 = vector.broadcast %select_n3A_454 : vector<16x1xi32> to vector<16x64xi32>
    %eq3A_456 = arith.cmpi eq, %iota3A, %eq3A_455 : vector<16x64xi32>
    %convert_element_type3A_457 = arith.extui %eq3A_456 : vector<16x64xi1> to vector<16x64xi32>
    %convert_element_type3A_458 = arith.sitofp %convert_element_type3A_457 : vector<16x64xi32> to vector<16x64xf32>
    %ge3A_459 = arith.constant 64 : i32
    %ge3A_460 = vector.broadcast %ge3A_459 : i32 to vector<16x1xi32>
    %ge3A_461 = arith.cmpi sge, %broadcast_in_dim3A_216, %ge3A_460 : vector<16x1xi32>
    %select_n3A_462 = arith.select %ge3A_461, %broadcast_in_dim3A_33, %broadcast_in_dim3A_216 : vector<16x1xi1>, vector<16x1xi32>
    %eq3A_463 = vector.broadcast %select_n3A_462 : vector<16x1xi32> to vector<16x64xi32>
    %eq3A_464 = arith.cmpi eq, %iota3A, %eq3A_463 : vector<16x64xi32>
    %convert_element_type3A_465 = arith.extui %eq3A_464 : vector<16x64xi1> to vector<16x64xi32>
    %convert_element_type3A_466 = arith.sitofp %convert_element_type3A_465 : vector<16x64xi32> to vector<16x64xf32>
    %ge3A_467 = arith.constant 64 : i32
    %ge3A_468 = vector.broadcast %ge3A_467 : i32 to vector<16x1xi32>
    %ge3A_469 = arith.cmpi sge, %broadcast_in_dim3A_224, %ge3A_468 : vector<16x1xi32>
    %select_n3A_470 = arith.select %ge3A_469, %broadcast_in_dim3A_33, %broadcast_in_dim3A_224 : vector<16x1xi1>, vector<16x1xi32>
    %eq3A_471 = vector.broadcast %select_n3A_470 : vector<16x1xi32> to vector<16x64xi32>
    %eq3A_472 = arith.cmpi eq, %iota3A, %eq3A_471 : vector<16x64xi32>
    %convert_element_type3A_473 = arith.extui %eq3A_472 : vector<16x64xi1> to vector<16x64xi32>
    %convert_element_type3A_474 = arith.sitofp %convert_element_type3A_473 : vector<16x64xi32> to vector<16x64xf32>
    %ge3A_475 = arith.constant 64 : i32
    %ge3A_476 = vector.broadcast %ge3A_475 : i32 to vector<16x1xi32>
    %ge3A_477 = arith.cmpi sge, %broadcast_in_dim3A_232, %ge3A_476 : vector<16x1xi32>
    %select_n3A_478 = arith.select %ge3A_477, %broadcast_in_dim3A_33, %broadcast_in_dim3A_232 : vector<16x1xi1>, vector<16x1xi32>
    %eq3A_479 = vector.broadcast %select_n3A_478 : vector<16x1xi32> to vector<16x64xi32>
    %eq3A_480 = arith.cmpi eq, %iota3A, %eq3A_479 : vector<16x64xi32>
    %convert_element_type3A_481 = arith.extui %eq3A_480 : vector<16x64xi1> to vector<16x64xi32>
    %convert_element_type3A_482 = arith.sitofp %convert_element_type3A_481 : vector<16x64xi32> to vector<16x64xf32>
    %ge3A_483 = arith.constant 64 : i32
    %ge3A_484 = vector.broadcast %ge3A_483 : i32 to vector<16x1xi32>
    %ge3A_485 = arith.cmpi sge, %broadcast_in_dim3A_240, %ge3A_484 : vector<16x1xi32>
    %select_n3A_486 = arith.select %ge3A_485, %broadcast_in_dim3A_33, %broadcast_in_dim3A_240 : vector<16x1xi1>, vector<16x1xi32>
    %eq3A_487 = vector.broadcast %select_n3A_486 : vector<16x1xi32> to vector<16x64xi32>
    %eq3A_488 = arith.cmpi eq, %iota3A, %eq3A_487 : vector<16x64xi32>
    %convert_element_type3A_489 = arith.extui %eq3A_488 : vector<16x64xi1> to vector<16x64xi32>
    %convert_element_type3A_490 = arith.sitofp %convert_element_type3A_489 : vector<16x64xi32> to vector<16x64xf32>
    %ge3A_491 = arith.constant 64 : i32
    %ge3A_492 = vector.broadcast %ge3A_491 : i32 to vector<16x1xi32>
    %ge3A_493 = arith.cmpi sge, %broadcast_in_dim3A_248, %ge3A_492 : vector<16x1xi32>
    %select_n3A_494 = arith.select %ge3A_493, %broadcast_in_dim3A_33, %broadcast_in_dim3A_248 : vector<16x1xi1>, vector<16x1xi32>
    %eq3A_495 = vector.broadcast %select_n3A_494 : vector<16x1xi32> to vector<16x64xi32>
    %eq3A_496 = arith.cmpi eq, %iota3A, %eq3A_495 : vector<16x64xi32>
    %convert_element_type3A_497 = arith.extui %eq3A_496 : vector<16x64xi1> to vector<16x64xi32>
    %convert_element_type3A_498 = arith.sitofp %convert_element_type3A_497 : vector<16x64xi32> to vector<16x64xf32>
    %ge3A_499 = arith.constant 64 : i32
    %ge3A_500 = vector.broadcast %ge3A_499 : i32 to vector<16x1xi32>
    %ge3A_501 = arith.cmpi sge, %broadcast_in_dim3A_256, %ge3A_500 : vector<16x1xi32>
    %select_n3A_502 = arith.select %ge3A_501, %broadcast_in_dim3A_33, %broadcast_in_dim3A_256 : vector<16x1xi1>, vector<16x1xi32>
    %eq3A_503 = vector.broadcast %select_n3A_502 : vector<16x1xi32> to vector<16x64xi32>
    %eq3A_504 = arith.cmpi eq, %iota3A, %eq3A_503 : vector<16x64xi32>
    %convert_element_type3A_505 = arith.extui %eq3A_504 : vector<16x64xi1> to vector<16x64xi32>
    %convert_element_type3A_506 = arith.sitofp %convert_element_type3A_505 : vector<16x64xi32> to vector<16x64xf32>
    %ge3A_507 = arith.constant 64 : i32
    %ge3A_508 = vector.broadcast %ge3A_507 : i32 to vector<16x1xi32>
    %ge3A_509 = arith.cmpi sge, %broadcast_in_dim3A_264, %ge3A_508 : vector<16x1xi32>
    %select_n3A_510 = arith.select %ge3A_509, %broadcast_in_dim3A_33, %broadcast_in_dim3A_264 : vector<16x1xi1>, vector<16x1xi32>
    %eq3A_511 = vector.broadcast %select_n3A_510 : vector<16x1xi32> to vector<16x64xi32>
    %eq3A_512 = arith.cmpi eq, %iota3A, %eq3A_511 : vector<16x64xi32>
    %convert_element_type3A_513 = arith.extui %eq3A_512 : vector<16x64xi1> to vector<16x64xi32>
    %convert_element_type3A_514 = arith.sitofp %convert_element_type3A_513 : vector<16x64xi32> to vector<16x64xf32>
    %ge3A_515 = arith.constant 64 : i32
    %ge3A_516 = vector.broadcast %ge3A_515 : i32 to vector<16x1xi32>
    %ge3A_517 = arith.cmpi sge, %broadcast_in_dim3A_272, %ge3A_516 : vector<16x1xi32>
    %select_n3A_518 = arith.select %ge3A_517, %broadcast_in_dim3A_33, %broadcast_in_dim3A_272 : vector<16x1xi1>, vector<16x1xi32>
    %eq3A_519 = vector.broadcast %select_n3A_518 : vector<16x1xi32> to vector<16x64xi32>
    %eq3A_520 = arith.cmpi eq, %iota3A, %eq3A_519 : vector<16x64xi32>
    %convert_element_type3A_521 = arith.extui %eq3A_520 : vector<16x64xi1> to vector<16x64xi32>
    %convert_element_type3A_522 = arith.sitofp %convert_element_type3A_521 : vector<16x64xi32> to vector<16x64xf32>
    %ge3A_523 = arith.constant 64 : i32
    %ge3A_524 = vector.broadcast %ge3A_523 : i32 to vector<16x1xi32>
    %ge3A_525 = arith.cmpi sge, %broadcast_in_dim3A_280, %ge3A_524 : vector<16x1xi32>
    %select_n3A_526 = arith.select %ge3A_525, %broadcast_in_dim3A_33, %broadcast_in_dim3A_280 : vector<16x1xi1>, vector<16x1xi32>
    %eq3A_527 = vector.broadcast %select_n3A_526 : vector<16x1xi32> to vector<16x64xi32>
    %eq3A_528 = arith.cmpi eq, %iota3A, %eq3A_527 : vector<16x64xi32>
    %convert_element_type3A_529 = arith.extui %eq3A_528 : vector<16x64xi1> to vector<16x64xi32>
    %convert_element_type3A_530 = arith.sitofp %convert_element_type3A_529 : vector<16x64xi32> to vector<16x64xf32>
    %concatenate3A = tpu.concatenate %convert_element_type3A_283, %convert_element_type3A_290, %convert_element_type3A_298, %convert_element_type3A_306, %convert_element_type3A_314, %convert_element_type3A_322, %convert_element_type3A_330, %convert_element_type3A_338, %convert_element_type3A_346, %convert_element_type3A_354, %convert_element_type3A_362, %convert_element_type3A_370, %convert_element_type3A_378, %convert_element_type3A_386, %convert_element_type3A_394, %convert_element_type3A_402, %convert_element_type3A_410, %convert_element_type3A_418, %convert_element_type3A_426, %convert_element_type3A_434, %convert_element_type3A_442, %convert_element_type3A_450, %convert_element_type3A_458, %convert_element_type3A_466, %convert_element_type3A_474, %convert_element_type3A_482, %convert_element_type3A_490, %convert_element_type3A_498, %convert_element_type3A_506, %convert_element_type3A_514, %convert_element_type3A_522, %convert_element_type3A_530 in 0 : vector<16x64xf32>, vector<16x64xf32>, vector<16x64xf32>, vector<16x64xf32>, vector<16x64xf32>, vector<16x64xf32>, vector<16x64xf32>, vector<16x64xf32>, vector<16x64xf32>, vector<16x64xf32>, vector<16x64xf32>, vector<16x64xf32>, vector<16x64xf32>, vector<16x64xf32>, vector<16x64xf32>, vector<16x64xf32>, vector<16x64xf32>, vector<16x64xf32>, vector<16x64xf32>, vector<16x64xf32>, vector<16x64xf32>, vector<16x64xf32>, vector<16x64xf32>, vector<16x64xf32>, vector<16x64xf32>, vector<16x64xf32>, vector<16x64xf32>, vector<16x64xf32>, vector<16x64xf32>, vector<16x64xf32>, vector<16x64xf32>, vector<16x64xf32> -> vector<512x64xf32>
    %dot_general3A = arith.constant dense<0.000000e+00> : vector<512x515xf32>
    %dot_general3A_531 = tpu.matmul %concatenate3A, %get3A_3, %dot_general3A {dimension_numbers = #tpu.dot_dimension_numbers<[1], [0], [0], [1], [0, 0, 1, 1], [], []>, precision = #tpu.contract_precision<fp32>, transpose_lhs_hint = false} : vector<512x64xf32>, vector<64x515xf32>, vector<512x515xf32> -> vector<512x515xf32>
    %get3A_532 = arith.constant 0 : index
    %get3A_533 = arith.constant 0 : index
    %get3A_534 = vector.load %arg5[%get3A_532, %get3A_533] : memref<3x512xf32, #tpu.memory_space<vmem>>, vector<3x512xf32>
    %dot_general3A_535 = arith.constant dense<0.000000e+00> : vector<16x512xf32>
    %dot_general3A_536 = tpu.matmul %get3A_13, %get3A_534, %dot_general3A_535 {dimension_numbers = #tpu.dot_dimension_numbers<[1], [0], [0], [1], [0, 0, 1, 1], [], []>, precision = #tpu.contract_precision<fp32>, transpose_lhs_hint = false} : vector<16x3xf32>, vector<3x512xf32>, vector<16x512xf32> -> vector<16x512xf32>
    %concatenate3A_537 = tpu.concatenate %dot_general3A_536, %dot_general3A_536, %dot_general3A_536, %dot_general3A_536, %dot_general3A_536, %dot_general3A_536, %dot_general3A_536, %dot_general3A_536, %dot_general3A_536, %dot_general3A_536, %dot_general3A_536, %dot_general3A_536, %dot_general3A_536, %dot_general3A_536, %dot_general3A_536, %dot_general3A_536, %dot_general3A_536, %dot_general3A_536, %dot_general3A_536, %dot_general3A_536, %dot_general3A_536, %dot_general3A_536, %dot_general3A_536, %dot_general3A_536, %dot_general3A_536, %dot_general3A_536, %dot_general3A_536, %dot_general3A_536, %dot_general3A_536, %dot_general3A_536, %dot_general3A_536, %dot_general3A_536 in 0 : vector<16x512xf32>, vector<16x512xf32>, vector<16x512xf32>, vector<16x512xf32>, vector<16x512xf32>, vector<16x512xf32>, vector<16x512xf32>, vector<16x512xf32>, vector<16x512xf32>, vector<16x512xf32>, vector<16x512xf32>, vector<16x512xf32>, vector<16x512xf32>, vector<16x512xf32>, vector<16x512xf32>, vector<16x512xf32>, vector<16x512xf32>, vector<16x512xf32>, vector<16x512xf32>, vector<16x512xf32>, vector<16x512xf32>, vector<16x512xf32>, vector<16x512xf32>, vector<16x512xf32>, vector<16x512xf32>, vector<16x512xf32>, vector<16x512xf32>, vector<16x512xf32>, vector<16x512xf32>, vector<16x512xf32>, vector<16x512xf32>, vector<16x512xf32> -> vector<512x512xf32>
    %get3A_538 = arith.constant 0 : index
    %get3A_539 = arith.constant 0 : index
    %get3A_540 = vector.load %arg6[%get3A_538, %get3A_539] : memref<515x512xf32, #tpu.memory_space<vmem>>, vector<515x512xf32>
    %dot_general3A_541 = arith.constant dense<0.000000e+00> : vector<512x512xf32>
    %dot_general3A_542 = tpu.matmul %dot_general3A_531, %get3A_540, %dot_general3A_541 {dimension_numbers = #tpu.dot_dimension_numbers<[1], [0], [0], [1], [0, 0, 1, 1], [], []>, transpose_lhs_hint = false} : vector<512x515xf32>, vector<515x512xf32>, vector<512x512xf32> -> vector<512x512xf32>
    %sub3A_543 = arith.subf %dot_general3A_542, %concatenate3A_537 : vector<512x512xf32>
    %max3A = arith.constant 0.000000e+00 : f32
    %max3A_544 = vector.broadcast %max3A : f32 to vector<512x512xf32>
    %max3A_545 = arith.maximumf %sub3A_543, %max3A_544 : vector<512x512xf32>
    %get3A_546 = arith.constant 0 : index
    %get3A_547 = arith.constant 0 : index
    %get3A_548 = vector.load %arg7[%get3A_546, %get3A_547] : memref<512x512xf32, #tpu.memory_space<vmem>>, vector<512x512xf32>
    %dot_general3A_549 = arith.constant dense<0.000000e+00> : vector<512x512xf32>
    %dot_general3A_550 = tpu.matmul %max3A_545, %get3A_548, %dot_general3A_549 {dimension_numbers = #tpu.dot_dimension_numbers<[1], [0], [0], [1], [0, 0, 1, 1], [], []>, transpose_lhs_hint = false} : vector<512x512xf32>, vector<512x512xf32>, vector<512x512xf32> -> vector<512x512xf32>
    %max3A_551 = arith.constant 0.000000e+00 : f32
    %max3A_552 = vector.broadcast %max3A_551 : f32 to vector<512x512xf32>
    %max3A_553 = arith.maximumf %dot_general3A_550, %max3A_552 : vector<512x512xf32>
    %get3A_554 = arith.constant 0 : index
    %get3A_555 = arith.constant 0 : index
    %get3A_556 = vector.load %arg8[%get3A_554, %get3A_555] : memref<512x1024xf32, #tpu.memory_space<vmem>>, vector<512x1024xf32>
    %dot_general3A_557 = arith.constant dense<0.000000e+00> : vector<512x1024xf32>
    %dot_general3A_558 = tpu.matmul %max3A_553, %get3A_556, %dot_general3A_557 {dimension_numbers = #tpu.dot_dimension_numbers<[1], [0], [0], [1], [0, 0, 1, 1], [], []>, transpose_lhs_hint = false} : vector<512x512xf32>, vector<512x1024xf32>, vector<512x1024xf32> -> vector<512x1024xf32>
    %max3A_559 = arith.constant 0.000000e+00 : f32
    %max3A_560 = vector.broadcast %max3A_559 : f32 to vector<512x1024xf32>
    %max3A_561 = arith.maximumf %dot_general3A_558, %max3A_560 : vector<512x1024xf32>
    %slice3A_562 = vector.extract_strided_slice %max3A_561 {offsets = [0, 0], sizes = [16, 1024], strides = [1, 1]} : vector<512x1024xf32> to vector<16x1024xf32>
    %slice3A_563 = vector.extract_strided_slice %max3A_561 {offsets = [16, 0], sizes = [16, 1024], strides = [1, 1]} : vector<512x1024xf32> to vector<16x1024xf32>
    %max3A_564 = arith.maximumf %slice3A_562, %slice3A_563 : vector<16x1024xf32>
    %slice3A_565 = vector.extract_strided_slice %max3A_561 {offsets = [32, 0], sizes = [16, 1024], strides = [1, 1]} : vector<512x1024xf32> to vector<16x1024xf32>
    %max3A_566 = arith.maximumf %max3A_564, %slice3A_565 : vector<16x1024xf32>
    %slice3A_567 = vector.extract_strided_slice %max3A_561 {offsets = [48, 0], sizes = [16, 1024], strides = [1, 1]} : vector<512x1024xf32> to vector<16x1024xf32>
    %max3A_568 = arith.maximumf %max3A_566, %slice3A_567 : vector<16x1024xf32>
    %slice3A_569 = vector.extract_strided_slice %max3A_561 {offsets = [64, 0], sizes = [16, 1024], strides = [1, 1]} : vector<512x1024xf32> to vector<16x1024xf32>
    %max3A_570 = arith.maximumf %max3A_568, %slice3A_569 : vector<16x1024xf32>
    %slice3A_571 = vector.extract_strided_slice %max3A_561 {offsets = [80, 0], sizes = [16, 1024], strides = [1, 1]} : vector<512x1024xf32> to vector<16x1024xf32>
    %max3A_572 = arith.maximumf %max3A_570, %slice3A_571 : vector<16x1024xf32>
    %slice3A_573 = vector.extract_strided_slice %max3A_561 {offsets = [96, 0], sizes = [16, 1024], strides = [1, 1]} : vector<512x1024xf32> to vector<16x1024xf32>
    %max3A_574 = arith.maximumf %max3A_572, %slice3A_573 : vector<16x1024xf32>
    %slice3A_575 = vector.extract_strided_slice %max3A_561 {offsets = [112, 0], sizes = [16, 1024], strides = [1, 1]} : vector<512x1024xf32> to vector<16x1024xf32>
    %max3A_576 = arith.maximumf %max3A_574, %slice3A_575 : vector<16x1024xf32>
    %slice3A_577 = vector.extract_strided_slice %max3A_561 {offsets = [128, 0], sizes = [16, 1024], strides = [1, 1]} : vector<512x1024xf32> to vector<16x1024xf32>
    %max3A_578 = arith.maximumf %max3A_576, %slice3A_577 : vector<16x1024xf32>
    %slice3A_579 = vector.extract_strided_slice %max3A_561 {offsets = [144, 0], sizes = [16, 1024], strides = [1, 1]} : vector<512x1024xf32> to vector<16x1024xf32>
    %max3A_580 = arith.maximumf %max3A_578, %slice3A_579 : vector<16x1024xf32>
    %slice3A_581 = vector.extract_strided_slice %max3A_561 {offsets = [160, 0], sizes = [16, 1024], strides = [1, 1]} : vector<512x1024xf32> to vector<16x1024xf32>
    %max3A_582 = arith.maximumf %max3A_580, %slice3A_581 : vector<16x1024xf32>
    %slice3A_583 = vector.extract_strided_slice %max3A_561 {offsets = [176, 0], sizes = [16, 1024], strides = [1, 1]} : vector<512x1024xf32> to vector<16x1024xf32>
    %max3A_584 = arith.maximumf %max3A_582, %slice3A_583 : vector<16x1024xf32>
    %slice3A_585 = vector.extract_strided_slice %max3A_561 {offsets = [192, 0], sizes = [16, 1024], strides = [1, 1]} : vector<512x1024xf32> to vector<16x1024xf32>
    %max3A_586 = arith.maximumf %max3A_584, %slice3A_585 : vector<16x1024xf32>
    %slice3A_587 = vector.extract_strided_slice %max3A_561 {offsets = [208, 0], sizes = [16, 1024], strides = [1, 1]} : vector<512x1024xf32> to vector<16x1024xf32>
    %max3A_588 = arith.maximumf %max3A_586, %slice3A_587 : vector<16x1024xf32>
    %slice3A_589 = vector.extract_strided_slice %max3A_561 {offsets = [224, 0], sizes = [16, 1024], strides = [1, 1]} : vector<512x1024xf32> to vector<16x1024xf32>
    %max3A_590 = arith.maximumf %max3A_588, %slice3A_589 : vector<16x1024xf32>
    %slice3A_591 = vector.extract_strided_slice %max3A_561 {offsets = [240, 0], sizes = [16, 1024], strides = [1, 1]} : vector<512x1024xf32> to vector<16x1024xf32>
    %max3A_592 = arith.maximumf %max3A_590, %slice3A_591 : vector<16x1024xf32>
    %slice3A_593 = vector.extract_strided_slice %max3A_561 {offsets = [256, 0], sizes = [16, 1024], strides = [1, 1]} : vector<512x1024xf32> to vector<16x1024xf32>
    %max3A_594 = arith.maximumf %max3A_592, %slice3A_593 : vector<16x1024xf32>
    %slice3A_595 = vector.extract_strided_slice %max3A_561 {offsets = [272, 0], sizes = [16, 1024], strides = [1, 1]} : vector<512x1024xf32> to vector<16x1024xf32>
    %max3A_596 = arith.maximumf %max3A_594, %slice3A_595 : vector<16x1024xf32>
    %slice3A_597 = vector.extract_strided_slice %max3A_561 {offsets = [288, 0], sizes = [16, 1024], strides = [1, 1]} : vector<512x1024xf32> to vector<16x1024xf32>
    %max3A_598 = arith.maximumf %max3A_596, %slice3A_597 : vector<16x1024xf32>
    %slice3A_599 = vector.extract_strided_slice %max3A_561 {offsets = [304, 0], sizes = [16, 1024], strides = [1, 1]} : vector<512x1024xf32> to vector<16x1024xf32>
    %max3A_600 = arith.maximumf %max3A_598, %slice3A_599 : vector<16x1024xf32>
    %slice3A_601 = vector.extract_strided_slice %max3A_561 {offsets = [320, 0], sizes = [16, 1024], strides = [1, 1]} : vector<512x1024xf32> to vector<16x1024xf32>
    %max3A_602 = arith.maximumf %max3A_600, %slice3A_601 : vector<16x1024xf32>
    %slice3A_603 = vector.extract_strided_slice %max3A_561 {offsets = [336, 0], sizes = [16, 1024], strides = [1, 1]} : vector<512x1024xf32> to vector<16x1024xf32>
    %max3A_604 = arith.maximumf %max3A_602, %slice3A_603 : vector<16x1024xf32>
    %slice3A_605 = vector.extract_strided_slice %max3A_561 {offsets = [352, 0], sizes = [16, 1024], strides = [1, 1]} : vector<512x1024xf32> to vector<16x1024xf32>
    %max3A_606 = arith.maximumf %max3A_604, %slice3A_605 : vector<16x1024xf32>
    %slice3A_607 = vector.extract_strided_slice %max3A_561 {offsets = [368, 0], sizes = [16, 1024], strides = [1, 1]} : vector<512x1024xf32> to vector<16x1024xf32>
    %max3A_608 = arith.maximumf %max3A_606, %slice3A_607 : vector<16x1024xf32>
    %slice3A_609 = vector.extract_strided_slice %max3A_561 {offsets = [384, 0], sizes = [16, 1024], strides = [1, 1]} : vector<512x1024xf32> to vector<16x1024xf32>
    %max3A_610 = arith.maximumf %max3A_608, %slice3A_609 : vector<16x1024xf32>
    %slice3A_611 = vector.extract_strided_slice %max3A_561 {offsets = [400, 0], sizes = [16, 1024], strides = [1, 1]} : vector<512x1024xf32> to vector<16x1024xf32>
    %max3A_612 = arith.maximumf %max3A_610, %slice3A_611 : vector<16x1024xf32>
    %slice3A_613 = vector.extract_strided_slice %max3A_561 {offsets = [416, 0], sizes = [16, 1024], strides = [1, 1]} : vector<512x1024xf32> to vector<16x1024xf32>
    %max3A_614 = arith.maximumf %max3A_612, %slice3A_613 : vector<16x1024xf32>
    %slice3A_615 = vector.extract_strided_slice %max3A_561 {offsets = [432, 0], sizes = [16, 1024], strides = [1, 1]} : vector<512x1024xf32> to vector<16x1024xf32>
    %max3A_616 = arith.maximumf %max3A_614, %slice3A_615 : vector<16x1024xf32>
    %slice3A_617 = vector.extract_strided_slice %max3A_561 {offsets = [448, 0], sizes = [16, 1024], strides = [1, 1]} : vector<512x1024xf32> to vector<16x1024xf32>
    %max3A_618 = arith.maximumf %max3A_616, %slice3A_617 : vector<16x1024xf32>
    %slice3A_619 = vector.extract_strided_slice %max3A_561 {offsets = [464, 0], sizes = [16, 1024], strides = [1, 1]} : vector<512x1024xf32> to vector<16x1024xf32>
    %max3A_620 = arith.maximumf %max3A_618, %slice3A_619 : vector<16x1024xf32>
    %slice3A_621 = vector.extract_strided_slice %max3A_561 {offsets = [480, 0], sizes = [16, 1024], strides = [1, 1]} : vector<512x1024xf32> to vector<16x1024xf32>
    %max3A_622 = arith.maximumf %max3A_620, %slice3A_621 : vector<16x1024xf32>
    %slice3A_623 = vector.extract_strided_slice %max3A_561 {offsets = [496, 0], sizes = [16, 1024], strides = [1, 1]} : vector<512x1024xf32> to vector<16x1024xf32>
    %max3A_624 = arith.maximumf %max3A_622, %slice3A_623 : vector<16x1024xf32>
    %swap3A = arith.constant 0 : index
    %swap3A_625 = arith.constant 0 : index
    %swap3A_626 = arith.constant 0 : index
    %swap3A_627 = vector.load %arg9[%swap3A, %swap3A_625, %swap3A_626] : memref<1x16x1024xf32, #tpu.memory_space<vmem>>, vector<1x16x1024xf32>
    %swap3A_628 = vector.shape_cast %swap3A_627 : vector<1x16x1024xf32> to vector<16x1024xf32>
    %swap3A_629 = vector.shape_cast %max3A_624 : vector<16x1024xf32> to vector<1x16x1024xf32>
    tpu.vector_store %arg9[%swap3A, %swap3A_625, %swap3A_626], %swap3A_629 {strides = array<i32>} : memref<1x16x1024xf32, #tpu.memory_space<vmem>>, vector<1x16x1024xf32>,
    return
  }
  func.func @transform_0(%arg0: i32, %arg1: i32) -> (i32, i32, i32) {
    %c0_i32 = arith.constant 0 : i32
    %c0_i32_0 = arith.constant 0 : i32
    %c0_i32_1 = arith.constant 0 : i32
    return %arg0, %c0_i32, %c0_i32_0 : i32, i32, i32
  }
  func.func @transform_1(%arg0: i32, %arg1: i32) -> (i32, i32, i32) {
    %c0_i32 = arith.constant 0 : i32
    %c0_i32_0 = arith.constant 0 : i32
    %c0_i32_1 = arith.constant 0 : i32
    return %arg0, %c0_i32, %c0_i32_0 : i32, i32, i32
  }
  func.func @transform_2(%arg0: i32, %arg1: i32) -> (i32, i32, i32) {
    %c0_i32 = arith.constant 0 : i32
    %c0_i32_0 = arith.constant 0 : i32
    return %arg0, %arg1, %c0_i32 : i32, i32, i32
  }
  func.func @transform_3(%arg0: i32, %arg1: i32) -> (i32, i32) {
    %c0_i32 = arith.constant 0 : i32
    %c0_i32_0 = arith.constant 0 : i32
    %c0_i32_1 = arith.constant 0 : i32
    return %c0_i32, %c0_i32_0 : i32, i32
  }
  func.func @transform_4(%arg0: i32, %arg1: i32) -> (i32, i32) {
    %c0_i32 = arith.constant 0 : i32
    %c0_i32_0 = arith.constant 0 : i32
    %c0_i32_1 = arith.constant 0 : i32
    return %c0_i32, %c0_i32_0 : i32, i32
  }
  func.func @transform_5(%arg0: i32, %arg1: i32) -> (i32, i32) {
    %c0_i32 = arith.constant 0 : i32
    %c0_i32_0 = arith.constant 0 : i32
    %c0_i32_1 = arith.constant 0 : i32
    return %c0_i32, %c0_i32_0 : i32, i32
  }
  func.func @transform_6(%arg0: i32, %arg1: i32) -> (i32, i32) {
    %c0_i32 = arith.constant 0 : i32
    %c0_i32_0 = arith.constant 0 : i32
    %c0_i32_1 = arith.constant 0 : i32
    return %c0_i32, %c0_i32_0 : i32, i32
  }
  func.func @transform_7(%arg0: i32, %arg1: i32) -> (i32, i32, i32) {
    %c0_i32 = arith.constant 0 : i32
    %c0_i32_0 = arith.constant 0 : i32
    return %arg0, %arg1, %c0_i32 : i32, i32, i32
  }
}

module attributes {stable_mosaic.version = 14 : i64} {
  func.func @_fp_body(%arg0: i32, %arg1: i32, %arg2: memref<1x64x3xf32, #tpu.memory_space<vmem>>, %arg3: memref<1x3x16xf32, #tpu.memory_space<vmem>>, %arg4: memref<1x16x1024xf32, #tpu.memory_space<vmem>>, %arg5: memref<1x64x512xf32, #tpu.memory_space<vmem>>, %arg6: memref<1024x512xf32, #tpu.memory_space<vmem>>, %arg7: memref<512x512xf32, #tpu.memory_space<vmem>>, %arg8: memref<512x512xf32, #tpu.memory_space<vmem>>, %arg9: memref<1x64x512xf32, #tpu.memory_space<vmem>>) attributes {dimension_semantics = [#tpu.dimension_semantics<arbitrary>, #tpu.dimension_semantics<arbitrary>], iteration_bounds = array<i64: 8, 1>, scalar_prefetch = 0 : i64, scratch_operands = 0 : i64, tpu.core_type = #tpu.core_type<tc>, window_params = [{transform_indices = @transform_0, window_bounds = array<i64: 1, 64, 3>}, {transform_indices = @transform_1, window_bounds = array<i64: 1, 3, 16>}, {transform_indices = @transform_2, window_bounds = array<i64: 1, 16, 1024>}, {transform_indices = @transform_3, window_bounds = array<i64: 1, 64, 512>}, {pipeline_mode = #tpu.pipeline_mode<synchronous>, transform_indices = @transform_4, window_bounds = array<i64: 1024, 512>}, {pipeline_mode = #tpu.pipeline_mode<synchronous>, transform_indices = @transform_5, window_bounds = array<i64: 512, 512>}, {pipeline_mode = #tpu.pipeline_mode<synchronous>, transform_indices = @transform_6, window_bounds = array<i64: 512, 512>}, {transform_indices = @transform_7, window_bounds = array<i64: 1, 64, 512>}]} {
    %get3A = arith.constant 0 : index
    %get3A_0 = arith.constant 0 : index
    %get3A_1 = arith.constant 0 : index
    %get3A_2 = vector.load %arg2[%get3A, %get3A_0, %get3A_1] : memref<1x64x3xf32, #tpu.memory_space<vmem>>, vector<1x64x3xf32>
    %get3A_3 = vector.shape_cast %get3A_2 : vector<1x64x3xf32> to vector<64x3xf32>
    %get3A_4 = arith.constant 0 : index
    %get3A_5 = arith.constant 0 : index
    %get3A_6 = arith.constant 0 : index
    %get3A_7 = vector.load %arg3[%get3A_4, %get3A_5, %get3A_6] : memref<1x3x16xf32, #tpu.memory_space<vmem>>, vector<1x3x16xf32>
    %get3A_8 = vector.shape_cast %get3A_7 : vector<1x3x16xf32> to vector<3x16xf32>
    %get3A_9 = arith.constant 0 : index
    %get3A_10 = arith.constant 0 : index
    %get3A_11 = arith.constant 0 : index
    %get3A_12 = vector.load %arg4[%get3A_9, %get3A_10, %get3A_11] : memref<1x16x1024xf32, #tpu.memory_space<vmem>>, vector<1x16x1024xf32>
    %get3A_13 = vector.shape_cast %get3A_12 : vector<1x16x1024xf32> to vector<16x1024xf32>
    %get3A_14 = arith.constant 0 : index
    %get3A_15 = arith.constant 0 : index
    %get3A_16 = arith.constant 0 : index
    %get3A_17 = vector.load %arg5[%get3A_14, %get3A_15, %get3A_16] : memref<1x64x512xf32, #tpu.memory_space<vmem>>, vector<1x64x512xf32>
    %get3A_18 = vector.shape_cast %get3A_17 : vector<1x64x512xf32> to vector<64x512xf32>
    %slice3A = vector.extract_strided_slice %get3A_3 {offsets = [0, 0], sizes = [64, 1], strides = [1, 1]} : vector<64x3xf32> to vector<64x1xf32>
    %slice3A_19 = vector.extract_strided_slice %get3A_8 {offsets = [0, 0], sizes = [1, 16], strides = [1, 1]} : vector<3x16xf32> to vector<1x16xf32>
    %sub3A = vector.broadcast %slice3A : vector<64x1xf32> to vector<64x16xf32>
    %sub3A_20 = vector.broadcast %slice3A_19 : vector<1x16xf32> to vector<64x16xf32>
    %sub3A_21 = arith.subf %sub3A, %sub3A_20 : vector<64x16xf32>
    %mul3A = arith.mulf %sub3A_21, %sub3A_21 : vector<64x16xf32>
    %slice3A_22 = vector.extract_strided_slice %get3A_3 {offsets = [0, 1], sizes = [64, 1], strides = [1, 1]} : vector<64x3xf32> to vector<64x1xf32>
    %slice3A_23 = vector.extract_strided_slice %get3A_8 {offsets = [1, 0], sizes = [1, 16], strides = [1, 1]} : vector<3x16xf32> to vector<1x16xf32>
    %sub3A_24 = vector.broadcast %slice3A_22 : vector<64x1xf32> to vector<64x16xf32>
    %sub3A_25 = vector.broadcast %slice3A_23 : vector<1x16xf32> to vector<64x16xf32>
    %sub3A_26 = arith.subf %sub3A_24, %sub3A_25 : vector<64x16xf32>
    %mul3A_27 = arith.mulf %sub3A_26, %sub3A_26 : vector<64x16xf32>
    %add3A = arith.addf %mul3A, %mul3A_27 : vector<64x16xf32>
    %slice3A_28 = vector.extract_strided_slice %get3A_3 {offsets = [0, 2], sizes = [64, 1], strides = [1, 1]} : vector<64x3xf32> to vector<64x1xf32>
    %slice3A_29 = vector.extract_strided_slice %get3A_8 {offsets = [2, 0], sizes = [1, 16], strides = [1, 1]} : vector<3x16xf32> to vector<1x16xf32>
    %sub3A_30 = vector.broadcast %slice3A_28 : vector<64x1xf32> to vector<64x16xf32>
    %sub3A_31 = vector.broadcast %slice3A_29 : vector<1x16xf32> to vector<64x16xf32>
    %sub3A_32 = arith.subf %sub3A_30, %sub3A_31 : vector<64x16xf32>
    %mul3A_33 = arith.mulf %sub3A_32, %sub3A_32 : vector<64x16xf32>
    %add3A_34 = arith.addf %add3A, %mul3A_33 : vector<64x16xf32>
    %iota3A = tpu.iota {dimensions = array<i32: 1>} : vector<64x16xi32>
    %reduce_min3A = arith.constant dense<0x7F800000> : vector<64xf32>
    %reduce_min3A_35 = vector.multi_reduction <minimumf>, %add3A_34, %reduce_min3A [1] : vector<64x16xf32> to vector<64xf32>
    %broadcast_in_dim3A = vector.shape_cast %reduce_min3A_35 : vector<64xf32> to vector<64x1xf32>
    %eq3A = vector.broadcast %broadcast_in_dim3A : vector<64x1xf32> to vector<64x16xf32>
    %eq3A_36 = arith.cmpf oeq, %add3A_34, %eq3A : vector<64x16xf32>
    %jit3A = arith.constant 16 : i32
    %broadcast_in_dim3A_37 = vector.broadcast %jit3A : i32 to vector<64x16xi32>
    %select_n3A = arith.select %eq3A_36, %iota3A, %broadcast_in_dim3A_37 : vector<64x16xi1>, vector<64x16xi32>
    %reduce_min3A_38 = arith.constant dense<2147483647> : vector<64xi32>
    %reduce_min3A_39 = vector.multi_reduction <minsi>, %select_n3A, %reduce_min3A_38 [1] : vector<64x16xi32> to vector<64xi32>
    %broadcast_in_dim3A_40 = vector.shape_cast %reduce_min3A_39 : vector<64xi32> to vector<64x1xi32>
    %eq3A_41 = vector.broadcast %broadcast_in_dim3A_40 : vector<64x1xi32> to vector<64x16xi32>
    %eq3A_42 = arith.cmpi eq, %iota3A, %eq3A_41 : vector<64x16xi32>
    %add3A_43 = arith.constant 9.99999993E-9 : f32
    %add3A_44 = vector.broadcast %add3A_43 : f32 to vector<64x1xf32>
    %add3A_45 = arith.addf %broadcast_in_dim3A, %add3A_44 : vector<64x1xf32>
    %div3A = arith.constant 1.000000e+00 : f32
    %div3A_46 = vector.broadcast %div3A : f32 to vector<64x1xf32>
    %div3A_47 = arith.divf %div3A_46, %add3A_45 : vector<64x1xf32>
    %jit3A_48 = arith.constant 1.000000e+30 : f32
    %broadcast_in_dim3A_49 = vector.broadcast %jit3A_48 : f32 to vector<64x16xf32>
    %select_n3A_50 = arith.select %eq3A_42, %broadcast_in_dim3A_49, %add3A_34 : vector<64x16xi1>, vector<64x16xf32>
    %reduce_min3A_51 = arith.constant dense<0x7F800000> : vector<64xf32>
    %reduce_min3A_52 = vector.multi_reduction <minimumf>, %select_n3A_50, %reduce_min3A_51 [1] : vector<64x16xf32> to vector<64xf32>
    %broadcast_in_dim3A_53 = vector.shape_cast %reduce_min3A_52 : vector<64xf32> to vector<64x1xf32>
    %eq3A_54 = vector.broadcast %broadcast_in_dim3A_53 : vector<64x1xf32> to vector<64x16xf32>
    %eq3A_55 = arith.cmpf oeq, %select_n3A_50, %eq3A_54 : vector<64x16xf32>
    %jit3A_56 = arith.constant 16 : i32
    %broadcast_in_dim3A_57 = vector.broadcast %jit3A_56 : i32 to vector<64x16xi32>
    %select_n3A_58 = arith.select %eq3A_55, %iota3A, %broadcast_in_dim3A_57 : vector<64x16xi1>, vector<64x16xi32>
    %reduce_min3A_59 = arith.constant dense<2147483647> : vector<64xi32>
    %reduce_min3A_60 = vector.multi_reduction <minsi>, %select_n3A_58, %reduce_min3A_59 [1] : vector<64x16xi32> to vector<64xi32>
    %broadcast_in_dim3A_61 = vector.shape_cast %reduce_min3A_60 : vector<64xi32> to vector<64x1xi32>
    %eq3A_62 = vector.broadcast %broadcast_in_dim3A_61 : vector<64x1xi32> to vector<64x16xi32>
    %eq3A_63 = arith.cmpi eq, %iota3A, %eq3A_62 : vector<64x16xi32>
    %add3A_64 = arith.constant 9.99999993E-9 : f32
    %add3A_65 = vector.broadcast %add3A_64 : f32 to vector<64x1xf32>
    %add3A_66 = arith.addf %broadcast_in_dim3A_53, %add3A_65 : vector<64x1xf32>
    %div3A_67 = arith.constant 1.000000e+00 : f32
    %div3A_68 = vector.broadcast %div3A_67 : f32 to vector<64x1xf32>
    %div3A_69 = arith.divf %div3A_68, %add3A_66 : vector<64x1xf32>
    %jit3A_70 = arith.constant 1.000000e+30 : f32
    %broadcast_in_dim3A_71 = vector.broadcast %jit3A_70 : f32 to vector<64x16xf32>
    %select_n3A_72 = arith.select %eq3A_63, %broadcast_in_dim3A_71, %select_n3A_50 : vector<64x16xi1>, vector<64x16xf32>
    %reduce_min3A_73 = arith.constant dense<0x7F800000> : vector<64xf32>
    %reduce_min3A_74 = vector.multi_reduction <minimumf>, %select_n3A_72, %reduce_min3A_73 [1] : vector<64x16xf32> to vector<64xf32>
    %broadcast_in_dim3A_75 = vector.shape_cast %reduce_min3A_74 : vector<64xf32> to vector<64x1xf32>
    %eq3A_76 = vector.broadcast %broadcast_in_dim3A_75 : vector<64x1xf32> to vector<64x16xf32>
    %eq3A_77 = arith.cmpf oeq, %select_n3A_72, %eq3A_76 : vector<64x16xf32>
    %jit3A_78 = arith.constant 16 : i32
    %broadcast_in_dim3A_79 = vector.broadcast %jit3A_78 : i32 to vector<64x16xi32>
    %select_n3A_80 = arith.select %eq3A_77, %iota3A, %broadcast_in_dim3A_79 : vector<64x16xi1>, vector<64x16xi32>
    %reduce_min3A_81 = arith.constant dense<2147483647> : vector<64xi32>
    %reduce_min3A_82 = vector.multi_reduction <minsi>, %select_n3A_80, %reduce_min3A_81 [1] : vector<64x16xi32> to vector<64xi32>
    %broadcast_in_dim3A_83 = vector.shape_cast %reduce_min3A_82 : vector<64xi32> to vector<64x1xi32>
    %eq3A_84 = vector.broadcast %broadcast_in_dim3A_83 : vector<64x1xi32> to vector<64x16xi32>
    %eq3A_85 = arith.cmpi eq, %iota3A, %eq3A_84 : vector<64x16xi32>
    %add3A_86 = arith.constant 9.99999993E-9 : f32
    %add3A_87 = vector.broadcast %add3A_86 : f32 to vector<64x1xf32>
    %add3A_88 = arith.addf %broadcast_in_dim3A_75, %add3A_87 : vector<64x1xf32>
    %div3A_89 = arith.constant 1.000000e+00 : f32
    %div3A_90 = vector.broadcast %div3A_89 : f32 to vector<64x1xf32>
    %div3A_91 = arith.divf %div3A_90, %add3A_88 : vector<64x1xf32>
    %add3A_92 = arith.addf %div3A_47, %div3A_69 : vector<64x1xf32>
    %add3A_93 = arith.addf %add3A_92, %div3A_91 : vector<64x1xf32>
    %div3A_94 = arith.divf %div3A_47, %add3A_93 : vector<64x1xf32>
    %jit3A_95 = arith.constant 0.000000e+00 : f32
    %broadcast_in_dim3A_96 = vector.shape_cast %div3A_94 : vector<64x1xf32> to vector<64x1xf32>
    %broadcast_in_dim3A_97 = vector.broadcast %broadcast_in_dim3A_96 : vector<64x1xf32> to vector<64x16xf32>
    %broadcast_in_dim3A_98 = vector.broadcast %jit3A_95 : f32 to vector<64x16xf32>
    %select_n3A_99 = arith.select %eq3A_42, %broadcast_in_dim3A_97, %broadcast_in_dim3A_98 : vector<64x16xi1>, vector<64x16xf32>
    %div3A_100 = arith.divf %div3A_69, %add3A_93 : vector<64x1xf32>
    %jit3A_101 = arith.constant 0.000000e+00 : f32
    %broadcast_in_dim3A_102 = vector.shape_cast %div3A_100 : vector<64x1xf32> to vector<64x1xf32>
    %broadcast_in_dim3A_103 = vector.broadcast %broadcast_in_dim3A_102 : vector<64x1xf32> to vector<64x16xf32>
    %broadcast_in_dim3A_104 = vector.broadcast %jit3A_101 : f32 to vector<64x16xf32>
    %select_n3A_105 = arith.select %eq3A_63, %broadcast_in_dim3A_103, %broadcast_in_dim3A_104 : vector<64x16xi1>, vector<64x16xf32>
    %add3A_106 = arith.addf %select_n3A_99, %select_n3A_105 : vector<64x16xf32>
    %div3A_107 = arith.divf %div3A_91, %add3A_93 : vector<64x1xf32>
    %jit3A_108 = arith.constant 0.000000e+00 : f32
    %broadcast_in_dim3A_109 = vector.shape_cast %div3A_107 : vector<64x1xf32> to vector<64x1xf32>
    %broadcast_in_dim3A_110 = vector.broadcast %broadcast_in_dim3A_109 : vector<64x1xf32> to vector<64x16xf32>
    %broadcast_in_dim3A_111 = vector.broadcast %jit3A_108 : f32 to vector<64x16xf32>
    %select_n3A_112 = arith.select %eq3A_85, %broadcast_in_dim3A_110, %broadcast_in_dim3A_111 : vector<64x16xi1>, vector<64x16xf32>
    %add3A_113 = arith.addf %add3A_106, %select_n3A_112 : vector<64x16xf32>
    %dot_general3A = arith.constant dense<0.000000e+00> : vector<64x1024xf32>
    %dot_general3A_114 = tpu.matmul %add3A_113, %get3A_13, %dot_general3A {dimension_numbers = #tpu.dot_dimension_numbers<[1], [0], [0], [1], [0, 0, 1, 1], [], []>, precision = #tpu.contract_precision<fp32>, transpose_lhs_hint = false} : vector<64x16xf32>, vector<16x1024xf32>, vector<64x1024xf32> -> vector<64x1024xf32>
    %get3A_115 = arith.constant 0 : index
    %get3A_116 = arith.constant 0 : index
    %get3A_117 = vector.load %arg6[%get3A_115, %get3A_116] : memref<1024x512xf32, #tpu.memory_space<vmem>>, vector<1024x512xf32>
    %dot_general3A_118 = arith.constant dense<0.000000e+00> : vector<64x512xf32>
    %dot_general3A_119 = tpu.matmul %dot_general3A_114, %get3A_117, %dot_general3A_118 {dimension_numbers = #tpu.dot_dimension_numbers<[1], [0], [0], [1], [0, 0, 1, 1], [], []>, transpose_lhs_hint = false} : vector<64x1024xf32>, vector<1024x512xf32>, vector<64x512xf32> -> vector<64x512xf32>
    %get3A_120 = arith.constant 0 : index
    %get3A_121 = arith.constant 0 : index
    %get3A_122 = vector.load %arg7[%get3A_120, %get3A_121] : memref<512x512xf32, #tpu.memory_space<vmem>>, vector<512x512xf32>
    %dot_general3A_123 = arith.constant dense<0.000000e+00> : vector<64x512xf32>
    %dot_general3A_124 = tpu.matmul %get3A_18, %get3A_122, %dot_general3A_123 {dimension_numbers = #tpu.dot_dimension_numbers<[1], [0], [0], [1], [0, 0, 1, 1], [], []>, transpose_lhs_hint = false} : vector<64x512xf32>, vector<512x512xf32>, vector<64x512xf32> -> vector<64x512xf32>
    %add3A_125 = arith.addf %dot_general3A_119, %dot_general3A_124 : vector<64x512xf32>
    %max3A = arith.constant 0.000000e+00 : f32
    %max3A_126 = vector.broadcast %max3A : f32 to vector<64x512xf32>
    %max3A_127 = arith.maximumf %add3A_125, %max3A_126 : vector<64x512xf32>
    %get3A_128 = arith.constant 0 : index
    %get3A_129 = arith.constant 0 : index
    %get3A_130 = vector.load %arg8[%get3A_128, %get3A_129] : memref<512x512xf32, #tpu.memory_space<vmem>>, vector<512x512xf32>
    %dot_general3A_131 = arith.constant dense<0.000000e+00> : vector<64x512xf32>
    %dot_general3A_132 = tpu.matmul %max3A_127, %get3A_130, %dot_general3A_131 {dimension_numbers = #tpu.dot_dimension_numbers<[1], [0], [0], [1], [0, 0, 1, 1], [], []>, transpose_lhs_hint = false} : vector<64x512xf32>, vector<512x512xf32>, vector<64x512xf32> -> vector<64x512xf32>
    %max3A_133 = arith.constant 0.000000e+00 : f32
    %max3A_134 = vector.broadcast %max3A_133 : f32 to vector<64x512xf32>
    %max3A_135 = arith.maximumf %dot_general3A_132, %max3A_134 : vector<64x512xf32>
    %swap3A = arith.constant 0 : index
    %swap3A_136 = arith.constant 0 : index
    %swap3A_137 = arith.constant 0 : index
    %swap3A_138 = vector.load %arg9[%swap3A, %swap3A_136, %swap3A_137] : memref<1x64x512xf32, #tpu.memory_space<vmem>>, vector<1x64x512xf32>
    %swap3A_139 = vector.shape_cast %swap3A_138 : vector<1x64x512xf32> to vector<64x512xf32>
    %swap3A_140 = vector.shape_cast %max3A_135 : vector<64x512xf32> to vector<1x64x512xf32>
    tpu.vector_store %arg9[%swap3A, %swap3A_136, %swap3A_137], %swap3A_140 {strides = array<i32>} : memref<1x64x512xf32, #tpu.memory_space<vmem>>, vector<1x64x512xf32>,
    return
  }
  func.func @transform_0(%arg0: i32, %arg1: i32) -> (i32, i32, i32) {
    %c0_i32 = arith.constant 0 : i32
    %c0_i32_0 = arith.constant 0 : i32
    return %arg0, %arg1, %c0_i32 : i32, i32, i32
  }
  func.func @transform_1(%arg0: i32, %arg1: i32) -> (i32, i32, i32) {
    %c0_i32 = arith.constant 0 : i32
    %c0_i32_0 = arith.constant 0 : i32
    %c0_i32_1 = arith.constant 0 : i32
    return %arg0, %c0_i32, %c0_i32_0 : i32, i32, i32
  }
  func.func @transform_2(%arg0: i32, %arg1: i32) -> (i32, i32, i32) {
    %c0_i32 = arith.constant 0 : i32
    %c0_i32_0 = arith.constant 0 : i32
    %c0_i32_1 = arith.constant 0 : i32
    return %arg0, %c0_i32, %c0_i32_0 : i32, i32, i32
  }
  func.func @transform_3(%arg0: i32, %arg1: i32) -> (i32, i32, i32) {
    %c0_i32 = arith.constant 0 : i32
    %c0_i32_0 = arith.constant 0 : i32
    return %arg0, %arg1, %c0_i32 : i32, i32, i32
  }
  func.func @transform_4(%arg0: i32, %arg1: i32) -> (i32, i32) {
    %c0_i32 = arith.constant 0 : i32
    %c0_i32_0 = arith.constant 0 : i32
    %c0_i32_1 = arith.constant 0 : i32
    return %c0_i32, %c0_i32_0 : i32, i32
  }
  func.func @transform_5(%arg0: i32, %arg1: i32) -> (i32, i32) {
    %c0_i32 = arith.constant 0 : i32
    %c0_i32_0 = arith.constant 0 : i32
    %c0_i32_1 = arith.constant 0 : i32
    return %c0_i32, %c0_i32_0 : i32, i32
  }
  func.func @transform_6(%arg0: i32, %arg1: i32) -> (i32, i32) {
    %c0_i32 = arith.constant 0 : i32
    %c0_i32_0 = arith.constant 0 : i32
    %c0_i32_1 = arith.constant 0 : i32
    return %c0_i32, %c0_i32_0 : i32, i32
  }
  func.func @transform_7(%arg0: i32, %arg1: i32) -> (i32, i32, i32) {
    %c0_i32 = arith.constant 0 : i32
    %c0_i32_0 = arith.constant 0 : i32
    return %arg0, %arg1, %c0_i32 : i32, i32, i32
  }
}

module attributes {stable_mosaic.version = 14 : i64} {
  func.func @_fp_body(%arg0: i32, %arg1: i32, %arg2: memref<1x128x3xf32, #tpu.memory_space<vmem>>, %arg3: memref<1x3x64xf32, #tpu.memory_space<vmem>>, %arg4: memref<1x64x512xf32, #tpu.memory_space<vmem>>, %arg5: memref<1x128x256xf32, #tpu.memory_space<vmem>>, %arg6: memref<512x512xf32, #tpu.memory_space<vmem>>, %arg7: memref<256x512xf32, #tpu.memory_space<vmem>>, %arg8: memref<512x512xf32, #tpu.memory_space<vmem>>, %arg9: memref<1x128x512xf32, #tpu.memory_space<vmem>>) attributes {dimension_semantics = [#tpu.dimension_semantics<arbitrary>, #tpu.dimension_semantics<arbitrary>], iteration_bounds = array<i64: 8, 1>, scalar_prefetch = 0 : i64, scratch_operands = 0 : i64, tpu.core_type = #tpu.core_type<tc>, window_params = [{transform_indices = @transform_0, window_bounds = array<i64: 1, 128, 3>}, {transform_indices = @transform_1, window_bounds = array<i64: 1, 3, 64>}, {transform_indices = @transform_2, window_bounds = array<i64: 1, 64, 512>}, {transform_indices = @transform_3, window_bounds = array<i64: 1, 128, 256>}, {pipeline_mode = #tpu.pipeline_mode<synchronous>, transform_indices = @transform_4, window_bounds = array<i64: 512, 512>}, {pipeline_mode = #tpu.pipeline_mode<synchronous>, transform_indices = @transform_5, window_bounds = array<i64: 256, 512>}, {pipeline_mode = #tpu.pipeline_mode<synchronous>, transform_indices = @transform_6, window_bounds = array<i64: 512, 512>}, {transform_indices = @transform_7, window_bounds = array<i64: 1, 128, 512>}]} {
    %get3A = arith.constant 0 : index
    %get3A_0 = arith.constant 0 : index
    %get3A_1 = arith.constant 0 : index
    %get3A_2 = vector.load %arg2[%get3A, %get3A_0, %get3A_1] : memref<1x128x3xf32, #tpu.memory_space<vmem>>, vector<1x128x3xf32>
    %get3A_3 = vector.shape_cast %get3A_2 : vector<1x128x3xf32> to vector<128x3xf32>
    %get3A_4 = arith.constant 0 : index
    %get3A_5 = arith.constant 0 : index
    %get3A_6 = arith.constant 0 : index
    %get3A_7 = vector.load %arg3[%get3A_4, %get3A_5, %get3A_6] : memref<1x3x64xf32, #tpu.memory_space<vmem>>, vector<1x3x64xf32>
    %get3A_8 = vector.shape_cast %get3A_7 : vector<1x3x64xf32> to vector<3x64xf32>
    %get3A_9 = arith.constant 0 : index
    %get3A_10 = arith.constant 0 : index
    %get3A_11 = arith.constant 0 : index
    %get3A_12 = vector.load %arg4[%get3A_9, %get3A_10, %get3A_11] : memref<1x64x512xf32, #tpu.memory_space<vmem>>, vector<1x64x512xf32>
    %get3A_13 = vector.shape_cast %get3A_12 : vector<1x64x512xf32> to vector<64x512xf32>
    %get3A_14 = arith.constant 0 : index
    %get3A_15 = arith.constant 0 : index
    %get3A_16 = arith.constant 0 : index
    %get3A_17 = vector.load %arg5[%get3A_14, %get3A_15, %get3A_16] : memref<1x128x256xf32, #tpu.memory_space<vmem>>, vector<1x128x256xf32>
    %get3A_18 = vector.shape_cast %get3A_17 : vector<1x128x256xf32> to vector<128x256xf32>
    %slice3A = vector.extract_strided_slice %get3A_3 {offsets = [0, 0], sizes = [128, 1], strides = [1, 1]} : vector<128x3xf32> to vector<128x1xf32>
    %slice3A_19 = vector.extract_strided_slice %get3A_8 {offsets = [0, 0], sizes = [1, 64], strides = [1, 1]} : vector<3x64xf32> to vector<1x64xf32>
    %sub3A = vector.broadcast %slice3A : vector<128x1xf32> to vector<128x64xf32>
    %sub3A_20 = vector.broadcast %slice3A_19 : vector<1x64xf32> to vector<128x64xf32>
    %sub3A_21 = arith.subf %sub3A, %sub3A_20 : vector<128x64xf32>
    %mul3A = arith.mulf %sub3A_21, %sub3A_21 : vector<128x64xf32>
    %slice3A_22 = vector.extract_strided_slice %get3A_3 {offsets = [0, 1], sizes = [128, 1], strides = [1, 1]} : vector<128x3xf32> to vector<128x1xf32>
    %slice3A_23 = vector.extract_strided_slice %get3A_8 {offsets = [1, 0], sizes = [1, 64], strides = [1, 1]} : vector<3x64xf32> to vector<1x64xf32>
    %sub3A_24 = vector.broadcast %slice3A_22 : vector<128x1xf32> to vector<128x64xf32>
    %sub3A_25 = vector.broadcast %slice3A_23 : vector<1x64xf32> to vector<128x64xf32>
    %sub3A_26 = arith.subf %sub3A_24, %sub3A_25 : vector<128x64xf32>
    %mul3A_27 = arith.mulf %sub3A_26, %sub3A_26 : vector<128x64xf32>
    %add3A = arith.addf %mul3A, %mul3A_27 : vector<128x64xf32>
    %slice3A_28 = vector.extract_strided_slice %get3A_3 {offsets = [0, 2], sizes = [128, 1], strides = [1, 1]} : vector<128x3xf32> to vector<128x1xf32>
    %slice3A_29 = vector.extract_strided_slice %get3A_8 {offsets = [2, 0], sizes = [1, 64], strides = [1, 1]} : vector<3x64xf32> to vector<1x64xf32>
    %sub3A_30 = vector.broadcast %slice3A_28 : vector<128x1xf32> to vector<128x64xf32>
    %sub3A_31 = vector.broadcast %slice3A_29 : vector<1x64xf32> to vector<128x64xf32>
    %sub3A_32 = arith.subf %sub3A_30, %sub3A_31 : vector<128x64xf32>
    %mul3A_33 = arith.mulf %sub3A_32, %sub3A_32 : vector<128x64xf32>
    %add3A_34 = arith.addf %add3A, %mul3A_33 : vector<128x64xf32>
    %iota3A = tpu.iota {dimensions = array<i32: 1>} : vector<128x64xi32>
    %reduce_min3A = arith.constant dense<0x7F800000> : vector<128xf32>
    %reduce_min3A_35 = vector.multi_reduction <minimumf>, %add3A_34, %reduce_min3A [1] : vector<128x64xf32> to vector<128xf32>
    %broadcast_in_dim3A = vector.shape_cast %reduce_min3A_35 : vector<128xf32> to vector<128x1xf32>
    %eq3A = vector.broadcast %broadcast_in_dim3A : vector<128x1xf32> to vector<128x64xf32>
    %eq3A_36 = arith.cmpf oeq, %add3A_34, %eq3A : vector<128x64xf32>
    %jit3A = arith.constant 64 : i32
    %broadcast_in_dim3A_37 = vector.broadcast %jit3A : i32 to vector<128x64xi32>
    %select_n3A = arith.select %eq3A_36, %iota3A, %broadcast_in_dim3A_37 : vector<128x64xi1>, vector<128x64xi32>
    %reduce_min3A_38 = arith.constant dense<2147483647> : vector<128xi32>
    %reduce_min3A_39 = vector.multi_reduction <minsi>, %select_n3A, %reduce_min3A_38 [1] : vector<128x64xi32> to vector<128xi32>
    %broadcast_in_dim3A_40 = vector.shape_cast %reduce_min3A_39 : vector<128xi32> to vector<128x1xi32>
    %eq3A_41 = vector.broadcast %broadcast_in_dim3A_40 : vector<128x1xi32> to vector<128x64xi32>
    %eq3A_42 = arith.cmpi eq, %iota3A, %eq3A_41 : vector<128x64xi32>
    %add3A_43 = arith.constant 9.99999993E-9 : f32
    %add3A_44 = vector.broadcast %add3A_43 : f32 to vector<128x1xf32>
    %add3A_45 = arith.addf %broadcast_in_dim3A, %add3A_44 : vector<128x1xf32>
    %div3A = arith.constant 1.000000e+00 : f32
    %div3A_46 = vector.broadcast %div3A : f32 to vector<128x1xf32>
    %div3A_47 = arith.divf %div3A_46, %add3A_45 : vector<128x1xf32>
    %jit3A_48 = arith.constant 1.000000e+30 : f32
    %broadcast_in_dim3A_49 = vector.broadcast %jit3A_48 : f32 to vector<128x64xf32>
    %select_n3A_50 = arith.select %eq3A_42, %broadcast_in_dim3A_49, %add3A_34 : vector<128x64xi1>, vector<128x64xf32>
    %reduce_min3A_51 = arith.constant dense<0x7F800000> : vector<128xf32>
    %reduce_min3A_52 = vector.multi_reduction <minimumf>, %select_n3A_50, %reduce_min3A_51 [1] : vector<128x64xf32> to vector<128xf32>
    %broadcast_in_dim3A_53 = vector.shape_cast %reduce_min3A_52 : vector<128xf32> to vector<128x1xf32>
    %eq3A_54 = vector.broadcast %broadcast_in_dim3A_53 : vector<128x1xf32> to vector<128x64xf32>
    %eq3A_55 = arith.cmpf oeq, %select_n3A_50, %eq3A_54 : vector<128x64xf32>
    %jit3A_56 = arith.constant 64 : i32
    %broadcast_in_dim3A_57 = vector.broadcast %jit3A_56 : i32 to vector<128x64xi32>
    %select_n3A_58 = arith.select %eq3A_55, %iota3A, %broadcast_in_dim3A_57 : vector<128x64xi1>, vector<128x64xi32>
    %reduce_min3A_59 = arith.constant dense<2147483647> : vector<128xi32>
    %reduce_min3A_60 = vector.multi_reduction <minsi>, %select_n3A_58, %reduce_min3A_59 [1] : vector<128x64xi32> to vector<128xi32>
    %broadcast_in_dim3A_61 = vector.shape_cast %reduce_min3A_60 : vector<128xi32> to vector<128x1xi32>
    %eq3A_62 = vector.broadcast %broadcast_in_dim3A_61 : vector<128x1xi32> to vector<128x64xi32>
    %eq3A_63 = arith.cmpi eq, %iota3A, %eq3A_62 : vector<128x64xi32>
    %add3A_64 = arith.constant 9.99999993E-9 : f32
    %add3A_65 = vector.broadcast %add3A_64 : f32 to vector<128x1xf32>
    %add3A_66 = arith.addf %broadcast_in_dim3A_53, %add3A_65 : vector<128x1xf32>
    %div3A_67 = arith.constant 1.000000e+00 : f32
    %div3A_68 = vector.broadcast %div3A_67 : f32 to vector<128x1xf32>
    %div3A_69 = arith.divf %div3A_68, %add3A_66 : vector<128x1xf32>
    %jit3A_70 = arith.constant 1.000000e+30 : f32
    %broadcast_in_dim3A_71 = vector.broadcast %jit3A_70 : f32 to vector<128x64xf32>
    %select_n3A_72 = arith.select %eq3A_63, %broadcast_in_dim3A_71, %select_n3A_50 : vector<128x64xi1>, vector<128x64xf32>
    %reduce_min3A_73 = arith.constant dense<0x7F800000> : vector<128xf32>
    %reduce_min3A_74 = vector.multi_reduction <minimumf>, %select_n3A_72, %reduce_min3A_73 [1] : vector<128x64xf32> to vector<128xf32>
    %broadcast_in_dim3A_75 = vector.shape_cast %reduce_min3A_74 : vector<128xf32> to vector<128x1xf32>
    %eq3A_76 = vector.broadcast %broadcast_in_dim3A_75 : vector<128x1xf32> to vector<128x64xf32>
    %eq3A_77 = arith.cmpf oeq, %select_n3A_72, %eq3A_76 : vector<128x64xf32>
    %jit3A_78 = arith.constant 64 : i32
    %broadcast_in_dim3A_79 = vector.broadcast %jit3A_78 : i32 to vector<128x64xi32>
    %select_n3A_80 = arith.select %eq3A_77, %iota3A, %broadcast_in_dim3A_79 : vector<128x64xi1>, vector<128x64xi32>
    %reduce_min3A_81 = arith.constant dense<2147483647> : vector<128xi32>
    %reduce_min3A_82 = vector.multi_reduction <minsi>, %select_n3A_80, %reduce_min3A_81 [1] : vector<128x64xi32> to vector<128xi32>
    %broadcast_in_dim3A_83 = vector.shape_cast %reduce_min3A_82 : vector<128xi32> to vector<128x1xi32>
    %eq3A_84 = vector.broadcast %broadcast_in_dim3A_83 : vector<128x1xi32> to vector<128x64xi32>
    %eq3A_85 = arith.cmpi eq, %iota3A, %eq3A_84 : vector<128x64xi32>
    %add3A_86 = arith.constant 9.99999993E-9 : f32
    %add3A_87 = vector.broadcast %add3A_86 : f32 to vector<128x1xf32>
    %add3A_88 = arith.addf %broadcast_in_dim3A_75, %add3A_87 : vector<128x1xf32>
    %div3A_89 = arith.constant 1.000000e+00 : f32
    %div3A_90 = vector.broadcast %div3A_89 : f32 to vector<128x1xf32>
    %div3A_91 = arith.divf %div3A_90, %add3A_88 : vector<128x1xf32>
    %add3A_92 = arith.addf %div3A_47, %div3A_69 : vector<128x1xf32>
    %add3A_93 = arith.addf %add3A_92, %div3A_91 : vector<128x1xf32>
    %div3A_94 = arith.divf %div3A_47, %add3A_93 : vector<128x1xf32>
    %jit3A_95 = arith.constant 0.000000e+00 : f32
    %broadcast_in_dim3A_96 = vector.shape_cast %div3A_94 : vector<128x1xf32> to vector<128x1xf32>
    %broadcast_in_dim3A_97 = vector.broadcast %broadcast_in_dim3A_96 : vector<128x1xf32> to vector<128x64xf32>
    %broadcast_in_dim3A_98 = vector.broadcast %jit3A_95 : f32 to vector<128x64xf32>
    %select_n3A_99 = arith.select %eq3A_42, %broadcast_in_dim3A_97, %broadcast_in_dim3A_98 : vector<128x64xi1>, vector<128x64xf32>
    %div3A_100 = arith.divf %div3A_69, %add3A_93 : vector<128x1xf32>
    %jit3A_101 = arith.constant 0.000000e+00 : f32
    %broadcast_in_dim3A_102 = vector.shape_cast %div3A_100 : vector<128x1xf32> to vector<128x1xf32>
    %broadcast_in_dim3A_103 = vector.broadcast %broadcast_in_dim3A_102 : vector<128x1xf32> to vector<128x64xf32>
    %broadcast_in_dim3A_104 = vector.broadcast %jit3A_101 : f32 to vector<128x64xf32>
    %select_n3A_105 = arith.select %eq3A_63, %broadcast_in_dim3A_103, %broadcast_in_dim3A_104 : vector<128x64xi1>, vector<128x64xf32>
    %add3A_106 = arith.addf %select_n3A_99, %select_n3A_105 : vector<128x64xf32>
    %div3A_107 = arith.divf %div3A_91, %add3A_93 : vector<128x1xf32>
    %jit3A_108 = arith.constant 0.000000e+00 : f32
    %broadcast_in_dim3A_109 = vector.shape_cast %div3A_107 : vector<128x1xf32> to vector<128x1xf32>
    %broadcast_in_dim3A_110 = vector.broadcast %broadcast_in_dim3A_109 : vector<128x1xf32> to vector<128x64xf32>
    %broadcast_in_dim3A_111 = vector.broadcast %jit3A_108 : f32 to vector<128x64xf32>
    %select_n3A_112 = arith.select %eq3A_85, %broadcast_in_dim3A_110, %broadcast_in_dim3A_111 : vector<128x64xi1>, vector<128x64xf32>
    %add3A_113 = arith.addf %add3A_106, %select_n3A_112 : vector<128x64xf32>
    %dot_general3A = arith.constant dense<0.000000e+00> : vector<128x512xf32>
    %dot_general3A_114 = tpu.matmul %add3A_113, %get3A_13, %dot_general3A {dimension_numbers = #tpu.dot_dimension_numbers<[1], [0], [0], [1], [0, 0, 1, 1], [], []>, precision = #tpu.contract_precision<fp32>, transpose_lhs_hint = false} : vector<128x64xf32>, vector<64x512xf32>, vector<128x512xf32> -> vector<128x512xf32>
    %get3A_115 = arith.constant 0 : index
    %get3A_116 = arith.constant 0 : index
    %get3A_117 = vector.load %arg6[%get3A_115, %get3A_116] : memref<512x512xf32, #tpu.memory_space<vmem>>, vector<512x512xf32>
    %dot_general3A_118 = arith.constant dense<0.000000e+00> : vector<128x512xf32>
    %dot_general3A_119 = tpu.matmul %dot_general3A_114, %get3A_117, %dot_general3A_118 {dimension_numbers = #tpu.dot_dimension_numbers<[1], [0], [0], [1], [0, 0, 1, 1], [], []>, transpose_lhs_hint = false} : vector<128x512xf32>, vector<512x512xf32>, vector<128x512xf32> -> vector<128x512xf32>
    %get3A_120 = arith.constant 0 : index
    %get3A_121 = arith.constant 0 : index
    %get3A_122 = vector.load %arg7[%get3A_120, %get3A_121] : memref<256x512xf32, #tpu.memory_space<vmem>>, vector<256x512xf32>
    %dot_general3A_123 = arith.constant dense<0.000000e+00> : vector<128x512xf32>
    %dot_general3A_124 = tpu.matmul %get3A_18, %get3A_122, %dot_general3A_123 {dimension_numbers = #tpu.dot_dimension_numbers<[1], [0], [0], [1], [0, 0, 1, 1], [], []>, transpose_lhs_hint = false} : vector<128x256xf32>, vector<256x512xf32>, vector<128x512xf32> -> vector<128x512xf32>
    %add3A_125 = arith.addf %dot_general3A_119, %dot_general3A_124 : vector<128x512xf32>
    %max3A = arith.constant 0.000000e+00 : f32
    %max3A_126 = vector.broadcast %max3A : f32 to vector<128x512xf32>
    %max3A_127 = arith.maximumf %add3A_125, %max3A_126 : vector<128x512xf32>
    %get3A_128 = arith.constant 0 : index
    %get3A_129 = arith.constant 0 : index
    %get3A_130 = vector.load %arg8[%get3A_128, %get3A_129] : memref<512x512xf32, #tpu.memory_space<vmem>>, vector<512x512xf32>
    %dot_general3A_131 = arith.constant dense<0.000000e+00> : vector<128x512xf32>
    %dot_general3A_132 = tpu.matmul %max3A_127, %get3A_130, %dot_general3A_131 {dimension_numbers = #tpu.dot_dimension_numbers<[1], [0], [0], [1], [0, 0, 1, 1], [], []>, transpose_lhs_hint = false} : vector<128x512xf32>, vector<512x512xf32>, vector<128x512xf32> -> vector<128x512xf32>
    %max3A_133 = arith.constant 0.000000e+00 : f32
    %max3A_134 = vector.broadcast %max3A_133 : f32 to vector<128x512xf32>
    %max3A_135 = arith.maximumf %dot_general3A_132, %max3A_134 : vector<128x512xf32>
    %swap3A = arith.constant 0 : index
    %swap3A_136 = arith.constant 0 : index
    %swap3A_137 = arith.constant 0 : index
    %swap3A_138 = vector.load %arg9[%swap3A, %swap3A_136, %swap3A_137] : memref<1x128x512xf32, #tpu.memory_space<vmem>>, vector<1x128x512xf32>
    %swap3A_139 = vector.shape_cast %swap3A_138 : vector<1x128x512xf32> to vector<128x512xf32>
    %swap3A_140 = vector.shape_cast %max3A_135 : vector<128x512xf32> to vector<1x128x512xf32>
    tpu.vector_store %arg9[%swap3A, %swap3A_136, %swap3A_137], %swap3A_140 {strides = array<i32>} : memref<1x128x512xf32, #tpu.memory_space<vmem>>, vector<1x128x512xf32>,
    return
  }
  func.func @transform_0(%arg0: i32, %arg1: i32) -> (i32, i32, i32) {
    %c0_i32 = arith.constant 0 : i32
    %c0_i32_0 = arith.constant 0 : i32
    return %arg0, %arg1, %c0_i32 : i32, i32, i32
  }
  func.func @transform_1(%arg0: i32, %arg1: i32) -> (i32, i32, i32) {
    %c0_i32 = arith.constant 0 : i32
    %c0_i32_0 = arith.constant 0 : i32
    %c0_i32_1 = arith.constant 0 : i32
    return %arg0, %c0_i32, %c0_i32_0 : i32, i32, i32
  }
  func.func @transform_2(%arg0: i32, %arg1: i32) -> (i32, i32, i32) {
    %c0_i32 = arith.constant 0 : i32
    %c0_i32_0 = arith.constant 0 : i32
    %c0_i32_1 = arith.constant 0 : i32
    return %arg0, %c0_i32, %c0_i32_0 : i32, i32, i32
  }
  func.func @transform_3(%arg0: i32, %arg1: i32) -> (i32, i32, i32) {
    %c0_i32 = arith.constant 0 : i32
    %c0_i32_0 = arith.constant 0 : i32
    return %arg0, %arg1, %c0_i32 : i32, i32, i32
  }
  func.func @transform_4(%arg0: i32, %arg1: i32) -> (i32, i32) {
    %c0_i32 = arith.constant 0 : i32
    %c0_i32_0 = arith.constant 0 : i32
    %c0_i32_1 = arith.constant 0 : i32
    return %c0_i32, %c0_i32_0 : i32, i32
  }
  func.func @transform_5(%arg0: i32, %arg1: i32) -> (i32, i32) {
    %c0_i32 = arith.constant 0 : i32
    %c0_i32_0 = arith.constant 0 : i32
    %c0_i32_1 = arith.constant 0 : i32
    return %c0_i32, %c0_i32_0 : i32, i32
  }
  func.func @transform_6(%arg0: i32, %arg1: i32) -> (i32, i32) {
    %c0_i32 = arith.constant 0 : i32
    %c0_i32_0 = arith.constant 0 : i32
    %c0_i32_1 = arith.constant 0 : i32
    return %c0_i32, %c0_i32_0 : i32, i32
  }
  func.func @transform_7(%arg0: i32, %arg1: i32) -> (i32, i32, i32) {
    %c0_i32 = arith.constant 0 : i32
    %c0_i32_0 = arith.constant 0 : i32
    return %arg0, %arg1, %c0_i32 : i32, i32, i32
  }
}

module attributes {stable_mosaic.version = 14 : i64} {
  func.func @_fp_body(%arg0: i32, %arg1: i32, %arg2: memref<1x256x3xf32, #tpu.memory_space<vmem>>, %arg3: memref<1x3x128xf32, #tpu.memory_space<vmem>>, %arg4: memref<1x128x512xf32, #tpu.memory_space<vmem>>, %arg5: memref<1x256x128xf32, #tpu.memory_space<vmem>>, %arg6: memref<512x512xf32, #tpu.memory_space<vmem>>, %arg7: memref<128x512xf32, #tpu.memory_space<vmem>>, %arg8: memref<512x256xf32, #tpu.memory_space<vmem>>, %arg9: memref<1x256x256xf32, #tpu.memory_space<vmem>>) attributes {dimension_semantics = [#tpu.dimension_semantics<arbitrary>, #tpu.dimension_semantics<arbitrary>], iteration_bounds = array<i64: 8, 1>, scalar_prefetch = 0 : i64, scratch_operands = 0 : i64, tpu.core_type = #tpu.core_type<tc>, window_params = [{transform_indices = @transform_0, window_bounds = array<i64: 1, 256, 3>}, {transform_indices = @transform_1, window_bounds = array<i64: 1, 3, 128>}, {transform_indices = @transform_2, window_bounds = array<i64: 1, 128, 512>}, {transform_indices = @transform_3, window_bounds = array<i64: 1, 256, 128>}, {pipeline_mode = #tpu.pipeline_mode<synchronous>, transform_indices = @transform_4, window_bounds = array<i64: 512, 512>}, {pipeline_mode = #tpu.pipeline_mode<synchronous>, transform_indices = @transform_5, window_bounds = array<i64: 128, 512>}, {pipeline_mode = #tpu.pipeline_mode<synchronous>, transform_indices = @transform_6, window_bounds = array<i64: 512, 256>}, {transform_indices = @transform_7, window_bounds = array<i64: 1, 256, 256>}]} {
    %get3A = arith.constant 0 : index
    %get3A_0 = arith.constant 0 : index
    %get3A_1 = arith.constant 0 : index
    %get3A_2 = vector.load %arg2[%get3A, %get3A_0, %get3A_1] : memref<1x256x3xf32, #tpu.memory_space<vmem>>, vector<1x256x3xf32>
    %get3A_3 = vector.shape_cast %get3A_2 : vector<1x256x3xf32> to vector<256x3xf32>
    %get3A_4 = arith.constant 0 : index
    %get3A_5 = arith.constant 0 : index
    %get3A_6 = arith.constant 0 : index
    %get3A_7 = vector.load %arg3[%get3A_4, %get3A_5, %get3A_6] : memref<1x3x128xf32, #tpu.memory_space<vmem>>, vector<1x3x128xf32>
    %get3A_8 = vector.shape_cast %get3A_7 : vector<1x3x128xf32> to vector<3x128xf32>
    %get3A_9 = arith.constant 0 : index
    %get3A_10 = arith.constant 0 : index
    %get3A_11 = arith.constant 0 : index
    %get3A_12 = vector.load %arg4[%get3A_9, %get3A_10, %get3A_11] : memref<1x128x512xf32, #tpu.memory_space<vmem>>, vector<1x128x512xf32>
    %get3A_13 = vector.shape_cast %get3A_12 : vector<1x128x512xf32> to vector<128x512xf32>
    %get3A_14 = arith.constant 0 : index
    %get3A_15 = arith.constant 0 : index
    %get3A_16 = arith.constant 0 : index
    %get3A_17 = vector.load %arg5[%get3A_14, %get3A_15, %get3A_16] : memref<1x256x128xf32, #tpu.memory_space<vmem>>, vector<1x256x128xf32>
    %get3A_18 = vector.shape_cast %get3A_17 : vector<1x256x128xf32> to vector<256x128xf32>
    %slice3A = vector.extract_strided_slice %get3A_3 {offsets = [0, 0], sizes = [256, 1], strides = [1, 1]} : vector<256x3xf32> to vector<256x1xf32>
    %slice3A_19 = vector.extract_strided_slice %get3A_8 {offsets = [0, 0], sizes = [1, 128], strides = [1, 1]} : vector<3x128xf32> to vector<1x128xf32>
    %sub3A = vector.broadcast %slice3A : vector<256x1xf32> to vector<256x128xf32>
    %sub3A_20 = vector.broadcast %slice3A_19 : vector<1x128xf32> to vector<256x128xf32>
    %sub3A_21 = arith.subf %sub3A, %sub3A_20 : vector<256x128xf32>
    %mul3A = arith.mulf %sub3A_21, %sub3A_21 : vector<256x128xf32>
    %slice3A_22 = vector.extract_strided_slice %get3A_3 {offsets = [0, 1], sizes = [256, 1], strides = [1, 1]} : vector<256x3xf32> to vector<256x1xf32>
    %slice3A_23 = vector.extract_strided_slice %get3A_8 {offsets = [1, 0], sizes = [1, 128], strides = [1, 1]} : vector<3x128xf32> to vector<1x128xf32>
    %sub3A_24 = vector.broadcast %slice3A_22 : vector<256x1xf32> to vector<256x128xf32>
    %sub3A_25 = vector.broadcast %slice3A_23 : vector<1x128xf32> to vector<256x128xf32>
    %sub3A_26 = arith.subf %sub3A_24, %sub3A_25 : vector<256x128xf32>
    %mul3A_27 = arith.mulf %sub3A_26, %sub3A_26 : vector<256x128xf32>
    %add3A = arith.addf %mul3A, %mul3A_27 : vector<256x128xf32>
    %slice3A_28 = vector.extract_strided_slice %get3A_3 {offsets = [0, 2], sizes = [256, 1], strides = [1, 1]} : vector<256x3xf32> to vector<256x1xf32>
    %slice3A_29 = vector.extract_strided_slice %get3A_8 {offsets = [2, 0], sizes = [1, 128], strides = [1, 1]} : vector<3x128xf32> to vector<1x128xf32>
    %sub3A_30 = vector.broadcast %slice3A_28 : vector<256x1xf32> to vector<256x128xf32>
    %sub3A_31 = vector.broadcast %slice3A_29 : vector<1x128xf32> to vector<256x128xf32>
    %sub3A_32 = arith.subf %sub3A_30, %sub3A_31 : vector<256x128xf32>
    %mul3A_33 = arith.mulf %sub3A_32, %sub3A_32 : vector<256x128xf32>
    %add3A_34 = arith.addf %add3A, %mul3A_33 : vector<256x128xf32>
    %iota3A = tpu.iota {dimensions = array<i32: 1>} : vector<256x128xi32>
    %reduce_min3A = arith.constant dense<0x7F800000> : vector<256xf32>
    %reduce_min3A_35 = vector.multi_reduction <minimumf>, %add3A_34, %reduce_min3A [1] : vector<256x128xf32> to vector<256xf32>
    %broadcast_in_dim3A = vector.shape_cast %reduce_min3A_35 : vector<256xf32> to vector<256x1xf32>
    %eq3A = vector.broadcast %broadcast_in_dim3A : vector<256x1xf32> to vector<256x128xf32>
    %eq3A_36 = arith.cmpf oeq, %add3A_34, %eq3A : vector<256x128xf32>
    %jit3A = arith.constant 128 : i32
    %broadcast_in_dim3A_37 = vector.broadcast %jit3A : i32 to vector<256x128xi32>
    %select_n3A = arith.select %eq3A_36, %iota3A, %broadcast_in_dim3A_37 : vector<256x128xi1>, vector<256x128xi32>
    %reduce_min3A_38 = arith.constant dense<2147483647> : vector<256xi32>
    %reduce_min3A_39 = vector.multi_reduction <minsi>, %select_n3A, %reduce_min3A_38 [1] : vector<256x128xi32> to vector<256xi32>
    %broadcast_in_dim3A_40 = vector.shape_cast %reduce_min3A_39 : vector<256xi32> to vector<256x1xi32>
    %eq3A_41 = vector.broadcast %broadcast_in_dim3A_40 : vector<256x1xi32> to vector<256x128xi32>
    %eq3A_42 = arith.cmpi eq, %iota3A, %eq3A_41 : vector<256x128xi32>
    %add3A_43 = arith.constant 9.99999993E-9 : f32
    %add3A_44 = vector.broadcast %add3A_43 : f32 to vector<256x1xf32>
    %add3A_45 = arith.addf %broadcast_in_dim3A, %add3A_44 : vector<256x1xf32>
    %div3A = arith.constant 1.000000e+00 : f32
    %div3A_46 = vector.broadcast %div3A : f32 to vector<256x1xf32>
    %div3A_47 = arith.divf %div3A_46, %add3A_45 : vector<256x1xf32>
    %jit3A_48 = arith.constant 1.000000e+30 : f32
    %broadcast_in_dim3A_49 = vector.broadcast %jit3A_48 : f32 to vector<256x128xf32>
    %select_n3A_50 = arith.select %eq3A_42, %broadcast_in_dim3A_49, %add3A_34 : vector<256x128xi1>, vector<256x128xf32>
    %reduce_min3A_51 = arith.constant dense<0x7F800000> : vector<256xf32>
    %reduce_min3A_52 = vector.multi_reduction <minimumf>, %select_n3A_50, %reduce_min3A_51 [1] : vector<256x128xf32> to vector<256xf32>
    %broadcast_in_dim3A_53 = vector.shape_cast %reduce_min3A_52 : vector<256xf32> to vector<256x1xf32>
    %eq3A_54 = vector.broadcast %broadcast_in_dim3A_53 : vector<256x1xf32> to vector<256x128xf32>
    %eq3A_55 = arith.cmpf oeq, %select_n3A_50, %eq3A_54 : vector<256x128xf32>
    %jit3A_56 = arith.constant 128 : i32
    %broadcast_in_dim3A_57 = vector.broadcast %jit3A_56 : i32 to vector<256x128xi32>
    %select_n3A_58 = arith.select %eq3A_55, %iota3A, %broadcast_in_dim3A_57 : vector<256x128xi1>, vector<256x128xi32>
    %reduce_min3A_59 = arith.constant dense<2147483647> : vector<256xi32>
    %reduce_min3A_60 = vector.multi_reduction <minsi>, %select_n3A_58, %reduce_min3A_59 [1] : vector<256x128xi32> to vector<256xi32>
    %broadcast_in_dim3A_61 = vector.shape_cast %reduce_min3A_60 : vector<256xi32> to vector<256x1xi32>
    %eq3A_62 = vector.broadcast %broadcast_in_dim3A_61 : vector<256x1xi32> to vector<256x128xi32>
    %eq3A_63 = arith.cmpi eq, %iota3A, %eq3A_62 : vector<256x128xi32>
    %add3A_64 = arith.constant 9.99999993E-9 : f32
    %add3A_65 = vector.broadcast %add3A_64 : f32 to vector<256x1xf32>
    %add3A_66 = arith.addf %broadcast_in_dim3A_53, %add3A_65 : vector<256x1xf32>
    %div3A_67 = arith.constant 1.000000e+00 : f32
    %div3A_68 = vector.broadcast %div3A_67 : f32 to vector<256x1xf32>
    %div3A_69 = arith.divf %div3A_68, %add3A_66 : vector<256x1xf32>
    %jit3A_70 = arith.constant 1.000000e+30 : f32
    %broadcast_in_dim3A_71 = vector.broadcast %jit3A_70 : f32 to vector<256x128xf32>
    %select_n3A_72 = arith.select %eq3A_63, %broadcast_in_dim3A_71, %select_n3A_50 : vector<256x128xi1>, vector<256x128xf32>
    %reduce_min3A_73 = arith.constant dense<0x7F800000> : vector<256xf32>
    %reduce_min3A_74 = vector.multi_reduction <minimumf>, %select_n3A_72, %reduce_min3A_73 [1] : vector<256x128xf32> to vector<256xf32>
    %broadcast_in_dim3A_75 = vector.shape_cast %reduce_min3A_74 : vector<256xf32> to vector<256x1xf32>
    %eq3A_76 = vector.broadcast %broadcast_in_dim3A_75 : vector<256x1xf32> to vector<256x128xf32>
    %eq3A_77 = arith.cmpf oeq, %select_n3A_72, %eq3A_76 : vector<256x128xf32>
    %jit3A_78 = arith.constant 128 : i32
    %broadcast_in_dim3A_79 = vector.broadcast %jit3A_78 : i32 to vector<256x128xi32>
    %select_n3A_80 = arith.select %eq3A_77, %iota3A, %broadcast_in_dim3A_79 : vector<256x128xi1>, vector<256x128xi32>
    %reduce_min3A_81 = arith.constant dense<2147483647> : vector<256xi32>
    %reduce_min3A_82 = vector.multi_reduction <minsi>, %select_n3A_80, %reduce_min3A_81 [1] : vector<256x128xi32> to vector<256xi32>
    %broadcast_in_dim3A_83 = vector.shape_cast %reduce_min3A_82 : vector<256xi32> to vector<256x1xi32>
    %eq3A_84 = vector.broadcast %broadcast_in_dim3A_83 : vector<256x1xi32> to vector<256x128xi32>
    %eq3A_85 = arith.cmpi eq, %iota3A, %eq3A_84 : vector<256x128xi32>
    %add3A_86 = arith.constant 9.99999993E-9 : f32
    %add3A_87 = vector.broadcast %add3A_86 : f32 to vector<256x1xf32>
    %add3A_88 = arith.addf %broadcast_in_dim3A_75, %add3A_87 : vector<256x1xf32>
    %div3A_89 = arith.constant 1.000000e+00 : f32
    %div3A_90 = vector.broadcast %div3A_89 : f32 to vector<256x1xf32>
    %div3A_91 = arith.divf %div3A_90, %add3A_88 : vector<256x1xf32>
    %add3A_92 = arith.addf %div3A_47, %div3A_69 : vector<256x1xf32>
    %add3A_93 = arith.addf %add3A_92, %div3A_91 : vector<256x1xf32>
    %div3A_94 = arith.divf %div3A_47, %add3A_93 : vector<256x1xf32>
    %jit3A_95 = arith.constant 0.000000e+00 : f32
    %broadcast_in_dim3A_96 = vector.shape_cast %div3A_94 : vector<256x1xf32> to vector<256x1xf32>
    %broadcast_in_dim3A_97 = vector.broadcast %broadcast_in_dim3A_96 : vector<256x1xf32> to vector<256x128xf32>
    %broadcast_in_dim3A_98 = vector.broadcast %jit3A_95 : f32 to vector<256x128xf32>
    %select_n3A_99 = arith.select %eq3A_42, %broadcast_in_dim3A_97, %broadcast_in_dim3A_98 : vector<256x128xi1>, vector<256x128xf32>
    %div3A_100 = arith.divf %div3A_69, %add3A_93 : vector<256x1xf32>
    %jit3A_101 = arith.constant 0.000000e+00 : f32
    %broadcast_in_dim3A_102 = vector.shape_cast %div3A_100 : vector<256x1xf32> to vector<256x1xf32>
    %broadcast_in_dim3A_103 = vector.broadcast %broadcast_in_dim3A_102 : vector<256x1xf32> to vector<256x128xf32>
    %broadcast_in_dim3A_104 = vector.broadcast %jit3A_101 : f32 to vector<256x128xf32>
    %select_n3A_105 = arith.select %eq3A_63, %broadcast_in_dim3A_103, %broadcast_in_dim3A_104 : vector<256x128xi1>, vector<256x128xf32>
    %add3A_106 = arith.addf %select_n3A_99, %select_n3A_105 : vector<256x128xf32>
    %div3A_107 = arith.divf %div3A_91, %add3A_93 : vector<256x1xf32>
    %jit3A_108 = arith.constant 0.000000e+00 : f32
    %broadcast_in_dim3A_109 = vector.shape_cast %div3A_107 : vector<256x1xf32> to vector<256x1xf32>
    %broadcast_in_dim3A_110 = vector.broadcast %broadcast_in_dim3A_109 : vector<256x1xf32> to vector<256x128xf32>
    %broadcast_in_dim3A_111 = vector.broadcast %jit3A_108 : f32 to vector<256x128xf32>
    %select_n3A_112 = arith.select %eq3A_85, %broadcast_in_dim3A_110, %broadcast_in_dim3A_111 : vector<256x128xi1>, vector<256x128xf32>
    %add3A_113 = arith.addf %add3A_106, %select_n3A_112 : vector<256x128xf32>
    %dot_general3A = arith.constant dense<0.000000e+00> : vector<256x512xf32>
    %dot_general3A_114 = tpu.matmul %add3A_113, %get3A_13, %dot_general3A {dimension_numbers = #tpu.dot_dimension_numbers<[1], [0], [0], [1], [0, 0, 1, 1], [], []>, precision = #tpu.contract_precision<fp32>, transpose_lhs_hint = false} : vector<256x128xf32>, vector<128x512xf32>, vector<256x512xf32> -> vector<256x512xf32>
    %get3A_115 = arith.constant 0 : index
    %get3A_116 = arith.constant 0 : index
    %get3A_117 = vector.load %arg6[%get3A_115, %get3A_116] : memref<512x512xf32, #tpu.memory_space<vmem>>, vector<512x512xf32>
    %dot_general3A_118 = arith.constant dense<0.000000e+00> : vector<256x512xf32>
    %dot_general3A_119 = tpu.matmul %dot_general3A_114, %get3A_117, %dot_general3A_118 {dimension_numbers = #tpu.dot_dimension_numbers<[1], [0], [0], [1], [0, 0, 1, 1], [], []>, transpose_lhs_hint = false} : vector<256x512xf32>, vector<512x512xf32>, vector<256x512xf32> -> vector<256x512xf32>
    %get3A_120 = arith.constant 0 : index
    %get3A_121 = arith.constant 0 : index
    %get3A_122 = vector.load %arg7[%get3A_120, %get3A_121] : memref<128x512xf32, #tpu.memory_space<vmem>>, vector<128x512xf32>
    %dot_general3A_123 = arith.constant dense<0.000000e+00> : vector<256x512xf32>
    %dot_general3A_124 = tpu.matmul %get3A_18, %get3A_122, %dot_general3A_123 {dimension_numbers = #tpu.dot_dimension_numbers<[1], [0], [0], [1], [0, 0, 1, 1], [], []>, transpose_lhs_hint = false} : vector<256x128xf32>, vector<128x512xf32>, vector<256x512xf32> -> vector<256x512xf32>
    %add3A_125 = arith.addf %dot_general3A_119, %dot_general3A_124 : vector<256x512xf32>
    %max3A = arith.constant 0.000000e+00 : f32
    %max3A_126 = vector.broadcast %max3A : f32 to vector<256x512xf32>
    %max3A_127 = arith.maximumf %add3A_125, %max3A_126 : vector<256x512xf32>
    %get3A_128 = arith.constant 0 : index
    %get3A_129 = arith.constant 0 : index
    %get3A_130 = vector.load %arg8[%get3A_128, %get3A_129] : memref<512x256xf32, #tpu.memory_space<vmem>>, vector<512x256xf32>
    %dot_general3A_131 = arith.constant dense<0.000000e+00> : vector<256x256xf32>
    %dot_general3A_132 = tpu.matmul %max3A_127, %get3A_130, %dot_general3A_131 {dimension_numbers = #tpu.dot_dimension_numbers<[1], [0], [0], [1], [0, 0, 1, 1], [], []>, transpose_lhs_hint = false} : vector<256x512xf32>, vector<512x256xf32>, vector<256x256xf32> -> vector<256x256xf32>
    %max3A_133 = arith.constant 0.000000e+00 : f32
    %max3A_134 = vector.broadcast %max3A_133 : f32 to vector<256x256xf32>
    %max3A_135 = arith.maximumf %dot_general3A_132, %max3A_134 : vector<256x256xf32>
    %swap3A = arith.constant 0 : index
    %swap3A_136 = arith.constant 0 : index
    %swap3A_137 = arith.constant 0 : index
    %swap3A_138 = vector.load %arg9[%swap3A, %swap3A_136, %swap3A_137] : memref<1x256x256xf32, #tpu.memory_space<vmem>>, vector<1x256x256xf32>
    %swap3A_139 = vector.shape_cast %swap3A_138 : vector<1x256x256xf32> to vector<256x256xf32>
    %swap3A_140 = vector.shape_cast %max3A_135 : vector<256x256xf32> to vector<1x256x256xf32>
    tpu.vector_store %arg9[%swap3A, %swap3A_136, %swap3A_137], %swap3A_140 {strides = array<i32>} : memref<1x256x256xf32, #tpu.memory_space<vmem>>, vector<1x256x256xf32>,
    return
  }
  func.func @transform_0(%arg0: i32, %arg1: i32) -> (i32, i32, i32) {
    %c0_i32 = arith.constant 0 : i32
    %c0_i32_0 = arith.constant 0 : i32
    return %arg0, %arg1, %c0_i32 : i32, i32, i32
  }
  func.func @transform_1(%arg0: i32, %arg1: i32) -> (i32, i32, i32) {
    %c0_i32 = arith.constant 0 : i32
    %c0_i32_0 = arith.constant 0 : i32
    %c0_i32_1 = arith.constant 0 : i32
    return %arg0, %c0_i32, %c0_i32_0 : i32, i32, i32
  }
  func.func @transform_2(%arg0: i32, %arg1: i32) -> (i32, i32, i32) {
    %c0_i32 = arith.constant 0 : i32
    %c0_i32_0 = arith.constant 0 : i32
    %c0_i32_1 = arith.constant 0 : i32
    return %arg0, %c0_i32, %c0_i32_0 : i32, i32, i32
  }
  func.func @transform_3(%arg0: i32, %arg1: i32) -> (i32, i32, i32) {
    %c0_i32 = arith.constant 0 : i32
    %c0_i32_0 = arith.constant 0 : i32
    return %arg0, %arg1, %c0_i32 : i32, i32, i32
  }
  func.func @transform_4(%arg0: i32, %arg1: i32) -> (i32, i32) {
    %c0_i32 = arith.constant 0 : i32
    %c0_i32_0 = arith.constant 0 : i32
    %c0_i32_1 = arith.constant 0 : i32
    return %c0_i32, %c0_i32_0 : i32, i32
  }
  func.func @transform_5(%arg0: i32, %arg1: i32) -> (i32, i32) {
    %c0_i32 = arith.constant 0 : i32
    %c0_i32_0 = arith.constant 0 : i32
    %c0_i32_1 = arith.constant 0 : i32
    return %c0_i32, %c0_i32_0 : i32, i32
  }
  func.func @transform_6(%arg0: i32, %arg1: i32) -> (i32, i32) {
    %c0_i32 = arith.constant 0 : i32
    %c0_i32_0 = arith.constant 0 : i32
    %c0_i32_1 = arith.constant 0 : i32
    return %c0_i32, %c0_i32_0 : i32, i32
  }
  func.func @transform_7(%arg0: i32, %arg1: i32) -> (i32, i32, i32) {
    %c0_i32 = arith.constant 0 : i32
    %c0_i32_0 = arith.constant 0 : i32
    return %arg0, %arg1, %c0_i32 : i32, i32, i32
  }
}

module attributes {stable_mosaic.version = 14 : i64} {
  func.func @_fp_body(%arg0: i32, %arg1: i32, %arg2: memref<1x512x3xf32, #tpu.memory_space<vmem>>, %arg3: memref<1x3x256xf32, #tpu.memory_space<vmem>>, %arg4: memref<1x256x256xf32, #tpu.memory_space<vmem>>, %arg5: memref<1x512x6xf32, #tpu.memory_space<vmem>>, %arg6: memref<256x256xf32, #tpu.memory_space<vmem>>, %arg7: memref<6x256xf32, #tpu.memory_space<vmem>>, %arg8: memref<256x256xf32, #tpu.memory_space<vmem>>, %arg9: memref<256x256xf32, #tpu.memory_space<vmem>>, %arg10: memref<1x512x256xf32, #tpu.memory_space<vmem>>) attributes {dimension_semantics = [#tpu.dimension_semantics<arbitrary>, #tpu.dimension_semantics<arbitrary>], iteration_bounds = array<i64: 8, 8>, scalar_prefetch = 0 : i64, scratch_operands = 0 : i64, tpu.core_type = #tpu.core_type<tc>, window_params = [{transform_indices = @transform_0, window_bounds = array<i64: 1, 512, 3>}, {transform_indices = @transform_1, window_bounds = array<i64: 1, 3, 256>}, {transform_indices = @transform_2, window_bounds = array<i64: 1, 256, 256>}, {transform_indices = @transform_3, window_bounds = array<i64: 1, 512, 6>}, {pipeline_mode = #tpu.pipeline_mode<synchronous>, transform_indices = @transform_4, window_bounds = array<i64: 256, 256>}, {pipeline_mode = #tpu.pipeline_mode<synchronous>, transform_indices = @transform_5, window_bounds = array<i64: 6, 256>}, {pipeline_mode = #tpu.pipeline_mode<synchronous>, transform_indices = @transform_6, window_bounds = array<i64: 256, 256>}, {pipeline_mode = #tpu.pipeline_mode<synchronous>, transform_indices = @transform_7, window_bounds = array<i64: 256, 256>}, {transform_indices = @transform_8, window_bounds = array<i64: 1, 512, 256>}]} {
    %get3A = arith.constant 0 : index
    %get3A_0 = arith.constant 0 : index
    %get3A_1 = arith.constant 0 : index
    %get3A_2 = vector.load %arg2[%get3A, %get3A_0, %get3A_1] : memref<1x512x3xf32, #tpu.memory_space<vmem>>, vector<1x512x3xf32>
    %get3A_3 = vector.shape_cast %get3A_2 : vector<1x512x3xf32> to vector<512x3xf32>
    %get3A_4 = arith.constant 0 : index
    %get3A_5 = arith.constant 0 : index
    %get3A_6 = arith.constant 0 : index
    %get3A_7 = vector.load %arg3[%get3A_4, %get3A_5, %get3A_6] : memref<1x3x256xf32, #tpu.memory_space<vmem>>, vector<1x3x256xf32>
    %get3A_8 = vector.shape_cast %get3A_7 : vector<1x3x256xf32> to vector<3x256xf32>
    %get3A_9 = arith.constant 0 : index
    %get3A_10 = arith.constant 0 : index
    %get3A_11 = arith.constant 0 : index
    %get3A_12 = vector.load %arg4[%get3A_9, %get3A_10, %get3A_11] : memref<1x256x256xf32, #tpu.memory_space<vmem>>, vector<1x256x256xf32>
    %get3A_13 = vector.shape_cast %get3A_12 : vector<1x256x256xf32> to vector<256x256xf32>
    %get3A_14 = arith.constant 0 : index
    %get3A_15 = arith.constant 0 : index
    %get3A_16 = arith.constant 0 : index
    %get3A_17 = vector.load %arg5[%get3A_14, %get3A_15, %get3A_16] : memref<1x512x6xf32, #tpu.memory_space<vmem>>, vector<1x512x6xf32>
    %get3A_18 = vector.shape_cast %get3A_17 : vector<1x512x6xf32> to vector<512x6xf32>
    %slice3A = vector.extract_strided_slice %get3A_3 {offsets = [0, 0], sizes = [512, 1], strides = [1, 1]} : vector<512x3xf32> to vector<512x1xf32>
    %slice3A_19 = vector.extract_strided_slice %get3A_8 {offsets = [0, 0], sizes = [1, 256], strides = [1, 1]} : vector<3x256xf32> to vector<1x256xf32>
    %sub3A = vector.broadcast %slice3A : vector<512x1xf32> to vector<512x256xf32>
    %sub3A_20 = vector.broadcast %slice3A_19 : vector<1x256xf32> to vector<512x256xf32>
    %sub3A_21 = arith.subf %sub3A, %sub3A_20 : vector<512x256xf32>
    %mul3A = arith.mulf %sub3A_21, %sub3A_21 : vector<512x256xf32>
    %slice3A_22 = vector.extract_strided_slice %get3A_3 {offsets = [0, 1], sizes = [512, 1], strides = [1, 1]} : vector<512x3xf32> to vector<512x1xf32>
    %slice3A_23 = vector.extract_strided_slice %get3A_8 {offsets = [1, 0], sizes = [1, 256], strides = [1, 1]} : vector<3x256xf32> to vector<1x256xf32>
    %sub3A_24 = vector.broadcast %slice3A_22 : vector<512x1xf32> to vector<512x256xf32>
    %sub3A_25 = vector.broadcast %slice3A_23 : vector<1x256xf32> to vector<512x256xf32>
    %sub3A_26 = arith.subf %sub3A_24, %sub3A_25 : vector<512x256xf32>
    %mul3A_27 = arith.mulf %sub3A_26, %sub3A_26 : vector<512x256xf32>
    %add3A = arith.addf %mul3A, %mul3A_27 : vector<512x256xf32>
    %slice3A_28 = vector.extract_strided_slice %get3A_3 {offsets = [0, 2], sizes = [512, 1], strides = [1, 1]} : vector<512x3xf32> to vector<512x1xf32>
    %slice3A_29 = vector.extract_strided_slice %get3A_8 {offsets = [2, 0], sizes = [1, 256], strides = [1, 1]} : vector<3x256xf32> to vector<1x256xf32>
    %sub3A_30 = vector.broadcast %slice3A_28 : vector<512x1xf32> to vector<512x256xf32>
    %sub3A_31 = vector.broadcast %slice3A_29 : vector<1x256xf32> to vector<512x256xf32>
    %sub3A_32 = arith.subf %sub3A_30, %sub3A_31 : vector<512x256xf32>
    %mul3A_33 = arith.mulf %sub3A_32, %sub3A_32 : vector<512x256xf32>
    %add3A_34 = arith.addf %add3A, %mul3A_33 : vector<512x256xf32>
    %iota3A = tpu.iota {dimensions = array<i32: 1>} : vector<512x256xi32>
    %reduce_min3A = arith.constant dense<0x7F800000> : vector<512xf32>
    %reduce_min3A_35 = vector.multi_reduction <minimumf>, %add3A_34, %reduce_min3A [1] : vector<512x256xf32> to vector<512xf32>
    %broadcast_in_dim3A = vector.shape_cast %reduce_min3A_35 : vector<512xf32> to vector<512x1xf32>
    %eq3A = vector.broadcast %broadcast_in_dim3A : vector<512x1xf32> to vector<512x256xf32>
    %eq3A_36 = arith.cmpf oeq, %add3A_34, %eq3A : vector<512x256xf32>
    %jit3A = arith.constant 256 : i32
    %broadcast_in_dim3A_37 = vector.broadcast %jit3A : i32 to vector<512x256xi32>
    %select_n3A = arith.select %eq3A_36, %iota3A, %broadcast_in_dim3A_37 : vector<512x256xi1>, vector<512x256xi32>
    %reduce_min3A_38 = arith.constant dense<2147483647> : vector<512xi32>
    %reduce_min3A_39 = vector.multi_reduction <minsi>, %select_n3A, %reduce_min3A_38 [1] : vector<512x256xi32> to vector<512xi32>
    %broadcast_in_dim3A_40 = vector.shape_cast %reduce_min3A_39 : vector<512xi32> to vector<512x1xi32>
    %eq3A_41 = vector.broadcast %broadcast_in_dim3A_40 : vector<512x1xi32> to vector<512x256xi32>
    %eq3A_42 = arith.cmpi eq, %iota3A, %eq3A_41 : vector<512x256xi32>
    %add3A_43 = arith.constant 9.99999993E-9 : f32
    %add3A_44 = vector.broadcast %add3A_43 : f32 to vector<512x1xf32>
    %add3A_45 = arith.addf %broadcast_in_dim3A, %add3A_44 : vector<512x1xf32>
    %div3A = arith.constant 1.000000e+00 : f32
    %div3A_46 = vector.broadcast %div3A : f32 to vector<512x1xf32>
    %div3A_47 = arith.divf %div3A_46, %add3A_45 : vector<512x1xf32>
    %jit3A_48 = arith.constant 1.000000e+30 : f32
    %broadcast_in_dim3A_49 = vector.broadcast %jit3A_48 : f32 to vector<512x256xf32>
    %select_n3A_50 = arith.select %eq3A_42, %broadcast_in_dim3A_49, %add3A_34 : vector<512x256xi1>, vector<512x256xf32>
    %reduce_min3A_51 = arith.constant dense<0x7F800000> : vector<512xf32>
    %reduce_min3A_52 = vector.multi_reduction <minimumf>, %select_n3A_50, %reduce_min3A_51 [1] : vector<512x256xf32> to vector<512xf32>
    %broadcast_in_dim3A_53 = vector.shape_cast %reduce_min3A_52 : vector<512xf32> to vector<512x1xf32>
    %eq3A_54 = vector.broadcast %broadcast_in_dim3A_53 : vector<512x1xf32> to vector<512x256xf32>
    %eq3A_55 = arith.cmpf oeq, %select_n3A_50, %eq3A_54 : vector<512x256xf32>
    %jit3A_56 = arith.constant 256 : i32
    %broadcast_in_dim3A_57 = vector.broadcast %jit3A_56 : i32 to vector<512x256xi32>
    %select_n3A_58 = arith.select %eq3A_55, %iota3A, %broadcast_in_dim3A_57 : vector<512x256xi1>, vector<512x256xi32>
    %reduce_min3A_59 = arith.constant dense<2147483647> : vector<512xi32>
    %reduce_min3A_60 = vector.multi_reduction <minsi>, %select_n3A_58, %reduce_min3A_59 [1] : vector<512x256xi32> to vector<512xi32>
    %broadcast_in_dim3A_61 = vector.shape_cast %reduce_min3A_60 : vector<512xi32> to vector<512x1xi32>
    %eq3A_62 = vector.broadcast %broadcast_in_dim3A_61 : vector<512x1xi32> to vector<512x256xi32>
    %eq3A_63 = arith.cmpi eq, %iota3A, %eq3A_62 : vector<512x256xi32>
    %add3A_64 = arith.constant 9.99999993E-9 : f32
    %add3A_65 = vector.broadcast %add3A_64 : f32 to vector<512x1xf32>
    %add3A_66 = arith.addf %broadcast_in_dim3A_53, %add3A_65 : vector<512x1xf32>
    %div3A_67 = arith.constant 1.000000e+00 : f32
    %div3A_68 = vector.broadcast %div3A_67 : f32 to vector<512x1xf32>
    %div3A_69 = arith.divf %div3A_68, %add3A_66 : vector<512x1xf32>
    %jit3A_70 = arith.constant 1.000000e+30 : f32
    %broadcast_in_dim3A_71 = vector.broadcast %jit3A_70 : f32 to vector<512x256xf32>
    %select_n3A_72 = arith.select %eq3A_63, %broadcast_in_dim3A_71, %select_n3A_50 : vector<512x256xi1>, vector<512x256xf32>
    %reduce_min3A_73 = arith.constant dense<0x7F800000> : vector<512xf32>
    %reduce_min3A_74 = vector.multi_reduction <minimumf>, %select_n3A_72, %reduce_min3A_73 [1] : vector<512x256xf32> to vector<512xf32>
    %broadcast_in_dim3A_75 = vector.shape_cast %reduce_min3A_74 : vector<512xf32> to vector<512x1xf32>
    %eq3A_76 = vector.broadcast %broadcast_in_dim3A_75 : vector<512x1xf32> to vector<512x256xf32>
    %eq3A_77 = arith.cmpf oeq, %select_n3A_72, %eq3A_76 : vector<512x256xf32>
    %jit3A_78 = arith.constant 256 : i32
    %broadcast_in_dim3A_79 = vector.broadcast %jit3A_78 : i32 to vector<512x256xi32>
    %select_n3A_80 = arith.select %eq3A_77, %iota3A, %broadcast_in_dim3A_79 : vector<512x256xi1>, vector<512x256xi32>
    %reduce_min3A_81 = arith.constant dense<2147483647> : vector<512xi32>
    %reduce_min3A_82 = vector.multi_reduction <minsi>, %select_n3A_80, %reduce_min3A_81 [1] : vector<512x256xi32> to vector<512xi32>
    %broadcast_in_dim3A_83 = vector.shape_cast %reduce_min3A_82 : vector<512xi32> to vector<512x1xi32>
    %eq3A_84 = vector.broadcast %broadcast_in_dim3A_83 : vector<512x1xi32> to vector<512x256xi32>
    %eq3A_85 = arith.cmpi eq, %iota3A, %eq3A_84 : vector<512x256xi32>
    %add3A_86 = arith.constant 9.99999993E-9 : f32
    %add3A_87 = vector.broadcast %add3A_86 : f32 to vector<512x1xf32>
    %add3A_88 = arith.addf %broadcast_in_dim3A_75, %add3A_87 : vector<512x1xf32>
    %div3A_89 = arith.constant 1.000000e+00 : f32
    %div3A_90 = vector.broadcast %div3A_89 : f32 to vector<512x1xf32>
    %div3A_91 = arith.divf %div3A_90, %add3A_88 : vector<512x1xf32>
    %add3A_92 = arith.addf %div3A_47, %div3A_69 : vector<512x1xf32>
    %add3A_93 = arith.addf %add3A_92, %div3A_91 : vector<512x1xf32>
    %div3A_94 = arith.divf %div3A_47, %add3A_93 : vector<512x1xf32>
    %jit3A_95 = arith.constant 0.000000e+00 : f32
    %broadcast_in_dim3A_96 = vector.shape_cast %div3A_94 : vector<512x1xf32> to vector<512x1xf32>
    %broadcast_in_dim3A_97 = vector.broadcast %broadcast_in_dim3A_96 : vector<512x1xf32> to vector<512x256xf32>
    %broadcast_in_dim3A_98 = vector.broadcast %jit3A_95 : f32 to vector<512x256xf32>
    %select_n3A_99 = arith.select %eq3A_42, %broadcast_in_dim3A_97, %broadcast_in_dim3A_98 : vector<512x256xi1>, vector<512x256xf32>
    %div3A_100 = arith.divf %div3A_69, %add3A_93 : vector<512x1xf32>
    %jit3A_101 = arith.constant 0.000000e+00 : f32
    %broadcast_in_dim3A_102 = vector.shape_cast %div3A_100 : vector<512x1xf32> to vector<512x1xf32>
    %broadcast_in_dim3A_103 = vector.broadcast %broadcast_in_dim3A_102 : vector<512x1xf32> to vector<512x256xf32>
    %broadcast_in_dim3A_104 = vector.broadcast %jit3A_101 : f32 to vector<512x256xf32>
    %select_n3A_105 = arith.select %eq3A_63, %broadcast_in_dim3A_103, %broadcast_in_dim3A_104 : vector<512x256xi1>, vector<512x256xf32>
    %add3A_106 = arith.addf %select_n3A_99, %select_n3A_105 : vector<512x256xf32>
    %div3A_107 = arith.divf %div3A_91, %add3A_93 : vector<512x1xf32>
    %jit3A_108 = arith.constant 0.000000e+00 : f32
    %broadcast_in_dim3A_109 = vector.shape_cast %div3A_107 : vector<512x1xf32> to vector<512x1xf32>
    %broadcast_in_dim3A_110 = vector.broadcast %broadcast_in_dim3A_109 : vector<512x1xf32> to vector<512x256xf32>
    %broadcast_in_dim3A_111 = vector.broadcast %jit3A_108 : f32 to vector<512x256xf32>
    %select_n3A_112 = arith.select %eq3A_85, %broadcast_in_dim3A_110, %broadcast_in_dim3A_111 : vector<512x256xi1>, vector<512x256xf32>
    %add3A_113 = arith.addf %add3A_106, %select_n3A_112 : vector<512x256xf32>
    %dot_general3A = arith.constant dense<0.000000e+00> : vector<512x256xf32>
    %dot_general3A_114 = tpu.matmul %add3A_113, %get3A_13, %dot_general3A {dimension_numbers = #tpu.dot_dimension_numbers<[1], [0], [0], [1], [0, 0, 1, 1], [], []>, precision = #tpu.contract_precision<fp32>, transpose_lhs_hint = false} : vector<512x256xf32>, vector<256x256xf32>, vector<512x256xf32> -> vector<512x256xf32>
    %get3A_115 = arith.constant 0 : index
    %get3A_116 = arith.constant 0 : index
    %get3A_117 = vector.load %arg6[%get3A_115, %get3A_116] : memref<256x256xf32, #tpu.memory_space<vmem>>, vector<256x256xf32>
    %dot_general3A_118 = arith.constant dense<0.000000e+00> : vector<512x256xf32>
    %dot_general3A_119 = tpu.matmul %dot_general3A_114, %get3A_117, %dot_general3A_118 {dimension_numbers = #tpu.dot_dimension_numbers<[1], [0], [0], [1], [0, 0, 1, 1], [], []>, transpose_lhs_hint = false} : vector<512x256xf32>, vector<256x256xf32>, vector<512x256xf32> -> vector<512x256xf32>
    %get3A_120 = arith.constant 0 : index
    %get3A_121 = arith.constant 0 : index
    %get3A_122 = vector.load %arg7[%get3A_120, %get3A_121] : memref<6x256xf32, #tpu.memory_space<vmem>>, vector<6x256xf32>
    %dot_general3A_123 = arith.constant dense<0.000000e+00> : vector<512x256xf32>
    %dot_general3A_124 = tpu.matmul %get3A_18, %get3A_122, %dot_general3A_123 {dimension_numbers = #tpu.dot_dimension_numbers<[1], [0], [0], [1], [0, 0, 1, 1], [], []>, transpose_lhs_hint = false} : vector<512x6xf32>, vector<6x256xf32>, vector<512x256xf32> -> vector<512x256xf32>
    %add3A_125 = arith.addf %dot_general3A_119, %dot_general3A_124 : vector<512x256xf32>
    %max3A = arith.constant 0.000000e+00 : f32
    %max3A_126 = vector.broadcast %max3A : f32 to vector<512x256xf32>
    %max3A_127 = arith.maximumf %add3A_125, %max3A_126 : vector<512x256xf32>
    %get3A_128 = arith.constant 0 : index
    %get3A_129 = arith.constant 0 : index
    %get3A_130 = vector.load %arg8[%get3A_128, %get3A_129] : memref<256x256xf32, #tpu.memory_space<vmem>>, vector<256x256xf32>
    %dot_general3A_131 = arith.constant dense<0.000000e+00> : vector<512x256xf32>
    %dot_general3A_132 = tpu.matmul %max3A_127, %get3A_130, %dot_general3A_131 {dimension_numbers = #tpu.dot_dimension_numbers<[1], [0], [0], [1], [0, 0, 1, 1], [], []>, transpose_lhs_hint = false} : vector<512x256xf32>, vector<256x256xf32>, vector<512x256xf32> -> vector<512x256xf32>
    %max3A_133 = arith.constant 0.000000e+00 : f32
    %max3A_134 = vector.broadcast %max3A_133 : f32 to vector<512x256xf32>
    %max3A_135 = arith.maximumf %dot_general3A_132, %max3A_134 : vector<512x256xf32>
    %get3A_136 = arith.constant 0 : index
    %get3A_137 = arith.constant 0 : index
    %get3A_138 = vector.load %arg9[%get3A_136, %get3A_137] : memref<256x256xf32, #tpu.memory_space<vmem>>, vector<256x256xf32>
    %dot_general3A_139 = arith.constant dense<0.000000e+00> : vector<512x256xf32>
    %dot_general3A_140 = tpu.matmul %max3A_135, %get3A_138, %dot_general3A_139 {dimension_numbers = #tpu.dot_dimension_numbers<[1], [0], [0], [1], [0, 0, 1, 1], [], []>, transpose_lhs_hint = false} : vector<512x256xf32>, vector<256x256xf32>, vector<512x256xf32> -> vector<512x256xf32>
    %max3A_141 = arith.constant 0.000000e+00 : f32
    %max3A_142 = vector.broadcast %max3A_141 : f32 to vector<512x256xf32>
    %max3A_143 = arith.maximumf %dot_general3A_140, %max3A_142 : vector<512x256xf32>
    %swap3A = arith.constant 0 : index
    %swap3A_144 = arith.constant 0 : index
    %swap3A_145 = arith.constant 0 : index
    %swap3A_146 = vector.load %arg10[%swap3A, %swap3A_144, %swap3A_145] : memref<1x512x256xf32, #tpu.memory_space<vmem>>, vector<1x512x256xf32>
    %swap3A_147 = vector.shape_cast %swap3A_146 : vector<1x512x256xf32> to vector<512x256xf32>
    %swap3A_148 = vector.shape_cast %max3A_143 : vector<512x256xf32> to vector<1x512x256xf32>
    tpu.vector_store %arg10[%swap3A, %swap3A_144, %swap3A_145], %swap3A_148 {strides = array<i32>} : memref<1x512x256xf32, #tpu.memory_space<vmem>>, vector<1x512x256xf32>,
    return
  }
  func.func @transform_0(%arg0: i32, %arg1: i32) -> (i32, i32, i32) {
    %c0_i32 = arith.constant 0 : i32
    %c0_i32_0 = arith.constant 0 : i32
    return %arg0, %arg1, %c0_i32 : i32, i32, i32
  }
  func.func @transform_1(%arg0: i32, %arg1: i32) -> (i32, i32, i32) {
    %c0_i32 = arith.constant 0 : i32
    %c0_i32_0 = arith.constant 0 : i32
    %c0_i32_1 = arith.constant 0 : i32
    return %arg0, %c0_i32, %c0_i32_0 : i32, i32, i32
  }
  func.func @transform_2(%arg0: i32, %arg1: i32) -> (i32, i32, i32) {
    %c0_i32 = arith.constant 0 : i32
    %c0_i32_0 = arith.constant 0 : i32
    %c0_i32_1 = arith.constant 0 : i32
    return %arg0, %c0_i32, %c0_i32_0 : i32, i32, i32
  }
  func.func @transform_3(%arg0: i32, %arg1: i32) -> (i32, i32, i32) {
    %c0_i32 = arith.constant 0 : i32
    %c0_i32_0 = arith.constant 0 : i32
    return %arg0, %arg1, %c0_i32 : i32, i32, i32
  }
  func.func @transform_4(%arg0: i32, %arg1: i32) -> (i32, i32) {
    %c0_i32 = arith.constant 0 : i32
    %c0_i32_0 = arith.constant 0 : i32
    %c0_i32_1 = arith.constant 0 : i32
    return %c0_i32, %c0_i32_0 : i32, i32
  }
  func.func @transform_5(%arg0: i32, %arg1: i32) -> (i32, i32) {
    %c0_i32 = arith.constant 0 : i32
    %c0_i32_0 = arith.constant 0 : i32
    %c0_i32_1 = arith.constant 0 : i32
    return %c0_i32, %c0_i32_0 : i32, i32
  }
  func.func @transform_6(%arg0: i32, %arg1: i32) -> (i32, i32) {
    %c0_i32 = arith.constant 0 : i32
    %c0_i32_0 = arith.constant 0 : i32
    %c0_i32_1 = arith.constant 0 : i32
    return %c0_i32, %c0_i32_0 : i32, i32
  }
  func.func @transform_7(%arg0: i32, %arg1: i32) -> (i32, i32) {
    %c0_i32 = arith.constant 0 : i32
    %c0_i32_0 = arith.constant 0 : i32
    %c0_i32_1 = arith.constant 0 : i32
    return %c0_i32, %c0_i32_0 : i32, i32
  }
  func.func @transform_8(%arg0: i32, %arg1: i32) -> (i32, i32, i32) {
    %c0_i32 = arith.constant 0 : i32
    %c0_i32_0 = arith.constant 0 : i32
    return %arg0, %arg1, %c0_i32 : i32, i32, i32
  }
}

</mosaic_0001>

<sc_bundles>
// kernel: gather_offload_async_start
scs
__scs_entry_jumppad:
0x0: {  	(pc) =	sbr.rel $0x88, $3  }
0x1: {  	(tag) =	ssettag $0x0;
	lr =	simm.s32 $0x1  }
0x2: {  	[smem:$0x3F8B] =	sst lr;
	_ =	strace $0xD0000000  }
0x3: {  	_ = 	snop  }
0x4: {  	_ = 	snop  }
0x5: {  	_ = 	snop  }
0x6: {  	_ = 	snop  }
0x7: {  	_ = 	snop  }
__scs_overlays_trampoline_lowered:
0x8: {  	[smem:$0x3F9A] =	sst s0  }
0x9: {  	[smem:$0x3F9B] =	sst s1  }
0xa: {  	[smem:$0x3F9C] =	sst s2  }
0xb: {  	[smem:$0x3F9D] =	sst s3  }
0xc: {  	[smem:$0x3F9E] =	sst s4  }
0xd: {  	[smem:$0x3F9F] =	sst s5  }
0xe: {  	[smem:$0x3FA0] =	sst s6  }
0xf: {  	[smem:$0x3FA1] =	sst s7  }
0x10: {  	[smem:$0x3FA2] =	sst s8  }
0x11: {  	[smem:$0x3FA3] =	sst s9;
	s0 =	simm.s32 @!p0 $0x0  }
0x12: {  	s1 =	sld [smem:$0x3F89];
	s0 =	simm.s32 @p0 $0x1  }
0x13: {  	[smem:$0x3FA4] =	sst s0;
	s0 =	simm.s32 @!p1 $0x0  }
0x14: {  	s2 =	sld [smem:$0x3F88];
	s0 =	simm.s32 @p1 $0x1  }
0x15: {  	[smem:$0x3FA5] =	sst s0;
	s0 =	simm.s32 @!p2 $0x0  }
0x16: {  	s3 =	sld [smem:$0x3FDB];
	s0 =	simm.s32 @p2 $0x1  }
0x17: {  	s4 =	simm.s32 $0x1BF5;
	[smem:$0x3FA7] =	sst s0  }
0x18: {  	s0 =	sld [smem:$0x3F8A];
	_ =	swait.ge [sflag:s4], $0x0  }
0x19: {  	s7 =	sld [smem:$0x3F8B]  }
0x1a: {  	s8 =	sadd.s32 $0xFFFFE003, lr  }
0x1b: {  	s9 =	sadd.s32 $0xFFFFFEF7, lr;
	s5 =	simm.s32 $0xFFFFFFFF;
	p2 =	slt.u32 s8, $0xFFFFF086  }
0x1c: {  	p1 =	slt.u32 s9, $0xF7A;
	s5 =	simm.s32 @!p2 $0x0  }
0x1d: {  	s5 =	simm.s32 @p1 $0x1;
	p0 =	seq.s32 s7, s2  }
0x1e: {  	s7 =	smul.u32 @!p0 $0xF7A, s2;
	p2 =	seq.s32 @!p0 s5, $0x0  }
0x1f: {  	s9 =	smul.u32 $0xF7A, s1;
	s8 =	simm.s32 @!p0 $0x1BF5;
	p2 =	por !p2, p0  }
0x20: {  	[sflag:s8] =	ssyncset.s32 @!p0 $0xFFFFF086;
	s6 =	sadd.s32 @!p0 s3, s7;
	s7 =	simm.s32 @!p0 $0x108  }
0x21: {  	s3 =	sadd.s32 s3, s9;
	s6 =	sadd.s32 @!p0 $0x88, s6;
	s7 =	simm.s32 @p2 $0x1082  }
0x22: {  	[simem:s7], [sflag:s8] =	dma.local @!p0 [hbm:s6], $0xF7A  }
0x23: {  	s9 =	sor.u32 $0xD0000000, s2;
	s6 =	simm.s32 $0x108;
	_ =	swait.ge @!p0 [sflag:s8], $0x0  }
0x24: {  	s3 =	sadd.s32 $0x88, s3;
	s6 =	simm.s32 @!p1 $0x1082;
	[sflag:s4] =	ssyncset.s32 $0xFFFFF086  }
0x25: {  	[simem:s6], [sflag:s4] =	dma.local [hbm:s3], $0xF7A  }
0x26: {  	[smem:$0x3F8B] =	sst s1;
	(tag) =	ssettag s2;
	_ =	strace s9  }
0x27: {  	s1 =	sld [smem:$0x3F9B]  }
0x28: {  	s2 =	sld [smem:$0x3F9C]  }
0x29: {  	s4 =	sld [smem:$0x3F9E]  }
0x2a: {  	p0 =	seq.s32 s5, $0x0;
	s5 =	sld [smem:$0x3F9F]  }
0x2b: {  	s6 =	sld [smem:$0x3FA0]  }
0x2c: {  	s7 =	sld [smem:$0x3FA1]  }
0x2d: {  	s3 =	simm.s32 $0x108;
	s8 =	sld [smem:$0x3FA2]  }
0x2e: {  	s3 =	simm.s32 @!p0 $0x1082;
	s9 =	sld [smem:$0x3FA3]  }
0x2f: {  	lr =	sadd.s32 s0, s3;
	s0 =	sld [smem:$0x3F9A]  }
0x30: {  	s3 =	sld [smem:$0x3F9D]  }
0x31: {  	[smem:$0x3FA6] =	sst s10  }
0x32: {  	s10 =	sld [smem:$0x3FA4];
	_ =	sdelay $0x3  }
0x33: {  	p0 =	seq.s32 s10, $0x1;
	s10 =	sld [smem:$0x3FA6];
	_ =	sdelay $0x3  }
0x34: {  	[smem:$0x3FA6] =	sst s10  }
0x35: {  	s10 =	sld [smem:$0x3FA5];
	_ =	sdelay $0x3  }
0x36: {  	p1 =	seq.s32 s10, $0x1;
	s10 =	sld [smem:$0x3FA6];
	_ =	sdelay $0x3  }
0x37: {  	[smem:$0x3FA6] =	sst s10  }
0x38: {  	s10 =	sld [smem:$0x3FA7]  }
0x39: {  	_ = 	snop;
	(pc) =	sbr.ind lr, $3  }
0x3a: {  	_ = 	snop  }
0x3b: {  	_ = 	snop  }
0x3c: {  	p2 =	seq.s32 s10, $0x1;
	s10 =	sld [smem:$0x3FA6]  }
0x3d: {  	_ =	shalt  }
0x3e: {  	_ =	shalt  }
0x3f: {  	_ =	shalt  }
0x40: {  	_ =	shalt  }
0x41: {  	_ =	shalt  }
0x42: {  	_ =	shalt  }
0x43: {  	_ =	shalt  }
0x44: {  	_ =	shalt  }
0x45: {  	_ =	shalt  }
0x46: {  	_ =	shalt  }
0x47: {  	_ =	shalt  }
0x48: {  	_ =	shalt  }
0x49: {  	_ =	shalt  }
0x4a: {  	_ =	shalt  }
0x4b: {  	_ =	shalt  }
0x4c: {  	_ =	shalt  }
0x4d: {  	_ =	shalt  }
0x4e: {  	_ =	shalt  }
0x4f: {  	_ =	shalt  }
0x50: {  	_ =	shalt  }
0x51: {  	_ =	shalt  }
0x52: {  	_ =	shalt  }
0x53: {  	_ =	shalt  }
0x54: {  	_ =	shalt  }
0x55: {  	_ =	shalt  }
0x56: {  	_ =	shalt  }
0x57: {  	_ =	shalt  }
0x58: {  	_ =	shalt  }
0x59: {  	_ =	shalt  }
0x5a: {  	_ =	shalt  }
0x5b: {  	_ =	shalt  }
0x5c: {  	_ =	shalt  }
0x5d: {  	_ =	shalt  }
0x5e: {  	_ =	shalt  }
0x5f: {  	_ =	shalt  }
0x60: {  	_ =	shalt  }
0x61: {  	_ =	shalt  }
0x62: {  	_ =	shalt  }
0x63: {  	_ =	shalt  }
0x64: {  	_ =	shalt  }
0x65: {  	_ =	shalt  }
0x66: {  	_ =	shalt  }
0x67: {  	_ =	shalt  }
0x68: {  	_ =	shalt  }
0x69: {  	_ =	shalt  }
0x6a: {  	_ =	shalt  }
0x6b: {  	_ =	shalt  }
0x6c: {  	_ =	shalt  }
0x6d: {  	_ =	shalt  }
0x6e: {  	_ =	shalt  }
0x6f: {  	_ =	shalt  }
0x70: {  	_ =	shalt  }
0x71: {  	_ =	shalt  }
0x72: {  	_ =	shalt  }
0x73: {  	_ =	shalt  }
0x74: {  	_ =	shalt  }
0x75: {  	_ =	shalt  }
0x76: {  	_ =	shalt  }
0x77: {  	_ =	shalt  }
0x78: {  	_ =	shalt  }
0x79: {  	_ =	shalt  }
0x7a: {  	_ =	shalt  }
0x7b: {  	_ =	shalt  }
0x7c: {  	_ =	shalt  }
0x7d: {  	_ =	shalt  }
0x7e: {  	_ =	shalt  }
0x7f: {  	_ =	shalt  }
0x80: {  	_ =	shalt  }
0x81: {  	_ =	shalt  }
0x82: {  	_ =	shalt  }
0x83: {  	_ =	shalt  }
0x84: {  	_ =	shalt  }
0x85: {  	_ =	shalt  }
0x86: {  	_ =	shalt  }
0x87: {  	_ =	shalt  }
.Lfunc_end0:
.L_simem_size_0:
called_computation.1_lowered:
.L_overlay_start_0:
0x88: {  	s2 =	sld [smem:$0x3FD9]  }
0x89: {  	s3 =	sld [smem:$0x3FFE];
	_ =	sdelay $0x1  }
0x8a: {  	s1 =	srdreg.scid  }
0x8b: {  	s0 =	sand.u32 $0x1, s1  }
0x8c: {  	s16 =	sshll.u32 s0, $0xA;
	s2 =	sadd.s32 s3, s2  }
0x8d: {  	s2 =	sadd.s32 s2, s16  }
0x8e: {  	[smem:$0x3FB2] =	sst s2  }
0x8f: {  	_ = 	snop  }
0x90: {  	(tm) =	ssettm $0x1  }
0x91: {  	s17 =	sld [smem:$0x3FFB];
	_ =	sdelay $0x3  }
0x92: {  	_ =	strace s17  }
0x93: {  	s2 =	sld [smem:$0x3FFC];
	_ =	sdelay $0x3  }
0x94: {  	_ =	strace s2  }
0x95: {  	s2 =	sld [smem:$0x3FFD];
	_ =	sdelay $0x3  }
0x96: {  	_ =	strace s2  }
0x97: {  	_ =	strace $0x8FFFFFFF  }
0x98: {  	s18 =	sld [smem:$0x3FDB];
	_ =	sdelay $0x1  }
0x99: {  	s19 =	simm.s32 $_scs_section_size  }
0x9a: {  	s4 =	simm.s32 $_size__tile_overlayer_lowered;
	s5 =	simm.s32 $_tile_overlayer_lowered  }
0x9b: {  	s22 =	simm.s32 $0x1BFF;
	s21 =	sshll.u32 s5, $0x1;
	s2 =	sadd.s32 s19, s18  }
0x9c: {  	s6 =	simm.s32 $0x0;
	s20 =	sshll.u32 s4, $0x1;
	s4 =	sadd.s32 s21, s2  }
0x9d: {  	[timem:s6], [sflag:s22] =	dma.local [hbm:s4], s20  }
0x9e: {  	_ =	swait.ge [sflag:s22], s20  }
0x9f: {  	s3 =	ssub.s32 $0x0, s20;
	[sflag:s22] =	ssyncset.done $0x0  }
0xa0: {  	[sflag:s22] =	ssyncadd.s32 s3;
	_ =	sdelay $0x1  }
0xa1: {  	s23 =	simm.s32 $0x1B8B  }
0xa2: {  	_ =	swait.ge [sflag:s23], $0x1  }
0xa3: {  	[sflag:s23] =	ssyncset.done $0x0  }
0xa4: {  	s25 =	simm.s32 $0x1B8E;
	s24 =	sld [smem:$0x3FFE];
	[sflag:s23] =	ssyncadd.s32 $0xFFFFFFFF  }
0xa5: {  	s26 =	simm.s32 $execute0_lowered;
	[smem:$0x3FD2] =	sst s25  }
0xa6: {  	s4 =	sshll.u32 s26, $0x1;
	_ =	strace $0x80000046;
	[dreg:$0x1] =	wrdreg $0xFFFFFFFF  }
0xa7: {  	s28 =	simm.s32 $_size_execute0_lowered;
	s2 =	sadd.s32 s2, s4;
	[dreg:$0x0] =	wrdreg $0x0  }
0xa8: {  	s4 =	sshll.u32 s28, $0x1;
	[dreg:$0x2] =	wrdreg s2  }
0xa9: {  	[dreg:$0x3] =	wrdreg s4  }
0xaa: {  	[dreg:$0x4] =	wrdreg $0xC0  }
0xab: {  	_ =	task [dreg:s6], $0x5FFFF  }
0xac: {  	[dreg:$0x1] =	wrdreg $0xFFFFFFFF  }
0xad: {  	[dreg:$0x0] =	wrdreg $0x60  }
0xae: {  	[dreg:$0x2] =	wrdreg s24  }
0xaf: {  	[dreg:$0x3] =	wrdreg $0x9  }
0xb0: {  	_ =	task.clear_ibuf [dreg:s6], $0x4FFFF;
	_ =	strace $0x90000046  }
0xb1: {  	s29 =	simm.s32 $0x9;
	_ =	strace $0x80000048  }
0xb2: {  	_ =	swait.ge [sflag:s29], $0x1  }
0xb3: {  	[sflag:s29] =	ssyncadd.s32 $0xFFFFFFFF  }
0xb4: {  	_ =	strace $0x90000048  }
0xb5: {  	_ =	sfence  }
0xb6: {  	s30 =	sld [smem:$0x0];
	_ =	sdelay $0x2  }
0xb7: {  	s31 =	sshll.u32 s1, $0xD;
	s1 =	sshrl.u32 s1, $0x2  }
0xb8: {  	s3 =	sand.u32 $0x4000, s31;
	s1 =	sadd.s32 s1, s30  }
0xb9: {  	s0 =	sor.u32 s3, s0;
	s1 =	sshll.u32 s1, $0x11  }
0xba: {  	s0 =	sor.u32 s1, s0  }
0xbb: {  	s0 =	sadd.s32 $0x8F2B, s0  }
0xbc: {  	[sflag:s0] =	ssyncadd.remote.s32 $0x1  }
0xbd: {  	_ =	sfence.sel $0xFFFF  }
0xbe: {  	[dreg:$0x0] =	wrdreg $0xFFFFFFFF;
	(pc) =	sbr.abs _section_cstart, $3  }
0xbf: {  	[dreg:$0x1] =	wrdreg $0xFFFFFFFF  }
0xc0: {  	_ =	task.clear_ibuf [dreg:s6], $0x2FFFF;
	_ =	strace $0x9FFFFFFF  }
0xc1: {  	(tm) =	ssettm $0x7FFFFFFF  }
tec
execute0_lowered:
.L_overlay_start_1:
0x0: {  	(tag) =	ssettag $0x1  }
0x1: {  	s7 =	rddreg [dreg:$0x0]  }
0x2: {  	s0 =	rddreg [dreg:$0x1];
	_ =	strace $0x80000047  }
0x3: {  	s1 =	srdreg.scid;
	s4 =	simm.s32 $0x1;
	s9 =	simm.s32 $0x3  }
0x4: {  	s12 =	simm.s32 $0x0;
	s10 =	simm.s32 $0x0;
	s5 =	sshll.u32 s1, $0x4  }
.Ltmp0:
0x5: {  	s1 =	stileid.u32;
	s5 =	sand.u32 $0x10, s5;
	(pc) =	sbr.rel .LBB2_1-.Ltmp0, $4  }
0x6: {  	s2 =	sadd.s32 $0x83A00, s7;
	s3 =	sadd.s32 $0x103A00, s7;
	s6 =	sor.u32 s1, s5  }
0x7: {  	[sflag:s4] =	ssyncpa.u1 $0x0;
	s5 =	simm.s32 $0x2;
	s6 =	sshll.u32 s6, $0x6  }
0x8: {  	s7 =	sadd.s32 $0x103C00, s7;
	[sflag:s5] =	ssyncpa.u1 $0x0;
	s8 =	sadd.s32 $0x40, s6  }
0x9: {  	vm0 =	vmmov $0xff;
	vm1 =	vcmask $0x3F20;
	[sflag:s9] =	ssyncpa.u1 $0x0;
	s9 =	simm.s32 $0x40;
	s11 =	smov.u32 s6  }
.LBB2_9:
0xa: {  	p0 =	seq.s32 s10, $0x2  }
.Ltmp1:
0xb: {  	_ = 	snop;
	(pc) =	sbr.rel @p0 .LBB2_11-.Ltmp1, $1  }
0xc: {  	_ =	sdelay $0x3  }
.LBB2_10:
0xd: {  	s12 =	sadd.s32 $0x40, s11  }
0xe: {  	s13 =	smov.u32 s6;
	p0 =	slt.s32 s12, s8  }
0xf: {  	s13 =	smov.u32 @p0 s12  }
0x10: {  	s10 =	sadd.s32 $0x1, s10;
	s12 =	smov.u32 s11;
	s11 =	smov.u32 s13  }
.LBB2_1:
0x11: {  	p0 =	sne.s32 s10, $0x0  }
.Ltmp2:
0x12: {  	_ = 	snop;
	(pc) =	sbr.rel @!p0 .LBB2_2-.Ltmp2, $1  }
0x13: {  	_ =	sdelay $0x3  }
0x14: {  	s13 =	sand.u32 $0x1, s10  }
0x15: {  	p0 =	seq.s32 s13, $0x0  }
.Ltmp3:
0x16: {  	_ = 	snop;
	(pc) =	sbr.rel @p0 .LBB2_9-.Ltmp3, $1  }
0x17: {  	_ =	sdelay $0x3  }
0x18: {  	_ =	swait.ge [sflag:s5], $0x40  }
0x19: {  	[sflag:s5] =	ssyncset.done $0x0  }
0x1a: {  	s13 =	simm.s32 $0x0;
	[sflag:s5] =	ssyncadd.s32 $0xFFFFFFC0  }
0x1b: {  	v0 =	vld.msk [tilespmem:s13+$0x40 ss:$0x1], $0xffff;
	_ =	sdelay $0x4  }
0x1c: {  	v1 =	vshll.u32 v0, $0x4  }
0x1d: {  	vm2 =	veq.s32 v0, $0x80000000;
	v0 =	vshll.u32 v0, $0x13;
	v1 =	vand.u32 $0x7FF80, v1  }
0x1e: {  	v0 =	vand.u32 $0x380000, v0;
	v1 =	vsel vm2, $0xFFFFFF80, v1  }
0x1f: {  	v0 =	vsel vm2, $0xFFF80000, v0;
	v2 =	vand.u32 $0xFFFFFC00, v1  }
0x20: {  	v1 =	vand.u32 $0x380, v1;
	v0 =	vadd.s32 v0, v2  }
0x21: {  	v0 =	vor.u32 v1, v0  }
0x22: {  	v0 =	vshrl.u32 v0, $0x3;
	_ =	sdelay $0x3  }
0x23: {  	s13 =	simm.s32 $0x2080  }
0x24: {  	[tilespmem:s13], [sflag:$0x1] =	stream.indirect_vreg.gather [hbm:s2], $0x80, v0, vm0, $0x38;
	[tilespmem:$0x4080] =	vst v63  }
0x25: {  	s14 =	simm.s32 $0x2480;
	s31 =	simm.s32 $0x10  }
0x26: {  	[tilespmem:s14], [sflag:$0x1] =	stream.indirect_vreg.gather [hbm:s2], $0x80, v0, vm1, $0x38;
	[tilespmem:$0x4080] =	vst v63  }
0x27: {  	s14 =	simm.s32 $0x80;
	v0 =	vld.msk [tilespmem:s31+$0x40 ss:$0x1], $0xffff  }
.LBB2_5:
0x28: {  	p0 =	sne.s32 s14, $0xC0;
	_ =	sdelay $0x4  }
0x29: {  	v1 =	vshll.u32 v0, $0x4  }
0x2a: {  	vm2 =	veq.s32 v0, $0x80000000;
	v0 =	vshll.u32 v0, $0x13;
	v1 =	vand.u32 $0x7FF80, v1  }
0x2b: {  	v0 =	vand.u32 $0x380000, v0;
	v1 =	vsel vm2, $0xFFFFFF80, v1  }
0x2c: {  	v0 =	vsel vm2, $0xFFF80000, v0;
	v2 =	vand.u32 $0xFFFFFC00, v1  }
0x2d: {  	v1 =	vand.u32 $0x380, v1;
	v0 =	vadd.s32 v0, v2  }
0x2e: {  	v0 =	vor.u32 v1, v0  }
0x2f: {  	v0 =	vshrl.u32 v0, $0x3;
	_ =	sdelay $0x3  }
.Ltmp4:
0x30: {  	s13 =	sadd.s32 $0x800, s13;
	(pc) =	sbr.rel @p0 .LBB2_5-.Ltmp4, $4  }
0x31: {  	[tilespmem:s13], [sflag:$0x1] =	stream.indirect_vreg.gather [hbm:s2], $0x80, v0, vm0, $0x38;
	[tilespmem:$0x4080] =	vst v63  }
0x32: {  	s15 =	sshra.s32 s14, $0x2;
	s16 =	sadd.s32 $0x400, s13  }
0x33: {  	[tilespmem:s16], [sflag:$0x1] =	stream.indirect_vreg.gather [hbm:s2], $0x80, v0, vm1, $0x38;
	[tilespmem:$0x4080] =	vst v63  }
0x34: {  	s14 =	sadd.s32 $0x40, s14;
	v0 =	vld.msk [tilespmem:s15+$0x40 ss:$0x1], $0xffff  }
0x35: {  	_ =	sdelay $0x3  }
0x36: {  	v1 =	vshll.u32 v0, $0x4  }
0x37: {  	vm2 =	veq.s32 v0, $0x80000000;
	v63 =	vshll.u32 v0, $0x13;
	v1 =	vand.u32 $0x7FF80, v1  }
0x38: {  	v0 =	vand.u32 $0x380000, v63;
	v1 =	vsel vm2, $0xFFFFFF80, v1  }
0x39: {  	v0 =	vsel vm2, $0xFFF80000, v0;
	v2 =	vand.u32 $0xFFFFFC00, v1  }
0x3a: {  	v1 =	vand.u32 $0x380, v1;
	v0 =	vadd.s32 v0, v2  }
0x3b: {  	v0 =	vor.u32 v1, v0  }
0x3c: {  	v0 =	vshrl.u32 v0, $0x3;
	_ =	sdelay $0x3  }
0x3d: {  	s13 =	sadd.s32 $0x800, s13  }
0x3e: {  	[tilespmem:s13], [sflag:$0x1] =	stream.indirect_vreg.gather [hbm:s2], $0x80, v0, vm0, $0x38;
	[tilespmem:$0x4080] =	vst v63  }
0x3f: {  	s13 =	sadd.s32 $0x400, s13  }
0x40: {  	[tilespmem:s13], [sflag:$0x1] =	stream.indirect_vreg.gather [hbm:s2], $0x80, v0, vm1, $0x38;
	[tilespmem:$0x4080] =	vst v63  }
0x41: {  	s12 =	sshll.u32 s12, $0x4;
	s14 =	simm.s32 $0x80;
	_ =	swait.ge [sflag:s4], $0x2000  }
0x42: {  	s15 =	simm.s32 $0x2480;
	s12 =	sadd.s32 s12, s7;
	[sflag:s4] =	ssyncset.done $0x0  }
0x43: {  	s16 =	sadd.s32 $0x0, s12;
	s13 =	simm.s32 $0x2080;
	[sflag:s4] =	ssyncadd.s32 $0xFFFFE000  }
.LBB2_7:
0x44: {  	[hbm:s16] =	stream.linear.scatter [tilespmem:s13], [sflag:$0x3], $0x400, $0x38;
	[tilespmem:$0x4080] =	vst v63  }
0x45: {  	s16 =	smov.u32 s14;
	s13 =	smov.u32 s15;
	p0 =	sne.s32 s14, $0x380  }
.Ltmp5:
0x46: {  	s14 =	sadd.s32 $0x80, s14;
	(pc) =	sbr.rel @p0 .LBB2_7-.Ltmp5, $2  }
0x47: {  	_ =	sdelay $0x2  }
0x48: {  	s15 =	sadd.s32 $0x400, s15;
	s16 =	sadd.s32 s16, s12  }
.Ltmp6:
0x49: {  	(pc) =	sbr.rel .LBB2_9-.Ltmp6, $2  }
0x4a: {  	_ =	sdelay $0x2  }
0x4b: {  	[hbm:s16] =	stream.linear.scatter [tilespmem:s13], [sflag:$0x3], $0x400, $0x38;
	[tilespmem:$0x4080] =	vst v63  }
.LBB2_2:
.Ltmp7:
0x4c: {  	(pc) =	sbr.rel .LBB2_10-.Ltmp7, $4  }
0x4d: {  	_ = 	snop  }
0x4e: {  	s12 =	sshrl.u32 s11, $0x3  }
0x4f: {  	s13 =	sand.u32 $0x7, s11;
	s12 =	sadd.s32 s3, s12  }
0x50: {  	[tilespmem:s9], [sflag:$0x2] =	stream.linear.gather [hbm4b:s12+s13], $0x40, $0x38;
	[tilespmem:$0x4080] =	vst v63  }
.LBB2_11:
0x51: {  	s2 =	simm.s32 $0x3  }
0x52: {  	_ =	swait.ge [sflag:s2], $0x2000  }
0x53: {  	[sflag:s2] =	ssyncset.done $0x0  }
0x54: {  	[sflag:s2] =	ssyncadd.s32 $0xFFFFE000  }
0x55: {  	_ =	sfence.sel $0x180000  }
0x56: {  	s3 =	simm.s32 $0x2;
	[bflag:$0x0] =	sbarrier.arrive $0xFFFF  }
0x57: {  	[sflag:s3] =	ssyncpa.u1 $0x1  }
0x58: {  	s31 =	simm.s32 $0x1;
	[sflag:s2] =	ssyncpa.u1 $0x1  }
0x59: {  	[sflag:s31] =	ssyncpa.u1 $0x1  }
0x5a: {  	p0 =	sne.s32 s1, $0x0;
	_ =	strace $0x90000047  }
0x5b: {  	s0 =	sadd.s32 @!p0 $0x100000, s0;
	[bflag:$0x2] =	sbarrier.arrive $0xFFFF  }
0x5c: {  	[sflag:s0] =	ssyncadd.tile.s32 @!p0 $0x1;
	_ =	shalt  }
.Lfunc_end2:
_tile_overlayer_lowered:
.L_overlay_start_2:
0x5d: {  	(tag) =	ssettag $0x2  }
0x5e: {  	s0 =	rddreg [dreg:$0x0];
	s2 =	stileid.u32  }
0x5f: {  	s1 =	rddreg [dreg:$0x1];
	p0 =	sne.s32 s2, $0x0  }
0x60: {  	s3 =	rddreg [dreg:$0x2];
	[bflag:$0x3] =	sbarrier.arrive $0xFFFF;
	s2 =	simm.s32 @!p0 $0x1C01  }
0x61: {  	[timem:s3], [sflag:s2] =	dma.local @!p0 [hbm:s0], s1  }
0x62: {  	s0 =	simm.s32 @!p0 $0x1  }
0x63: {  	_ =	swait.ge @!p0 [sflag:s0], s1  }
0x64: {  	s1 =	ssub.s32 @!p0 $0x0, s1;
	[sflag:s0] =	ssyncset.done @!p0 $0x0  }
0x65: {  	[sflag:s0] =	ssyncadd.s32 @!p0 s1  }
0x66: {  	[bflag:$0x3] =	sbarrier.arrive $0xFFFF  }
0x67: {  	_ =	shalt  }

// kernel: sparse-core-data-format-call.cloned.1.call-start
scs
called_computation_lowered:
.L_overlay_start_0:
0x0: {  	s2 =	sld [smem:$0x3FD9]  }
0x1: {  	s3 =	sld [smem:$0x3FFE];
	_ =	sdelay $0x1  }
0x2: {  	s1 =	srdreg.scid  }
0x3: {  	s0 =	sand.u32 $0x1, s1  }
0x4: {  	s18 =	sshll.u32 s0, $0xA;
	s2 =	sadd.s32 s3, s2  }
0x5: {  	s2 =	sadd.s32 s2, s18  }
0x6: {  	[smem:$0x3FB2] =	sst s2  }
0x7: {  	_ = 	snop  }
0x8: {  	s2 =	sld [smem:$0x3FD0];
	(tm) =	ssettm $0x1  }
0x9: {  	s19 =	sld [smem:$0x3FFB];
	_ =	sdelay $0x3  }
0xa: {  	_ =	strace s19  }
0xb: {  	s3 =	sld [smem:$0x3FFC];
	_ =	sdelay $0x3  }
0xc: {  	_ =	strace s3  }
0xd: {  	s3 =	sld [smem:$0x3FFD];
	_ =	sdelay $0x3  }
0xe: {  	_ =	strace s3  }
0xf: {  	_ =	strace $0x8FFFFFFF  }
0x10: {  	s20 =	sld [smem:$0x3FDB];
	_ =	sdelay $0x1  }
0x11: {  	s4 =	simm.s32 $_scs_section_size  }
0x12: {  	s5 =	simm.s32 $_size__tile_overlayer_lowered;
	s6 =	simm.s32 $_tile_overlayer_lowered  }
0x13: {  	s23 =	simm.s32 $0x1BFF;
	s22 =	sshll.u32 s6, $0x1;
	s3 =	sadd.s32 s4, s20  }
0x14: {  	s7 =	simm.s32 $0x0;
	s21 =	sshll.u32 s5, $0x1;
	s5 =	sadd.s32 s22, s3  }
0x15: {  	[timem:s7], [sflag:s23] =	dma.local [hbm:s5], s21  }
0x16: {  	_ =	swait.ge [sflag:s23], s21  }
0x17: {  	s4 =	ssub.s32 $0x0, s21;
	[sflag:s23] =	ssyncset.done $0x0  }
0x18: {  	[sflag:s23] =	ssyncadd.s32 s4;
	_ =	sdelay $0x1  }
0x19: {  	s24 =	simm.s32 $0x1B8B  }
0x1a: {  	_ =	swait.ge [sflag:s24], $0x1  }
0x1b: {  	[sflag:s24] =	ssyncset.done $0x0  }
0x1c: {  	s26 =	simm.s32 $0x1B8E;
	s25 =	sld [smem:$0x3FFE];
	[sflag:s24] =	ssyncadd.s32 $0xFFFFFFFF  }
0x1d: {  	s27 =	simm.s32 $execute0_lowered;
	[smem:$0x3FD2] =	sst s26  }
0x1e: {  	s5 =	sshll.u32 s27, $0x1;
	_ =	strace $0x80000049;
	[dreg:$0x1] =	wrdreg $0xFFFFFFFF  }
0x1f: {  	s28 =	simm.s32 $_size_execute0_lowered;
	s3 =	sadd.s32 s3, s5;
	[dreg:$0x0] =	wrdreg $0x0  }
0x20: {  	s5 =	sshll.u32 s28, $0x1;
	[dreg:$0x2] =	wrdreg s3  }
0x21: {  	[dreg:$0x3] =	wrdreg s5  }
0x22: {  	[dreg:$0x4] =	wrdreg $0xC0  }
0x23: {  	_ =	task [dreg:s7], $0x5FFFF  }
0x24: {  	[dreg:$0x1] =	wrdreg $0xFFFFFFFF  }
0x25: {  	[dreg:$0x0] =	wrdreg $0x60  }
0x26: {  	[dreg:$0x2] =	wrdreg s25  }
0x27: {  	[dreg:$0x3] =	wrdreg s2  }
0x28: {  	[dreg:$0x4] =	wrdreg $0x9  }
0x29: {  	_ =	task.clear_ibuf [dreg:s7], $0x5FFFF;
	_ =	strace $0x90000049  }
0x2a: {  	s29 =	simm.s32 $0x9;
	_ =	strace $0x8000004B  }
0x2b: {  	_ =	swait.ge [sflag:s29], $0x1  }
0x2c: {  	[sflag:s29] =	ssyncadd.s32 $0xFFFFFFFF  }
0x2d: {  	_ =	strace $0x9000004B  }
0x2e: {  	_ =	sfence  }
0x2f: {  	s30 =	sld [smem:$0x0];
	_ =	sdelay $0x2  }
0x30: {  	s31 =	sshll.u32 s1, $0xD;
	s1 =	sshrl.u32 s1, $0x2  }
0x31: {  	s3 =	sand.u32 $0x4000, s31;
	s1 =	sadd.s32 s1, s30  }
0x32: {  	s0 =	sor.u32 s3, s0;
	s1 =	sshll.u32 s1, $0x11  }
0x33: {  	s0 =	sor.u32 s1, s0  }
0x34: {  	s0 =	sadd.s32 $0x8F2B, s0  }
0x35: {  	[sflag:s0] =	ssyncadd.remote.s32 $0x1  }
0x36: {  	_ =	sfence.sel $0xFFFF  }
0x37: {  	[dreg:$0x0] =	wrdreg $0xFFFFFFFF;
	(pc) =	sbr.abs _section_cstart, $3  }
0x38: {  	[dreg:$0x1] =	wrdreg $0xFFFFFFFF  }
0x39: {  	_ =	task.clear_ibuf [dreg:s7], $0x2FFFF;
	_ =	strace $0x9FFFFFFF  }
0x3a: {  	(tm) =	ssettm $0x7FFFFFFF  }
0x3b: {  	_ =	shalt  }
tec
execute0_lowered:
.L_overlay_start_1:
0x0: {  	(tag) =	ssettag $0x1  }
0x1: {  	s0 =	stileid.u32;
	s4 =	rddreg [dreg:$0x0]  }
0x2: {  	s1 =	srdreg.scid;
	s2 =	rddreg [dreg:$0x1];
	s5 =	simm.s32 $0x1  }
0x3: {  	s8 =	simm.s32 $0x2;
	s16 =	simm.s32 $0x0;
	s14 =	simm.s32 $0x0  }
0x4: {  	s15 =	simm.s32 $0x0;
	s3 =	sshll.u32 s0, $0x4;
	s1 =	sshll.u32 s1, $0x8  }
0x5: {  	s10 =	simm.s32 $0x0;
	s13 =	simm.s32 $0x0;
	s3 =	sor.u32 s3, s1  }
0x6: {  	s1 =	rddreg [dreg:$0x2];
	_ =	strace $0x8000004A;
	s3 =	sand.u32 $0x180, s3  }
0x7: {  	s4 =	sadd.s32 $0x3A00, s4;
	[sflag:s5] =	ssyncpa.u1 $0x0;
	s6 =	ssub.s32 $0x1000, s3  }
.Ltmp0:
0x8: {  	[sflag:s8] =	ssyncpa.u1 $0x0;
	s7 =	sand.u32 $0x180, s6;
	(pc) =	sbr.rel .LBB1_1-.Ltmp0, $4  }
0x9: {  	s11 =	smov.u32 s3;
	p0 =	sne.s32 s7, $0x0;
	s7 =	simm.s32 $0x1  }
0xa: {  	s9 =	sshrl.u32 s6, $0x9;
	s6 =	sand.u32 $0x7, s0;
	s7 =	simm.s32 @!p0 $0x0  }
0xb: {  	s12 =	smov.u32 s6;
	p0 =	por $0x0, $0x0;
	s31 =	sadd.s32 s7, s9  }
0xc: {  	s9 =	simm.s32 $0x8000;
	s7 =	sshll.u32 s31, $0x1;
	s8 =	sshllo.u32 s31, $0x1  }
.LBB1_4:
0xd: {  	v5 =	vld [tilespmem:s19+$0xFFFFFFD0];
	[tilespmem:s20+$0x2040 ss:$0x81] =	vst.msk $0xffff, v1  }
0xe: {  	v58 =	vld [tilespmem:s19+$0xFFFFFFE0];
	[tilespmem:s20+$0x2850 ss:$0x81] =	vst.msk $0xffff, v2  }
0xf: {  	s21 =	sshra.s32 s21, $0x2;
	v59 =	vld [tilespmem:s19+$0xFFFFFFF0];
	[tilespmem:s20+$0x3060 ss:$0x81] =	vst.msk $0xffff, v3  }
0x10: {  	v60 =	vld [tilespmem:s19+$0x0];
	[tilespmem:s20+$0x0 ss:$0x81] =	vst.msk $0xffff, v0;
	s18 =	sadd.s32 s21, s18  }
0x11: {  	v61 =	vld [tilespmem:s19+$0x10];
	s26 =	sshll.u32 s16, $0xC;
	[tilespmem:s18+$0x3870 ss:$0x81] =	vst.msk $0xffff, v4  }
0x12: {  	v62 =	vld [tilespmem:s19+$0x20];
	s27 =	sand.u32 $0x78, s14;
	s22 =	sshll.u32 s14, $0x3;
	s29 =	sshll.u32 s16, $0x7;
	[tilespmem:s18+$0x810 ss:$0x81] =	vst.msk $0xffff, v5  }
0x13: {  	v63 =	vld [tilespmem:s19+$0xFFFFFFC0];
	s15 =	sshll.u32 s15, $0x11;
	s20 =	sand.u32 $0xF8000, s26;
	s28 =	sand.u32 $0xFFC00, s22;
	[tilespmem:s18+$0x1020 ss:$0x81] =	vst.msk $0xffff, v58  }
0x14: {  	s31 =	sand.u32 $0x7, s14;
	s22 =	sand.u32 $0xC00, s22;
	s19 =	sadd.s32 s28, s20;
	[tilespmem:s18+$0x1830 ss:$0x81] =	vst.msk $0xffff, v59  }
0x15: {  	s16 =	sand.u32 $0x380, s29;
	s30 =	sor.u32 s27, s22;
	s19 =	sshrl.u32 s19, $0x3;
	[tilespmem:s18+$0x2040 ss:$0x81] =	vst.msk $0xffff, v60  }
0x16: {  	s15 =	sadd.s32 s2, s15;
	s16 =	sor.u32 s16, s30;
	s19 =	sand.u32 $0x1FE00, s19;
	[tilespmem:s18+$0x2850 ss:$0x81] =	vst.msk $0xffff, v61  }
0x17: {  	s14 =	sshll.u32 s31, $0x12;
	s16 =	sshrl.u32 s16, $0x3;
	[tilespmem:s18+$0x3060 ss:$0x81] =	vst.msk $0xffff, v62;
	s15 =	sadd.s32 s19, s15  }
0x18: {  	s14 =	sor.u32 $0x400, s14;
	[tilespmem:s18+$0x0 ss:$0x81] =	vst.msk $0xffff, v63;
	s15 =	sadd.s32 s16, s15  }
0x19: {  	[hbm4b:s15+s14] =	stream.strided.scatter [tilespmem:s17], [sflag:$0x2], $0x4000, s9, s14, $0x20;
	[tilespmem:$0x10100] =	vst v63  }
.LBB1_5:
0x1a: {  	s17 =	sadd.s32 $0x80, s10  }
0x1b: {  	s14 =	sadd.s32 $0x200, s11;
	s18 =	smov.u32 s11;
	p2 =	sgt.s32 s17, $0xFF  }
0x1c: {  	s18 =	smov.u32 @p2 s14  }
0x1d: {  	s20 =	smov.u32 s12;
	s14 =	sadd.s32 $0x8, s12;
	p3 =	sgt.s32 s18, $0xFFF  }
0x1e: {  	s20 =	smov.u32 @p3 s14  }
0x1f: {  	s17 =	simm.s32 @p2 $0x0;
	p2 =	sgt.s32 s20, $0x7  }
0x20: {  	p1 =	slt.u32 s13, $0x2;
	s20 =	smov.u32 @p2 s6;
	p2 =	sne.s32 s13, s8  }
.Ltmp1:
0x21: {  	s19 =	simm.s32 @!p1 $0x2;
	(pc) =	sbr.rel @!p2 .LBB1_6-.Ltmp1, $4  }
0x22: {  	s16 =	smov.u32 s10;
	s15 =	smov.u32 s12;
	_ =	swait.ge @!p1 [sflag:s19], $0x4000  }
0x23: {  	p0 =	por !p0, !p0;
	[sflag:s19] =	ssyncset.done @!p1 $0x0;
	s10 =	smov.u32 s17  }
0x24: {  	s18 =	smov.u32 @p3 s3;
	s14 =	smov.u32 s11;
	[sflag:s19] =	ssyncadd.s32 @!p1 $0xFFFFC000  }
0x25: {  	s11 =	smov.u32 s18;
	s13 =	sadd.s32 $0x1, s13;
	s12 =	smov.u32 s20  }
.LBB1_1:
0x26: {  	p1 =	sge.u32 s13, s7  }
0x27: {  	s31 =	sadd.s32 $0xFFFFFFFF, s13;
	s17 =	sxor.u32 @!p1 $0xFFFFFFFF, s13  }
0x28: {  	s18 =	sshll.u32 @!p1 s11, $0x8;
	s19 =	sshll.u32 @!p1 s10, $0x3;
	s20 =	sshll.u32 @!p1 s11, $0x7  }
0x29: {  	s21 =	sand.u32 @!p1 $0x78, s10;
	s18 =	sand.u32 @!p1 $0xFF800, s18;
	s19 =	sand.u32 @!p1 $0xFFC00, s19  }
0x2a: {  	s17 =	sshll.u32 @!p1 s17, $0xE;
	s18 =	sadd.s32 @!p1 s18, s19;
	s19 =	sand.u32 @!p1 $0x300, s20  }
0x2b: {  	s17 =	sand.u32 @!p1 $0x4000, s17;
	s18 =	sor.u32 @!p1 s19, s18;
	s19 =	sand.u32 @!p1 $0x80, s20  }
0x2c: {  	s20 =	sshll.u32 @!p1 s12, $0x11;
	s19 =	sor.u32 @!p1 s21, s19;
	s18 =	sshrl.u32 @!p1 s18, $0x3  }
0x2d: {  	s20 =	sadd.s32 @!p1 s4, s20;
	s21 =	sand.u32 @!p1 $0x7, s10;
	s19 =	sshrl.u32 @!p1 s19, $0x3  }
0x2e: {  	s18 =	sand.u32 @!p1 $0x1FFE0, s18;
	s19 =	sadd.s32 @!p1 s19, s20;
	s20 =	sshll.u32 @!p1 s21, $0x12  }
0x2f: {  	s18 =	sadd.s32 @!p1 s18, s19;
	s19 =	sor.u32 @!p1 $0x400, s20;
	s20 =	simm.s32 @!p1 $0x800  }
0x30: {  	[tilespmem:s17], [sflag:$0x1] =	stream.strided.gather @!p1 [hbm4b:s18+s19], $0x4000, s20, s19, $0x38;
	[tilespmem:$0x10100] =	vst v63  }
0x31: {  	p1 =	sge.u32 s31, s7  }
.Ltmp2:
0x32: {  	_ = 	snop;
	(pc) =	sbr.rel @p1 .LBB1_5-.Ltmp2, $1  }
0x33: {  	_ =	sdelay $0x3  }
0x34: {  	s17 =	simm.s32 $0x1  }
0x35: {  	_ =	swait.ge [sflag:s5], $0x4000;
	s17 =	simm.s32 @!p0 $0x0  }
0x36: {  	[sflag:s5] =	ssyncset.done $0x0;
	s18 =	sshll.u32 s17, $0xE  }
0x37: {  	[sflag:s5] =	ssyncadd.s32 $0xFFFFC000;
	s19 =	sor.u32 $0x40, s18  }
0x38: {  	s17 =	smul.u32 $0x10200, s17;
	v0 =	vld [tilespmem:s19+$0x30]  }
0x39: {  	v3 =	vld [tilespmem:s19+$0xFFFFFFD0]  }
0x3a: {  	s17 =	sshrl.u32 s17, $0x2;
	v4 =	vld [tilespmem:s19+$0xFFFFFFE0]  }
0x3b: {  	v5 =	vld [tilespmem:s19+$0xFFFFFFF0];
	s18 =	sor.u32 $0x8000, s17  }
0x3c: {  	s31 =	sand.u32 $0x1, s13;
	v1 =	vld [tilespmem:s19+$0x0];
	s20 =	sadd.s32 $0x0, s18  }
0x3d: {  	v2 =	vld [tilespmem:s19+$0x10];
	s17 =	smul.u32 $0x10200, s31;
	[tilespmem:s20+$0x3870 ss:$0x81] =	vst.msk $0xffff, v0  }
0x3e: {  	[tilespmem:s20+$0x810 ss:$0x81] =	vst.msk $0xffff, v3;
	v3 =	vld [tilespmem:s19+$0x20]  }
0x3f: {  	s17 =	sshrl.u32 s17, $0x2;
	v0 =	vld [tilespmem:s19+$0xFFFFFFC0];
	[tilespmem:s20+$0x1020 ss:$0x81] =	vst.msk $0xffff, v4;
	s19 =	sadd.s32 $0x80, s19  }
0x40: {  	s21 =	simm.s32 $0x4;
	s22 =	simm.s32 $0x8;
	s17 =	sor.u32 $0x8000, s17;
	[tilespmem:s20+$0x1830 ss:$0x81] =	vst.msk $0xffff, v5;
	v4 =	vld [tilespmem:s19+$0x30]  }
.LBB1_3:
0x41: {  	p1 =	sne.s32 s22, $0x1FC;
	v5 =	vld [tilespmem:s19+$0xFFFFFFD0];
	[tilespmem:s20+$0x2040 ss:$0x81] =	vst.msk $0xffff, v1  }
0x42: {  	v6 =	vld [tilespmem:s19+$0xFFFFFFE0];
	[tilespmem:s20+$0x2850 ss:$0x81] =	vst.msk $0xffff, v2  }
0x43: {  	s23 =	sshra.s32 s21, $0x2;
	s21 =	smov.u32 s22;
	v7 =	vld [tilespmem:s19+$0xFFFFFFF0];
	[tilespmem:s20+$0x3060 ss:$0x81] =	vst.msk $0xffff, v3  }
.Ltmp3:
0x44: {  	v1 =	vld [tilespmem:s19+$0x0];
	[tilespmem:s20+$0x0 ss:$0x81] =	vst.msk $0xffff, v0;
	s20 =	sadd.s32 s23, s18;
	(pc) =	sbr.rel @p1 .LBB1_3-.Ltmp3, $4  }
0x45: {  	v2 =	vld [tilespmem:s19+$0x10];
	[tilespmem:s20+$0x3870 ss:$0x81] =	vst.msk $0xffff, v4  }
0x46: {  	[tilespmem:s20+$0x810 ss:$0x81] =	vst.msk $0xffff, v5;
	v3 =	vld [tilespmem:s19+$0x20]  }
0x47: {  	v0 =	vld [tilespmem:s19+$0xFFFFFFC0];
	[tilespmem:s20+$0x1020 ss:$0x81] =	vst.msk $0xffff, v6;
	s19 =	sadd.s32 $0x80, s19  }
0x48: {  	s22 =	sadd.s32 $0x4, s22;
	v4 =	vld [tilespmem:s19+$0x30];
	[tilespmem:s20+$0x1830 ss:$0x81] =	vst.msk $0xffff, v7  }
.Ltmp4:
0x49: {  	_ = 	snop;
	(pc) =	sbr.rel .LBB1_4-.Ltmp4, $1  }
0x4a: {  	_ =	sdelay $0x3  }
.LBB1_6:
0x4b: {  	_ =	sfence.sel $0x180000  }
0x4c: {  	s2 =	simm.s32 $0x1;
	[bflag:$0x0] =	sbarrier.arrive $0xFFFF  }
0x4d: {  	s31 =	simm.s32 $0x2;
	[sflag:s2] =	ssyncpa.u1 $0x1  }
0x4e: {  	[sflag:s31] =	ssyncpa.u1 $0x1  }
0x4f: {  	p0 =	sne.s32 s0, $0x0;
	_ =	strace $0x9000004A  }
0x50: {  	s0 =	sadd.s32 @!p0 $0x100000, s1;
	[bflag:$0x2] =	sbarrier.arrive $0xFFFF  }
0x51: {  	[sflag:s0] =	ssyncadd.tile.s32 @!p0 $0x1;
	_ =	shalt  }
.Lfunc_end1:
_tile_overlayer_lowered:
.L_overlay_start_2:
0x52: {  	(tag) =	ssettag $0x2  }
0x53: {  	s0 =	rddreg [dreg:$0x0];
	s2 =	stileid.u32  }
0x54: {  	s1 =	rddreg [dreg:$0x1];
	p0 =	sne.s32 s2, $0x0  }
0x55: {  	s3 =	rddreg [dreg:$0x2];
	[bflag:$0x3] =	sbarrier.arrive $0xFFFF;
	s2 =	simm.s32 @!p0 $0x1C01  }
0x56: {  	[timem:s3], [sflag:s2] =	dma.local @!p0 [hbm:s0], s1  }
0x57: {  	s0 =	simm.s32 @!p0 $0x1  }
0x58: {  	_ =	swait.ge @!p0 [sflag:s0], s1  }
0x59: {  	s1 =	ssub.s32 @!p0 $0x0, s1;
	[sflag:s0] =	ssyncset.done @!p0 $0x0  }
0x5a: {  	[sflag:s0] =	ssyncadd.s32 @!p0 s1  }
0x5b: {  	[bflag:$0x3] =	sbarrier.arrive $0xFFFF  }
0x5c: {  	_ =	shalt  }

</sc_bundles>
